<compile_context>
chip_gen: v7x
topology: tpu7x:2x2x1
jax: 0.10.2.dev20260603
libtpu: 0.0.44.dev20260713+nightly
codegen_flags: <defaults>
</compile_context>

<pallas_src>
import functools

import jax
import jax.numpy as jnp
from jax import lax
from jax.experimental import pallas as pl
from jax.experimental.pallas import tpu as pltpu
from jax.experimental.pallas import tpu_sc as plsc

NN = 50000
HH = 64
HF = HH // 2
GG = 512
LL = 4
BN = 512
NP = 50176
NBG = NP // BN
EE = 800000
NCORE = 2
NSUB = 16
GRP = 256
SUB = 128
NSS = GRP // SUB
NITER = 98
ES = NITER * 2 * GRP
EP = NSUB * ES
TPR = NP // NSUB
F32 = jnp.float32


def _edge_segsum_body(r2, comb, agg2, idx, rows, acc, gsem, ssem, isem):
    c = lax.axis_index("c")
    s = lax.axis_index("s")
    dummy = r2.at[0].at[pl.ds(0, GRP)]

    z16 = jnp.zeros((16,), F32)

    def memset_row(i, carry):
        rows[i, 0:16] = z16
        rows[i, 16:32] = z16
        return carry

    lax.fori_loop(0, 2 * GRP, memset_row, 0)
    zblk = 2 * GRP
    for k in range(TPR // zblk):
        pltpu.sync_copy(rows.at[pl.ds(0, zblk)],
                        acc.at[pl.ds(s * TPR + k * zblk, zblk)])
    rem = TPR - (TPR // zblk) * zblk
    if rem:
        pltpu.sync_copy(rows.at[pl.ds(0, rem)],
                        acc.at[pl.ds(s * TPR + (TPR // zblk) * zblk, rem)])
    plsc.subcore_barrier()

    rh = r2.at[c]
    bufa = rows.at[pl.ds(0, GRP)]
    bufb = rows.at[pl.ds(GRP, GRP)]

    def fire_gathers(ibase, buf):
        for j in range(NSS):
            pltpu.async_copy(
                rh.at[idx.at[ibase + j]], buf.at[pl.ds(j * SUB, SUB)], gsem
            )

    def fire_scatters(ibase, buf):
        for j in range(NSS):
            pltpu.async_copy(
                buf.at[pl.ds(j * SUB, SUB)], acc.at[idx.at[ibase + j]],
                ssem, add=True,
            )

    def drain_gathers():
        pltpu.make_async_copy(dummy, bufa, gsem).wait()

    def drain_scatters():
        pltpu.make_async_copy(dummy, acc.at[pl.ds(0, GRP)], ssem).wait()

    pltpu.sync_copy(comb.at[s * NITER], idx.at[pl.ds(0, 4 * NSS)])
    fire_gathers(0, bufa)

    def body(m, carry):
        slot = lax.rem(m, 2) * (4 * NSS)
        nslot = lax.rem(m + 1, 2) * (4 * NSS)
        drain_gathers()

        @pl.when(m >= 1)
        def _():
            drain_scatters()

        @pl.when(m + 1 < NITER)
        def _():
            pltpu.async_copy(
                comb.at[s * NITER + m + 1], idx.at[pl.ds(nslot, 4 * NSS)], isem
            )
        fire_gathers(slot + 2 * NSS, bufb)
        fire_scatters(slot + NSS, bufa)
        drain_gathers()
        drain_scatters()

        @pl.when(m + 1 < NITER)
        def _():
            pltpu.make_async_copy(
                comb.at[0], idx.at[pl.ds(nslot, 4 * NSS)], isem
            ).wait()
            fire_gathers(nslot, bufa)
        fire_scatters(slot + 3 * NSS, bufb)
        return carry

    lax.fori_loop(0, NITER, body, 0)
    drain_scatters()
    plsc.subcore_barrier()
    pltpu.sync_copy(
        acc.at[pl.ds(s * TPR, TPR)], agg2.at[c].at[pl.ds(s * TPR, TPR)]
    )


_SC_MESH = plsc.VectorSubcoreMesh(
    core_axis_name="c", subcore_axis_name="s", num_cores=NCORE, num_subcores=NSUB
)

_edge_segsum = pl.kernel(
    _edge_segsum_body,
    out_type=jax.ShapeDtypeStruct((NCORE, NP, HF), F32),
    mesh=_SC_MESH,
    scratch_types=[
        pltpu.VMEM((8 * NSS, SUB), jnp.int32),
        pltpu.VMEM((2 * GRP, HF), F32),
        pltpu.VMEM_SHARED((NP, HF), F32),
        pltpu.SemaphoreType.DMA,
        pltpu.SemaphoreType.DMA,
        pltpu.SemaphoreType.DMA,
    ],
    compiler_params=pltpu.CompilerParams(use_tc_tiling_on_sc=False),
)


def _pre_body(h_ref, b_ref, vn_ref, hv_ref, r2_ref):
    i = pl.program_id(0)
    bids = b_ref[0, 0, :].reshape(1, BN)
    gi = lax.broadcasted_iota(jnp.int32, (GG, BN), 0)
    oht = (gi == bids).astype(F32)
    vnb = lax.dot_general(
        oht, vn_ref[...], (((0,), (0,)), ((), ())), preferred_element_type=F32
    )
    hv = h_ref[...] + vnb
    hv_ref[...] = hv
    rid = i * BN + lax.broadcasted_iota(jnp.int32, (BN, 1), 0)
    valid = (rid < NN).astype(F32)
    r = jnp.maximum(hv, 0.0) * valid
    r2_ref[0] = r[:, :HF]
    r2_ref[1] = r[:, HF:]


_pre = pl.pallas_call(
    _pre_body,
    grid=(NBG,),
    in_specs=[
        pl.BlockSpec((BN, HH), lambda i: (i, 0)),
        pl.BlockSpec((1, 1, BN), lambda i: (i, 0, 0)),
        pl.BlockSpec((GG, HH), lambda i: (0, 0)),
    ],
    out_specs=[
        pl.BlockSpec((BN, HH), lambda i: (i, 0)),
        pl.BlockSpec((NCORE, BN, HF), lambda i: (0, i, 0)),
    ],
    out_shape=[
        jax.ShapeDtypeStruct((NP, HH), F32),
        jax.ShapeDtypeStruct((NCORE, NP, HF), F32),
    ],
)


def _post_body(hv_ref, agg_ref, h_ref, b_ref, w1_ref, b1_ref, w2_ref, b2_ref,
               sc_ref, sh_ref, eps_ref, z_ref, pool_ref, vt_ref, *, final):
    i = pl.program_id(0)
    agg = jnp.concatenate([agg_ref[k] for k in range(NCORE)], axis=1)
    zin = (1.0 + eps_ref[0, 0]) * hv_ref[...] + agg
    t = jnp.maximum(
        jnp.dot(zin, w1_ref[...], preferred_element_type=F32) + b1_ref[...], 0.0
    )
    z = jnp.dot(t, w2_ref[...], preferred_element_type=F32) + b2_ref[...]
    z = z * sc_ref[...] + sh_ref[...]
    if not final:
        z = jnp.maximum(z, 0.0)
    z_ref[...] = z
    bids = b_ref[0, 0, :].reshape(1, BN)
    gi = lax.broadcasted_iota(jnp.int32, (GG, BN), 0)
    oht = (gi == bids).astype(F32)
    pool_blk = jnp.dot(oht, z, preferred_element_type=F32)
    vt_blk = jnp.dot(oht, h_ref[...], preferred_element_type=F32)

    @pl.when(i == 0)
    def _():
        pool_ref[...] = jnp.zeros_like(pool_ref)
        vt_ref[...] = jnp.zeros_like(vt_ref)

    pool_ref[...] += pool_blk
    vt_ref[...] += vt_blk


def _make_post(final):
    return pl.pallas_call(
        functools.partial(_post_body, final=final),
        grid=(NBG,),
        in_specs=[
            pl.BlockSpec((BN, HH), lambda i: (i, 0)),
            pl.BlockSpec((NCORE, BN, HF), lambda i: (0, i, 0)),
            pl.BlockSpec((BN, HH), lambda i: (i, 0)),
            pl.BlockSpec((1, 1, BN), lambda i: (i, 0, 0)),
            pl.BlockSpec((HH, 2 * HH), lambda i: (0, 0)),
            pl.BlockSpec((1, 2 * HH), lambda i: (0, 0)),
            pl.BlockSpec((2 * HH, HH), lambda i: (0, 0)),
            pl.BlockSpec((1, HH), lambda i: (0, 0)),
            pl.BlockSpec((1, HH), lambda i: (0, 0)),
            pl.BlockSpec((1, HH), lambda i: (0, 0)),
            pl.BlockSpec((1, 1), lambda i: (0, 0)),
        ],
        out_specs=[
            pl.BlockSpec((BN, HH), lambda i: (i, 0)),
            pl.BlockSpec((GG, HH), lambda i: (0, 0)),
            pl.BlockSpec((GG, HH), lambda i: (0, 0)),
        ],
        out_shape=[
            jax.ShapeDtypeStruct((NP, HH), F32),
            jax.ShapeDtypeStruct((GG, HH), F32),
            jax.ShapeDtypeStruct((GG, HH), F32),
        ],
    )


_post_mid = _make_post(final=False)
_post_final = _make_post(final=True)


def _vn_body(vt_ref, vn_ref, wv1_ref, bv1_ref, wv2_ref, bv2_ref, out_ref):
    vt = vt_ref[...] + vn_ref[...]
    t = jnp.maximum(
        jnp.dot(vt, wv1_ref[...], preferred_element_type=F32) + bv1_ref[...], 0.0
    )
    o = jnp.dot(t, wv2_ref[...], preferred_element_type=F32) + bv2_ref[...]
    out_ref[...] = jnp.maximum(o, 0.0)


_vn_update = pl.pallas_call(
    _vn_body,
    out_shape=jax.ShapeDtypeStruct((GG, HH), F32),
)


def kernel(x, edge_index, batch, W1, b1, W2, b2, eps, bn_scale, bn_shift,
           Wv1, bv1, Wv2, bv2, vn_emb):
    h = jnp.pad(x.astype(F32), ((0, NP - NN), (0, 0)))
    b3 = jnp.pad(batch.astype(jnp.int32), (0, NP - NN),
                 constant_values=GG).reshape(NBG, 1, BN)
    srcp = jnp.pad(edge_index[0].astype(jnp.int32), (0, EP - EE),
                   constant_values=NP - 1).reshape(NSUB, NITER, 2, NSS, SUB)
    dstp = jnp.pad(edge_index[1].astype(jnp.int32), (0, EP - EE),
                   constant_values=NP - 1).reshape(NSUB, NITER, 2, NSS, SUB)
    comb = jnp.concatenate(
        [srcp[:, :, 0], dstp[:, :, 0], srcp[:, :, 1], dstp[:, :, 1]], axis=2
    ).reshape(NSUB * NITER, 4 * NSS, SUB)
    vn = jnp.broadcast_to(vn_emb.astype(F32), (GG, HH))

    pooled = []
    for l in range(LL):
        hv, r2 = _pre(h, b3, vn)
        agg2 = _edge_segsum(r2, comb)
        post = _post_final if l == LL - 1 else _post_mid
        z, pool_l, vt_sum = post(
            hv, agg2, h, b3,
            W1[l], b1[l].reshape(1, 2 * HH), W2[l], b2[l].reshape(1, HH),
            bn_scale[l].reshape(1, HH), bn_shift[l].reshape(1, HH),
            eps[l].reshape(1, 1),
        )
        pooled.append(pool_l)
        if l < LL - 1:
            vn = _vn_update(
                vt_sum, vn,
                Wv1[l], bv1[l].reshape(1, 2 * HH),
                Wv2[l], bv2[l].reshape(1, HH),
            )
        h = z
    return jnp.concatenate(pooled, axis=1)

# --- scband reference (transcript-rebuilt; emitter-appended) ---
"""Pipeline reference for scband-gnn-80410377716488 (READ-ONLY COPY).

The authoritative reference and input builder live on the scoring server;
editing this copy changes nothing except your own understanding.
"""

import jax, jax.numpy as jnp
import numpy as np

N = 50000
E = 800000
H = 64
L = 4
G = 512

def setup_inputs(seed: int = 0):
    key = jax.random.key(seed)
    ks = jax.random.split(key, 16)
    s = 0.05
    inp = {}
    inp["x"] = jax.random.normal(ks[0], (N, H), dtype=jnp.float32)
    inp["edge_index"] = jax.random.randint(ks[1], (2, E), 0, N, dtype=jnp.int32)
    inp["batch"] = jnp.sort(jax.random.randint(ks[2], (N,), 0, G, dtype=jnp.int32))
    inp["W1"] = jax.random.normal(ks[3], (L, H, 2 * H), dtype=jnp.float32) * s
    inp["b1"] = jnp.zeros((L, 2 * H), dtype=jnp.float32)
    inp["W2"] = jax.random.normal(ks[4], (L, 2 * H, H), dtype=jnp.float32) * s
    inp["b2"] = jnp.zeros((L, H), dtype=jnp.float32)
    inp["eps"] = jnp.zeros((L,), dtype=jnp.float32)
    inp["bn_scale"] = jnp.ones((L, H), dtype=jnp.float32)
    inp["bn_shift"] = jnp.zeros((L, H), dtype=jnp.float32)
    inp["Wv1"] = jax.random.normal(ks[5], (L - 1, H, 2 * H), dtype=jnp.float32) * s
    inp["bv1"] = jnp.zeros((L - 1, 2 * H), dtype=jnp.float32)
    inp["Wv2"] = jax.random.normal(ks[6], (L - 1, 2 * H, H), dtype=jnp.float32) * s
    inp["bv2"] = jnp.zeros((L - 1, H), dtype=jnp.float32)
    inp["vn_emb"] = jnp.zeros((H,), dtype=jnp.float32)
    return inp

def _forward(x, edge_index, batch, W1, b1, W2, b2, eps, bn_scale, bn_shift, Wv1, bv1, Wv2, bv2, vn_emb):
    n = x.shape[0]
    src = edge_index[0]
    dst = edge_index[1]
    vn = jnp.broadcast_to(vn_emb, (G, vn_emb.shape[0]))
    h_list = [x]
    for l in range(L):
        h = h_list[l] + vn[batch]
        msg = jax.nn.relu(h[src])
        agg = jax.ops.segment_sum(msg, dst, num_segments=n)
        z = (1.0 + eps[l]) * h + agg
        z = jax.nn.relu(z @ W1[l] + b1[l]) @ W2[l] + b2[l]
        z = z * bn_scale[l] + bn_shift[l]
        if l < L - 1:
            z = jax.nn.relu(z)
        h_list.append(z)
        if l < L - 1:
            vt = jax.ops.segment_sum(h_list[l], batch, num_segments=G) + vn
            vn = jax.nn.relu(jax.nn.relu(vt @ Wv1[l] + bv1[l]) @ Wv2[l] + bv2[l])
    pooled = [jax.ops.segment_sum(h, batch, num_segments=G) for h in h_list[1:]]
    return jnp.concatenate(pooled, axis=1)

def reference(x, edge_index, batch, W1, b1, W2, b2, eps, bn_scale, bn_shift, Wv1, bv1, Wv2, bv2, vn_emb):
    return _forward(x, edge_index, batch, W1, b1, W2, b2, eps, bn_scale, bn_shift, Wv1, bv1, Wv2, bv2, vn_emb)

if __name__ == "__main__":
    import jax
    _d = setup_inputs()
    print(jax.jit(kernel)(*tuple(_d.values())))

</pallas_src>

<mosaic_0001>
#map = affine_map<(d0, d1) -> (0, 0, 0)>
module attributes {stable_mosaic.version = 14 : i64} {
  func.func @_edge_segsum_body(%arg0: i32, %arg1: i32, %arg2: memref<2x50176x32xf32, #tpu.memory_space<hbm>>, %arg3: memref<1568x8x128xi32, #tpu.memory_space<hbm>>, %arg4: memref<2x50176x32xf32, #tpu.memory_space<hbm>>, %arg5: memref<16x128xi32, #tpu.memory_space<vmem>>, %arg6: memref<512x32xf32, #tpu.memory_space<vmem>>, %arg7: memref<50176x32xf32, #tpu.memory_space<vmem_shared>>, %arg8: memref<!tpu.dma_semaphore, #tpu.memory_space<semaphore_mem>>, %arg9: memref<!tpu.dma_semaphore, #tpu.memory_space<semaphore_mem>>, %arg10: memref<!tpu.dma_semaphore, #tpu.memory_space<semaphore_mem>>) attributes {dimension_semantics = [#tpu.dimension_semantics<core_parallel>, #tpu.dimension_semantics<subcore_parallel>], iteration_bounds = array<i64: 2, 16>, scalar_prefetch = 0 : i64, scratch_operands = 6 : i64, tpu.core_type = #tpu.core_type<sc_vector_subcore>, window_params = [{transform_indices = #map}, {transform_indices = #map}, {transform_indices = #map}]} {
    %broadcast_in_dim3A = arith.constant 0.000000e+00 : f32
    %broadcast_in_dim3A_0 = vector.broadcast %broadcast_in_dim3A : f32 to vector<16xf32>
    %scan3A = arith.constant 0 : i32
    %scan3A_1 = arith.constant 0 : i32
    %scan3A_2 = arith.constant 512 : i32
    %scan3A_3 = arith.addi %scan3A_1, %scan3A_2 : i32
    %scan3A_4 = arith.constant 1 : i32
    scf.for %scan3A_89 = %scan3A_1 to %scan3A_3 step %scan3A_4  : i32 {
      %swap3A = arith.index_cast %scan3A_89 : i32 to index
      %swap3A_90 = arith.constant 0 : index
      %swap3A_91 = tpu.vector_load %arg6[%swap3A, %swap3A_90] {strides = array<i32>} : memref<512x32xf32, #tpu.memory_space<vmem>>, vector<1x16xf32>,
      %swap3A_92 = vector.shape_cast %swap3A_91 : vector<1x16xf32> to vector<16xf32>
      %swap3A_93 = vector.shape_cast %broadcast_in_dim3A_0 : vector<16xf32> to vector<1x16xf32>
      tpu.vector_store %arg6[%swap3A, %swap3A_90], %swap3A_93 {strides = array<i32>} : memref<512x32xf32, #tpu.memory_space<vmem>>, vector<1x16xf32>,
      %swap3A_94 = arith.index_cast %scan3A_89 : i32 to index
      %swap3A_95 = arith.constant 16 : index
      %swap3A_96 = tpu.vector_load %arg6[%swap3A_94, %swap3A_95] {strides = array<i32>} : memref<512x32xf32, #tpu.memory_space<vmem>>, vector<1x16xf32>,
      %swap3A_97 = vector.shape_cast %swap3A_96 : vector<1x16xf32> to vector<16xf32>
      %swap3A_98 = vector.shape_cast %broadcast_in_dim3A_0 : vector<16xf32> to vector<1x16xf32>
      tpu.vector_store %arg6[%swap3A_94, %swap3A_95], %swap3A_98 {strides = array<i32>} : memref<512x32xf32, #tpu.memory_space<vmem>>, vector<1x16xf32>,
    }
    %scan3A_5 = arith.constant 512 : i32
    %mul3A = arith.constant 3136 : i32
    %mul3A_6 = arith.muli %arg1, %mul3A : i32
    %add3A = arith.constant 0 : i32
    %add3A_7 = arith.addi %mul3A_6, %add3A : i32
    "tpu.region"() ({
      %run_scoped3A = tpu.sem_alloc : memref<!tpu.dma_semaphore, #tpu.memory_space<semaphore_mem>>
      %dma_start3A_89 = arith.constant 0 : i32
      %dma_start3A_90 = arith.constant 0 : i32
      %dma_start3A_91 = tpu.memref_slice %arg6[%dma_start3A_89, %dma_start3A_90] : memref<512x32xf32, #tpu.memory_space<vmem>> -> memref<512x32xf32, #tpu.memory_space<vmem>>
      %dma_start3A_92 = arith.constant 0 : i32
      %dma_start3A_93 = tpu.memref_slice %arg7[%add3A_7, %dma_start3A_92] : memref<50176x32xf32, #tpu.memory_space<vmem_shared>> -> memref<512x32xf32, #tpu.memory_space<vmem_shared>>
      %dma_start3A_94 = arith.constant 0 : i32
      %dma_start3A_95 = tpu.memref_slice %arg7[%add3A_7, %dma_start3A_94] : memref<50176x32xf32, #tpu.memory_space<vmem_shared>> -> memref<512x32xf32, #tpu.memory_space<vmem_shared>>
      %dma_start3A_96 = arith.constant 0 : i32
      %dma_start3A_97 = arith.constant 0 : i32
      %dma_start3A_98 = tpu.memref_slice %arg6[%dma_start3A_96, %dma_start3A_97] : memref<512x32xf32, #tpu.memory_space<vmem>> -> memref<512x32xf32, #tpu.memory_space<vmem>>
      tpu.enqueue_dma source(%dma_start3A_98 : memref<512x32xf32, #tpu.memory_space<vmem>>) target(%dma_start3A_95 : memref<512x32xf32, #tpu.memory_space<vmem_shared>>) target_semaphore(%run_scoped3A : memref<!tpu.dma_semaphore, #tpu.memory_space<semaphore_mem>>)
      %dma_wait3A_99 = arith.constant 0 : i32
      %dma_wait3A_100 = arith.constant 0 : i32
      %dma_wait3A_101 = tpu.memref_slice %arg6[%dma_wait3A_99, %dma_wait3A_100] : memref<512x32xf32, #tpu.memory_space<vmem>> -> memref<512x32xf32, #tpu.memory_space<vmem>>
      %dma_wait3A_102 = arith.constant 0 : i32
      %dma_wait3A_103 = tpu.memref_slice %arg7[%add3A_7, %dma_wait3A_102] : memref<50176x32xf32, #tpu.memory_space<vmem_shared>> -> memref<512x32xf32, #tpu.memory_space<vmem_shared>>
      %dma_wait3A_104 = arith.constant 0 : i32
      %dma_wait3A_105 = tpu.memref_slice %arg7[%add3A_7, %dma_wait3A_104] : memref<50176x32xf32, #tpu.memory_space<vmem_shared>> -> memref<512x32xf32, #tpu.memory_space<vmem_shared>>
      %dma_wait3A_106 = arith.constant 0 : i32
      %dma_wait3A_107 = arith.constant 0 : i32
      %dma_wait3A_108 = tpu.memref_slice %arg6[%dma_wait3A_106, %dma_wait3A_107] : memref<512x32xf32, #tpu.memory_space<vmem>> -> memref<512x32xf32, #tpu.memory_space<vmem>>
      tpu.wait_dma2 semaphore(%run_scoped3A : memref<!tpu.dma_semaphore, #tpu.memory_space<semaphore_mem>>) src(%dma_wait3A_108 : memref<512x32xf32, #tpu.memory_space<vmem>>) dst(%dma_wait3A_105 : memref<512x32xf32, #tpu.memory_space<vmem_shared>>)
      tpu.yield
    }) : () -> ()
    %mul3A_8 = arith.constant 3136 : i32
    %mul3A_9 = arith.muli %arg1, %mul3A_8 : i32
    %add3A_10 = arith.constant 512 : i32
    %add3A_11 = arith.addi %mul3A_9, %add3A_10 : i32
    "tpu.region"() ({
      %run_scoped3A = tpu.sem_alloc : memref<!tpu.dma_semaphore, #tpu.memory_space<semaphore_mem>>
      %dma_start3A_89 = arith.constant 0 : i32
      %dma_start3A_90 = arith.constant 0 : i32
      %dma_start3A_91 = tpu.memref_slice %arg6[%dma_start3A_89, %dma_start3A_90] : memref<512x32xf32, #tpu.memory_space<vmem>> -> memref<512x32xf32, #tpu.memory_space<vmem>>
      %dma_start3A_92 = arith.constant 0 : i32
      %dma_start3A_93 = tpu.memref_slice %arg7[%add3A_11, %dma_start3A_92] : memref<50176x32xf32, #tpu.memory_space<vmem_shared>> -> memref<512x32xf32, #tpu.memory_space<vmem_shared>>
      %dma_start3A_94 = arith.constant 0 : i32
      %dma_start3A_95 = tpu.memref_slice %arg7[%add3A_11, %dma_start3A_94] : memref<50176x32xf32, #tpu.memory_space<vmem_shared>> -> memref<512x32xf32, #tpu.memory_space<vmem_shared>>
      %dma_start3A_96 = arith.constant 0 : i32
      %dma_start3A_97 = arith.constant 0 : i32
      %dma_start3A_98 = tpu.memref_slice %arg6[%dma_start3A_96, %dma_start3A_97] : memref<512x32xf32, #tpu.memory_space<vmem>> -> memref<512x32xf32, #tpu.memory_space<vmem>>
      tpu.enqueue_dma source(%dma_start3A_98 : memref<512x32xf32, #tpu.memory_space<vmem>>) target(%dma_start3A_95 : memref<512x32xf32, #tpu.memory_space<vmem_shared>>) target_semaphore(%run_scoped3A : memref<!tpu.dma_semaphore, #tpu.memory_space<semaphore_mem>>)
      %dma_wait3A_99 = arith.constant 0 : i32
      %dma_wait3A_100 = arith.constant 0 : i32
      %dma_wait3A_101 = tpu.memref_slice %arg6[%dma_wait3A_99, %dma_wait3A_100] : memref<512x32xf32, #tpu.memory_space<vmem>> -> memref<512x32xf32, #tpu.memory_space<vmem>>
      %dma_wait3A_102 = arith.constant 0 : i32
      %dma_wait3A_103 = tpu.memref_slice %arg7[%add3A_11, %dma_wait3A_102] : memref<50176x32xf32, #tpu.memory_space<vmem_shared>> -> memref<512x32xf32, #tpu.memory_space<vmem_shared>>
      %dma_wait3A_104 = arith.constant 0 : i32
      %dma_wait3A_105 = tpu.memref_slice %arg7[%add3A_11, %dma_wait3A_104] : memref<50176x32xf32, #tpu.memory_space<vmem_shared>> -> memref<512x32xf32, #tpu.memory_space<vmem_shared>>
      %dma_wait3A_106 = arith.constant 0 : i32
      %dma_wait3A_107 = arith.constant 0 : i32
      %dma_wait3A_108 = tpu.memref_slice %arg6[%dma_wait3A_106, %dma_wait3A_107] : memref<512x32xf32, #tpu.memory_space<vmem>> -> memref<512x32xf32, #tpu.memory_space<vmem>>
      tpu.wait_dma2 semaphore(%run_scoped3A : memref<!tpu.dma_semaphore, #tpu.memory_space<semaphore_mem>>) src(%dma_wait3A_108 : memref<512x32xf32, #tpu.memory_space<vmem>>) dst(%dma_wait3A_105 : memref<512x32xf32, #tpu.memory_space<vmem_shared>>)
      tpu.yield
    }) : () -> ()
    %mul3A_12 = arith.constant 3136 : i32
    %mul3A_13 = arith.muli %arg1, %mul3A_12 : i32
    %add3A_14 = arith.constant 1024 : i32
    %add3A_15 = arith.addi %mul3A_13, %add3A_14 : i32
    "tpu.region"() ({
      %run_scoped3A = tpu.sem_alloc : memref<!tpu.dma_semaphore, #tpu.memory_space<semaphore_mem>>
      %dma_start3A_89 = arith.constant 0 : i32
      %dma_start3A_90 = arith.constant 0 : i32
      %dma_start3A_91 = tpu.memref_slice %arg6[%dma_start3A_89, %dma_start3A_90] : memref<512x32xf32, #tpu.memory_space<vmem>> -> memref<512x32xf32, #tpu.memory_space<vmem>>
      %dma_start3A_92 = arith.constant 0 : i32
      %dma_start3A_93 = tpu.memref_slice %arg7[%add3A_15, %dma_start3A_92] : memref<50176x32xf32, #tpu.memory_space<vmem_shared>> -> memref<512x32xf32, #tpu.memory_space<vmem_shared>>
      %dma_start3A_94 = arith.constant 0 : i32
      %dma_start3A_95 = tpu.memref_slice %arg7[%add3A_15, %dma_start3A_94] : memref<50176x32xf32, #tpu.memory_space<vmem_shared>> -> memref<512x32xf32, #tpu.memory_space<vmem_shared>>
      %dma_start3A_96 = arith.constant 0 : i32
      %dma_start3A_97 = arith.constant 0 : i32
      %dma_start3A_98 = tpu.memref_slice %arg6[%dma_start3A_96, %dma_start3A_97] : memref<512x32xf32, #tpu.memory_space<vmem>> -> memref<512x32xf32, #tpu.memory_space<vmem>>
      tpu.enqueue_dma source(%dma_start3A_98 : memref<512x32xf32, #tpu.memory_space<vmem>>) target(%dma_start3A_95 : memref<512x32xf32, #tpu.memory_space<vmem_shared>>) target_semaphore(%run_scoped3A : memref<!tpu.dma_semaphore, #tpu.memory_space<semaphore_mem>>)
      %dma_wait3A_99 = arith.constant 0 : i32
      %dma_wait3A_100 = arith.constant 0 : i32
      %dma_wait3A_101 = tpu.memref_slice %arg6[%dma_wait3A_99, %dma_wait3A_100] : memref<512x32xf32, #tpu.memory_space<vmem>> -> memref<512x32xf32, #tpu.memory_space<vmem>>
      %dma_wait3A_102 = arith.constant 0 : i32
      %dma_wait3A_103 = tpu.memref_slice %arg7[%add3A_15, %dma_wait3A_102] : memref<50176x32xf32, #tpu.memory_space<vmem_shared>> -> memref<512x32xf32, #tpu.memory_space<vmem_shared>>
      %dma_wait3A_104 = arith.constant 0 : i32
      %dma_wait3A_105 = tpu.memref_slice %arg7[%add3A_15, %dma_wait3A_104] : memref<50176x32xf32, #tpu.memory_space<vmem_shared>> -> memref<512x32xf32, #tpu.memory_space<vmem_shared>>
      %dma_wait3A_106 = arith.constant 0 : i32
      %dma_wait3A_107 = arith.constant 0 : i32
      %dma_wait3A_108 = tpu.memref_slice %arg6[%dma_wait3A_106, %dma_wait3A_107] : memref<512x32xf32, #tpu.memory_space<vmem>> -> memref<512x32xf32, #tpu.memory_space<vmem>>
      tpu.wait_dma2 semaphore(%run_scoped3A : memref<!tpu.dma_semaphore, #tpu.memory_space<semaphore_mem>>) src(%dma_wait3A_108 : memref<512x32xf32, #tpu.memory_space<vmem>>) dst(%dma_wait3A_105 : memref<512x32xf32, #tpu.memory_space<vmem_shared>>)
      tpu.yield
    }) : () -> ()
    %mul3A_16 = arith.constant 3136 : i32
    %mul3A_17 = arith.muli %arg1, %mul3A_16 : i32
    %add3A_18 = arith.constant 1536 : i32
    %add3A_19 = arith.addi %mul3A_17, %add3A_18 : i32
    "tpu.region"() ({
      %run_scoped3A = tpu.sem_alloc : memref<!tpu.dma_semaphore, #tpu.memory_space<semaphore_mem>>
      %dma_start3A_89 = arith.constant 0 : i32
      %dma_start3A_90 = arith.constant 0 : i32
      %dma_start3A_91 = tpu.memref_slice %arg6[%dma_start3A_89, %dma_start3A_90] : memref<512x32xf32, #tpu.memory_space<vmem>> -> memref<512x32xf32, #tpu.memory_space<vmem>>
      %dma_start3A_92 = arith.constant 0 : i32
      %dma_start3A_93 = tpu.memref_slice %arg7[%add3A_19, %dma_start3A_92] : memref<50176x32xf32, #tpu.memory_space<vmem_shared>> -> memref<512x32xf32, #tpu.memory_space<vmem_shared>>
      %dma_start3A_94 = arith.constant 0 : i32
      %dma_start3A_95 = tpu.memref_slice %arg7[%add3A_19, %dma_start3A_94] : memref<50176x32xf32, #tpu.memory_space<vmem_shared>> -> memref<512x32xf32, #tpu.memory_space<vmem_shared>>
      %dma_start3A_96 = arith.constant 0 : i32
      %dma_start3A_97 = arith.constant 0 : i32
      %dma_start3A_98 = tpu.memref_slice %arg6[%dma_start3A_96, %dma_start3A_97] : memref<512x32xf32, #tpu.memory_space<vmem>> -> memref<512x32xf32, #tpu.memory_space<vmem>>
      tpu.enqueue_dma source(%dma_start3A_98 : memref<512x32xf32, #tpu.memory_space<vmem>>) target(%dma_start3A_95 : memref<512x32xf32, #tpu.memory_space<vmem_shared>>) target_semaphore(%run_scoped3A : memref<!tpu.dma_semaphore, #tpu.memory_space<semaphore_mem>>)
      %dma_wait3A_99 = arith.constant 0 : i32
      %dma_wait3A_100 = arith.constant 0 : i32
      %dma_wait3A_101 = tpu.memref_slice %arg6[%dma_wait3A_99, %dma_wait3A_100] : memref<512x32xf32, #tpu.memory_space<vmem>> -> memref<512x32xf32, #tpu.memory_space<vmem>>
      %dma_wait3A_102 = arith.constant 0 : i32
      %dma_wait3A_103 = tpu.memref_slice %arg7[%add3A_19, %dma_wait3A_102] : memref<50176x32xf32, #tpu.memory_space<vmem_shared>> -> memref<512x32xf32, #tpu.memory_space<vmem_shared>>
      %dma_wait3A_104 = arith.constant 0 : i32
      %dma_wait3A_105 = tpu.memref_slice %arg7[%add3A_19, %dma_wait3A_104] : memref<50176x32xf32, #tpu.memory_space<vmem_shared>> -> memref<512x32xf32, #tpu.memory_space<vmem_shared>>
      %dma_wait3A_106 = arith.constant 0 : i32
      %dma_wait3A_107 = arith.constant 0 : i32
      %dma_wait3A_108 = tpu.memref_slice %arg6[%dma_wait3A_106, %dma_wait3A_107] : memref<512x32xf32, #tpu.memory_space<vmem>> -> memref<512x32xf32, #tpu.memory_space<vmem>>
      tpu.wait_dma2 semaphore(%run_scoped3A : memref<!tpu.dma_semaphore, #tpu.memory_space<semaphore_mem>>) src(%dma_wait3A_108 : memref<512x32xf32, #tpu.memory_space<vmem>>) dst(%dma_wait3A_105 : memref<512x32xf32, #tpu.memory_space<vmem_shared>>)
      tpu.yield
    }) : () -> ()
    %mul3A_20 = arith.constant 3136 : i32
    %mul3A_21 = arith.muli %arg1, %mul3A_20 : i32
    %add3A_22 = arith.constant 2048 : i32
    %add3A_23 = arith.addi %mul3A_21, %add3A_22 : i32
    "tpu.region"() ({
      %run_scoped3A = tpu.sem_alloc : memref<!tpu.dma_semaphore, #tpu.memory_space<semaphore_mem>>
      %dma_start3A_89 = arith.constant 0 : i32
      %dma_start3A_90 = arith.constant 0 : i32
      %dma_start3A_91 = tpu.memref_slice %arg6[%dma_start3A_89, %dma_start3A_90] : memref<512x32xf32, #tpu.memory_space<vmem>> -> memref<512x32xf32, #tpu.memory_space<vmem>>
      %dma_start3A_92 = arith.constant 0 : i32
      %dma_start3A_93 = tpu.memref_slice %arg7[%add3A_23, %dma_start3A_92] : memref<50176x32xf32, #tpu.memory_space<vmem_shared>> -> memref<512x32xf32, #tpu.memory_space<vmem_shared>>
      %dma_start3A_94 = arith.constant 0 : i32
      %dma_start3A_95 = tpu.memref_slice %arg7[%add3A_23, %dma_start3A_94] : memref<50176x32xf32, #tpu.memory_space<vmem_shared>> -> memref<512x32xf32, #tpu.memory_space<vmem_shared>>
      %dma_start3A_96 = arith.constant 0 : i32
      %dma_start3A_97 = arith.constant 0 : i32
      %dma_start3A_98 = tpu.memref_slice %arg6[%dma_start3A_96, %dma_start3A_97] : memref<512x32xf32, #tpu.memory_space<vmem>> -> memref<512x32xf32, #tpu.memory_space<vmem>>
      tpu.enqueue_dma source(%dma_start3A_98 : memref<512x32xf32, #tpu.memory_space<vmem>>) target(%dma_start3A_95 : memref<512x32xf32, #tpu.memory_space<vmem_shared>>) target_semaphore(%run_scoped3A : memref<!tpu.dma_semaphore, #tpu.memory_space<semaphore_mem>>)
      %dma_wait3A_99 = arith.constant 0 : i32
      %dma_wait3A_100 = arith.constant 0 : i32
      %dma_wait3A_101 = tpu.memref_slice %arg6[%dma_wait3A_99, %dma_wait3A_100] : memref<512x32xf32, #tpu.memory_space<vmem>> -> memref<512x32xf32, #tpu.memory_space<vmem>>
      %dma_wait3A_102 = arith.constant 0 : i32
      %dma_wait3A_103 = tpu.memref_slice %arg7[%add3A_23, %dma_wait3A_102] : memref<50176x32xf32, #tpu.memory_space<vmem_shared>> -> memref<512x32xf32, #tpu.memory_space<vmem_shared>>
      %dma_wait3A_104 = arith.constant 0 : i32
      %dma_wait3A_105 = tpu.memref_slice %arg7[%add3A_23, %dma_wait3A_104] : memref<50176x32xf32, #tpu.memory_space<vmem_shared>> -> memref<512x32xf32, #tpu.memory_space<vmem_shared>>
      %dma_wait3A_106 = arith.constant 0 : i32
      %dma_wait3A_107 = arith.constant 0 : i32
      %dma_wait3A_108 = tpu.memref_slice %arg6[%dma_wait3A_106, %dma_wait3A_107] : memref<512x32xf32, #tpu.memory_space<vmem>> -> memref<512x32xf32, #tpu.memory_space<vmem>>
      tpu.wait_dma2 semaphore(%run_scoped3A : memref<!tpu.dma_semaphore, #tpu.memory_space<semaphore_mem>>) src(%dma_wait3A_108 : memref<512x32xf32, #tpu.memory_space<vmem>>) dst(%dma_wait3A_105 : memref<512x32xf32, #tpu.memory_space<vmem_shared>>)
      tpu.yield
    }) : () -> ()
    %mul3A_24 = arith.constant 3136 : i32
    %mul3A_25 = arith.muli %arg1, %mul3A_24 : i32
    %add3A_26 = arith.constant 2560 : i32
    %add3A_27 = arith.addi %mul3A_25, %add3A_26 : i32
    "tpu.region"() ({
      %run_scoped3A = tpu.sem_alloc : memref<!tpu.dma_semaphore, #tpu.memory_space<semaphore_mem>>
      %dma_start3A_89 = arith.constant 0 : i32
      %dma_start3A_90 = arith.constant 0 : i32
      %dma_start3A_91 = tpu.memref_slice %arg6[%dma_start3A_89, %dma_start3A_90] : memref<512x32xf32, #tpu.memory_space<vmem>> -> memref<512x32xf32, #tpu.memory_space<vmem>>
      %dma_start3A_92 = arith.constant 0 : i32
      %dma_start3A_93 = tpu.memref_slice %arg7[%add3A_27, %dma_start3A_92] : memref<50176x32xf32, #tpu.memory_space<vmem_shared>> -> memref<512x32xf32, #tpu.memory_space<vmem_shared>>
      %dma_start3A_94 = arith.constant 0 : i32
      %dma_start3A_95 = tpu.memref_slice %arg7[%add3A_27, %dma_start3A_94] : memref<50176x32xf32, #tpu.memory_space<vmem_shared>> -> memref<512x32xf32, #tpu.memory_space<vmem_shared>>
      %dma_start3A_96 = arith.constant 0 : i32
      %dma_start3A_97 = arith.constant 0 : i32
      %dma_start3A_98 = tpu.memref_slice %arg6[%dma_start3A_96, %dma_start3A_97] : memref<512x32xf32, #tpu.memory_space<vmem>> -> memref<512x32xf32, #tpu.memory_space<vmem>>
      tpu.enqueue_dma source(%dma_start3A_98 : memref<512x32xf32, #tpu.memory_space<vmem>>) target(%dma_start3A_95 : memref<512x32xf32, #tpu.memory_space<vmem_shared>>) target_semaphore(%run_scoped3A : memref<!tpu.dma_semaphore, #tpu.memory_space<semaphore_mem>>)
      %dma_wait3A_99 = arith.constant 0 : i32
      %dma_wait3A_100 = arith.constant 0 : i32
      %dma_wait3A_101 = tpu.memref_slice %arg6[%dma_wait3A_99, %dma_wait3A_100] : memref<512x32xf32, #tpu.memory_space<vmem>> -> memref<512x32xf32, #tpu.memory_space<vmem>>
      %dma_wait3A_102 = arith.constant 0 : i32
      %dma_wait3A_103 = tpu.memref_slice %arg7[%add3A_27, %dma_wait3A_102] : memref<50176x32xf32, #tpu.memory_space<vmem_shared>> -> memref<512x32xf32, #tpu.memory_space<vmem_shared>>
      %dma_wait3A_104 = arith.constant 0 : i32
      %dma_wait3A_105 = tpu.memref_slice %arg7[%add3A_27, %dma_wait3A_104] : memref<50176x32xf32, #tpu.memory_space<vmem_shared>> -> memref<512x32xf32, #tpu.memory_space<vmem_shared>>
      %dma_wait3A_106 = arith.constant 0 : i32
      %dma_wait3A_107 = arith.constant 0 : i32
      %dma_wait3A_108 = tpu.memref_slice %arg6[%dma_wait3A_106, %dma_wait3A_107] : memref<512x32xf32, #tpu.memory_space<vmem>> -> memref<512x32xf32, #tpu.memory_space<vmem>>
      tpu.wait_dma2 semaphore(%run_scoped3A : memref<!tpu.dma_semaphore, #tpu.memory_space<semaphore_mem>>) src(%dma_wait3A_108 : memref<512x32xf32, #tpu.memory_space<vmem>>) dst(%dma_wait3A_105 : memref<512x32xf32, #tpu.memory_space<vmem_shared>>)
      tpu.yield
    }) : () -> ()
    %mul3A_28 = arith.constant 3136 : i32
    %mul3A_29 = arith.muli %arg1, %mul3A_28 : i32
    %add3A_30 = arith.constant 3072 : i32
    %add3A_31 = arith.addi %mul3A_29, %add3A_30 : i32
    "tpu.region"() ({
      %run_scoped3A = tpu.sem_alloc : memref<!tpu.dma_semaphore, #tpu.memory_space<semaphore_mem>>
      %dma_start3A_89 = arith.constant 0 : i32
      %dma_start3A_90 = arith.constant 0 : i32
      %dma_start3A_91 = tpu.memref_slice %arg6[%dma_start3A_89, %dma_start3A_90] : memref<512x32xf32, #tpu.memory_space<vmem>> -> memref<64x32xf32, #tpu.memory_space<vmem>>
      %dma_start3A_92 = arith.constant 0 : i32
      %dma_start3A_93 = tpu.memref_slice %arg7[%add3A_31, %dma_start3A_92] : memref<50176x32xf32, #tpu.memory_space<vmem_shared>> -> memref<64x32xf32, #tpu.memory_space<vmem_shared>>
      %dma_start3A_94 = arith.constant 0 : i32
      %dma_start3A_95 = tpu.memref_slice %arg7[%add3A_31, %dma_start3A_94] : memref<50176x32xf32, #tpu.memory_space<vmem_shared>> -> memref<64x32xf32, #tpu.memory_space<vmem_shared>>
      %dma_start3A_96 = arith.constant 0 : i32
      %dma_start3A_97 = arith.constant 0 : i32
      %dma_start3A_98 = tpu.memref_slice %arg6[%dma_start3A_96, %dma_start3A_97] : memref<512x32xf32, #tpu.memory_space<vmem>> -> memref<64x32xf32, #tpu.memory_space<vmem>>
      tpu.enqueue_dma source(%dma_start3A_98 : memref<64x32xf32, #tpu.memory_space<vmem>>) target(%dma_start3A_95 : memref<64x32xf32, #tpu.memory_space<vmem_shared>>) target_semaphore(%run_scoped3A : memref<!tpu.dma_semaphore, #tpu.memory_space<semaphore_mem>>)
      %dma_wait3A_99 = arith.constant 0 : i32
      %dma_wait3A_100 = arith.constant 0 : i32
      %dma_wait3A_101 = tpu.memref_slice %arg6[%dma_wait3A_99, %dma_wait3A_100] : memref<512x32xf32, #tpu.memory_space<vmem>> -> memref<64x32xf32, #tpu.memory_space<vmem>>
      %dma_wait3A_102 = arith.constant 0 : i32
      %dma_wait3A_103 = tpu.memref_slice %arg7[%add3A_31, %dma_wait3A_102] : memref<50176x32xf32, #tpu.memory_space<vmem_shared>> -> memref<64x32xf32, #tpu.memory_space<vmem_shared>>
      %dma_wait3A_104 = arith.constant 0 : i32
      %dma_wait3A_105 = tpu.memref_slice %arg7[%add3A_31, %dma_wait3A_104] : memref<50176x32xf32, #tpu.memory_space<vmem_shared>> -> memref<64x32xf32, #tpu.memory_space<vmem_shared>>
      %dma_wait3A_106 = arith.constant 0 : i32
      %dma_wait3A_107 = arith.constant 0 : i32
      %dma_wait3A_108 = tpu.memref_slice %arg6[%dma_wait3A_106, %dma_wait3A_107] : memref<512x32xf32, #tpu.memory_space<vmem>> -> memref<64x32xf32, #tpu.memory_space<vmem>>
      tpu.wait_dma2 semaphore(%run_scoped3A : memref<!tpu.dma_semaphore, #tpu.memory_space<semaphore_mem>>) src(%dma_wait3A_108 : memref<64x32xf32, #tpu.memory_space<vmem>>) dst(%dma_wait3A_105 : memref<64x32xf32, #tpu.memory_space<vmem_shared>>)
      tpu.yield
    }) : () -> ()
    %barrier3A = arith.constant 0 : index
    tpu.barrier barrier_id(%barrier3A)
    %mul3A_32 = arith.constant 98 : i32
    %mul3A_33 = arith.muli %arg1, %mul3A_32 : i32
    "tpu.region"() ({
      %run_scoped3A = tpu.sem_alloc : memref<!tpu.dma_semaphore, #tpu.memory_space<semaphore_mem>>
      %dma_start3A_89 = arith.constant 0 : i32
      %dma_start3A_90 = arith.constant 0 : i32
      %dma_start3A_91 = tpu.memref_slice %arg5[%dma_start3A_89, %dma_start3A_90] : memref<16x128xi32, #tpu.memory_space<vmem>> -> memref<8x128xi32, #tpu.memory_space<vmem>>
      %dma_start3A_92 = arith.constant 0 : i32
      %dma_start3A_93 = arith.constant 0 : i32
      %dma_start3A_94 = tpu.memref_slice %arg3[%mul3A_33, %dma_start3A_92, %dma_start3A_93] : memref<1568x8x128xi32, #tpu.memory_space<hbm>> -> memref<1x8x128xi32, #tpu.memory_space<hbm>>
      %dma_start3A_95 = tpu.memref_squeeze %dma_start3A_94 : memref<1x8x128xi32, #tpu.memory_space<hbm>> -> memref<8x128xi32, #tpu.memory_space<hbm>>
      %dma_start3A_96 = arith.constant 0 : i32
      %dma_start3A_97 = arith.constant 0 : i32
      %dma_start3A_98 = tpu.memref_slice %arg5[%dma_start3A_96, %dma_start3A_97] : memref<16x128xi32, #tpu.memory_space<vmem>> -> memref<8x128xi32, #tpu.memory_space<vmem>>
      %dma_start3A_99 = arith.constant 0 : i32
      %dma_start3A_100 = arith.constant 0 : i32
      %dma_start3A_101 = tpu.memref_slice %arg3[%mul3A_33, %dma_start3A_99, %dma_start3A_100] : memref<1568x8x128xi32, #tpu.memory_space<hbm>> -> memref<1x8x128xi32, #tpu.memory_space<hbm>>
      %dma_start3A_102 = tpu.memref_squeeze %dma_start3A_101 : memref<1x8x128xi32, #tpu.memory_space<hbm>> -> memref<8x128xi32, #tpu.memory_space<hbm>>
      tpu.enqueue_dma source(%dma_start3A_102 : memref<8x128xi32, #tpu.memory_space<hbm>>) target(%dma_start3A_98 : memref<8x128xi32, #tpu.memory_space<vmem>>) target_semaphore(%run_scoped3A : memref<!tpu.dma_semaphore, #tpu.memory_space<semaphore_mem>>)
      %dma_wait3A_103 = arith.constant 0 : i32
      %dma_wait3A_104 = arith.constant 0 : i32
      %dma_wait3A_105 = tpu.memref_slice %arg5[%dma_wait3A_103, %dma_wait3A_104] : memref<16x128xi32, #tpu.memory_space<vmem>> -> memref<8x128xi32, #tpu.memory_space<vmem>>
      %dma_wait3A_106 = arith.constant 0 : i32
      %dma_wait3A_107 = arith.constant 0 : i32
      %dma_wait3A_108 = tpu.memref_slice %arg3[%mul3A_33, %dma_wait3A_106, %dma_wait3A_107] : memref<1568x8x128xi32, #tpu.memory_space<hbm>> -> memref<1x8x128xi32, #tpu.memory_space<hbm>>
      %dma_wait3A_109 = tpu.memref_squeeze %dma_wait3A_108 : memref<1x8x128xi32, #tpu.memory_space<hbm>> -> memref<8x128xi32, #tpu.memory_space<hbm>>
      %dma_wait3A_110 = arith.constant 0 : i32
      %dma_wait3A_111 = arith.constant 0 : i32
      %dma_wait3A_112 = tpu.memref_slice %arg5[%dma_wait3A_110, %dma_wait3A_111] : memref<16x128xi32, #tpu.memory_space<vmem>> -> memref<8x128xi32, #tpu.memory_space<vmem>>
      %dma_wait3A_113 = arith.constant 0 : i32
      %dma_wait3A_114 = arith.constant 0 : i32
      %dma_wait3A_115 = tpu.memref_slice %arg3[%mul3A_33, %dma_wait3A_113, %dma_wait3A_114] : memref<1568x8x128xi32, #tpu.memory_space<hbm>> -> memref<1x8x128xi32, #tpu.memory_space<hbm>>
      %dma_wait3A_116 = tpu.memref_squeeze %dma_wait3A_115 : memref<1x8x128xi32, #tpu.memory_space<hbm>> -> memref<8x128xi32, #tpu.memory_space<hbm>>
      tpu.wait_dma2 semaphore(%run_scoped3A : memref<!tpu.dma_semaphore, #tpu.memory_space<semaphore_mem>>) src(%dma_wait3A_116 : memref<8x128xi32, #tpu.memory_space<hbm>>) dst(%dma_wait3A_112 : memref<8x128xi32, #tpu.memory_space<vmem>>)
      tpu.yield
    }) : () -> ()
    %dma_start3A = arith.constant 0 : i32
    %dma_start3A_34 = arith.constant 0 : i32
    %dma_start3A_35 = arith.constant 0 : i32
    %dma_start3A_36 = tpu.memref_slice %arg6[%dma_start3A_34, %dma_start3A_35] : memref<512x32xf32, #tpu.memory_space<vmem>> -> memref<256x32xf32, #tpu.memory_space<vmem>>
    %dma_start3A_37 = arith.constant 0 : i32
    %dma_start3A_38 = arith.constant 0 : i32
    %dma_start3A_39 = tpu.memref_slice %dma_start3A_36[%dma_start3A_37, %dma_start3A_38] : memref<256x32xf32, #tpu.memory_space<vmem>> -> memref<128x32xf32, #tpu.memory_space<vmem>>
    %dma_start3A_40 = arith.constant 0 : i32
    %dma_start3A_41 = tpu.memref_slice %arg5[%dma_start3A, %dma_start3A_40] : memref<16x128xi32, #tpu.memory_space<vmem>> -> memref<1x128xi32, #tpu.memory_space<vmem>>
    %dma_start3A_42 = tpu.memref_squeeze %dma_start3A_41 : memref<1x128xi32, #tpu.memory_space<vmem>> -> memref<128xi32, #tpu.memory_space<vmem>>
    %dma_start3A_43 = arith.constant 0 : i32
    %dma_start3A_44 = arith.constant 0 : i32
    %dma_start3A_45 = tpu.memref_slice %arg2[%arg0, %dma_start3A_43, %dma_start3A_44] : memref<2x50176x32xf32, #tpu.memory_space<hbm>> -> memref<1x50176x32xf32, #tpu.memory_space<hbm>>
    %dma_start3A_46 = tpu.memref_squeeze %dma_start3A_45 : memref<1x50176x32xf32, #tpu.memory_space<hbm>> -> memref<50176x32xf32, #tpu.memory_space<hbm>>
    %dma_start3A_47 = arith.constant 0 : i32
    %dma_start3A_48 = arith.constant 0 : i32
    %dma_start3A_49 = tpu.memref_slice %dma_start3A_46[%dma_start3A_47, %dma_start3A_48] : memref<50176x32xf32, #tpu.memory_space<hbm>> -> memref<50176x32xf32, #tpu.memory_space<hbm>>
    tpu.enqueue_indirect_dma source(%dma_start3A_49 : memref<50176x32xf32, #tpu.memory_space<hbm>>) target(%dma_start3A_39 : memref<128x32xf32, #tpu.memory_space<vmem>>) offsets(%dma_start3A_42 : memref<128xi32, #tpu.memory_space<vmem>>) semaphore(%arg8 : memref<!tpu.dma_semaphore, #tpu.memory_space<semaphore_mem>>)
    %dma_start3A_50 = arith.constant 1 : i32
    %dma_start3A_51 = arith.constant 0 : i32
    %dma_start3A_52 = arith.constant 0 : i32
    %dma_start3A_53 = tpu.memref_slice %arg6[%dma_start3A_51, %dma_start3A_52] : memref<512x32xf32, #tpu.memory_space<vmem>> -> memref<256x32xf32, #tpu.memory_space<vmem>>
    %dma_start3A_54 = arith.constant 128 : i32
    %dma_start3A_55 = arith.constant 0 : i32
    %dma_start3A_56 = tpu.memref_slice %dma_start3A_53[%dma_start3A_54, %dma_start3A_55] : memref<256x32xf32, #tpu.memory_space<vmem>> -> memref<128x32xf32, #tpu.memory_space<vmem>>
    %dma_start3A_57 = arith.constant 0 : i32
    %dma_start3A_58 = tpu.memref_slice %arg5[%dma_start3A_50, %dma_start3A_57] : memref<16x128xi32, #tpu.memory_space<vmem>> -> memref<1x128xi32, #tpu.memory_space<vmem>>
    %dma_start3A_59 = tpu.memref_squeeze %dma_start3A_58 : memref<1x128xi32, #tpu.memory_space<vmem>> -> memref<128xi32, #tpu.memory_space<vmem>>
    %dma_start3A_60 = arith.constant 0 : i32
    %dma_start3A_61 = arith.constant 0 : i32
    %dma_start3A_62 = tpu.memref_slice %arg2[%arg0, %dma_start3A_60, %dma_start3A_61] : memref<2x50176x32xf32, #tpu.memory_space<hbm>> -> memref<1x50176x32xf32, #tpu.memory_space<hbm>>
    %dma_start3A_63 = tpu.memref_squeeze %dma_start3A_62 : memref<1x50176x32xf32, #tpu.memory_space<hbm>> -> memref<50176x32xf32, #tpu.memory_space<hbm>>
    %dma_start3A_64 = arith.constant 0 : i32
    %dma_start3A_65 = arith.constant 0 : i32
    %dma_start3A_66 = tpu.memref_slice %dma_start3A_63[%dma_start3A_64, %dma_start3A_65] : memref<50176x32xf32, #tpu.memory_space<hbm>> -> memref<50176x32xf32, #tpu.memory_space<hbm>>
    tpu.enqueue_indirect_dma source(%dma_start3A_66 : memref<50176x32xf32, #tpu.memory_space<hbm>>) target(%dma_start3A_56 : memref<128x32xf32, #tpu.memory_space<vmem>>) offsets(%dma_start3A_59 : memref<128xi32, #tpu.memory_space<vmem>>) semaphore(%arg8 : memref<!tpu.dma_semaphore, #tpu.memory_space<semaphore_mem>>)
    %scan3A_67 = arith.constant 0 : i32
    %scan3A_68 = arith.constant 0 : i32
    %scan3A_69 = arith.constant 0 : i32
    %scan3A_70 = arith.constant 98 : i32
    %scan3A_71 = arith.addi %scan3A_69, %scan3A_70 : i32
    %scan3A_72 = arith.constant 1 : i32
    scf.for %scan3A_89 = %scan3A_69 to %scan3A_71 step %scan3A_72  : i32 {
      %rem3A = arith.constant 2 : i32
      %rem3A_90 = arith.remsi %scan3A_89, %rem3A : i32
      %mul3A_91 = arith.constant 8 : i32
      %mul3A_92 = arith.muli %rem3A_90, %mul3A_91 : i32
      %add3A_93 = arith.constant 1 : i32
      %add3A_94 = arith.addi %scan3A_89, %add3A_93 : i32
      %rem3A_95 = arith.constant 2 : i32
      %rem3A_96 = arith.remsi %add3A_94, %rem3A_95 : i32
      %mul3A_97 = arith.constant 8 : i32
      %mul3A_98 = arith.muli %rem3A_96, %mul3A_97 : i32
      %dma_wait3A_99 = arith.constant 0 : i32
      %dma_wait3A_100 = arith.constant 0 : i32
      %dma_wait3A_101 = tpu.memref_slice %arg6[%dma_wait3A_99, %dma_wait3A_100] : memref<512x32xf32, #tpu.memory_space<vmem>> -> memref<256x32xf32, #tpu.memory_space<vmem>>
      %dma_wait3A_102 = arith.constant 0 : i32
      %dma_wait3A_103 = arith.constant 0 : i32
      %dma_wait3A_104 = tpu.memref_slice %arg2[%scan3A_68, %dma_wait3A_102, %dma_wait3A_103] : memref<2x50176x32xf32, #tpu.memory_space<hbm>> -> memref<1x50176x32xf32, #tpu.memory_space<hbm>>
      %dma_wait3A_105 = tpu.memref_squeeze %dma_wait3A_104 : memref<1x50176x32xf32, #tpu.memory_space<hbm>> -> memref<50176x32xf32, #tpu.memory_space<hbm>>
      %dma_wait3A_106 = arith.constant 0 : i32
      %dma_wait3A_107 = arith.constant 0 : i32
      %dma_wait3A_108 = tpu.memref_slice %dma_wait3A_105[%dma_wait3A_106, %dma_wait3A_107] : memref<50176x32xf32, #tpu.memory_space<hbm>> -> memref<256x32xf32, #tpu.memory_space<hbm>>
      %dma_wait3A_109 = arith.constant 0 : i32
      %dma_wait3A_110 = arith.constant 0 : i32
      %dma_wait3A_111 = tpu.memref_slice %arg6[%dma_wait3A_109, %dma_wait3A_110] : memref<512x32xf32, #tpu.memory_space<vmem>> -> memref<256x32xf32, #tpu.memory_space<vmem>>
      %dma_wait3A_112 = arith.constant 0 : i32
      %dma_wait3A_113 = arith.constant 0 : i32
      %dma_wait3A_114 = tpu.memref_slice %arg2[%scan3A_68, %dma_wait3A_112, %dma_wait3A_113] : memref<2x50176x32xf32, #tpu.memory_space<hbm>> -> memref<1x50176x32xf32, #tpu.memory_space<hbm>>
      %dma_wait3A_115 = tpu.memref_squeeze %dma_wait3A_114 : memref<1x50176x32xf32, #tpu.memory_space<hbm>> -> memref<50176x32xf32, #tpu.memory_space<hbm>>
      %dma_wait3A_116 = arith.constant 0 : i32
      %dma_wait3A_117 = arith.constant 0 : i32
      %dma_wait3A_118 = tpu.memref_slice %dma_wait3A_115[%dma_wait3A_116, %dma_wait3A_117] : memref<50176x32xf32, #tpu.memory_space<hbm>> -> memref<256x32xf32, #tpu.memory_space<hbm>>
      tpu.wait_dma2 semaphore(%arg8 : memref<!tpu.dma_semaphore, #tpu.memory_space<semaphore_mem>>) src(%dma_wait3A_118 : memref<256x32xf32, #tpu.memory_space<hbm>>) dst(%dma_wait3A_111 : memref<256x32xf32, #tpu.memory_space<vmem>>)
      %ge3A = arith.constant 1 : i32
      %ge3A_119 = arith.cmpi sge, %scan3A_89, %ge3A : i32
      %convert_element_type3A = arith.extui %ge3A_119 : i1 to i32
      %cond3A = arith.constant 0 : i32
      %cond3A_120 = arith.cmpi ne, %convert_element_type3A, %cond3A : i32
      scf.if %cond3A_120 {
        %dma_wait3A_262 = arith.constant 0 : i32
        %dma_wait3A_263 = arith.constant 0 : i32
        %dma_wait3A_264 = tpu.memref_slice %arg7[%dma_wait3A_262, %dma_wait3A_263] : memref<50176x32xf32, #tpu.memory_space<vmem_shared>> -> memref<256x32xf32, #tpu.memory_space<vmem_shared>>
        %dma_wait3A_265 = arith.constant 0 : i32
        %dma_wait3A_266 = arith.constant 0 : i32
        %dma_wait3A_267 = tpu.memref_slice %arg2[%scan3A_68, %dma_wait3A_265, %dma_wait3A_266] : memref<2x50176x32xf32, #tpu.memory_space<hbm>> -> memref<1x50176x32xf32, #tpu.memory_space<hbm>>
        %dma_wait3A_268 = tpu.memref_squeeze %dma_wait3A_267 : memref<1x50176x32xf32, #tpu.memory_space<hbm>> -> memref<50176x32xf32, #tpu.memory_space<hbm>>
        %dma_wait3A_269 = arith.constant 0 : i32
        %dma_wait3A_270 = arith.constant 0 : i32
        %dma_wait3A_271 = tpu.memref_slice %dma_wait3A_268[%dma_wait3A_269, %dma_wait3A_270] : memref<50176x32xf32, #tpu.memory_space<hbm>> -> memref<256x32xf32, #tpu.memory_space<hbm>>
        tpu.wait_dma2 semaphore(%arg9 : memref<!tpu.dma_semaphore, #tpu.memory_space<semaphore_mem>>) src(%dma_wait3A_271 : memref<256x32xf32, #tpu.memory_space<hbm>>) dst(%dma_wait3A_264 : memref<256x32xf32, #tpu.memory_space<vmem_shared>>)
      } else {
      }
      %add3A_121 = arith.constant 1 : i32
      %add3A_122 = arith.addi %scan3A_89, %add3A_121 : i32
      %lt3A = arith.constant 98 : i32
      %lt3A_123 = arith.cmpi slt, %add3A_122, %lt3A : i32
      %convert_element_type3A_124 = arith.extui %lt3A_123 : i1 to i32
      %cond3A_125 = arith.constant 0 : i32
      %cond3A_126 = arith.cmpi ne, %convert_element_type3A_124, %cond3A_125 : i32
      scf.if %cond3A_126 {
        %mul3A_262 = arith.constant 98 : i32
        %mul3A_263 = arith.muli %arg1, %mul3A_262 : i32
        %add3A_264 = arith.addi %mul3A_263, %scan3A_89 : i32
        %add3A_265 = arith.constant 1 : i32
        %add3A_266 = arith.addi %add3A_264, %add3A_265 : i32
        %dma_start3A_267 = arith.constant 0 : i32
        %dma_start3A_268 = tpu.memref_slice %arg5[%mul3A_98, %dma_start3A_267] : memref<16x128xi32, #tpu.memory_space<vmem>> -> memref<8x128xi32, #tpu.memory_space<vmem>>
        %dma_start3A_269 = arith.constant 0 : i32
        %dma_start3A_270 = arith.constant 0 : i32
        %dma_start3A_271 = tpu.memref_slice %arg3[%add3A_266, %dma_start3A_269, %dma_start3A_270] : memref<1568x8x128xi32, #tpu.memory_space<hbm>> -> memref<1x8x128xi32, #tpu.memory_space<hbm>>
        %dma_start3A_272 = tpu.memref_squeeze %dma_start3A_271 : memref<1x8x128xi32, #tpu.memory_space<hbm>> -> memref<8x128xi32, #tpu.memory_space<hbm>>
        %dma_start3A_273 = arith.constant 0 : i32
        %dma_start3A_274 = tpu.memref_slice %arg5[%mul3A_98, %dma_start3A_273] : memref<16x128xi32, #tpu.memory_space<vmem>> -> memref<8x128xi32, #tpu.memory_space<vmem>>
        %dma_start3A_275 = arith.constant 0 : i32
        %dma_start3A_276 = arith.constant 0 : i32
        %dma_start3A_277 = tpu.memref_slice %arg3[%add3A_266, %dma_start3A_275, %dma_start3A_276] : memref<1568x8x128xi32, #tpu.memory_space<hbm>> -> memref<1x8x128xi32, #tpu.memory_space<hbm>>
        %dma_start3A_278 = tpu.memref_squeeze %dma_start3A_277 : memref<1x8x128xi32, #tpu.memory_space<hbm>> -> memref<8x128xi32, #tpu.memory_space<hbm>>
        tpu.enqueue_dma source(%dma_start3A_278 : memref<8x128xi32, #tpu.memory_space<hbm>>) target(%dma_start3A_274 : memref<8x128xi32, #tpu.memory_space<vmem>>) target_semaphore(%arg10 : memref<!tpu.dma_semaphore, #tpu.memory_space<semaphore_mem>>)
      } else {
      }
      %add3A_127 = arith.constant 4 : i32
      %add3A_128 = arith.addi %mul3A_92, %add3A_127 : i32
      %add3A_129 = arith.constant 0 : i32
      %add3A_130 = arith.addi %add3A_128, %add3A_129 : i32
      %dma_start3A_131 = arith.constant 256 : i32
      %dma_start3A_132 = arith.constant 0 : i32
      %dma_start3A_133 = tpu.memref_slice %arg6[%dma_start3A_131, %dma_start3A_132] : memref<512x32xf32, #tpu.memory_space<vmem>> -> memref<256x32xf32, #tpu.memory_space<vmem>>
      %dma_start3A_134 = arith.constant 0 : i32
      %dma_start3A_135 = arith.constant 0 : i32
      %dma_start3A_136 = tpu.memref_slice %dma_start3A_133[%dma_start3A_134, %dma_start3A_135] : memref<256x32xf32, #tpu.memory_space<vmem>> -> memref<128x32xf32, #tpu.memory_space<vmem>>
      %dma_start3A_137 = arith.constant 0 : i32
      %dma_start3A_138 = tpu.memref_slice %arg5[%add3A_130, %dma_start3A_137] : memref<16x128xi32, #tpu.memory_space<vmem>> -> memref<1x128xi32, #tpu.memory_space<vmem>>
      %dma_start3A_139 = tpu.memref_squeeze %dma_start3A_138 : memref<1x128xi32, #tpu.memory_space<vmem>> -> memref<128xi32, #tpu.memory_space<vmem>>
      %dma_start3A_140 = arith.constant 0 : i32
      %dma_start3A_141 = arith.constant 0 : i32
      %dma_start3A_142 = tpu.memref_slice %arg2[%arg0, %dma_start3A_140, %dma_start3A_141] : memref<2x50176x32xf32, #tpu.memory_space<hbm>> -> memref<1x50176x32xf32, #tpu.memory_space<hbm>>
      %dma_start3A_143 = tpu.memref_squeeze %dma_start3A_142 : memref<1x50176x32xf32, #tpu.memory_space<hbm>> -> memref<50176x32xf32, #tpu.memory_space<hbm>>
      %dma_start3A_144 = arith.constant 0 : i32
      %dma_start3A_145 = arith.constant 0 : i32
      %dma_start3A_146 = tpu.memref_slice %dma_start3A_143[%dma_start3A_144, %dma_start3A_145] : memref<50176x32xf32, #tpu.memory_space<hbm>> -> memref<50176x32xf32, #tpu.memory_space<hbm>>
      tpu.enqueue_indirect_dma source(%dma_start3A_146 : memref<50176x32xf32, #tpu.memory_space<hbm>>) target(%dma_start3A_136 : memref<128x32xf32, #tpu.memory_space<vmem>>) offsets(%dma_start3A_139 : memref<128xi32, #tpu.memory_space<vmem>>) semaphore(%arg8 : memref<!tpu.dma_semaphore, #tpu.memory_space<semaphore_mem>>)
      %add3A_147 = arith.constant 1 : i32
      %add3A_148 = arith.addi %add3A_128, %add3A_147 : i32
      %dma_start3A_149 = arith.constant 256 : i32
      %dma_start3A_150 = arith.constant 0 : i32
      %dma_start3A_151 = tpu.memref_slice %arg6[%dma_start3A_149, %dma_start3A_150] : memref<512x32xf32, #tpu.memory_space<vmem>> -> memref<256x32xf32, #tpu.memory_space<vmem>>
      %dma_start3A_152 = arith.constant 128 : i32
      %dma_start3A_153 = arith.constant 0 : i32
      %dma_start3A_154 = tpu.memref_slice %dma_start3A_151[%dma_start3A_152, %dma_start3A_153] : memref<256x32xf32, #tpu.memory_space<vmem>> -> memref<128x32xf32, #tpu.memory_space<vmem>>
      %dma_start3A_155 = arith.constant 0 : i32
      %dma_start3A_156 = tpu.memref_slice %arg5[%add3A_148, %dma_start3A_155] : memref<16x128xi32, #tpu.memory_space<vmem>> -> memref<1x128xi32, #tpu.memory_space<vmem>>
      %dma_start3A_157 = tpu.memref_squeeze %dma_start3A_156 : memref<1x128xi32, #tpu.memory_space<vmem>> -> memref<128xi32, #tpu.memory_space<vmem>>
      %dma_start3A_158 = arith.constant 0 : i32
      %dma_start3A_159 = arith.constant 0 : i32
      %dma_start3A_160 = tpu.memref_slice %arg2[%arg0, %dma_start3A_158, %dma_start3A_159] : memref<2x50176x32xf32, #tpu.memory_space<hbm>> -> memref<1x50176x32xf32, #tpu.memory_space<hbm>>
      %dma_start3A_161 = tpu.memref_squeeze %dma_start3A_160 : memref<1x50176x32xf32, #tpu.memory_space<hbm>> -> memref<50176x32xf32, #tpu.memory_space<hbm>>
      %dma_start3A_162 = arith.constant 0 : i32
      %dma_start3A_163 = arith.constant 0 : i32
      %dma_start3A_164 = tpu.memref_slice %dma_start3A_161[%dma_start3A_162, %dma_start3A_163] : memref<50176x32xf32, #tpu.memory_space<hbm>> -> memref<50176x32xf32, #tpu.memory_space<hbm>>
      tpu.enqueue_indirect_dma source(%dma_start3A_164 : memref<50176x32xf32, #tpu.memory_space<hbm>>) target(%dma_start3A_154 : memref<128x32xf32, #tpu.memory_space<vmem>>) offsets(%dma_start3A_157 : memref<128xi32, #tpu.memory_space<vmem>>) semaphore(%arg8 : memref<!tpu.dma_semaphore, #tpu.memory_space<semaphore_mem>>)
      %add3A_165 = arith.constant 2 : i32
      %add3A_166 = arith.addi %mul3A_92, %add3A_165 : i32
      %add3A_167 = arith.constant 0 : i32
      %add3A_168 = arith.addi %add3A_166, %add3A_167 : i32
      %dma_start3A_169 = arith.constant 0 : i32
      %dma_start3A_170 = arith.constant 0 : i32
      %dma_start3A_171 = tpu.memref_slice %arg6[%dma_start3A_169, %dma_start3A_170] : memref<512x32xf32, #tpu.memory_space<vmem>> -> memref<256x32xf32, #tpu.memory_space<vmem>>
      %dma_start3A_172 = arith.constant 0 : i32
      %dma_start3A_173 = arith.constant 0 : i32
      %dma_start3A_174 = tpu.memref_slice %dma_start3A_171[%dma_start3A_172, %dma_start3A_173] : memref<256x32xf32, #tpu.memory_space<vmem>> -> memref<128x32xf32, #tpu.memory_space<vmem>>
      %dma_start3A_175 = arith.constant 0 : i32
      %dma_start3A_176 = tpu.memref_slice %arg5[%add3A_168, %dma_start3A_175] : memref<16x128xi32, #tpu.memory_space<vmem>> -> memref<1x128xi32, #tpu.memory_space<vmem>>
      %dma_start3A_177 = tpu.memref_squeeze %dma_start3A_176 : memref<1x128xi32, #tpu.memory_space<vmem>> -> memref<128xi32, #tpu.memory_space<vmem>>
      %dma_start3A_178 = arith.constant 0 : i32
      %dma_start3A_179 = arith.constant 0 : i32
      %dma_start3A_180 = tpu.memref_slice %arg7[%dma_start3A_178, %dma_start3A_179] : memref<50176x32xf32, #tpu.memory_space<vmem_shared>> -> memref<50176x32xf32, #tpu.memory_space<vmem_shared>>
      tpu.enqueue_indirect_dma source(%dma_start3A_174 : memref<128x32xf32, #tpu.memory_space<vmem>>) target(%dma_start3A_180 : memref<50176x32xf32, #tpu.memory_space<vmem_shared>>) offsets(%dma_start3A_177 : memref<128xi32, #tpu.memory_space<vmem>>) semaphore(%arg9 : memref<!tpu.dma_semaphore, #tpu.memory_space<semaphore_mem>>) {add = true}
      %add3A_181 = arith.constant 1 : i32
      %add3A_182 = arith.addi %add3A_166, %add3A_181 : i32
      %dma_start3A_183 = arith.constant 0 : i32
      %dma_start3A_184 = arith.constant 0 : i32
      %dma_start3A_185 = tpu.memref_slice %arg6[%dma_start3A_183, %dma_start3A_184] : memref<512x32xf32, #tpu.memory_space<vmem>> -> memref<256x32xf32, #tpu.memory_space<vmem>>
      %dma_start3A_186 = arith.constant 128 : i32
      %dma_start3A_187 = arith.constant 0 : i32
      %dma_start3A_188 = tpu.memref_slice %dma_start3A_185[%dma_start3A_186, %dma_start3A_187] : memref<256x32xf32, #tpu.memory_space<vmem>> -> memref<128x32xf32, #tpu.memory_space<vmem>>
      %dma_start3A_189 = arith.constant 0 : i32
      %dma_start3A_190 = tpu.memref_slice %arg5[%add3A_182, %dma_start3A_189] : memref<16x128xi32, #tpu.memory_space<vmem>> -> memref<1x128xi32, #tpu.memory_space<vmem>>
      %dma_start3A_191 = tpu.memref_squeeze %dma_start3A_190 : memref<1x128xi32, #tpu.memory_space<vmem>> -> memref<128xi32, #tpu.memory_space<vmem>>
      %dma_start3A_192 = arith.constant 0 : i32
      %dma_start3A_193 = arith.constant 0 : i32
      %dma_start3A_194 = tpu.memref_slice %arg7[%dma_start3A_192, %dma_start3A_193] : memref<50176x32xf32, #tpu.memory_space<vmem_shared>> -> memref<50176x32xf32, #tpu.memory_space<vmem_shared>>
      tpu.enqueue_indirect_dma source(%dma_start3A_188 : memref<128x32xf32, #tpu.memory_space<vmem>>) target(%dma_start3A_194 : memref<50176x32xf32, #tpu.memory_space<vmem_shared>>) offsets(%dma_start3A_191 : memref<128xi32, #tpu.memory_space<vmem>>) semaphore(%arg9 : memref<!tpu.dma_semaphore, #tpu.memory_space<semaphore_mem>>) {add = true}
      %dma_wait3A_195 = arith.constant 0 : i32
      %dma_wait3A_196 = arith.constant 0 : i32
      %dma_wait3A_197 = tpu.memref_slice %arg6[%dma_wait3A_195, %dma_wait3A_196] : memref<512x32xf32, #tpu.memory_space<vmem>> -> memref<256x32xf32, #tpu.memory_space<vmem>>
      %dma_wait3A_198 = arith.constant 0 : i32
      %dma_wait3A_199 = arith.constant 0 : i32
      %dma_wait3A_200 = tpu.memref_slice %arg2[%scan3A_68, %dma_wait3A_198, %dma_wait3A_199] : memref<2x50176x32xf32, #tpu.memory_space<hbm>> -> memref<1x50176x32xf32, #tpu.memory_space<hbm>>
      %dma_wait3A_201 = tpu.memref_squeeze %dma_wait3A_200 : memref<1x50176x32xf32, #tpu.memory_space<hbm>> -> memref<50176x32xf32, #tpu.memory_space<hbm>>
      %dma_wait3A_202 = arith.constant 0 : i32
      %dma_wait3A_203 = arith.constant 0 : i32
      %dma_wait3A_204 = tpu.memref_slice %dma_wait3A_201[%dma_wait3A_202, %dma_wait3A_203] : memref<50176x32xf32, #tpu.memory_space<hbm>> -> memref<256x32xf32, #tpu.memory_space<hbm>>
      %dma_wait3A_205 = arith.constant 0 : i32
      %dma_wait3A_206 = arith.constant 0 : i32
      %dma_wait3A_207 = tpu.memref_slice %arg6[%dma_wait3A_205, %dma_wait3A_206] : memref<512x32xf32, #tpu.memory_space<vmem>> -> memref<256x32xf32, #tpu.memory_space<vmem>>
      %dma_wait3A_208 = arith.constant 0 : i32
      %dma_wait3A_209 = arith.constant 0 : i32
      %dma_wait3A_210 = tpu.memref_slice %arg2[%scan3A_68, %dma_wait3A_208, %dma_wait3A_209] : memref<2x50176x32xf32, #tpu.memory_space<hbm>> -> memref<1x50176x32xf32, #tpu.memory_space<hbm>>
      %dma_wait3A_211 = tpu.memref_squeeze %dma_wait3A_210 : memref<1x50176x32xf32, #tpu.memory_space<hbm>> -> memref<50176x32xf32, #tpu.memory_space<hbm>>
      %dma_wait3A_212 = arith.constant 0 : i32
      %dma_wait3A_213 = arith.constant 0 : i32
      %dma_wait3A_214 = tpu.memref_slice %dma_wait3A_211[%dma_wait3A_212, %dma_wait3A_213] : memref<50176x32xf32, #tpu.memory_space<hbm>> -> memref<256x32xf32, #tpu.memory_space<hbm>>
      tpu.wait_dma2 semaphore(%arg8 : memref<!tpu.dma_semaphore, #tpu.memory_space<semaphore_mem>>) src(%dma_wait3A_214 : memref<256x32xf32, #tpu.memory_space<hbm>>) dst(%dma_wait3A_207 : memref<256x32xf32, #tpu.memory_space<vmem>>)
      %dma_wait3A_215 = arith.constant 0 : i32
      %dma_wait3A_216 = arith.constant 0 : i32
      %dma_wait3A_217 = tpu.memref_slice %arg7[%dma_wait3A_215, %dma_wait3A_216] : memref<50176x32xf32, #tpu.memory_space<vmem_shared>> -> memref<256x32xf32, #tpu.memory_space<vmem_shared>>
      %dma_wait3A_218 = arith.constant 0 : i32
      %dma_wait3A_219 = arith.constant 0 : i32
      %dma_wait3A_220 = tpu.memref_slice %arg2[%scan3A_68, %dma_wait3A_218, %dma_wait3A_219] : memref<2x50176x32xf32, #tpu.memory_space<hbm>> -> memref<1x50176x32xf32, #tpu.memory_space<hbm>>
      %dma_wait3A_221 = tpu.memref_squeeze %dma_wait3A_220 : memref<1x50176x32xf32, #tpu.memory_space<hbm>> -> memref<50176x32xf32, #tpu.memory_space<hbm>>
      %dma_wait3A_222 = arith.constant 0 : i32
      %dma_wait3A_223 = arith.constant 0 : i32
      %dma_wait3A_224 = tpu.memref_slice %dma_wait3A_221[%dma_wait3A_222, %dma_wait3A_223] : memref<50176x32xf32, #tpu.memory_space<hbm>> -> memref<256x32xf32, #tpu.memory_space<hbm>>
      tpu.wait_dma2 semaphore(%arg9 : memref<!tpu.dma_semaphore, #tpu.memory_space<semaphore_mem>>) src(%dma_wait3A_224 : memref<256x32xf32, #tpu.memory_space<hbm>>) dst(%dma_wait3A_217 : memref<256x32xf32, #tpu.memory_space<vmem_shared>>)
      %add3A_225 = arith.constant 1 : i32
      %add3A_226 = arith.addi %scan3A_89, %add3A_225 : i32
      %lt3A_227 = arith.constant 98 : i32
      %lt3A_228 = arith.cmpi slt, %add3A_226, %lt3A_227 : i32
      %convert_element_type3A_229 = arith.extui %lt3A_228 : i1 to i32
      %cond3A_230 = arith.constant 0 : i32
      %cond3A_231 = arith.cmpi ne, %convert_element_type3A_229, %cond3A_230 : i32
      scf.if %cond3A_231 {
        %dma_wait3A_262 = arith.constant 0 : i32
        %dma_wait3A_263 = arith.constant 0 : i32
        %dma_wait3A_264 = tpu.memref_slice %arg5[%mul3A_98, %dma_wait3A_263] : memref<16x128xi32, #tpu.memory_space<vmem>> -> memref<8x128xi32, #tpu.memory_space<vmem>>
        %dma_wait3A_265 = arith.constant 0 : i32
        %dma_wait3A_266 = arith.constant 0 : i32
        %dma_wait3A_267 = tpu.memref_slice %arg3[%dma_wait3A_262, %dma_wait3A_265, %dma_wait3A_266] : memref<1568x8x128xi32, #tpu.memory_space<hbm>> -> memref<1x8x128xi32, #tpu.memory_space<hbm>>
        %dma_wait3A_268 = tpu.memref_squeeze %dma_wait3A_267 : memref<1x8x128xi32, #tpu.memory_space<hbm>> -> memref<8x128xi32, #tpu.memory_space<hbm>>
        %dma_wait3A_269 = arith.constant 0 : i32
        %dma_wait3A_270 = tpu.memref_slice %arg5[%mul3A_98, %dma_wait3A_269] : memref<16x128xi32, #tpu.memory_space<vmem>> -> memref<8x128xi32, #tpu.memory_space<vmem>>
        %dma_wait3A_271 = arith.constant 0 : i32
        %dma_wait3A_272 = arith.constant 0 : i32
        %dma_wait3A_273 = tpu.memref_slice %arg3[%dma_wait3A_262, %dma_wait3A_271, %dma_wait3A_272] : memref<1568x8x128xi32, #tpu.memory_space<hbm>> -> memref<1x8x128xi32, #tpu.memory_space<hbm>>
        %dma_wait3A_274 = tpu.memref_squeeze %dma_wait3A_273 : memref<1x8x128xi32, #tpu.memory_space<hbm>> -> memref<8x128xi32, #tpu.memory_space<hbm>>
        tpu.wait_dma2 semaphore(%arg10 : memref<!tpu.dma_semaphore, #tpu.memory_space<semaphore_mem>>) src(%dma_wait3A_274 : memref<8x128xi32, #tpu.memory_space<hbm>>) dst(%dma_wait3A_270 : memref<8x128xi32, #tpu.memory_space<vmem>>)
        %add3A_275 = arith.constant 0 : i32
        %add3A_276 = arith.addi %mul3A_98, %add3A_275 : i32
        %dma_start3A_277 = arith.constant 0 : i32
        %dma_start3A_278 = arith.constant 0 : i32
        %dma_start3A_279 = tpu.memref_slice %arg6[%dma_start3A_277, %dma_start3A_278] : memref<512x32xf32, #tpu.memory_space<vmem>> -> memref<256x32xf32, #tpu.memory_space<vmem>>
        %dma_start3A_280 = arith.constant 0 : i32
        %dma_start3A_281 = arith.constant 0 : i32
        %dma_start3A_282 = tpu.memref_slice %dma_start3A_279[%dma_start3A_280, %dma_start3A_281] : memref<256x32xf32, #tpu.memory_space<vmem>> -> memref<128x32xf32, #tpu.memory_space<vmem>>
        %dma_start3A_283 = arith.constant 0 : i32
        %dma_start3A_284 = tpu.memref_slice %arg5[%add3A_276, %dma_start3A_283] : memref<16x128xi32, #tpu.memory_space<vmem>> -> memref<1x128xi32, #tpu.memory_space<vmem>>
        %dma_start3A_285 = tpu.memref_squeeze %dma_start3A_284 : memref<1x128xi32, #tpu.memory_space<vmem>> -> memref<128xi32, #tpu.memory_space<vmem>>
        %dma_start3A_286 = arith.constant 0 : i32
        %dma_start3A_287 = arith.constant 0 : i32
        %dma_start3A_288 = tpu.memref_slice %arg2[%arg0, %dma_start3A_286, %dma_start3A_287] : memref<2x50176x32xf32, #tpu.memory_space<hbm>> -> memref<1x50176x32xf32, #tpu.memory_space<hbm>>
        %dma_start3A_289 = tpu.memref_squeeze %dma_start3A_288 : memref<1x50176x32xf32, #tpu.memory_space<hbm>> -> memref<50176x32xf32, #tpu.memory_space<hbm>>
        %dma_start3A_290 = arith.constant 0 : i32
        %dma_start3A_291 = arith.constant 0 : i32
        %dma_start3A_292 = tpu.memref_slice %dma_start3A_289[%dma_start3A_290, %dma_start3A_291] : memref<50176x32xf32, #tpu.memory_space<hbm>> -> memref<50176x32xf32, #tpu.memory_space<hbm>>
        tpu.enqueue_indirect_dma source(%dma_start3A_292 : memref<50176x32xf32, #tpu.memory_space<hbm>>) target(%dma_start3A_282 : memref<128x32xf32, #tpu.memory_space<vmem>>) offsets(%dma_start3A_285 : memref<128xi32, #tpu.memory_space<vmem>>) semaphore(%arg8 : memref<!tpu.dma_semaphore, #tpu.memory_space<semaphore_mem>>)
        %add3A_293 = arith.constant 1 : i32
        %add3A_294 = arith.addi %mul3A_98, %add3A_293 : i32
        %dma_start3A_295 = arith.constant 0 : i32
        %dma_start3A_296 = arith.constant 0 : i32
        %dma_start3A_297 = tpu.memref_slice %arg6[%dma_start3A_295, %dma_start3A_296] : memref<512x32xf32, #tpu.memory_space<vmem>> -> memref<256x32xf32, #tpu.memory_space<vmem>>
        %dma_start3A_298 = arith.constant 128 : i32
        %dma_start3A_299 = arith.constant 0 : i32
        %dma_start3A_300 = tpu.memref_slice %dma_start3A_297[%dma_start3A_298, %dma_start3A_299] : memref<256x32xf32, #tpu.memory_space<vmem>> -> memref<128x32xf32, #tpu.memory_space<vmem>>
        %dma_start3A_301 = arith.constant 0 : i32
        %dma_start3A_302 = tpu.memref_slice %arg5[%add3A_294, %dma_start3A_301] : memref<16x128xi32, #tpu.memory_space<vmem>> -> memref<1x128xi32, #tpu.memory_space<vmem>>
        %dma_start3A_303 = tpu.memref_squeeze %dma_start3A_302 : memref<1x128xi32, #tpu.memory_space<vmem>> -> memref<128xi32, #tpu.memory_space<vmem>>
        %dma_start3A_304 = arith.constant 0 : i32
        %dma_start3A_305 = arith.constant 0 : i32
        %dma_start3A_306 = tpu.memref_slice %arg2[%arg0, %dma_start3A_304, %dma_start3A_305] : memref<2x50176x32xf32, #tpu.memory_space<hbm>> -> memref<1x50176x32xf32, #tpu.memory_space<hbm>>
        %dma_start3A_307 = tpu.memref_squeeze %dma_start3A_306 : memref<1x50176x32xf32, #tpu.memory_space<hbm>> -> memref<50176x32xf32, #tpu.memory_space<hbm>>
        %dma_start3A_308 = arith.constant 0 : i32
        %dma_start3A_309 = arith.constant 0 : i32
        %dma_start3A_310 = tpu.memref_slice %dma_start3A_307[%dma_start3A_308, %dma_start3A_309] : memref<50176x32xf32, #tpu.memory_space<hbm>> -> memref<50176x32xf32, #tpu.memory_space<hbm>>
        tpu.enqueue_indirect_dma source(%dma_start3A_310 : memref<50176x32xf32, #tpu.memory_space<hbm>>) target(%dma_start3A_300 : memref<128x32xf32, #tpu.memory_space<vmem>>) offsets(%dma_start3A_303 : memref<128xi32, #tpu.memory_space<vmem>>) semaphore(%arg8 : memref<!tpu.dma_semaphore, #tpu.memory_space<semaphore_mem>>)
      } else {
      }
      %add3A_232 = arith.constant 6 : i32
      %add3A_233 = arith.addi %mul3A_92, %add3A_232 : i32
      %add3A_234 = arith.constant 0 : i32
      %add3A_235 = arith.addi %add3A_233, %add3A_234 : i32
      %dma_start3A_236 = arith.constant 256 : i32
      %dma_start3A_237 = arith.constant 0 : i32
      %dma_start3A_238 = tpu.memref_slice %arg6[%dma_start3A_236, %dma_start3A_237] : memref<512x32xf32, #tpu.memory_space<vmem>> -> memref<256x32xf32, #tpu.memory_space<vmem>>
      %dma_start3A_239 = arith.constant 0 : i32
      %dma_start3A_240 = arith.constant 0 : i32
      %dma_start3A_241 = tpu.memref_slice %dma_start3A_238[%dma_start3A_239, %dma_start3A_240] : memref<256x32xf32, #tpu.memory_space<vmem>> -> memref<128x32xf32, #tpu.memory_space<vmem>>
      %dma_start3A_242 = arith.constant 0 : i32
      %dma_start3A_243 = tpu.memref_slice %arg5[%add3A_235, %dma_start3A_242] : memref<16x128xi32, #tpu.memory_space<vmem>> -> memref<1x128xi32, #tpu.memory_space<vmem>>
      %dma_start3A_244 = tpu.memref_squeeze %dma_start3A_243 : memref<1x128xi32, #tpu.memory_space<vmem>> -> memref<128xi32, #tpu.memory_space<vmem>>
      %dma_start3A_245 = arith.constant 0 : i32
      %dma_start3A_246 = arith.constant 0 : i32
      %dma_start3A_247 = tpu.memref_slice %arg7[%dma_start3A_245, %dma_start3A_246] : memref<50176x32xf32, #tpu.memory_space<vmem_shared>> -> memref<50176x32xf32, #tpu.memory_space<vmem_shared>>
      tpu.enqueue_indirect_dma source(%dma_start3A_241 : memref<128x32xf32, #tpu.memory_space<vmem>>) target(%dma_start3A_247 : memref<50176x32xf32, #tpu.memory_space<vmem_shared>>) offsets(%dma_start3A_244 : memref<128xi32, #tpu.memory_space<vmem>>) semaphore(%arg9 : memref<!tpu.dma_semaphore, #tpu.memory_space<semaphore_mem>>) {add = true}
      %add3A_248 = arith.constant 1 : i32
      %add3A_249 = arith.addi %add3A_233, %add3A_248 : i32
      %dma_start3A_250 = arith.constant 256 : i32
      %dma_start3A_251 = arith.constant 0 : i32
      %dma_start3A_252 = tpu.memref_slice %arg6[%dma_start3A_250, %dma_start3A_251] : memref<512x32xf32, #tpu.memory_space<vmem>> -> memref<256x32xf32, #tpu.memory_space<vmem>>
      %dma_start3A_253 = arith.constant 128 : i32
      %dma_start3A_254 = arith.constant 0 : i32
      %dma_start3A_255 = tpu.memref_slice %dma_start3A_252[%dma_start3A_253, %dma_start3A_254] : memref<256x32xf32, #tpu.memory_space<vmem>> -> memref<128x32xf32, #tpu.memory_space<vmem>>
      %dma_start3A_256 = arith.constant 0 : i32
      %dma_start3A_257 = tpu.memref_slice %arg5[%add3A_249, %dma_start3A_256] : memref<16x128xi32, #tpu.memory_space<vmem>> -> memref<1x128xi32, #tpu.memory_space<vmem>>
      %dma_start3A_258 = tpu.memref_squeeze %dma_start3A_257 : memref<1x128xi32, #tpu.memory_space<vmem>> -> memref<128xi32, #tpu.memory_space<vmem>>
      %dma_start3A_259 = arith.constant 0 : i32
      %dma_start3A_260 = arith.constant 0 : i32
      %dma_start3A_261 = tpu.memref_slice %arg7[%dma_start3A_259, %dma_start3A_260] : memref<50176x32xf32, #tpu.memory_space<vmem_shared>> -> memref<50176x32xf32, #tpu.memory_space<vmem_shared>>
      tpu.enqueue_indirect_dma source(%dma_start3A_255 : memref<128x32xf32, #tpu.memory_space<vmem>>) target(%dma_start3A_261 : memref<50176x32xf32, #tpu.memory_space<vmem_shared>>) offsets(%dma_start3A_258 : memref<128xi32, #tpu.memory_space<vmem>>) semaphore(%arg9 : memref<!tpu.dma_semaphore, #tpu.memory_space<semaphore_mem>>) {add = true}
    }
    %scan3A_73 = arith.constant 98 : i32
    %dma_wait3A = arith.constant 0 : i32
    %dma_wait3A_74 = arith.constant 0 : i32
    %dma_wait3A_75 = arith.constant 0 : i32
    %dma_wait3A_76 = tpu.memref_slice %arg7[%dma_wait3A_74, %dma_wait3A_75] : memref<50176x32xf32, #tpu.memory_space<vmem_shared>> -> memref<256x32xf32, #tpu.memory_space<vmem_shared>>
    %dma_wait3A_77 = arith.constant 0 : i32
    %dma_wait3A_78 = arith.constant 0 : i32
    %dma_wait3A_79 = tpu.memref_slice %arg2[%dma_wait3A, %dma_wait3A_77, %dma_wait3A_78] : memref<2x50176x32xf32, #tpu.memory_space<hbm>> -> memref<1x50176x32xf32, #tpu.memory_space<hbm>>
    %dma_wait3A_80 = tpu.memref_squeeze %dma_wait3A_79 : memref<1x50176x32xf32, #tpu.memory_space<hbm>> -> memref<50176x32xf32, #tpu.memory_space<hbm>>
    %dma_wait3A_81 = arith.constant 0 : i32
    %dma_wait3A_82 = arith.constant 0 : i32
    %dma_wait3A_83 = tpu.memref_slice %dma_wait3A_80[%dma_wait3A_81, %dma_wait3A_82] : memref<50176x32xf32, #tpu.memory_space<hbm>> -> memref<256x32xf32, #tpu.memory_space<hbm>>
    tpu.wait_dma2 semaphore(%arg9 : memref<!tpu.dma_semaphore, #tpu.memory_space<semaphore_mem>>) src(%dma_wait3A_83 : memref<256x32xf32, #tpu.memory_space<hbm>>) dst(%dma_wait3A_76 : memref<256x32xf32, #tpu.memory_space<vmem_shared>>)
    %barrier3A_84 = arith.constant 0 : index
    tpu.barrier barrier_id(%barrier3A_84)
    %mul3A_85 = arith.constant 3136 : i32
    %mul3A_86 = arith.muli %arg1, %mul3A_85 : i32
    %mul3A_87 = arith.constant 3136 : i32
    %mul3A_88 = arith.muli %arg1, %mul3A_87 : i32
    "tpu.region"() ({
      %run_scoped3A = tpu.sem_alloc : memref<!tpu.dma_semaphore, #tpu.memory_space<semaphore_mem>>
      %dma_start3A_89 = arith.constant 0 : i32
      %dma_start3A_90 = arith.constant 0 : i32
      %dma_start3A_91 = tpu.memref_slice %arg4[%arg0, %dma_start3A_89, %dma_start3A_90] : memref<2x50176x32xf32, #tpu.memory_space<hbm>> -> memref<1x50176x32xf32, #tpu.memory_space<hbm>>
      %dma_start3A_92 = tpu.memref_squeeze %dma_start3A_91 : memref<1x50176x32xf32, #tpu.memory_space<hbm>> -> memref<50176x32xf32, #tpu.memory_space<hbm>>
      %dma_start3A_93 = arith.constant 0 : i32
      %dma_start3A_94 = tpu.memref_slice %dma_start3A_92[%mul3A_88, %dma_start3A_93] : memref<50176x32xf32, #tpu.memory_space<hbm>> -> memref<3136x32xf32, #tpu.memory_space<hbm>>
      %dma_start3A_95 = arith.constant 0 : i32
      %dma_start3A_96 = tpu.memref_slice %arg7[%mul3A_86, %dma_start3A_95] : memref<50176x32xf32, #tpu.memory_space<vmem_shared>> -> memref<3136x32xf32, #tpu.memory_space<vmem_shared>>
      tpu.enqueue_dma source(%dma_start3A_96 : memref<3136x32xf32, #tpu.memory_space<vmem_shared>>) target(%dma_start3A_94 : memref<3136x32xf32, #tpu.memory_space<hbm>>) target_semaphore(%run_scoped3A : memref<!tpu.dma_semaphore, #tpu.memory_space<semaphore_mem>>)
      %dma_wait3A_97 = arith.constant 0 : i32
      %dma_wait3A_98 = arith.constant 0 : i32
      %dma_wait3A_99 = tpu.memref_slice %arg4[%arg0, %dma_wait3A_97, %dma_wait3A_98] : memref<2x50176x32xf32, #tpu.memory_space<hbm>> -> memref<1x50176x32xf32, #tpu.memory_space<hbm>>
      %dma_wait3A_100 = tpu.memref_squeeze %dma_wait3A_99 : memref<1x50176x32xf32, #tpu.memory_space<hbm>> -> memref<50176x32xf32, #tpu.memory_space<hbm>>
      %dma_wait3A_101 = arith.constant 0 : i32
      %dma_wait3A_102 = tpu.memref_slice %dma_wait3A_100[%mul3A_88, %dma_wait3A_101] : memref<50176x32xf32, #tpu.memory_space<hbm>> -> memref<3136x32xf32, #tpu.memory_space<hbm>>
      %dma_wait3A_103 = arith.constant 0 : i32
      %dma_wait3A_104 = tpu.memref_slice %arg7[%mul3A_86, %dma_wait3A_103] : memref<50176x32xf32, #tpu.memory_space<vmem_shared>> -> memref<3136x32xf32, #tpu.memory_space<vmem_shared>>
      tpu.wait_dma2 semaphore(%run_scoped3A : memref<!tpu.dma_semaphore, #tpu.memory_space<semaphore_mem>>) src(%dma_wait3A_104 : memref<3136x32xf32, #tpu.memory_space<vmem_shared>>) dst(%dma_wait3A_102 : memref<3136x32xf32, #tpu.memory_space<hbm>>)
      tpu.yield
    }) : () -> ()
    return
  }
}

#map = affine_map<(d0, d1) -> (0, 0, 0)>
module attributes {stable_mosaic.version = 14 : i64} {
  func.func @_edge_segsum_body(%arg0: i32, %arg1: i32, %arg2: memref<2x50176x32xf32, #tpu.memory_space<hbm>>, %arg3: memref<1568x8x128xi32, #tpu.memory_space<hbm>>, %arg4: memref<2x50176x32xf32, #tpu.memory_space<hbm>>, %arg5: memref<16x128xi32, #tpu.memory_space<vmem>>, %arg6: memref<512x32xf32, #tpu.memory_space<vmem>>, %arg7: memref<50176x32xf32, #tpu.memory_space<vmem_shared>>, %arg8: memref<!tpu.dma_semaphore, #tpu.memory_space<semaphore_mem>>, %arg9: memref<!tpu.dma_semaphore, #tpu.memory_space<semaphore_mem>>, %arg10: memref<!tpu.dma_semaphore, #tpu.memory_space<semaphore_mem>>) attributes {dimension_semantics = [#tpu.dimension_semantics<core_parallel>, #tpu.dimension_semantics<subcore_parallel>], iteration_bounds = array<i64: 2, 16>, scalar_prefetch = 0 : i64, scratch_operands = 6 : i64, tpu.core_type = #tpu.core_type<sc_vector_subcore>, window_params = [{transform_indices = #map}, {transform_indices = #map}, {transform_indices = #map}]} {
    %broadcast_in_dim3A = arith.constant 0.000000e+00 : f32
    %broadcast_in_dim3A_0 = vector.broadcast %broadcast_in_dim3A : f32 to vector<16xf32>
    %scan3A = arith.constant 0 : i32
    %scan3A_1 = arith.constant 0 : i32
    %scan3A_2 = arith.constant 512 : i32
    %scan3A_3 = arith.addi %scan3A_1, %scan3A_2 : i32
    %scan3A_4 = arith.constant 1 : i32
    scf.for %scan3A_89 = %scan3A_1 to %scan3A_3 step %scan3A_4  : i32 {
      %swap3A = arith.index_cast %scan3A_89 : i32 to index
      %swap3A_90 = arith.constant 0 : index
      %swap3A_91 = tpu.vector_load %arg6[%swap3A, %swap3A_90] {strides = array<i32>} : memref<512x32xf32, #tpu.memory_space<vmem>>, vector<1x16xf32>,
      %swap3A_92 = vector.shape_cast %swap3A_91 : vector<1x16xf32> to vector<16xf32>
      %swap3A_93 = vector.shape_cast %broadcast_in_dim3A_0 : vector<16xf32> to vector<1x16xf32>
      tpu.vector_store %arg6[%swap3A, %swap3A_90], %swap3A_93 {strides = array<i32>} : memref<512x32xf32, #tpu.memory_space<vmem>>, vector<1x16xf32>,
      %swap3A_94 = arith.index_cast %scan3A_89 : i32 to index
      %swap3A_95 = arith.constant 16 : index
      %swap3A_96 = tpu.vector_load %arg6[%swap3A_94, %swap3A_95] {strides = array<i32>} : memref<512x32xf32, #tpu.memory_space<vmem>>, vector<1x16xf32>,
      %swap3A_97 = vector.shape_cast %swap3A_96 : vector<1x16xf32> to vector<16xf32>
      %swap3A_98 = vector.shape_cast %broadcast_in_dim3A_0 : vector<16xf32> to vector<1x16xf32>
      tpu.vector_store %arg6[%swap3A_94, %swap3A_95], %swap3A_98 {strides = array<i32>} : memref<512x32xf32, #tpu.memory_space<vmem>>, vector<1x16xf32>,
    }
    %scan3A_5 = arith.constant 512 : i32
    %mul3A = arith.constant 3136 : i32
    %mul3A_6 = arith.muli %arg1, %mul3A : i32
    %add3A = arith.constant 0 : i32
    %add3A_7 = arith.addi %mul3A_6, %add3A : i32
    "tpu.region"() ({
      %run_scoped3A = tpu.sem_alloc : memref<!tpu.dma_semaphore, #tpu.memory_space<semaphore_mem>>
      %dma_start3A_89 = arith.constant 0 : i32
      %dma_start3A_90 = arith.constant 0 : i32
      %dma_start3A_91 = tpu.memref_slice %arg6[%dma_start3A_89, %dma_start3A_90] : memref<512x32xf32, #tpu.memory_space<vmem>> -> memref<512x32xf32, #tpu.memory_space<vmem>>
      %dma_start3A_92 = arith.constant 0 : i32
      %dma_start3A_93 = tpu.memref_slice %arg7[%add3A_7, %dma_start3A_92] : memref<50176x32xf32, #tpu.memory_space<vmem_shared>> -> memref<512x32xf32, #tpu.memory_space<vmem_shared>>
      %dma_start3A_94 = arith.constant 0 : i32
      %dma_start3A_95 = tpu.memref_slice %arg7[%add3A_7, %dma_start3A_94] : memref<50176x32xf32, #tpu.memory_space<vmem_shared>> -> memref<512x32xf32, #tpu.memory_space<vmem_shared>>
      %dma_start3A_96 = arith.constant 0 : i32
      %dma_start3A_97 = arith.constant 0 : i32
      %dma_start3A_98 = tpu.memref_slice %arg6[%dma_start3A_96, %dma_start3A_97] : memref<512x32xf32, #tpu.memory_space<vmem>> -> memref<512x32xf32, #tpu.memory_space<vmem>>
      tpu.enqueue_dma source(%dma_start3A_98 : memref<512x32xf32, #tpu.memory_space<vmem>>) target(%dma_start3A_95 : memref<512x32xf32, #tpu.memory_space<vmem_shared>>) target_semaphore(%run_scoped3A : memref<!tpu.dma_semaphore, #tpu.memory_space<semaphore_mem>>)
      %dma_wait3A_99 = arith.constant 0 : i32
      %dma_wait3A_100 = arith.constant 0 : i32
      %dma_wait3A_101 = tpu.memref_slice %arg6[%dma_wait3A_99, %dma_wait3A_100] : memref<512x32xf32, #tpu.memory_space<vmem>> -> memref<512x32xf32, #tpu.memory_space<vmem>>
      %dma_wait3A_102 = arith.constant 0 : i32
      %dma_wait3A_103 = tpu.memref_slice %arg7[%add3A_7, %dma_wait3A_102] : memref<50176x32xf32, #tpu.memory_space<vmem_shared>> -> memref<512x32xf32, #tpu.memory_space<vmem_shared>>
      %dma_wait3A_104 = arith.constant 0 : i32
      %dma_wait3A_105 = tpu.memref_slice %arg7[%add3A_7, %dma_wait3A_104] : memref<50176x32xf32, #tpu.memory_space<vmem_shared>> -> memref<512x32xf32, #tpu.memory_space<vmem_shared>>
      %dma_wait3A_106 = arith.constant 0 : i32
      %dma_wait3A_107 = arith.constant 0 : i32
      %dma_wait3A_108 = tpu.memref_slice %arg6[%dma_wait3A_106, %dma_wait3A_107] : memref<512x32xf32, #tpu.memory_space<vmem>> -> memref<512x32xf32, #tpu.memory_space<vmem>>
      tpu.wait_dma2 semaphore(%run_scoped3A : memref<!tpu.dma_semaphore, #tpu.memory_space<semaphore_mem>>) src(%dma_wait3A_108 : memref<512x32xf32, #tpu.memory_space<vmem>>) dst(%dma_wait3A_105 : memref<512x32xf32, #tpu.memory_space<vmem_shared>>)
      tpu.yield
    }) : () -> ()
    %mul3A_8 = arith.constant 3136 : i32
    %mul3A_9 = arith.muli %arg1, %mul3A_8 : i32
    %add3A_10 = arith.constant 512 : i32
    %add3A_11 = arith.addi %mul3A_9, %add3A_10 : i32
    "tpu.region"() ({
      %run_scoped3A = tpu.sem_alloc : memref<!tpu.dma_semaphore, #tpu.memory_space<semaphore_mem>>
      %dma_start3A_89 = arith.constant 0 : i32
      %dma_start3A_90 = arith.constant 0 : i32
      %dma_start3A_91 = tpu.memref_slice %arg6[%dma_start3A_89, %dma_start3A_90] : memref<512x32xf32, #tpu.memory_space<vmem>> -> memref<512x32xf32, #tpu.memory_space<vmem>>
      %dma_start3A_92 = arith.constant 0 : i32
      %dma_start3A_93 = tpu.memref_slice %arg7[%add3A_11, %dma_start3A_92] : memref<50176x32xf32, #tpu.memory_space<vmem_shared>> -> memref<512x32xf32, #tpu.memory_space<vmem_shared>>
      %dma_start3A_94 = arith.constant 0 : i32
      %dma_start3A_95 = tpu.memref_slice %arg7[%add3A_11, %dma_start3A_94] : memref<50176x32xf32, #tpu.memory_space<vmem_shared>> -> memref<512x32xf32, #tpu.memory_space<vmem_shared>>
      %dma_start3A_96 = arith.constant 0 : i32
      %dma_start3A_97 = arith.constant 0 : i32
      %dma_start3A_98 = tpu.memref_slice %arg6[%dma_start3A_96, %dma_start3A_97] : memref<512x32xf32, #tpu.memory_space<vmem>> -> memref<512x32xf32, #tpu.memory_space<vmem>>
      tpu.enqueue_dma source(%dma_start3A_98 : memref<512x32xf32, #tpu.memory_space<vmem>>) target(%dma_start3A_95 : memref<512x32xf32, #tpu.memory_space<vmem_shared>>) target_semaphore(%run_scoped3A : memref<!tpu.dma_semaphore, #tpu.memory_space<semaphore_mem>>)
      %dma_wait3A_99 = arith.constant 0 : i32
      %dma_wait3A_100 = arith.constant 0 : i32
      %dma_wait3A_101 = tpu.memref_slice %arg6[%dma_wait3A_99, %dma_wait3A_100] : memref<512x32xf32, #tpu.memory_space<vmem>> -> memref<512x32xf32, #tpu.memory_space<vmem>>
      %dma_wait3A_102 = arith.constant 0 : i32
      %dma_wait3A_103 = tpu.memref_slice %arg7[%add3A_11, %dma_wait3A_102] : memref<50176x32xf32, #tpu.memory_space<vmem_shared>> -> memref<512x32xf32, #tpu.memory_space<vmem_shared>>
      %dma_wait3A_104 = arith.constant 0 : i32
      %dma_wait3A_105 = tpu.memref_slice %arg7[%add3A_11, %dma_wait3A_104] : memref<50176x32xf32, #tpu.memory_space<vmem_shared>> -> memref<512x32xf32, #tpu.memory_space<vmem_shared>>
      %dma_wait3A_106 = arith.constant 0 : i32
      %dma_wait3A_107 = arith.constant 0 : i32
      %dma_wait3A_108 = tpu.memref_slice %arg6[%dma_wait3A_106, %dma_wait3A_107] : memref<512x32xf32, #tpu.memory_space<vmem>> -> memref<512x32xf32, #tpu.memory_space<vmem>>
      tpu.wait_dma2 semaphore(%run_scoped3A : memref<!tpu.dma_semaphore, #tpu.memory_space<semaphore_mem>>) src(%dma_wait3A_108 : memref<512x32xf32, #tpu.memory_space<vmem>>) dst(%dma_wait3A_105 : memref<512x32xf32, #tpu.memory_space<vmem_shared>>)
      tpu.yield
    }) : () -> ()
    %mul3A_12 = arith.constant 3136 : i32
    %mul3A_13 = arith.muli %arg1, %mul3A_12 : i32
    %add3A_14 = arith.constant 1024 : i32
    %add3A_15 = arith.addi %mul3A_13, %add3A_14 : i32
    "tpu.region"() ({
      %run_scoped3A = tpu.sem_alloc : memref<!tpu.dma_semaphore, #tpu.memory_space<semaphore_mem>>
      %dma_start3A_89 = arith.constant 0 : i32
      %dma_start3A_90 = arith.constant 0 : i32
      %dma_start3A_91 = tpu.memref_slice %arg6[%dma_start3A_89, %dma_start3A_90] : memref<512x32xf32, #tpu.memory_space<vmem>> -> memref<512x32xf32, #tpu.memory_space<vmem>>
      %dma_start3A_92 = arith.constant 0 : i32
      %dma_start3A_93 = tpu.memref_slice %arg7[%add3A_15, %dma_start3A_92] : memref<50176x32xf32, #tpu.memory_space<vmem_shared>> -> memref<512x32xf32, #tpu.memory_space<vmem_shared>>
      %dma_start3A_94 = arith.constant 0 : i32
      %dma_start3A_95 = tpu.memref_slice %arg7[%add3A_15, %dma_start3A_94] : memref<50176x32xf32, #tpu.memory_space<vmem_shared>> -> memref<512x32xf32, #tpu.memory_space<vmem_shared>>
      %dma_start3A_96 = arith.constant 0 : i32
      %dma_start3A_97 = arith.constant 0 : i32
      %dma_start3A_98 = tpu.memref_slice %arg6[%dma_start3A_96, %dma_start3A_97] : memref<512x32xf32, #tpu.memory_space<vmem>> -> memref<512x32xf32, #tpu.memory_space<vmem>>
      tpu.enqueue_dma source(%dma_start3A_98 : memref<512x32xf32, #tpu.memory_space<vmem>>) target(%dma_start3A_95 : memref<512x32xf32, #tpu.memory_space<vmem_shared>>) target_semaphore(%run_scoped3A : memref<!tpu.dma_semaphore, #tpu.memory_space<semaphore_mem>>)
      %dma_wait3A_99 = arith.constant 0 : i32
      %dma_wait3A_100 = arith.constant 0 : i32
      %dma_wait3A_101 = tpu.memref_slice %arg6[%dma_wait3A_99, %dma_wait3A_100] : memref<512x32xf32, #tpu.memory_space<vmem>> -> memref<512x32xf32, #tpu.memory_space<vmem>>
      %dma_wait3A_102 = arith.constant 0 : i32
      %dma_wait3A_103 = tpu.memref_slice %arg7[%add3A_15, %dma_wait3A_102] : memref<50176x32xf32, #tpu.memory_space<vmem_shared>> -> memref<512x32xf32, #tpu.memory_space<vmem_shared>>
      %dma_wait3A_104 = arith.constant 0 : i32
      %dma_wait3A_105 = tpu.memref_slice %arg7[%add3A_15, %dma_wait3A_104] : memref<50176x32xf32, #tpu.memory_space<vmem_shared>> -> memref<512x32xf32, #tpu.memory_space<vmem_shared>>
      %dma_wait3A_106 = arith.constant 0 : i32
      %dma_wait3A_107 = arith.constant 0 : i32
      %dma_wait3A_108 = tpu.memref_slice %arg6[%dma_wait3A_106, %dma_wait3A_107] : memref<512x32xf32, #tpu.memory_space<vmem>> -> memref<512x32xf32, #tpu.memory_space<vmem>>
      tpu.wait_dma2 semaphore(%run_scoped3A : memref<!tpu.dma_semaphore, #tpu.memory_space<semaphore_mem>>) src(%dma_wait3A_108 : memref<512x32xf32, #tpu.memory_space<vmem>>) dst(%dma_wait3A_105 : memref<512x32xf32, #tpu.memory_space<vmem_shared>>)
      tpu.yield
    }) : () -> ()
    %mul3A_16 = arith.constant 3136 : i32
    %mul3A_17 = arith.muli %arg1, %mul3A_16 : i32
    %add3A_18 = arith.constant 1536 : i32
    %add3A_19 = arith.addi %mul3A_17, %add3A_18 : i32
    "tpu.region"() ({
      %run_scoped3A = tpu.sem_alloc : memref<!tpu.dma_semaphore, #tpu.memory_space<semaphore_mem>>
      %dma_start3A_89 = arith.constant 0 : i32
      %dma_start3A_90 = arith.constant 0 : i32
      %dma_start3A_91 = tpu.memref_slice %arg6[%dma_start3A_89, %dma_start3A_90] : memref<512x32xf32, #tpu.memory_space<vmem>> -> memref<512x32xf32, #tpu.memory_space<vmem>>
      %dma_start3A_92 = arith.constant 0 : i32
      %dma_start3A_93 = tpu.memref_slice %arg7[%add3A_19, %dma_start3A_92] : memref<50176x32xf32, #tpu.memory_space<vmem_shared>> -> memref<512x32xf32, #tpu.memory_space<vmem_shared>>
      %dma_start3A_94 = arith.constant 0 : i32
      %dma_start3A_95 = tpu.memref_slice %arg7[%add3A_19, %dma_start3A_94] : memref<50176x32xf32, #tpu.memory_space<vmem_shared>> -> memref<512x32xf32, #tpu.memory_space<vmem_shared>>
      %dma_start3A_96 = arith.constant 0 : i32
      %dma_start3A_97 = arith.constant 0 : i32
      %dma_start3A_98 = tpu.memref_slice %arg6[%dma_start3A_96, %dma_start3A_97] : memref<512x32xf32, #tpu.memory_space<vmem>> -> memref<512x32xf32, #tpu.memory_space<vmem>>
      tpu.enqueue_dma source(%dma_start3A_98 : memref<512x32xf32, #tpu.memory_space<vmem>>) target(%dma_start3A_95 : memref<512x32xf32, #tpu.memory_space<vmem_shared>>) target_semaphore(%run_scoped3A : memref<!tpu.dma_semaphore, #tpu.memory_space<semaphore_mem>>)
      %dma_wait3A_99 = arith.constant 0 : i32
      %dma_wait3A_100 = arith.constant 0 : i32
      %dma_wait3A_101 = tpu.memref_slice %arg6[%dma_wait3A_99, %dma_wait3A_100] : memref<512x32xf32, #tpu.memory_space<vmem>> -> memref<512x32xf32, #tpu.memory_space<vmem>>
      %dma_wait3A_102 = arith.constant 0 : i32
      %dma_wait3A_103 = tpu.memref_slice %arg7[%add3A_19, %dma_wait3A_102] : memref<50176x32xf32, #tpu.memory_space<vmem_shared>> -> memref<512x32xf32, #tpu.memory_space<vmem_shared>>
      %dma_wait3A_104 = arith.constant 0 : i32
      %dma_wait3A_105 = tpu.memref_slice %arg7[%add3A_19, %dma_wait3A_104] : memref<50176x32xf32, #tpu.memory_space<vmem_shared>> -> memref<512x32xf32, #tpu.memory_space<vmem_shared>>
      %dma_wait3A_106 = arith.constant 0 : i32
      %dma_wait3A_107 = arith.constant 0 : i32
      %dma_wait3A_108 = tpu.memref_slice %arg6[%dma_wait3A_106, %dma_wait3A_107] : memref<512x32xf32, #tpu.memory_space<vmem>> -> memref<512x32xf32, #tpu.memory_space<vmem>>
      tpu.wait_dma2 semaphore(%run_scoped3A : memref<!tpu.dma_semaphore, #tpu.memory_space<semaphore_mem>>) src(%dma_wait3A_108 : memref<512x32xf32, #tpu.memory_space<vmem>>) dst(%dma_wait3A_105 : memref<512x32xf32, #tpu.memory_space<vmem_shared>>)
      tpu.yield
    }) : () -> ()
    %mul3A_20 = arith.constant 3136 : i32
    %mul3A_21 = arith.muli %arg1, %mul3A_20 : i32
    %add3A_22 = arith.constant 2048 : i32
    %add3A_23 = arith.addi %mul3A_21, %add3A_22 : i32
    "tpu.region"() ({
      %run_scoped3A = tpu.sem_alloc : memref<!tpu.dma_semaphore, #tpu.memory_space<semaphore_mem>>
      %dma_start3A_89 = arith.constant 0 : i32
      %dma_start3A_90 = arith.constant 0 : i32
      %dma_start3A_91 = tpu.memref_slice %arg6[%dma_start3A_89, %dma_start3A_90] : memref<512x32xf32, #tpu.memory_space<vmem>> -> memref<512x32xf32, #tpu.memory_space<vmem>>
      %dma_start3A_92 = arith.constant 0 : i32
      %dma_start3A_93 = tpu.memref_slice %arg7[%add3A_23, %dma_start3A_92] : memref<50176x32xf32, #tpu.memory_space<vmem_shared>> -> memref<512x32xf32, #tpu.memory_space<vmem_shared>>
      %dma_start3A_94 = arith.constant 0 : i32
      %dma_start3A_95 = tpu.memref_slice %arg7[%add3A_23, %dma_start3A_94] : memref<50176x32xf32, #tpu.memory_space<vmem_shared>> -> memref<512x32xf32, #tpu.memory_space<vmem_shared>>
      %dma_start3A_96 = arith.constant 0 : i32
      %dma_start3A_97 = arith.constant 0 : i32
      %dma_start3A_98 = tpu.memref_slice %arg6[%dma_start3A_96, %dma_start3A_97] : memref<512x32xf32, #tpu.memory_space<vmem>> -> memref<512x32xf32, #tpu.memory_space<vmem>>
      tpu.enqueue_dma source(%dma_start3A_98 : memref<512x32xf32, #tpu.memory_space<vmem>>) target(%dma_start3A_95 : memref<512x32xf32, #tpu.memory_space<vmem_shared>>) target_semaphore(%run_scoped3A : memref<!tpu.dma_semaphore, #tpu.memory_space<semaphore_mem>>)
      %dma_wait3A_99 = arith.constant 0 : i32
      %dma_wait3A_100 = arith.constant 0 : i32
      %dma_wait3A_101 = tpu.memref_slice %arg6[%dma_wait3A_99, %dma_wait3A_100] : memref<512x32xf32, #tpu.memory_space<vmem>> -> memref<512x32xf32, #tpu.memory_space<vmem>>
      %dma_wait3A_102 = arith.constant 0 : i32
      %dma_wait3A_103 = tpu.memref_slice %arg7[%add3A_23, %dma_wait3A_102] : memref<50176x32xf32, #tpu.memory_space<vmem_shared>> -> memref<512x32xf32, #tpu.memory_space<vmem_shared>>
      %dma_wait3A_104 = arith.constant 0 : i32
      %dma_wait3A_105 = tpu.memref_slice %arg7[%add3A_23, %dma_wait3A_104] : memref<50176x32xf32, #tpu.memory_space<vmem_shared>> -> memref<512x32xf32, #tpu.memory_space<vmem_shared>>
      %dma_wait3A_106 = arith.constant 0 : i32
      %dma_wait3A_107 = arith.constant 0 : i32
      %dma_wait3A_108 = tpu.memref_slice %arg6[%dma_wait3A_106, %dma_wait3A_107] : memref<512x32xf32, #tpu.memory_space<vmem>> -> memref<512x32xf32, #tpu.memory_space<vmem>>
      tpu.wait_dma2 semaphore(%run_scoped3A : memref<!tpu.dma_semaphore, #tpu.memory_space<semaphore_mem>>) src(%dma_wait3A_108 : memref<512x32xf32, #tpu.memory_space<vmem>>) dst(%dma_wait3A_105 : memref<512x32xf32, #tpu.memory_space<vmem_shared>>)
      tpu.yield
    }) : () -> ()
    %mul3A_24 = arith.constant 3136 : i32
    %mul3A_25 = arith.muli %arg1, %mul3A_24 : i32
    %add3A_26 = arith.constant 2560 : i32
    %add3A_27 = arith.addi %mul3A_25, %add3A_26 : i32
    "tpu.region"() ({
      %run_scoped3A = tpu.sem_alloc : memref<!tpu.dma_semaphore, #tpu.memory_space<semaphore_mem>>
      %dma_start3A_89 = arith.constant 0 : i32
      %dma_start3A_90 = arith.constant 0 : i32
      %dma_start3A_91 = tpu.memref_slice %arg6[%dma_start3A_89, %dma_start3A_90] : memref<512x32xf32, #tpu.memory_space<vmem>> -> memref<512x32xf32, #tpu.memory_space<vmem>>
      %dma_start3A_92 = arith.constant 0 : i32
      %dma_start3A_93 = tpu.memref_slice %arg7[%add3A_27, %dma_start3A_92] : memref<50176x32xf32, #tpu.memory_space<vmem_shared>> -> memref<512x32xf32, #tpu.memory_space<vmem_shared>>
      %dma_start3A_94 = arith.constant 0 : i32
      %dma_start3A_95 = tpu.memref_slice %arg7[%add3A_27, %dma_start3A_94] : memref<50176x32xf32, #tpu.memory_space<vmem_shared>> -> memref<512x32xf32, #tpu.memory_space<vmem_shared>>
      %dma_start3A_96 = arith.constant 0 : i32
      %dma_start3A_97 = arith.constant 0 : i32
      %dma_start3A_98 = tpu.memref_slice %arg6[%dma_start3A_96, %dma_start3A_97] : memref<512x32xf32, #tpu.memory_space<vmem>> -> memref<512x32xf32, #tpu.memory_space<vmem>>
      tpu.enqueue_dma source(%dma_start3A_98 : memref<512x32xf32, #tpu.memory_space<vmem>>) target(%dma_start3A_95 : memref<512x32xf32, #tpu.memory_space<vmem_shared>>) target_semaphore(%run_scoped3A : memref<!tpu.dma_semaphore, #tpu.memory_space<semaphore_mem>>)
      %dma_wait3A_99 = arith.constant 0 : i32
      %dma_wait3A_100 = arith.constant 0 : i32
      %dma_wait3A_101 = tpu.memref_slice %arg6[%dma_wait3A_99, %dma_wait3A_100] : memref<512x32xf32, #tpu.memory_space<vmem>> -> memref<512x32xf32, #tpu.memory_space<vmem>>
      %dma_wait3A_102 = arith.constant 0 : i32
      %dma_wait3A_103 = tpu.memref_slice %arg7[%add3A_27, %dma_wait3A_102] : memref<50176x32xf32, #tpu.memory_space<vmem_shared>> -> memref<512x32xf32, #tpu.memory_space<vmem_shared>>
      %dma_wait3A_104 = arith.constant 0 : i32
      %dma_wait3A_105 = tpu.memref_slice %arg7[%add3A_27, %dma_wait3A_104] : memref<50176x32xf32, #tpu.memory_space<vmem_shared>> -> memref<512x32xf32, #tpu.memory_space<vmem_shared>>
      %dma_wait3A_106 = arith.constant 0 : i32
      %dma_wait3A_107 = arith.constant 0 : i32
      %dma_wait3A_108 = tpu.memref_slice %arg6[%dma_wait3A_106, %dma_wait3A_107] : memref<512x32xf32, #tpu.memory_space<vmem>> -> memref<512x32xf32, #tpu.memory_space<vmem>>
      tpu.wait_dma2 semaphore(%run_scoped3A : memref<!tpu.dma_semaphore, #tpu.memory_space<semaphore_mem>>) src(%dma_wait3A_108 : memref<512x32xf32, #tpu.memory_space<vmem>>) dst(%dma_wait3A_105 : memref<512x32xf32, #tpu.memory_space<vmem_shared>>)
      tpu.yield
    }) : () -> ()
    %mul3A_28 = arith.constant 3136 : i32
    %mul3A_29 = arith.muli %arg1, %mul3A_28 : i32
    %add3A_30 = arith.constant 3072 : i32
    %add3A_31 = arith.addi %mul3A_29, %add3A_30 : i32
    "tpu.region"() ({
      %run_scoped3A = tpu.sem_alloc : memref<!tpu.dma_semaphore, #tpu.memory_space<semaphore_mem>>
      %dma_start3A_89 = arith.constant 0 : i32
      %dma_start3A_90 = arith.constant 0 : i32
      %dma_start3A_91 = tpu.memref_slice %arg6[%dma_start3A_89, %dma_start3A_90] : memref<512x32xf32, #tpu.memory_space<vmem>> -> memref<64x32xf32, #tpu.memory_space<vmem>>
      %dma_start3A_92 = arith.constant 0 : i32
      %dma_start3A_93 = tpu.memref_slice %arg7[%add3A_31, %dma_start3A_92] : memref<50176x32xf32, #tpu.memory_space<vmem_shared>> -> memref<64x32xf32, #tpu.memory_space<vmem_shared>>
      %dma_start3A_94 = arith.constant 0 : i32
      %dma_start3A_95 = tpu.memref_slice %arg7[%add3A_31, %dma_start3A_94] : memref<50176x32xf32, #tpu.memory_space<vmem_shared>> -> memref<64x32xf32, #tpu.memory_space<vmem_shared>>
      %dma_start3A_96 = arith.constant 0 : i32
      %dma_start3A_97 = arith.constant 0 : i32
      %dma_start3A_98 = tpu.memref_slice %arg6[%dma_start3A_96, %dma_start3A_97] : memref<512x32xf32, #tpu.memory_space<vmem>> -> memref<64x32xf32, #tpu.memory_space<vmem>>
      tpu.enqueue_dma source(%dma_start3A_98 : memref<64x32xf32, #tpu.memory_space<vmem>>) target(%dma_start3A_95 : memref<64x32xf32, #tpu.memory_space<vmem_shared>>) target_semaphore(%run_scoped3A : memref<!tpu.dma_semaphore, #tpu.memory_space<semaphore_mem>>)
      %dma_wait3A_99 = arith.constant 0 : i32
      %dma_wait3A_100 = arith.constant 0 : i32
      %dma_wait3A_101 = tpu.memref_slice %arg6[%dma_wait3A_99, %dma_wait3A_100] : memref<512x32xf32, #tpu.memory_space<vmem>> -> memref<64x32xf32, #tpu.memory_space<vmem>>
      %dma_wait3A_102 = arith.constant 0 : i32
      %dma_wait3A_103 = tpu.memref_slice %arg7[%add3A_31, %dma_wait3A_102] : memref<50176x32xf32, #tpu.memory_space<vmem_shared>> -> memref<64x32xf32, #tpu.memory_space<vmem_shared>>
      %dma_wait3A_104 = arith.constant 0 : i32
      %dma_wait3A_105 = tpu.memref_slice %arg7[%add3A_31, %dma_wait3A_104] : memref<50176x32xf32, #tpu.memory_space<vmem_shared>> -> memref<64x32xf32, #tpu.memory_space<vmem_shared>>
      %dma_wait3A_106 = arith.constant 0 : i32
      %dma_wait3A_107 = arith.constant 0 : i32
      %dma_wait3A_108 = tpu.memref_slice %arg6[%dma_wait3A_106, %dma_wait3A_107] : memref<512x32xf32, #tpu.memory_space<vmem>> -> memref<64x32xf32, #tpu.memory_space<vmem>>
      tpu.wait_dma2 semaphore(%run_scoped3A : memref<!tpu.dma_semaphore, #tpu.memory_space<semaphore_mem>>) src(%dma_wait3A_108 : memref<64x32xf32, #tpu.memory_space<vmem>>) dst(%dma_wait3A_105 : memref<64x32xf32, #tpu.memory_space<vmem_shared>>)
      tpu.yield
    }) : () -> ()
    %barrier3A = arith.constant 0 : index
    tpu.barrier barrier_id(%barrier3A)
    %mul3A_32 = arith.constant 98 : i32
    %mul3A_33 = arith.muli %arg1, %mul3A_32 : i32
    "tpu.region"() ({
      %run_scoped3A = tpu.sem_alloc : memref<!tpu.dma_semaphore, #tpu.memory_space<semaphore_mem>>
      %dma_start3A_89 = arith.constant 0 : i32
      %dma_start3A_90 = arith.constant 0 : i32
      %dma_start3A_91 = tpu.memref_slice %arg5[%dma_start3A_89, %dma_start3A_90] : memref<16x128xi32, #tpu.memory_space<vmem>> -> memref<8x128xi32, #tpu.memory_space<vmem>>
      %dma_start3A_92 = arith.constant 0 : i32
      %dma_start3A_93 = arith.constant 0 : i32
      %dma_start3A_94 = tpu.memref_slice %arg3[%mul3A_33, %dma_start3A_92, %dma_start3A_93] : memref<1568x8x128xi32, #tpu.memory_space<hbm>> -> memref<1x8x128xi32, #tpu.memory_space<hbm>>
      %dma_start3A_95 = tpu.memref_squeeze %dma_start3A_94 : memref<1x8x128xi32, #tpu.memory_space<hbm>> -> memref<8x128xi32, #tpu.memory_space<hbm>>
      %dma_start3A_96 = arith.constant 0 : i32
      %dma_start3A_97 = arith.constant 0 : i32
      %dma_start3A_98 = tpu.memref_slice %arg5[%dma_start3A_96, %dma_start3A_97] : memref<16x128xi32, #tpu.memory_space<vmem>> -> memref<8x128xi32, #tpu.memory_space<vmem>>
      %dma_start3A_99 = arith.constant 0 : i32
      %dma_start3A_100 = arith.constant 0 : i32
      %dma_start3A_101 = tpu.memref_slice %arg3[%mul3A_33, %dma_start3A_99, %dma_start3A_100] : memref<1568x8x128xi32, #tpu.memory_space<hbm>> -> memref<1x8x128xi32, #tpu.memory_space<hbm>>
      %dma_start3A_102 = tpu.memref_squeeze %dma_start3A_101 : memref<1x8x128xi32, #tpu.memory_space<hbm>> -> memref<8x128xi32, #tpu.memory_space<hbm>>
      tpu.enqueue_dma source(%dma_start3A_102 : memref<8x128xi32, #tpu.memory_space<hbm>>) target(%dma_start3A_98 : memref<8x128xi32, #tpu.memory_space<vmem>>) target_semaphore(%run_scoped3A : memref<!tpu.dma_semaphore, #tpu.memory_space<semaphore_mem>>)
      %dma_wait3A_103 = arith.constant 0 : i32
      %dma_wait3A_104 = arith.constant 0 : i32
      %dma_wait3A_105 = tpu.memref_slice %arg5[%dma_wait3A_103, %dma_wait3A_104] : memref<16x128xi32, #tpu.memory_space<vmem>> -> memref<8x128xi32, #tpu.memory_space<vmem>>
      %dma_wait3A_106 = arith.constant 0 : i32
      %dma_wait3A_107 = arith.constant 0 : i32
      %dma_wait3A_108 = tpu.memref_slice %arg3[%mul3A_33, %dma_wait3A_106, %dma_wait3A_107] : memref<1568x8x128xi32, #tpu.memory_space<hbm>> -> memref<1x8x128xi32, #tpu.memory_space<hbm>>
      %dma_wait3A_109 = tpu.memref_squeeze %dma_wait3A_108 : memref<1x8x128xi32, #tpu.memory_space<hbm>> -> memref<8x128xi32, #tpu.memory_space<hbm>>
      %dma_wait3A_110 = arith.constant 0 : i32
      %dma_wait3A_111 = arith.constant 0 : i32
      %dma_wait3A_112 = tpu.memref_slice %arg5[%dma_wait3A_110, %dma_wait3A_111] : memref<16x128xi32, #tpu.memory_space<vmem>> -> memref<8x128xi32, #tpu.memory_space<vmem>>
      %dma_wait3A_113 = arith.constant 0 : i32
      %dma_wait3A_114 = arith.constant 0 : i32
      %dma_wait3A_115 = tpu.memref_slice %arg3[%mul3A_33, %dma_wait3A_113, %dma_wait3A_114] : memref<1568x8x128xi32, #tpu.memory_space<hbm>> -> memref<1x8x128xi32, #tpu.memory_space<hbm>>
      %dma_wait3A_116 = tpu.memref_squeeze %dma_wait3A_115 : memref<1x8x128xi32, #tpu.memory_space<hbm>> -> memref<8x128xi32, #tpu.memory_space<hbm>>
      tpu.wait_dma2 semaphore(%run_scoped3A : memref<!tpu.dma_semaphore, #tpu.memory_space<semaphore_mem>>) src(%dma_wait3A_116 : memref<8x128xi32, #tpu.memory_space<hbm>>) dst(%dma_wait3A_112 : memref<8x128xi32, #tpu.memory_space<vmem>>)
      tpu.yield
    }) : () -> ()
    %dma_start3A = arith.constant 0 : i32
    %dma_start3A_34 = arith.constant 0 : i32
    %dma_start3A_35 = arith.constant 0 : i32
    %dma_start3A_36 = tpu.memref_slice %arg6[%dma_start3A_34, %dma_start3A_35] : memref<512x32xf32, #tpu.memory_space<vmem>> -> memref<256x32xf32, #tpu.memory_space<vmem>>
    %dma_start3A_37 = arith.constant 0 : i32
    %dma_start3A_38 = arith.constant 0 : i32
    %dma_start3A_39 = tpu.memref_slice %dma_start3A_36[%dma_start3A_37, %dma_start3A_38] : memref<256x32xf32, #tpu.memory_space<vmem>> -> memref<128x32xf32, #tpu.memory_space<vmem>>
    %dma_start3A_40 = arith.constant 0 : i32
    %dma_start3A_41 = tpu.memref_slice %arg5[%dma_start3A, %dma_start3A_40] : memref<16x128xi32, #tpu.memory_space<vmem>> -> memref<1x128xi32, #tpu.memory_space<vmem>>
    %dma_start3A_42 = tpu.memref_squeeze %dma_start3A_41 : memref<1x128xi32, #tpu.memory_space<vmem>> -> memref<128xi32, #tpu.memory_space<vmem>>
    %dma_start3A_43 = arith.constant 0 : i32
    %dma_start3A_44 = arith.constant 0 : i32
    %dma_start3A_45 = tpu.memref_slice %arg2[%arg0, %dma_start3A_43, %dma_start3A_44] : memref<2x50176x32xf32, #tpu.memory_space<hbm>> -> memref<1x50176x32xf32, #tpu.memory_space<hbm>>
    %dma_start3A_46 = tpu.memref_squeeze %dma_start3A_45 : memref<1x50176x32xf32, #tpu.memory_space<hbm>> -> memref<50176x32xf32, #tpu.memory_space<hbm>>
    %dma_start3A_47 = arith.constant 0 : i32
    %dma_start3A_48 = arith.constant 0 : i32
    %dma_start3A_49 = tpu.memref_slice %dma_start3A_46[%dma_start3A_47, %dma_start3A_48] : memref<50176x32xf32, #tpu.memory_space<hbm>> -> memref<50176x32xf32, #tpu.memory_space<hbm>>
    tpu.enqueue_indirect_dma source(%dma_start3A_49 : memref<50176x32xf32, #tpu.memory_space<hbm>>) target(%dma_start3A_39 : memref<128x32xf32, #tpu.memory_space<vmem>>) offsets(%dma_start3A_42 : memref<128xi32, #tpu.memory_space<vmem>>) semaphore(%arg8 : memref<!tpu.dma_semaphore, #tpu.memory_space<semaphore_mem>>)
    %dma_start3A_50 = arith.constant 1 : i32
    %dma_start3A_51 = arith.constant 0 : i32
    %dma_start3A_52 = arith.constant 0 : i32
    %dma_start3A_53 = tpu.memref_slice %arg6[%dma_start3A_51, %dma_start3A_52] : memref<512x32xf32, #tpu.memory_space<vmem>> -> memref<256x32xf32, #tpu.memory_space<vmem>>
    %dma_start3A_54 = arith.constant 128 : i32
    %dma_start3A_55 = arith.constant 0 : i32
    %dma_start3A_56 = tpu.memref_slice %dma_start3A_53[%dma_start3A_54, %dma_start3A_55] : memref<256x32xf32, #tpu.memory_space<vmem>> -> memref<128x32xf32, #tpu.memory_space<vmem>>
    %dma_start3A_57 = arith.constant 0 : i32
    %dma_start3A_58 = tpu.memref_slice %arg5[%dma_start3A_50, %dma_start3A_57] : memref<16x128xi32, #tpu.memory_space<vmem>> -> memref<1x128xi32, #tpu.memory_space<vmem>>
    %dma_start3A_59 = tpu.memref_squeeze %dma_start3A_58 : memref<1x128xi32, #tpu.memory_space<vmem>> -> memref<128xi32, #tpu.memory_space<vmem>>
    %dma_start3A_60 = arith.constant 0 : i32
    %dma_start3A_61 = arith.constant 0 : i32
    %dma_start3A_62 = tpu.memref_slice %arg2[%arg0, %dma_start3A_60, %dma_start3A_61] : memref<2x50176x32xf32, #tpu.memory_space<hbm>> -> memref<1x50176x32xf32, #tpu.memory_space<hbm>>
    %dma_start3A_63 = tpu.memref_squeeze %dma_start3A_62 : memref<1x50176x32xf32, #tpu.memory_space<hbm>> -> memref<50176x32xf32, #tpu.memory_space<hbm>>
    %dma_start3A_64 = arith.constant 0 : i32
    %dma_start3A_65 = arith.constant 0 : i32
    %dma_start3A_66 = tpu.memref_slice %dma_start3A_63[%dma_start3A_64, %dma_start3A_65] : memref<50176x32xf32, #tpu.memory_space<hbm>> -> memref<50176x32xf32, #tpu.memory_space<hbm>>
    tpu.enqueue_indirect_dma source(%dma_start3A_66 : memref<50176x32xf32, #tpu.memory_space<hbm>>) target(%dma_start3A_56 : memref<128x32xf32, #tpu.memory_space<vmem>>) offsets(%dma_start3A_59 : memref<128xi32, #tpu.memory_space<vmem>>) semaphore(%arg8 : memref<!tpu.dma_semaphore, #tpu.memory_space<semaphore_mem>>)
    %scan3A_67 = arith.constant 0 : i32
    %scan3A_68 = arith.constant 0 : i32
    %scan3A_69 = arith.constant 0 : i32
    %scan3A_70 = arith.constant 98 : i32
    %scan3A_71 = arith.addi %scan3A_69, %scan3A_70 : i32
    %scan3A_72 = arith.constant 1 : i32
    scf.for %scan3A_89 = %scan3A_69 to %scan3A_71 step %scan3A_72  : i32 {
      %rem3A = arith.constant 2 : i32
      %rem3A_90 = arith.remsi %scan3A_89, %rem3A : i32
      %mul3A_91 = arith.constant 8 : i32
      %mul3A_92 = arith.muli %rem3A_90, %mul3A_91 : i32
      %add3A_93 = arith.constant 1 : i32
      %add3A_94 = arith.addi %scan3A_89, %add3A_93 : i32
      %rem3A_95 = arith.constant 2 : i32
      %rem3A_96 = arith.remsi %add3A_94, %rem3A_95 : i32
      %mul3A_97 = arith.constant 8 : i32
      %mul3A_98 = arith.muli %rem3A_96, %mul3A_97 : i32
      %dma_wait3A_99 = arith.constant 0 : i32
      %dma_wait3A_100 = arith.constant 0 : i32
      %dma_wait3A_101 = tpu.memref_slice %arg6[%dma_wait3A_99, %dma_wait3A_100] : memref<512x32xf32, #tpu.memory_space<vmem>> -> memref<256x32xf32, #tpu.memory_space<vmem>>
      %dma_wait3A_102 = arith.constant 0 : i32
      %dma_wait3A_103 = arith.constant 0 : i32
      %dma_wait3A_104 = tpu.memref_slice %arg2[%scan3A_68, %dma_wait3A_102, %dma_wait3A_103] : memref<2x50176x32xf32, #tpu.memory_space<hbm>> -> memref<1x50176x32xf32, #tpu.memory_space<hbm>>
      %dma_wait3A_105 = tpu.memref_squeeze %dma_wait3A_104 : memref<1x50176x32xf32, #tpu.memory_space<hbm>> -> memref<50176x32xf32, #tpu.memory_space<hbm>>
      %dma_wait3A_106 = arith.constant 0 : i32
      %dma_wait3A_107 = arith.constant 0 : i32
      %dma_wait3A_108 = tpu.memref_slice %dma_wait3A_105[%dma_wait3A_106, %dma_wait3A_107] : memref<50176x32xf32, #tpu.memory_space<hbm>> -> memref<256x32xf32, #tpu.memory_space<hbm>>
      %dma_wait3A_109 = arith.constant 0 : i32
      %dma_wait3A_110 = arith.constant 0 : i32
      %dma_wait3A_111 = tpu.memref_slice %arg6[%dma_wait3A_109, %dma_wait3A_110] : memref<512x32xf32, #tpu.memory_space<vmem>> -> memref<256x32xf32, #tpu.memory_space<vmem>>
      %dma_wait3A_112 = arith.constant 0 : i32
      %dma_wait3A_113 = arith.constant 0 : i32
      %dma_wait3A_114 = tpu.memref_slice %arg2[%scan3A_68, %dma_wait3A_112, %dma_wait3A_113] : memref<2x50176x32xf32, #tpu.memory_space<hbm>> -> memref<1x50176x32xf32, #tpu.memory_space<hbm>>
      %dma_wait3A_115 = tpu.memref_squeeze %dma_wait3A_114 : memref<1x50176x32xf32, #tpu.memory_space<hbm>> -> memref<50176x32xf32, #tpu.memory_space<hbm>>
      %dma_wait3A_116 = arith.constant 0 : i32
      %dma_wait3A_117 = arith.constant 0 : i32
      %dma_wait3A_118 = tpu.memref_slice %dma_wait3A_115[%dma_wait3A_116, %dma_wait3A_117] : memref<50176x32xf32, #tpu.memory_space<hbm>> -> memref<256x32xf32, #tpu.memory_space<hbm>>
      tpu.wait_dma2 semaphore(%arg8 : memref<!tpu.dma_semaphore, #tpu.memory_space<semaphore_mem>>) src(%dma_wait3A_118 : memref<256x32xf32, #tpu.memory_space<hbm>>) dst(%dma_wait3A_111 : memref<256x32xf32, #tpu.memory_space<vmem>>)
      %ge3A = arith.constant 1 : i32
      %ge3A_119 = arith.cmpi sge, %scan3A_89, %ge3A : i32
      %convert_element_type3A = arith.extui %ge3A_119 : i1 to i32
      %cond3A = arith.constant 0 : i32
      %cond3A_120 = arith.cmpi ne, %convert_element_type3A, %cond3A : i32
      scf.if %cond3A_120 {
        %dma_wait3A_262 = arith.constant 0 : i32
        %dma_wait3A_263 = arith.constant 0 : i32
        %dma_wait3A_264 = tpu.memref_slice %arg7[%dma_wait3A_262, %dma_wait3A_263] : memref<50176x32xf32, #tpu.memory_space<vmem_shared>> -> memref<256x32xf32, #tpu.memory_space<vmem_shared>>
        %dma_wait3A_265 = arith.constant 0 : i32
        %dma_wait3A_266 = arith.constant 0 : i32
        %dma_wait3A_267 = tpu.memref_slice %arg2[%scan3A_68, %dma_wait3A_265, %dma_wait3A_266] : memref<2x50176x32xf32, #tpu.memory_space<hbm>> -> memref<1x50176x32xf32, #tpu.memory_space<hbm>>
        %dma_wait3A_268 = tpu.memref_squeeze %dma_wait3A_267 : memref<1x50176x32xf32, #tpu.memory_space<hbm>> -> memref<50176x32xf32, #tpu.memory_space<hbm>>
        %dma_wait3A_269 = arith.constant 0 : i32
        %dma_wait3A_270 = arith.constant 0 : i32
        %dma_wait3A_271 = tpu.memref_slice %dma_wait3A_268[%dma_wait3A_269, %dma_wait3A_270] : memref<50176x32xf32, #tpu.memory_space<hbm>> -> memref<256x32xf32, #tpu.memory_space<hbm>>
        tpu.wait_dma2 semaphore(%arg9 : memref<!tpu.dma_semaphore, #tpu.memory_space<semaphore_mem>>) src(%dma_wait3A_271 : memref<256x32xf32, #tpu.memory_space<hbm>>) dst(%dma_wait3A_264 : memref<256x32xf32, #tpu.memory_space<vmem_shared>>)
      } else {
      }
      %add3A_121 = arith.constant 1 : i32
      %add3A_122 = arith.addi %scan3A_89, %add3A_121 : i32
      %lt3A = arith.constant 98 : i32
      %lt3A_123 = arith.cmpi slt, %add3A_122, %lt3A : i32
      %convert_element_type3A_124 = arith.extui %lt3A_123 : i1 to i32
      %cond3A_125 = arith.constant 0 : i32
      %cond3A_126 = arith.cmpi ne, %convert_element_type3A_124, %cond3A_125 : i32
      scf.if %cond3A_126 {
        %mul3A_262 = arith.constant 98 : i32
        %mul3A_263 = arith.muli %arg1, %mul3A_262 : i32
        %add3A_264 = arith.addi %mul3A_263, %scan3A_89 : i32
        %add3A_265 = arith.constant 1 : i32
        %add3A_266 = arith.addi %add3A_264, %add3A_265 : i32
        %dma_start3A_267 = arith.constant 0 : i32
        %dma_start3A_268 = tpu.memref_slice %arg5[%mul3A_98, %dma_start3A_267] : memref<16x128xi32, #tpu.memory_space<vmem>> -> memref<8x128xi32, #tpu.memory_space<vmem>>
        %dma_start3A_269 = arith.constant 0 : i32
        %dma_start3A_270 = arith.constant 0 : i32
        %dma_start3A_271 = tpu.memref_slice %arg3[%add3A_266, %dma_start3A_269, %dma_start3A_270] : memref<1568x8x128xi32, #tpu.memory_space<hbm>> -> memref<1x8x128xi32, #tpu.memory_space<hbm>>
        %dma_start3A_272 = tpu.memref_squeeze %dma_start3A_271 : memref<1x8x128xi32, #tpu.memory_space<hbm>> -> memref<8x128xi32, #tpu.memory_space<hbm>>
        %dma_start3A_273 = arith.constant 0 : i32
        %dma_start3A_274 = tpu.memref_slice %arg5[%mul3A_98, %dma_start3A_273] : memref<16x128xi32, #tpu.memory_space<vmem>> -> memref<8x128xi32, #tpu.memory_space<vmem>>
        %dma_start3A_275 = arith.constant 0 : i32
        %dma_start3A_276 = arith.constant 0 : i32
        %dma_start3A_277 = tpu.memref_slice %arg3[%add3A_266, %dma_start3A_275, %dma_start3A_276] : memref<1568x8x128xi32, #tpu.memory_space<hbm>> -> memref<1x8x128xi32, #tpu.memory_space<hbm>>
        %dma_start3A_278 = tpu.memref_squeeze %dma_start3A_277 : memref<1x8x128xi32, #tpu.memory_space<hbm>> -> memref<8x128xi32, #tpu.memory_space<hbm>>
        tpu.enqueue_dma source(%dma_start3A_278 : memref<8x128xi32, #tpu.memory_space<hbm>>) target(%dma_start3A_274 : memref<8x128xi32, #tpu.memory_space<vmem>>) target_semaphore(%arg10 : memref<!tpu.dma_semaphore, #tpu.memory_space<semaphore_mem>>)
      } else {
      }
      %add3A_127 = arith.constant 4 : i32
      %add3A_128 = arith.addi %mul3A_92, %add3A_127 : i32
      %add3A_129 = arith.constant 0 : i32
      %add3A_130 = arith.addi %add3A_128, %add3A_129 : i32
      %dma_start3A_131 = arith.constant 256 : i32
      %dma_start3A_132 = arith.constant 0 : i32
      %dma_start3A_133 = tpu.memref_slice %arg6[%dma_start3A_131, %dma_start3A_132] : memref<512x32xf32, #tpu.memory_space<vmem>> -> memref<256x32xf32, #tpu.memory_space<vmem>>
      %dma_start3A_134 = arith.constant 0 : i32
      %dma_start3A_135 = arith.constant 0 : i32
      %dma_start3A_136 = tpu.memref_slice %dma_start3A_133[%dma_start3A_134, %dma_start3A_135] : memref<256x32xf32, #tpu.memory_space<vmem>> -> memref<128x32xf32, #tpu.memory_space<vmem>>
      %dma_start3A_137 = arith.constant 0 : i32
      %dma_start3A_138 = tpu.memref_slice %arg5[%add3A_130, %dma_start3A_137] : memref<16x128xi32, #tpu.memory_space<vmem>> -> memref<1x128xi32, #tpu.memory_space<vmem>>
      %dma_start3A_139 = tpu.memref_squeeze %dma_start3A_138 : memref<1x128xi32, #tpu.memory_space<vmem>> -> memref<128xi32, #tpu.memory_space<vmem>>
      %dma_start3A_140 = arith.constant 0 : i32
      %dma_start3A_141 = arith.constant 0 : i32
      %dma_start3A_142 = tpu.memref_slice %arg2[%arg0, %dma_start3A_140, %dma_start3A_141] : memref<2x50176x32xf32, #tpu.memory_space<hbm>> -> memref<1x50176x32xf32, #tpu.memory_space<hbm>>
      %dma_start3A_143 = tpu.memref_squeeze %dma_start3A_142 : memref<1x50176x32xf32, #tpu.memory_space<hbm>> -> memref<50176x32xf32, #tpu.memory_space<hbm>>
      %dma_start3A_144 = arith.constant 0 : i32
      %dma_start3A_145 = arith.constant 0 : i32
      %dma_start3A_146 = tpu.memref_slice %dma_start3A_143[%dma_start3A_144, %dma_start3A_145] : memref<50176x32xf32, #tpu.memory_space<hbm>> -> memref<50176x32xf32, #tpu.memory_space<hbm>>
      tpu.enqueue_indirect_dma source(%dma_start3A_146 : memref<50176x32xf32, #tpu.memory_space<hbm>>) target(%dma_start3A_136 : memref<128x32xf32, #tpu.memory_space<vmem>>) offsets(%dma_start3A_139 : memref<128xi32, #tpu.memory_space<vmem>>) semaphore(%arg8 : memref<!tpu.dma_semaphore, #tpu.memory_space<semaphore_mem>>)
      %add3A_147 = arith.constant 1 : i32
      %add3A_148 = arith.addi %add3A_128, %add3A_147 : i32
      %dma_start3A_149 = arith.constant 256 : i32
      %dma_start3A_150 = arith.constant 0 : i32
      %dma_start3A_151 = tpu.memref_slice %arg6[%dma_start3A_149, %dma_start3A_150] : memref<512x32xf32, #tpu.memory_space<vmem>> -> memref<256x32xf32, #tpu.memory_space<vmem>>
      %dma_start3A_152 = arith.constant 128 : i32
      %dma_start3A_153 = arith.constant 0 : i32
      %dma_start3A_154 = tpu.memref_slice %dma_start3A_151[%dma_start3A_152, %dma_start3A_153] : memref<256x32xf32, #tpu.memory_space<vmem>> -> memref<128x32xf32, #tpu.memory_space<vmem>>
      %dma_start3A_155 = arith.constant 0 : i32
      %dma_start3A_156 = tpu.memref_slice %arg5[%add3A_148, %dma_start3A_155] : memref<16x128xi32, #tpu.memory_space<vmem>> -> memref<1x128xi32, #tpu.memory_space<vmem>>
      %dma_start3A_157 = tpu.memref_squeeze %dma_start3A_156 : memref<1x128xi32, #tpu.memory_space<vmem>> -> memref<128xi32, #tpu.memory_space<vmem>>
      %dma_start3A_158 = arith.constant 0 : i32
      %dma_start3A_159 = arith.constant 0 : i32
      %dma_start3A_160 = tpu.memref_slice %arg2[%arg0, %dma_start3A_158, %dma_start3A_159] : memref<2x50176x32xf32, #tpu.memory_space<hbm>> -> memref<1x50176x32xf32, #tpu.memory_space<hbm>>
      %dma_start3A_161 = tpu.memref_squeeze %dma_start3A_160 : memref<1x50176x32xf32, #tpu.memory_space<hbm>> -> memref<50176x32xf32, #tpu.memory_space<hbm>>
      %dma_start3A_162 = arith.constant 0 : i32
      %dma_start3A_163 = arith.constant 0 : i32
      %dma_start3A_164 = tpu.memref_slice %dma_start3A_161[%dma_start3A_162, %dma_start3A_163] : memref<50176x32xf32, #tpu.memory_space<hbm>> -> memref<50176x32xf32, #tpu.memory_space<hbm>>
      tpu.enqueue_indirect_dma source(%dma_start3A_164 : memref<50176x32xf32, #tpu.memory_space<hbm>>) target(%dma_start3A_154 : memref<128x32xf32, #tpu.memory_space<vmem>>) offsets(%dma_start3A_157 : memref<128xi32, #tpu.memory_space<vmem>>) semaphore(%arg8 : memref<!tpu.dma_semaphore, #tpu.memory_space<semaphore_mem>>)
      %add3A_165 = arith.constant 2 : i32
      %add3A_166 = arith.addi %mul3A_92, %add3A_165 : i32
      %add3A_167 = arith.constant 0 : i32
      %add3A_168 = arith.addi %add3A_166, %add3A_167 : i32
      %dma_start3A_169 = arith.constant 0 : i32
      %dma_start3A_170 = arith.constant 0 : i32
      %dma_start3A_171 = tpu.memref_slice %arg6[%dma_start3A_169, %dma_start3A_170] : memref<512x32xf32, #tpu.memory_space<vmem>> -> memref<256x32xf32, #tpu.memory_space<vmem>>
      %dma_start3A_172 = arith.constant 0 : i32
      %dma_start3A_173 = arith.constant 0 : i32
      %dma_start3A_174 = tpu.memref_slice %dma_start3A_171[%dma_start3A_172, %dma_start3A_173] : memref<256x32xf32, #tpu.memory_space<vmem>> -> memref<128x32xf32, #tpu.memory_space<vmem>>
      %dma_start3A_175 = arith.constant 0 : i32
      %dma_start3A_176 = tpu.memref_slice %arg5[%add3A_168, %dma_start3A_175] : memref<16x128xi32, #tpu.memory_space<vmem>> -> memref<1x128xi32, #tpu.memory_space<vmem>>
      %dma_start3A_177 = tpu.memref_squeeze %dma_start3A_176 : memref<1x128xi32, #tpu.memory_space<vmem>> -> memref<128xi32, #tpu.memory_space<vmem>>
      %dma_start3A_178 = arith.constant 0 : i32
      %dma_start3A_179 = arith.constant 0 : i32
      %dma_start3A_180 = tpu.memref_slice %arg7[%dma_start3A_178, %dma_start3A_179] : memref<50176x32xf32, #tpu.memory_space<vmem_shared>> -> memref<50176x32xf32, #tpu.memory_space<vmem_shared>>
      tpu.enqueue_indirect_dma source(%dma_start3A_174 : memref<128x32xf32, #tpu.memory_space<vmem>>) target(%dma_start3A_180 : memref<50176x32xf32, #tpu.memory_space<vmem_shared>>) offsets(%dma_start3A_177 : memref<128xi32, #tpu.memory_space<vmem>>) semaphore(%arg9 : memref<!tpu.dma_semaphore, #tpu.memory_space<semaphore_mem>>) {add = true}
      %add3A_181 = arith.constant 1 : i32
      %add3A_182 = arith.addi %add3A_166, %add3A_181 : i32
      %dma_start3A_183 = arith.constant 0 : i32
      %dma_start3A_184 = arith.constant 0 : i32
      %dma_start3A_185 = tpu.memref_slice %arg6[%dma_start3A_183, %dma_start3A_184] : memref<512x32xf32, #tpu.memory_space<vmem>> -> memref<256x32xf32, #tpu.memory_space<vmem>>
      %dma_start3A_186 = arith.constant 128 : i32
      %dma_start3A_187 = arith.constant 0 : i32
      %dma_start3A_188 = tpu.memref_slice %dma_start3A_185[%dma_start3A_186, %dma_start3A_187] : memref<256x32xf32, #tpu.memory_space<vmem>> -> memref<128x32xf32, #tpu.memory_space<vmem>>
      %dma_start3A_189 = arith.constant 0 : i32
      %dma_start3A_190 = tpu.memref_slice %arg5[%add3A_182, %dma_start3A_189] : memref<16x128xi32, #tpu.memory_space<vmem>> -> memref<1x128xi32, #tpu.memory_space<vmem>>
      %dma_start3A_191 = tpu.memref_squeeze %dma_start3A_190 : memref<1x128xi32, #tpu.memory_space<vmem>> -> memref<128xi32, #tpu.memory_space<vmem>>
      %dma_start3A_192 = arith.constant 0 : i32
      %dma_start3A_193 = arith.constant 0 : i32
      %dma_start3A_194 = tpu.memref_slice %arg7[%dma_start3A_192, %dma_start3A_193] : memref<50176x32xf32, #tpu.memory_space<vmem_shared>> -> memref<50176x32xf32, #tpu.memory_space<vmem_shared>>
      tpu.enqueue_indirect_dma source(%dma_start3A_188 : memref<128x32xf32, #tpu.memory_space<vmem>>) target(%dma_start3A_194 : memref<50176x32xf32, #tpu.memory_space<vmem_shared>>) offsets(%dma_start3A_191 : memref<128xi32, #tpu.memory_space<vmem>>) semaphore(%arg9 : memref<!tpu.dma_semaphore, #tpu.memory_space<semaphore_mem>>) {add = true}
      %dma_wait3A_195 = arith.constant 0 : i32
      %dma_wait3A_196 = arith.constant 0 : i32
      %dma_wait3A_197 = tpu.memref_slice %arg6[%dma_wait3A_195, %dma_wait3A_196] : memref<512x32xf32, #tpu.memory_space<vmem>> -> memref<256x32xf32, #tpu.memory_space<vmem>>
      %dma_wait3A_198 = arith.constant 0 : i32
      %dma_wait3A_199 = arith.constant 0 : i32
      %dma_wait3A_200 = tpu.memref_slice %arg2[%scan3A_68, %dma_wait3A_198, %dma_wait3A_199] : memref<2x50176x32xf32, #tpu.memory_space<hbm>> -> memref<1x50176x32xf32, #tpu.memory_space<hbm>>
      %dma_wait3A_201 = tpu.memref_squeeze %dma_wait3A_200 : memref<1x50176x32xf32, #tpu.memory_space<hbm>> -> memref<50176x32xf32, #tpu.memory_space<hbm>>
      %dma_wait3A_202 = arith.constant 0 : i32
      %dma_wait3A_203 = arith.constant 0 : i32
      %dma_wait3A_204 = tpu.memref_slice %dma_wait3A_201[%dma_wait3A_202, %dma_wait3A_203] : memref<50176x32xf32, #tpu.memory_space<hbm>> -> memref<256x32xf32, #tpu.memory_space<hbm>>
      %dma_wait3A_205 = arith.constant 0 : i32
      %dma_wait3A_206 = arith.constant 0 : i32
      %dma_wait3A_207 = tpu.memref_slice %arg6[%dma_wait3A_205, %dma_wait3A_206] : memref<512x32xf32, #tpu.memory_space<vmem>> -> memref<256x32xf32, #tpu.memory_space<vmem>>
      %dma_wait3A_208 = arith.constant 0 : i32
      %dma_wait3A_209 = arith.constant 0 : i32
      %dma_wait3A_210 = tpu.memref_slice %arg2[%scan3A_68, %dma_wait3A_208, %dma_wait3A_209] : memref<2x50176x32xf32, #tpu.memory_space<hbm>> -> memref<1x50176x32xf32, #tpu.memory_space<hbm>>
      %dma_wait3A_211 = tpu.memref_squeeze %dma_wait3A_210 : memref<1x50176x32xf32, #tpu.memory_space<hbm>> -> memref<50176x32xf32, #tpu.memory_space<hbm>>
      %dma_wait3A_212 = arith.constant 0 : i32
      %dma_wait3A_213 = arith.constant 0 : i32
      %dma_wait3A_214 = tpu.memref_slice %dma_wait3A_211[%dma_wait3A_212, %dma_wait3A_213] : memref<50176x32xf32, #tpu.memory_space<hbm>> -> memref<256x32xf32, #tpu.memory_space<hbm>>
      tpu.wait_dma2 semaphore(%arg8 : memref<!tpu.dma_semaphore, #tpu.memory_space<semaphore_mem>>) src(%dma_wait3A_214 : memref<256x32xf32, #tpu.memory_space<hbm>>) dst(%dma_wait3A_207 : memref<256x32xf32, #tpu.memory_space<vmem>>)
      %dma_wait3A_215 = arith.constant 0 : i32
      %dma_wait3A_216 = arith.constant 0 : i32
      %dma_wait3A_217 = tpu.memref_slice %arg7[%dma_wait3A_215, %dma_wait3A_216] : memref<50176x32xf32, #tpu.memory_space<vmem_shared>> -> memref<256x32xf32, #tpu.memory_space<vmem_shared>>
      %dma_wait3A_218 = arith.constant 0 : i32
      %dma_wait3A_219 = arith.constant 0 : i32
      %dma_wait3A_220 = tpu.memref_slice %arg2[%scan3A_68, %dma_wait3A_218, %dma_wait3A_219] : memref<2x50176x32xf32, #tpu.memory_space<hbm>> -> memref<1x50176x32xf32, #tpu.memory_space<hbm>>
      %dma_wait3A_221 = tpu.memref_squeeze %dma_wait3A_220 : memref<1x50176x32xf32, #tpu.memory_space<hbm>> -> memref<50176x32xf32, #tpu.memory_space<hbm>>
      %dma_wait3A_222 = arith.constant 0 : i32
      %dma_wait3A_223 = arith.constant 0 : i32
      %dma_wait3A_224 = tpu.memref_slice %dma_wait3A_221[%dma_wait3A_222, %dma_wait3A_223] : memref<50176x32xf32, #tpu.memory_space<hbm>> -> memref<256x32xf32, #tpu.memory_space<hbm>>
      tpu.wait_dma2 semaphore(%arg9 : memref<!tpu.dma_semaphore, #tpu.memory_space<semaphore_mem>>) src(%dma_wait3A_224 : memref<256x32xf32, #tpu.memory_space<hbm>>) dst(%dma_wait3A_217 : memref<256x32xf32, #tpu.memory_space<vmem_shared>>)
      %add3A_225 = arith.constant 1 : i32
      %add3A_226 = arith.addi %scan3A_89, %add3A_225 : i32
      %lt3A_227 = arith.constant 98 : i32
      %lt3A_228 = arith.cmpi slt, %add3A_226, %lt3A_227 : i32
      %convert_element_type3A_229 = arith.extui %lt3A_228 : i1 to i32
      %cond3A_230 = arith.constant 0 : i32
      %cond3A_231 = arith.cmpi ne, %convert_element_type3A_229, %cond3A_230 : i32
      scf.if %cond3A_231 {
        %dma_wait3A_262 = arith.constant 0 : i32
        %dma_wait3A_263 = arith.constant 0 : i32
        %dma_wait3A_264 = tpu.memref_slice %arg5[%mul3A_98, %dma_wait3A_263] : memref<16x128xi32, #tpu.memory_space<vmem>> -> memref<8x128xi32, #tpu.memory_space<vmem>>
        %dma_wait3A_265 = arith.constant 0 : i32
        %dma_wait3A_266 = arith.constant 0 : i32
        %dma_wait3A_267 = tpu.memref_slice %arg3[%dma_wait3A_262, %dma_wait3A_265, %dma_wait3A_266] : memref<1568x8x128xi32, #tpu.memory_space<hbm>> -> memref<1x8x128xi32, #tpu.memory_space<hbm>>
        %dma_wait3A_268 = tpu.memref_squeeze %dma_wait3A_267 : memref<1x8x128xi32, #tpu.memory_space<hbm>> -> memref<8x128xi32, #tpu.memory_space<hbm>>
        %dma_wait3A_269 = arith.constant 0 : i32
        %dma_wait3A_270 = tpu.memref_slice %arg5[%mul3A_98, %dma_wait3A_269] : memref<16x128xi32, #tpu.memory_space<vmem>> -> memref<8x128xi32, #tpu.memory_space<vmem>>
        %dma_wait3A_271 = arith.constant 0 : i32
        %dma_wait3A_272 = arith.constant 0 : i32
        %dma_wait3A_273 = tpu.memref_slice %arg3[%dma_wait3A_262, %dma_wait3A_271, %dma_wait3A_272] : memref<1568x8x128xi32, #tpu.memory_space<hbm>> -> memref<1x8x128xi32, #tpu.memory_space<hbm>>
        %dma_wait3A_274 = tpu.memref_squeeze %dma_wait3A_273 : memref<1x8x128xi32, #tpu.memory_space<hbm>> -> memref<8x128xi32, #tpu.memory_space<hbm>>
        tpu.wait_dma2 semaphore(%arg10 : memref<!tpu.dma_semaphore, #tpu.memory_space<semaphore_mem>>) src(%dma_wait3A_274 : memref<8x128xi32, #tpu.memory_space<hbm>>) dst(%dma_wait3A_270 : memref<8x128xi32, #tpu.memory_space<vmem>>)
        %add3A_275 = arith.constant 0 : i32
        %add3A_276 = arith.addi %mul3A_98, %add3A_275 : i32
        %dma_start3A_277 = arith.constant 0 : i32
        %dma_start3A_278 = arith.constant 0 : i32
        %dma_start3A_279 = tpu.memref_slice %arg6[%dma_start3A_277, %dma_start3A_278] : memref<512x32xf32, #tpu.memory_space<vmem>> -> memref<256x32xf32, #tpu.memory_space<vmem>>
        %dma_start3A_280 = arith.constant 0 : i32
        %dma_start3A_281 = arith.constant 0 : i32
        %dma_start3A_282 = tpu.memref_slice %dma_start3A_279[%dma_start3A_280, %dma_start3A_281] : memref<256x32xf32, #tpu.memory_space<vmem>> -> memref<128x32xf32, #tpu.memory_space<vmem>>
        %dma_start3A_283 = arith.constant 0 : i32
        %dma_start3A_284 = tpu.memref_slice %arg5[%add3A_276, %dma_start3A_283] : memref<16x128xi32, #tpu.memory_space<vmem>> -> memref<1x128xi32, #tpu.memory_space<vmem>>
        %dma_start3A_285 = tpu.memref_squeeze %dma_start3A_284 : memref<1x128xi32, #tpu.memory_space<vmem>> -> memref<128xi32, #tpu.memory_space<vmem>>
        %dma_start3A_286 = arith.constant 0 : i32
        %dma_start3A_287 = arith.constant 0 : i32
        %dma_start3A_288 = tpu.memref_slice %arg2[%arg0, %dma_start3A_286, %dma_start3A_287] : memref<2x50176x32xf32, #tpu.memory_space<hbm>> -> memref<1x50176x32xf32, #tpu.memory_space<hbm>>
        %dma_start3A_289 = tpu.memref_squeeze %dma_start3A_288 : memref<1x50176x32xf32, #tpu.memory_space<hbm>> -> memref<50176x32xf32, #tpu.memory_space<hbm>>
        %dma_start3A_290 = arith.constant 0 : i32
        %dma_start3A_291 = arith.constant 0 : i32
        %dma_start3A_292 = tpu.memref_slice %dma_start3A_289[%dma_start3A_290, %dma_start3A_291] : memref<50176x32xf32, #tpu.memory_space<hbm>> -> memref<50176x32xf32, #tpu.memory_space<hbm>>
        tpu.enqueue_indirect_dma source(%dma_start3A_292 : memref<50176x32xf32, #tpu.memory_space<hbm>>) target(%dma_start3A_282 : memref<128x32xf32, #tpu.memory_space<vmem>>) offsets(%dma_start3A_285 : memref<128xi32, #tpu.memory_space<vmem>>) semaphore(%arg8 : memref<!tpu.dma_semaphore, #tpu.memory_space<semaphore_mem>>)
        %add3A_293 = arith.constant 1 : i32
        %add3A_294 = arith.addi %mul3A_98, %add3A_293 : i32
        %dma_start3A_295 = arith.constant 0 : i32
        %dma_start3A_296 = arith.constant 0 : i32
        %dma_start3A_297 = tpu.memref_slice %arg6[%dma_start3A_295, %dma_start3A_296] : memref<512x32xf32, #tpu.memory_space<vmem>> -> memref<256x32xf32, #tpu.memory_space<vmem>>
        %dma_start3A_298 = arith.constant 128 : i32
        %dma_start3A_299 = arith.constant 0 : i32
        %dma_start3A_300 = tpu.memref_slice %dma_start3A_297[%dma_start3A_298, %dma_start3A_299] : memref<256x32xf32, #tpu.memory_space<vmem>> -> memref<128x32xf32, #tpu.memory_space<vmem>>
        %dma_start3A_301 = arith.constant 0 : i32
        %dma_start3A_302 = tpu.memref_slice %arg5[%add3A_294, %dma_start3A_301] : memref<16x128xi32, #tpu.memory_space<vmem>> -> memref<1x128xi32, #tpu.memory_space<vmem>>
        %dma_start3A_303 = tpu.memref_squeeze %dma_start3A_302 : memref<1x128xi32, #tpu.memory_space<vmem>> -> memref<128xi32, #tpu.memory_space<vmem>>
        %dma_start3A_304 = arith.constant 0 : i32
        %dma_start3A_305 = arith.constant 0 : i32
        %dma_start3A_306 = tpu.memref_slice %arg2[%arg0, %dma_start3A_304, %dma_start3A_305] : memref<2x50176x32xf32, #tpu.memory_space<hbm>> -> memref<1x50176x32xf32, #tpu.memory_space<hbm>>
        %dma_start3A_307 = tpu.memref_squeeze %dma_start3A_306 : memref<1x50176x32xf32, #tpu.memory_space<hbm>> -> memref<50176x32xf32, #tpu.memory_space<hbm>>
        %dma_start3A_308 = arith.constant 0 : i32
        %dma_start3A_309 = arith.constant 0 : i32
        %dma_start3A_310 = tpu.memref_slice %dma_start3A_307[%dma_start3A_308, %dma_start3A_309] : memref<50176x32xf32, #tpu.memory_space<hbm>> -> memref<50176x32xf32, #tpu.memory_space<hbm>>
        tpu.enqueue_indirect_dma source(%dma_start3A_310 : memref<50176x32xf32, #tpu.memory_space<hbm>>) target(%dma_start3A_300 : memref<128x32xf32, #tpu.memory_space<vmem>>) offsets(%dma_start3A_303 : memref<128xi32, #tpu.memory_space<vmem>>) semaphore(%arg8 : memref<!tpu.dma_semaphore, #tpu.memory_space<semaphore_mem>>)
      } else {
      }
      %add3A_232 = arith.constant 6 : i32
      %add3A_233 = arith.addi %mul3A_92, %add3A_232 : i32
      %add3A_234 = arith.constant 0 : i32
      %add3A_235 = arith.addi %add3A_233, %add3A_234 : i32
      %dma_start3A_236 = arith.constant 256 : i32
      %dma_start3A_237 = arith.constant 0 : i32
      %dma_start3A_238 = tpu.memref_slice %arg6[%dma_start3A_236, %dma_start3A_237] : memref<512x32xf32, #tpu.memory_space<vmem>> -> memref<256x32xf32, #tpu.memory_space<vmem>>
      %dma_start3A_239 = arith.constant 0 : i32
      %dma_start3A_240 = arith.constant 0 : i32
      %dma_start3A_241 = tpu.memref_slice %dma_start3A_238[%dma_start3A_239, %dma_start3A_240] : memref<256x32xf32, #tpu.memory_space<vmem>> -> memref<128x32xf32, #tpu.memory_space<vmem>>
      %dma_start3A_242 = arith.constant 0 : i32
      %dma_start3A_243 = tpu.memref_slice %arg5[%add3A_235, %dma_start3A_242] : memref<16x128xi32, #tpu.memory_space<vmem>> -> memref<1x128xi32, #tpu.memory_space<vmem>>
      %dma_start3A_244 = tpu.memref_squeeze %dma_start3A_243 : memref<1x128xi32, #tpu.memory_space<vmem>> -> memref<128xi32, #tpu.memory_space<vmem>>
      %dma_start3A_245 = arith.constant 0 : i32
      %dma_start3A_246 = arith.constant 0 : i32
      %dma_start3A_247 = tpu.memref_slice %arg7[%dma_start3A_245, %dma_start3A_246] : memref<50176x32xf32, #tpu.memory_space<vmem_shared>> -> memref<50176x32xf32, #tpu.memory_space<vmem_shared>>
      tpu.enqueue_indirect_dma source(%dma_start3A_241 : memref<128x32xf32, #tpu.memory_space<vmem>>) target(%dma_start3A_247 : memref<50176x32xf32, #tpu.memory_space<vmem_shared>>) offsets(%dma_start3A_244 : memref<128xi32, #tpu.memory_space<vmem>>) semaphore(%arg9 : memref<!tpu.dma_semaphore, #tpu.memory_space<semaphore_mem>>) {add = true}
      %add3A_248 = arith.constant 1 : i32
      %add3A_249 = arith.addi %add3A_233, %add3A_248 : i32
      %dma_start3A_250 = arith.constant 256 : i32
      %dma_start3A_251 = arith.constant 0 : i32
      %dma_start3A_252 = tpu.memref_slice %arg6[%dma_start3A_250, %dma_start3A_251] : memref<512x32xf32, #tpu.memory_space<vmem>> -> memref<256x32xf32, #tpu.memory_space<vmem>>
      %dma_start3A_253 = arith.constant 128 : i32
      %dma_start3A_254 = arith.constant 0 : i32
      %dma_start3A_255 = tpu.memref_slice %dma_start3A_252[%dma_start3A_253, %dma_start3A_254] : memref<256x32xf32, #tpu.memory_space<vmem>> -> memref<128x32xf32, #tpu.memory_space<vmem>>
      %dma_start3A_256 = arith.constant 0 : i32
      %dma_start3A_257 = tpu.memref_slice %arg5[%add3A_249, %dma_start3A_256] : memref<16x128xi32, #tpu.memory_space<vmem>> -> memref<1x128xi32, #tpu.memory_space<vmem>>
      %dma_start3A_258 = tpu.memref_squeeze %dma_start3A_257 : memref<1x128xi32, #tpu.memory_space<vmem>> -> memref<128xi32, #tpu.memory_space<vmem>>
      %dma_start3A_259 = arith.constant 0 : i32
      %dma_start3A_260 = arith.constant 0 : i32
      %dma_start3A_261 = tpu.memref_slice %arg7[%dma_start3A_259, %dma_start3A_260] : memref<50176x32xf32, #tpu.memory_space<vmem_shared>> -> memref<50176x32xf32, #tpu.memory_space<vmem_shared>>
      tpu.enqueue_indirect_dma source(%dma_start3A_255 : memref<128x32xf32, #tpu.memory_space<vmem>>) target(%dma_start3A_261 : memref<50176x32xf32, #tpu.memory_space<vmem_shared>>) offsets(%dma_start3A_258 : memref<128xi32, #tpu.memory_space<vmem>>) semaphore(%arg9 : memref<!tpu.dma_semaphore, #tpu.memory_space<semaphore_mem>>) {add = true}
    }
    %scan3A_73 = arith.constant 98 : i32
    %dma_wait3A = arith.constant 0 : i32
    %dma_wait3A_74 = arith.constant 0 : i32
    %dma_wait3A_75 = arith.constant 0 : i32
    %dma_wait3A_76 = tpu.memref_slice %arg7[%dma_wait3A_74, %dma_wait3A_75] : memref<50176x32xf32, #tpu.memory_space<vmem_shared>> -> memref<256x32xf32, #tpu.memory_space<vmem_shared>>
    %dma_wait3A_77 = arith.constant 0 : i32
    %dma_wait3A_78 = arith.constant 0 : i32
    %dma_wait3A_79 = tpu.memref_slice %arg2[%dma_wait3A, %dma_wait3A_77, %dma_wait3A_78] : memref<2x50176x32xf32, #tpu.memory_space<hbm>> -> memref<1x50176x32xf32, #tpu.memory_space<hbm>>
    %dma_wait3A_80 = tpu.memref_squeeze %dma_wait3A_79 : memref<1x50176x32xf32, #tpu.memory_space<hbm>> -> memref<50176x32xf32, #tpu.memory_space<hbm>>
    %dma_wait3A_81 = arith.constant 0 : i32
    %dma_wait3A_82 = arith.constant 0 : i32
    %dma_wait3A_83 = tpu.memref_slice %dma_wait3A_80[%dma_wait3A_81, %dma_wait3A_82] : memref<50176x32xf32, #tpu.memory_space<hbm>> -> memref<256x32xf32, #tpu.memory_space<hbm>>
    tpu.wait_dma2 semaphore(%arg9 : memref<!tpu.dma_semaphore, #tpu.memory_space<semaphore_mem>>) src(%dma_wait3A_83 : memref<256x32xf32, #tpu.memory_space<hbm>>) dst(%dma_wait3A_76 : memref<256x32xf32, #tpu.memory_space<vmem_shared>>)
    %barrier3A_84 = arith.constant 0 : index
    tpu.barrier barrier_id(%barrier3A_84)
    %mul3A_85 = arith.constant 3136 : i32
    %mul3A_86 = arith.muli %arg1, %mul3A_85 : i32
    %mul3A_87 = arith.constant 3136 : i32
    %mul3A_88 = arith.muli %arg1, %mul3A_87 : i32
    "tpu.region"() ({
      %run_scoped3A = tpu.sem_alloc : memref<!tpu.dma_semaphore, #tpu.memory_space<semaphore_mem>>
      %dma_start3A_89 = arith.constant 0 : i32
      %dma_start3A_90 = arith.constant 0 : i32
      %dma_start3A_91 = tpu.memref_slice %arg4[%arg0, %dma_start3A_89, %dma_start3A_90] : memref<2x50176x32xf32, #tpu.memory_space<hbm>> -> memref<1x50176x32xf32, #tpu.memory_space<hbm>>
      %dma_start3A_92 = tpu.memref_squeeze %dma_start3A_91 : memref<1x50176x32xf32, #tpu.memory_space<hbm>> -> memref<50176x32xf32, #tpu.memory_space<hbm>>
      %dma_start3A_93 = arith.constant 0 : i32
      %dma_start3A_94 = tpu.memref_slice %dma_start3A_92[%mul3A_88, %dma_start3A_93] : memref<50176x32xf32, #tpu.memory_space<hbm>> -> memref<3136x32xf32, #tpu.memory_space<hbm>>
      %dma_start3A_95 = arith.constant 0 : i32
      %dma_start3A_96 = tpu.memref_slice %arg7[%mul3A_86, %dma_start3A_95] : memref<50176x32xf32, #tpu.memory_space<vmem_shared>> -> memref<3136x32xf32, #tpu.memory_space<vmem_shared>>
      tpu.enqueue_dma source(%dma_start3A_96 : memref<3136x32xf32, #tpu.memory_space<vmem_shared>>) target(%dma_start3A_94 : memref<3136x32xf32, #tpu.memory_space<hbm>>) target_semaphore(%run_scoped3A : memref<!tpu.dma_semaphore, #tpu.memory_space<semaphore_mem>>)
      %dma_wait3A_97 = arith.constant 0 : i32
      %dma_wait3A_98 = arith.constant 0 : i32
      %dma_wait3A_99 = tpu.memref_slice %arg4[%arg0, %dma_wait3A_97, %dma_wait3A_98] : memref<2x50176x32xf32, #tpu.memory_space<hbm>> -> memref<1x50176x32xf32, #tpu.memory_space<hbm>>
      %dma_wait3A_100 = tpu.memref_squeeze %dma_wait3A_99 : memref<1x50176x32xf32, #tpu.memory_space<hbm>> -> memref<50176x32xf32, #tpu.memory_space<hbm>>
      %dma_wait3A_101 = arith.constant 0 : i32
      %dma_wait3A_102 = tpu.memref_slice %dma_wait3A_100[%mul3A_88, %dma_wait3A_101] : memref<50176x32xf32, #tpu.memory_space<hbm>> -> memref<3136x32xf32, #tpu.memory_space<hbm>>
      %dma_wait3A_103 = arith.constant 0 : i32
      %dma_wait3A_104 = tpu.memref_slice %arg7[%mul3A_86, %dma_wait3A_103] : memref<50176x32xf32, #tpu.memory_space<vmem_shared>> -> memref<3136x32xf32, #tpu.memory_space<vmem_shared>>
      tpu.wait_dma2 semaphore(%run_scoped3A : memref<!tpu.dma_semaphore, #tpu.memory_space<semaphore_mem>>) src(%dma_wait3A_104 : memref<3136x32xf32, #tpu.memory_space<vmem_shared>>) dst(%dma_wait3A_102 : memref<3136x32xf32, #tpu.memory_space<hbm>>)
      tpu.yield
    }) : () -> ()
    return
  }
}

#map = affine_map<(d0, d1) -> (0, 0, 0)>
module attributes {stable_mosaic.version = 14 : i64} {
  func.func @_edge_segsum_body(%arg0: i32, %arg1: i32, %arg2: memref<2x50176x32xf32, #tpu.memory_space<hbm>>, %arg3: memref<1568x8x128xi32, #tpu.memory_space<hbm>>, %arg4: memref<2x50176x32xf32, #tpu.memory_space<hbm>>, %arg5: memref<16x128xi32, #tpu.memory_space<vmem>>, %arg6: memref<512x32xf32, #tpu.memory_space<vmem>>, %arg7: memref<50176x32xf32, #tpu.memory_space<vmem_shared>>, %arg8: memref<!tpu.dma_semaphore, #tpu.memory_space<semaphore_mem>>, %arg9: memref<!tpu.dma_semaphore, #tpu.memory_space<semaphore_mem>>, %arg10: memref<!tpu.dma_semaphore, #tpu.memory_space<semaphore_mem>>) attributes {dimension_semantics = [#tpu.dimension_semantics<core_parallel>, #tpu.dimension_semantics<subcore_parallel>], iteration_bounds = array<i64: 2, 16>, scalar_prefetch = 0 : i64, scratch_operands = 6 : i64, tpu.core_type = #tpu.core_type<sc_vector_subcore>, window_params = [{transform_indices = #map}, {transform_indices = #map}, {transform_indices = #map}]} {
    %broadcast_in_dim3A = arith.constant 0.000000e+00 : f32
    %broadcast_in_dim3A_0 = vector.broadcast %broadcast_in_dim3A : f32 to vector<16xf32>
    %scan3A = arith.constant 0 : i32
    %scan3A_1 = arith.constant 0 : i32
    %scan3A_2 = arith.constant 512 : i32
    %scan3A_3 = arith.addi %scan3A_1, %scan3A_2 : i32
    %scan3A_4 = arith.constant 1 : i32
    scf.for %scan3A_89 = %scan3A_1 to %scan3A_3 step %scan3A_4  : i32 {
      %swap3A = arith.index_cast %scan3A_89 : i32 to index
      %swap3A_90 = arith.constant 0 : index
      %swap3A_91 = tpu.vector_load %arg6[%swap3A, %swap3A_90] {strides = array<i32>} : memref<512x32xf32, #tpu.memory_space<vmem>>, vector<1x16xf32>,
      %swap3A_92 = vector.shape_cast %swap3A_91 : vector<1x16xf32> to vector<16xf32>
      %swap3A_93 = vector.shape_cast %broadcast_in_dim3A_0 : vector<16xf32> to vector<1x16xf32>
      tpu.vector_store %arg6[%swap3A, %swap3A_90], %swap3A_93 {strides = array<i32>} : memref<512x32xf32, #tpu.memory_space<vmem>>, vector<1x16xf32>,
      %swap3A_94 = arith.index_cast %scan3A_89 : i32 to index
      %swap3A_95 = arith.constant 16 : index
      %swap3A_96 = tpu.vector_load %arg6[%swap3A_94, %swap3A_95] {strides = array<i32>} : memref<512x32xf32, #tpu.memory_space<vmem>>, vector<1x16xf32>,
      %swap3A_97 = vector.shape_cast %swap3A_96 : vector<1x16xf32> to vector<16xf32>
      %swap3A_98 = vector.shape_cast %broadcast_in_dim3A_0 : vector<16xf32> to vector<1x16xf32>
      tpu.vector_store %arg6[%swap3A_94, %swap3A_95], %swap3A_98 {strides = array<i32>} : memref<512x32xf32, #tpu.memory_space<vmem>>, vector<1x16xf32>,
    }
    %scan3A_5 = arith.constant 512 : i32
    %mul3A = arith.constant 3136 : i32
    %mul3A_6 = arith.muli %arg1, %mul3A : i32
    %add3A = arith.constant 0 : i32
    %add3A_7 = arith.addi %mul3A_6, %add3A : i32
    "tpu.region"() ({
      %run_scoped3A = tpu.sem_alloc : memref<!tpu.dma_semaphore, #tpu.memory_space<semaphore_mem>>
      %dma_start3A_89 = arith.constant 0 : i32
      %dma_start3A_90 = arith.constant 0 : i32
      %dma_start3A_91 = tpu.memref_slice %arg6[%dma_start3A_89, %dma_start3A_90] : memref<512x32xf32, #tpu.memory_space<vmem>> -> memref<512x32xf32, #tpu.memory_space<vmem>>
      %dma_start3A_92 = arith.constant 0 : i32
      %dma_start3A_93 = tpu.memref_slice %arg7[%add3A_7, %dma_start3A_92] : memref<50176x32xf32, #tpu.memory_space<vmem_shared>> -> memref<512x32xf32, #tpu.memory_space<vmem_shared>>
      %dma_start3A_94 = arith.constant 0 : i32
      %dma_start3A_95 = tpu.memref_slice %arg7[%add3A_7, %dma_start3A_94] : memref<50176x32xf32, #tpu.memory_space<vmem_shared>> -> memref<512x32xf32, #tpu.memory_space<vmem_shared>>
      %dma_start3A_96 = arith.constant 0 : i32
      %dma_start3A_97 = arith.constant 0 : i32
      %dma_start3A_98 = tpu.memref_slice %arg6[%dma_start3A_96, %dma_start3A_97] : memref<512x32xf32, #tpu.memory_space<vmem>> -> memref<512x32xf32, #tpu.memory_space<vmem>>
      tpu.enqueue_dma source(%dma_start3A_98 : memref<512x32xf32, #tpu.memory_space<vmem>>) target(%dma_start3A_95 : memref<512x32xf32, #tpu.memory_space<vmem_shared>>) target_semaphore(%run_scoped3A : memref<!tpu.dma_semaphore, #tpu.memory_space<semaphore_mem>>)
      %dma_wait3A_99 = arith.constant 0 : i32
      %dma_wait3A_100 = arith.constant 0 : i32
      %dma_wait3A_101 = tpu.memref_slice %arg6[%dma_wait3A_99, %dma_wait3A_100] : memref<512x32xf32, #tpu.memory_space<vmem>> -> memref<512x32xf32, #tpu.memory_space<vmem>>
      %dma_wait3A_102 = arith.constant 0 : i32
      %dma_wait3A_103 = tpu.memref_slice %arg7[%add3A_7, %dma_wait3A_102] : memref<50176x32xf32, #tpu.memory_space<vmem_shared>> -> memref<512x32xf32, #tpu.memory_space<vmem_shared>>
      %dma_wait3A_104 = arith.constant 0 : i32
      %dma_wait3A_105 = tpu.memref_slice %arg7[%add3A_7, %dma_wait3A_104] : memref<50176x32xf32, #tpu.memory_space<vmem_shared>> -> memref<512x32xf32, #tpu.memory_space<vmem_shared>>
      %dma_wait3A_106 = arith.constant 0 : i32
      %dma_wait3A_107 = arith.constant 0 : i32
      %dma_wait3A_108 = tpu.memref_slice %arg6[%dma_wait3A_106, %dma_wait3A_107] : memref<512x32xf32, #tpu.memory_space<vmem>> -> memref<512x32xf32, #tpu.memory_space<vmem>>
      tpu.wait_dma2 semaphore(%run_scoped3A : memref<!tpu.dma_semaphore, #tpu.memory_space<semaphore_mem>>) src(%dma_wait3A_108 : memref<512x32xf32, #tpu.memory_space<vmem>>) dst(%dma_wait3A_105 : memref<512x32xf32, #tpu.memory_space<vmem_shared>>)
      tpu.yield
    }) : () -> ()
    %mul3A_8 = arith.constant 3136 : i32
    %mul3A_9 = arith.muli %arg1, %mul3A_8 : i32
    %add3A_10 = arith.constant 512 : i32
    %add3A_11 = arith.addi %mul3A_9, %add3A_10 : i32
    "tpu.region"() ({
      %run_scoped3A = tpu.sem_alloc : memref<!tpu.dma_semaphore, #tpu.memory_space<semaphore_mem>>
      %dma_start3A_89 = arith.constant 0 : i32
      %dma_start3A_90 = arith.constant 0 : i32
      %dma_start3A_91 = tpu.memref_slice %arg6[%dma_start3A_89, %dma_start3A_90] : memref<512x32xf32, #tpu.memory_space<vmem>> -> memref<512x32xf32, #tpu.memory_space<vmem>>
      %dma_start3A_92 = arith.constant 0 : i32
      %dma_start3A_93 = tpu.memref_slice %arg7[%add3A_11, %dma_start3A_92] : memref<50176x32xf32, #tpu.memory_space<vmem_shared>> -> memref<512x32xf32, #tpu.memory_space<vmem_shared>>
      %dma_start3A_94 = arith.constant 0 : i32
      %dma_start3A_95 = tpu.memref_slice %arg7[%add3A_11, %dma_start3A_94] : memref<50176x32xf32, #tpu.memory_space<vmem_shared>> -> memref<512x32xf32, #tpu.memory_space<vmem_shared>>
      %dma_start3A_96 = arith.constant 0 : i32
      %dma_start3A_97 = arith.constant 0 : i32
      %dma_start3A_98 = tpu.memref_slice %arg6[%dma_start3A_96, %dma_start3A_97] : memref<512x32xf32, #tpu.memory_space<vmem>> -> memref<512x32xf32, #tpu.memory_space<vmem>>
      tpu.enqueue_dma source(%dma_start3A_98 : memref<512x32xf32, #tpu.memory_space<vmem>>) target(%dma_start3A_95 : memref<512x32xf32, #tpu.memory_space<vmem_shared>>) target_semaphore(%run_scoped3A : memref<!tpu.dma_semaphore, #tpu.memory_space<semaphore_mem>>)
      %dma_wait3A_99 = arith.constant 0 : i32
      %dma_wait3A_100 = arith.constant 0 : i32
      %dma_wait3A_101 = tpu.memref_slice %arg6[%dma_wait3A_99, %dma_wait3A_100] : memref<512x32xf32, #tpu.memory_space<vmem>> -> memref<512x32xf32, #tpu.memory_space<vmem>>
      %dma_wait3A_102 = arith.constant 0 : i32
      %dma_wait3A_103 = tpu.memref_slice %arg7[%add3A_11, %dma_wait3A_102] : memref<50176x32xf32, #tpu.memory_space<vmem_shared>> -> memref<512x32xf32, #tpu.memory_space<vmem_shared>>
      %dma_wait3A_104 = arith.constant 0 : i32
      %dma_wait3A_105 = tpu.memref_slice %arg7[%add3A_11, %dma_wait3A_104] : memref<50176x32xf32, #tpu.memory_space<vmem_shared>> -> memref<512x32xf32, #tpu.memory_space<vmem_shared>>
      %dma_wait3A_106 = arith.constant 0 : i32
      %dma_wait3A_107 = arith.constant 0 : i32
      %dma_wait3A_108 = tpu.memref_slice %arg6[%dma_wait3A_106, %dma_wait3A_107] : memref<512x32xf32, #tpu.memory_space<vmem>> -> memref<512x32xf32, #tpu.memory_space<vmem>>
      tpu.wait_dma2 semaphore(%run_scoped3A : memref<!tpu.dma_semaphore, #tpu.memory_space<semaphore_mem>>) src(%dma_wait3A_108 : memref<512x32xf32, #tpu.memory_space<vmem>>) dst(%dma_wait3A_105 : memref<512x32xf32, #tpu.memory_space<vmem_shared>>)
      tpu.yield
    }) : () -> ()
    %mul3A_12 = arith.constant 3136 : i32
    %mul3A_13 = arith.muli %arg1, %mul3A_12 : i32
    %add3A_14 = arith.constant 1024 : i32
    %add3A_15 = arith.addi %mul3A_13, %add3A_14 : i32
    "tpu.region"() ({
      %run_scoped3A = tpu.sem_alloc : memref<!tpu.dma_semaphore, #tpu.memory_space<semaphore_mem>>
      %dma_start3A_89 = arith.constant 0 : i32
      %dma_start3A_90 = arith.constant 0 : i32
      %dma_start3A_91 = tpu.memref_slice %arg6[%dma_start3A_89, %dma_start3A_90] : memref<512x32xf32, #tpu.memory_space<vmem>> -> memref<512x32xf32, #tpu.memory_space<vmem>>
      %dma_start3A_92 = arith.constant 0 : i32
      %dma_start3A_93 = tpu.memref_slice %arg7[%add3A_15, %dma_start3A_92] : memref<50176x32xf32, #tpu.memory_space<vmem_shared>> -> memref<512x32xf32, #tpu.memory_space<vmem_shared>>
      %dma_start3A_94 = arith.constant 0 : i32
      %dma_start3A_95 = tpu.memref_slice %arg7[%add3A_15, %dma_start3A_94] : memref<50176x32xf32, #tpu.memory_space<vmem_shared>> -> memref<512x32xf32, #tpu.memory_space<vmem_shared>>
      %dma_start3A_96 = arith.constant 0 : i32
      %dma_start3A_97 = arith.constant 0 : i32
      %dma_start3A_98 = tpu.memref_slice %arg6[%dma_start3A_96, %dma_start3A_97] : memref<512x32xf32, #tpu.memory_space<vmem>> -> memref<512x32xf32, #tpu.memory_space<vmem>>
      tpu.enqueue_dma source(%dma_start3A_98 : memref<512x32xf32, #tpu.memory_space<vmem>>) target(%dma_start3A_95 : memref<512x32xf32, #tpu.memory_space<vmem_shared>>) target_semaphore(%run_scoped3A : memref<!tpu.dma_semaphore, #tpu.memory_space<semaphore_mem>>)
      %dma_wait3A_99 = arith.constant 0 : i32
      %dma_wait3A_100 = arith.constant 0 : i32
      %dma_wait3A_101 = tpu.memref_slice %arg6[%dma_wait3A_99, %dma_wait3A_100] : memref<512x32xf32, #tpu.memory_space<vmem>> -> memref<512x32xf32, #tpu.memory_space<vmem>>
      %dma_wait3A_102 = arith.constant 0 : i32
      %dma_wait3A_103 = tpu.memref_slice %arg7[%add3A_15, %dma_wait3A_102] : memref<50176x32xf32, #tpu.memory_space<vmem_shared>> -> memref<512x32xf32, #tpu.memory_space<vmem_shared>>
      %dma_wait3A_104 = arith.constant 0 : i32
      %dma_wait3A_105 = tpu.memref_slice %arg7[%add3A_15, %dma_wait3A_104] : memref<50176x32xf32, #tpu.memory_space<vmem_shared>> -> memref<512x32xf32, #tpu.memory_space<vmem_shared>>
      %dma_wait3A_106 = arith.constant 0 : i32
      %dma_wait3A_107 = arith.constant 0 : i32
      %dma_wait3A_108 = tpu.memref_slice %arg6[%dma_wait3A_106, %dma_wait3A_107] : memref<512x32xf32, #tpu.memory_space<vmem>> -> memref<512x32xf32, #tpu.memory_space<vmem>>
      tpu.wait_dma2 semaphore(%run_scoped3A : memref<!tpu.dma_semaphore, #tpu.memory_space<semaphore_mem>>) src(%dma_wait3A_108 : memref<512x32xf32, #tpu.memory_space<vmem>>) dst(%dma_wait3A_105 : memref<512x32xf32, #tpu.memory_space<vmem_shared>>)
      tpu.yield
    }) : () -> ()
    %mul3A_16 = arith.constant 3136 : i32
    %mul3A_17 = arith.muli %arg1, %mul3A_16 : i32
    %add3A_18 = arith.constant 1536 : i32
    %add3A_19 = arith.addi %mul3A_17, %add3A_18 : i32
    "tpu.region"() ({
      %run_scoped3A = tpu.sem_alloc : memref<!tpu.dma_semaphore, #tpu.memory_space<semaphore_mem>>
      %dma_start3A_89 = arith.constant 0 : i32
      %dma_start3A_90 = arith.constant 0 : i32
      %dma_start3A_91 = tpu.memref_slice %arg6[%dma_start3A_89, %dma_start3A_90] : memref<512x32xf32, #tpu.memory_space<vmem>> -> memref<512x32xf32, #tpu.memory_space<vmem>>
      %dma_start3A_92 = arith.constant 0 : i32
      %dma_start3A_93 = tpu.memref_slice %arg7[%add3A_19, %dma_start3A_92] : memref<50176x32xf32, #tpu.memory_space<vmem_shared>> -> memref<512x32xf32, #tpu.memory_space<vmem_shared>>
      %dma_start3A_94 = arith.constant 0 : i32
      %dma_start3A_95 = tpu.memref_slice %arg7[%add3A_19, %dma_start3A_94] : memref<50176x32xf32, #tpu.memory_space<vmem_shared>> -> memref<512x32xf32, #tpu.memory_space<vmem_shared>>
      %dma_start3A_96 = arith.constant 0 : i32
      %dma_start3A_97 = arith.constant 0 : i32
      %dma_start3A_98 = tpu.memref_slice %arg6[%dma_start3A_96, %dma_start3A_97] : memref<512x32xf32, #tpu.memory_space<vmem>> -> memref<512x32xf32, #tpu.memory_space<vmem>>
      tpu.enqueue_dma source(%dma_start3A_98 : memref<512x32xf32, #tpu.memory_space<vmem>>) target(%dma_start3A_95 : memref<512x32xf32, #tpu.memory_space<vmem_shared>>) target_semaphore(%run_scoped3A : memref<!tpu.dma_semaphore, #tpu.memory_space<semaphore_mem>>)
      %dma_wait3A_99 = arith.constant 0 : i32
      %dma_wait3A_100 = arith.constant 0 : i32
      %dma_wait3A_101 = tpu.memref_slice %arg6[%dma_wait3A_99, %dma_wait3A_100] : memref<512x32xf32, #tpu.memory_space<vmem>> -> memref<512x32xf32, #tpu.memory_space<vmem>>
      %dma_wait3A_102 = arith.constant 0 : i32
      %dma_wait3A_103 = tpu.memref_slice %arg7[%add3A_19, %dma_wait3A_102] : memref<50176x32xf32, #tpu.memory_space<vmem_shared>> -> memref<512x32xf32, #tpu.memory_space<vmem_shared>>
      %dma_wait3A_104 = arith.constant 0 : i32
      %dma_wait3A_105 = tpu.memref_slice %arg7[%add3A_19, %dma_wait3A_104] : memref<50176x32xf32, #tpu.memory_space<vmem_shared>> -> memref<512x32xf32, #tpu.memory_space<vmem_shared>>
      %dma_wait3A_106 = arith.constant 0 : i32
      %dma_wait3A_107 = arith.constant 0 : i32
      %dma_wait3A_108 = tpu.memref_slice %arg6[%dma_wait3A_106, %dma_wait3A_107] : memref<512x32xf32, #tpu.memory_space<vmem>> -> memref<512x32xf32, #tpu.memory_space<vmem>>
      tpu.wait_dma2 semaphore(%run_scoped3A : memref<!tpu.dma_semaphore, #tpu.memory_space<semaphore_mem>>) src(%dma_wait3A_108 : memref<512x32xf32, #tpu.memory_space<vmem>>) dst(%dma_wait3A_105 : memref<512x32xf32, #tpu.memory_space<vmem_shared>>)
      tpu.yield
    }) : () -> ()
    %mul3A_20 = arith.constant 3136 : i32
    %mul3A_21 = arith.muli %arg1, %mul3A_20 : i32
    %add3A_22 = arith.constant 2048 : i32
    %add3A_23 = arith.addi %mul3A_21, %add3A_22 : i32
    "tpu.region"() ({
      %run_scoped3A = tpu.sem_alloc : memref<!tpu.dma_semaphore, #tpu.memory_space<semaphore_mem>>
      %dma_start3A_89 = arith.constant 0 : i32
      %dma_start3A_90 = arith.constant 0 : i32
      %dma_start3A_91 = tpu.memref_slice %arg6[%dma_start3A_89, %dma_start3A_90] : memref<512x32xf32, #tpu.memory_space<vmem>> -> memref<512x32xf32, #tpu.memory_space<vmem>>
      %dma_start3A_92 = arith.constant 0 : i32
      %dma_start3A_93 = tpu.memref_slice %arg7[%add3A_23, %dma_start3A_92] : memref<50176x32xf32, #tpu.memory_space<vmem_shared>> -> memref<512x32xf32, #tpu.memory_space<vmem_shared>>
      %dma_start3A_94 = arith.constant 0 : i32
      %dma_start3A_95 = tpu.memref_slice %arg7[%add3A_23, %dma_start3A_94] : memref<50176x32xf32, #tpu.memory_space<vmem_shared>> -> memref<512x32xf32, #tpu.memory_space<vmem_shared>>
      %dma_start3A_96 = arith.constant 0 : i32
      %dma_start3A_97 = arith.constant 0 : i32
      %dma_start3A_98 = tpu.memref_slice %arg6[%dma_start3A_96, %dma_start3A_97] : memref<512x32xf32, #tpu.memory_space<vmem>> -> memref<512x32xf32, #tpu.memory_space<vmem>>
      tpu.enqueue_dma source(%dma_start3A_98 : memref<512x32xf32, #tpu.memory_space<vmem>>) target(%dma_start3A_95 : memref<512x32xf32, #tpu.memory_space<vmem_shared>>) target_semaphore(%run_scoped3A : memref<!tpu.dma_semaphore, #tpu.memory_space<semaphore_mem>>)
      %dma_wait3A_99 = arith.constant 0 : i32
      %dma_wait3A_100 = arith.constant 0 : i32
      %dma_wait3A_101 = tpu.memref_slice %arg6[%dma_wait3A_99, %dma_wait3A_100] : memref<512x32xf32, #tpu.memory_space<vmem>> -> memref<512x32xf32, #tpu.memory_space<vmem>>
      %dma_wait3A_102 = arith.constant 0 : i32
      %dma_wait3A_103 = tpu.memref_slice %arg7[%add3A_23, %dma_wait3A_102] : memref<50176x32xf32, #tpu.memory_space<vmem_shared>> -> memref<512x32xf32, #tpu.memory_space<vmem_shared>>
      %dma_wait3A_104 = arith.constant 0 : i32
      %dma_wait3A_105 = tpu.memref_slice %arg7[%add3A_23, %dma_wait3A_104] : memref<50176x32xf32, #tpu.memory_space<vmem_shared>> -> memref<512x32xf32, #tpu.memory_space<vmem_shared>>
      %dma_wait3A_106 = arith.constant 0 : i32
      %dma_wait3A_107 = arith.constant 0 : i32
      %dma_wait3A_108 = tpu.memref_slice %arg6[%dma_wait3A_106, %dma_wait3A_107] : memref<512x32xf32, #tpu.memory_space<vmem>> -> memref<512x32xf32, #tpu.memory_space<vmem>>
      tpu.wait_dma2 semaphore(%run_scoped3A : memref<!tpu.dma_semaphore, #tpu.memory_space<semaphore_mem>>) src(%dma_wait3A_108 : memref<512x32xf32, #tpu.memory_space<vmem>>) dst(%dma_wait3A_105 : memref<512x32xf32, #tpu.memory_space<vmem_shared>>)
      tpu.yield
    }) : () -> ()
    %mul3A_24 = arith.constant 3136 : i32
    %mul3A_25 = arith.muli %arg1, %mul3A_24 : i32
    %add3A_26 = arith.constant 2560 : i32
    %add3A_27 = arith.addi %mul3A_25, %add3A_26 : i32
    "tpu.region"() ({
      %run_scoped3A = tpu.sem_alloc : memref<!tpu.dma_semaphore, #tpu.memory_space<semaphore_mem>>
      %dma_start3A_89 = arith.constant 0 : i32
      %dma_start3A_90 = arith.constant 0 : i32
      %dma_start3A_91 = tpu.memref_slice %arg6[%dma_start3A_89, %dma_start3A_90] : memref<512x32xf32, #tpu.memory_space<vmem>> -> memref<512x32xf32, #tpu.memory_space<vmem>>
      %dma_start3A_92 = arith.constant 0 : i32
      %dma_start3A_93 = tpu.memref_slice %arg7[%add3A_27, %dma_start3A_92] : memref<50176x32xf32, #tpu.memory_space<vmem_shared>> -> memref<512x32xf32, #tpu.memory_space<vmem_shared>>
      %dma_start3A_94 = arith.constant 0 : i32
      %dma_start3A_95 = tpu.memref_slice %arg7[%add3A_27, %dma_start3A_94] : memref<50176x32xf32, #tpu.memory_space<vmem_shared>> -> memref<512x32xf32, #tpu.memory_space<vmem_shared>>
      %dma_start3A_96 = arith.constant 0 : i32
      %dma_start3A_97 = arith.constant 0 : i32
      %dma_start3A_98 = tpu.memref_slice %arg6[%dma_start3A_96, %dma_start3A_97] : memref<512x32xf32, #tpu.memory_space<vmem>> -> memref<512x32xf32, #tpu.memory_space<vmem>>
      tpu.enqueue_dma source(%dma_start3A_98 : memref<512x32xf32, #tpu.memory_space<vmem>>) target(%dma_start3A_95 : memref<512x32xf32, #tpu.memory_space<vmem_shared>>) target_semaphore(%run_scoped3A : memref<!tpu.dma_semaphore, #tpu.memory_space<semaphore_mem>>)
      %dma_wait3A_99 = arith.constant 0 : i32
      %dma_wait3A_100 = arith.constant 0 : i32
      %dma_wait3A_101 = tpu.memref_slice %arg6[%dma_wait3A_99, %dma_wait3A_100] : memref<512x32xf32, #tpu.memory_space<vmem>> -> memref<512x32xf32, #tpu.memory_space<vmem>>
      %dma_wait3A_102 = arith.constant 0 : i32
      %dma_wait3A_103 = tpu.memref_slice %arg7[%add3A_27, %dma_wait3A_102] : memref<50176x32xf32, #tpu.memory_space<vmem_shared>> -> memref<512x32xf32, #tpu.memory_space<vmem_shared>>
      %dma_wait3A_104 = arith.constant 0 : i32
      %dma_wait3A_105 = tpu.memref_slice %arg7[%add3A_27, %dma_wait3A_104] : memref<50176x32xf32, #tpu.memory_space<vmem_shared>> -> memref<512x32xf32, #tpu.memory_space<vmem_shared>>
      %dma_wait3A_106 = arith.constant 0 : i32
      %dma_wait3A_107 = arith.constant 0 : i32
      %dma_wait3A_108 = tpu.memref_slice %arg6[%dma_wait3A_106, %dma_wait3A_107] : memref<512x32xf32, #tpu.memory_space<vmem>> -> memref<512x32xf32, #tpu.memory_space<vmem>>
      tpu.wait_dma2 semaphore(%run_scoped3A : memref<!tpu.dma_semaphore, #tpu.memory_space<semaphore_mem>>) src(%dma_wait3A_108 : memref<512x32xf32, #tpu.memory_space<vmem>>) dst(%dma_wait3A_105 : memref<512x32xf32, #tpu.memory_space<vmem_shared>>)
      tpu.yield
    }) : () -> ()
    %mul3A_28 = arith.constant 3136 : i32
    %mul3A_29 = arith.muli %arg1, %mul3A_28 : i32
    %add3A_30 = arith.constant 3072 : i32
    %add3A_31 = arith.addi %mul3A_29, %add3A_30 : i32
    "tpu.region"() ({
      %run_scoped3A = tpu.sem_alloc : memref<!tpu.dma_semaphore, #tpu.memory_space<semaphore_mem>>
      %dma_start3A_89 = arith.constant 0 : i32
      %dma_start3A_90 = arith.constant 0 : i32
      %dma_start3A_91 = tpu.memref_slice %arg6[%dma_start3A_89, %dma_start3A_90] : memref<512x32xf32, #tpu.memory_space<vmem>> -> memref<64x32xf32, #tpu.memory_space<vmem>>
      %dma_start3A_92 = arith.constant 0 : i32
      %dma_start3A_93 = tpu.memref_slice %arg7[%add3A_31, %dma_start3A_92] : memref<50176x32xf32, #tpu.memory_space<vmem_shared>> -> memref<64x32xf32, #tpu.memory_space<vmem_shared>>
      %dma_start3A_94 = arith.constant 0 : i32
      %dma_start3A_95 = tpu.memref_slice %arg7[%add3A_31, %dma_start3A_94] : memref<50176x32xf32, #tpu.memory_space<vmem_shared>> -> memref<64x32xf32, #tpu.memory_space<vmem_shared>>
      %dma_start3A_96 = arith.constant 0 : i32
      %dma_start3A_97 = arith.constant 0 : i32
      %dma_start3A_98 = tpu.memref_slice %arg6[%dma_start3A_96, %dma_start3A_97] : memref<512x32xf32, #tpu.memory_space<vmem>> -> memref<64x32xf32, #tpu.memory_space<vmem>>
      tpu.enqueue_dma source(%dma_start3A_98 : memref<64x32xf32, #tpu.memory_space<vmem>>) target(%dma_start3A_95 : memref<64x32xf32, #tpu.memory_space<vmem_shared>>) target_semaphore(%run_scoped3A : memref<!tpu.dma_semaphore, #tpu.memory_space<semaphore_mem>>)
      %dma_wait3A_99 = arith.constant 0 : i32
      %dma_wait3A_100 = arith.constant 0 : i32
      %dma_wait3A_101 = tpu.memref_slice %arg6[%dma_wait3A_99, %dma_wait3A_100] : memref<512x32xf32, #tpu.memory_space<vmem>> -> memref<64x32xf32, #tpu.memory_space<vmem>>
      %dma_wait3A_102 = arith.constant 0 : i32
      %dma_wait3A_103 = tpu.memref_slice %arg7[%add3A_31, %dma_wait3A_102] : memref<50176x32xf32, #tpu.memory_space<vmem_shared>> -> memref<64x32xf32, #tpu.memory_space<vmem_shared>>
      %dma_wait3A_104 = arith.constant 0 : i32
      %dma_wait3A_105 = tpu.memref_slice %arg7[%add3A_31, %dma_wait3A_104] : memref<50176x32xf32, #tpu.memory_space<vmem_shared>> -> memref<64x32xf32, #tpu.memory_space<vmem_shared>>
      %dma_wait3A_106 = arith.constant 0 : i32
      %dma_wait3A_107 = arith.constant 0 : i32
      %dma_wait3A_108 = tpu.memref_slice %arg6[%dma_wait3A_106, %dma_wait3A_107] : memref<512x32xf32, #tpu.memory_space<vmem>> -> memref<64x32xf32, #tpu.memory_space<vmem>>
      tpu.wait_dma2 semaphore(%run_scoped3A : memref<!tpu.dma_semaphore, #tpu.memory_space<semaphore_mem>>) src(%dma_wait3A_108 : memref<64x32xf32, #tpu.memory_space<vmem>>) dst(%dma_wait3A_105 : memref<64x32xf32, #tpu.memory_space<vmem_shared>>)
      tpu.yield
    }) : () -> ()
    %barrier3A = arith.constant 0 : index
    tpu.barrier barrier_id(%barrier3A)
    %mul3A_32 = arith.constant 98 : i32
    %mul3A_33 = arith.muli %arg1, %mul3A_32 : i32
    "tpu.region"() ({
      %run_scoped3A = tpu.sem_alloc : memref<!tpu.dma_semaphore, #tpu.memory_space<semaphore_mem>>
      %dma_start3A_89 = arith.constant 0 : i32
      %dma_start3A_90 = arith.constant 0 : i32
      %dma_start3A_91 = tpu.memref_slice %arg5[%dma_start3A_89, %dma_start3A_90] : memref<16x128xi32, #tpu.memory_space<vmem>> -> memref<8x128xi32, #tpu.memory_space<vmem>>
      %dma_start3A_92 = arith.constant 0 : i32
      %dma_start3A_93 = arith.constant 0 : i32
      %dma_start3A_94 = tpu.memref_slice %arg3[%mul3A_33, %dma_start3A_92, %dma_start3A_93] : memref<1568x8x128xi32, #tpu.memory_space<hbm>> -> memref<1x8x128xi32, #tpu.memory_space<hbm>>
      %dma_start3A_95 = tpu.memref_squeeze %dma_start3A_94 : memref<1x8x128xi32, #tpu.memory_space<hbm>> -> memref<8x128xi32, #tpu.memory_space<hbm>>
      %dma_start3A_96 = arith.constant 0 : i32
      %dma_start3A_97 = arith.constant 0 : i32
      %dma_start3A_98 = tpu.memref_slice %arg5[%dma_start3A_96, %dma_start3A_97] : memref<16x128xi32, #tpu.memory_space<vmem>> -> memref<8x128xi32, #tpu.memory_space<vmem>>
      %dma_start3A_99 = arith.constant 0 : i32
      %dma_start3A_100 = arith.constant 0 : i32
      %dma_start3A_101 = tpu.memref_slice %arg3[%mul3A_33, %dma_start3A_99, %dma_start3A_100] : memref<1568x8x128xi32, #tpu.memory_space<hbm>> -> memref<1x8x128xi32, #tpu.memory_space<hbm>>
      %dma_start3A_102 = tpu.memref_squeeze %dma_start3A_101 : memref<1x8x128xi32, #tpu.memory_space<hbm>> -> memref<8x128xi32, #tpu.memory_space<hbm>>
      tpu.enqueue_dma source(%dma_start3A_102 : memref<8x128xi32, #tpu.memory_space<hbm>>) target(%dma_start3A_98 : memref<8x128xi32, #tpu.memory_space<vmem>>) target_semaphore(%run_scoped3A : memref<!tpu.dma_semaphore, #tpu.memory_space<semaphore_mem>>)
      %dma_wait3A_103 = arith.constant 0 : i32
      %dma_wait3A_104 = arith.constant 0 : i32
      %dma_wait3A_105 = tpu.memref_slice %arg5[%dma_wait3A_103, %dma_wait3A_104] : memref<16x128xi32, #tpu.memory_space<vmem>> -> memref<8x128xi32, #tpu.memory_space<vmem>>
      %dma_wait3A_106 = arith.constant 0 : i32
      %dma_wait3A_107 = arith.constant 0 : i32
      %dma_wait3A_108 = tpu.memref_slice %arg3[%mul3A_33, %dma_wait3A_106, %dma_wait3A_107] : memref<1568x8x128xi32, #tpu.memory_space<hbm>> -> memref<1x8x128xi32, #tpu.memory_space<hbm>>
      %dma_wait3A_109 = tpu.memref_squeeze %dma_wait3A_108 : memref<1x8x128xi32, #tpu.memory_space<hbm>> -> memref<8x128xi32, #tpu.memory_space<hbm>>
      %dma_wait3A_110 = arith.constant 0 : i32
      %dma_wait3A_111 = arith.constant 0 : i32
      %dma_wait3A_112 = tpu.memref_slice %arg5[%dma_wait3A_110, %dma_wait3A_111] : memref<16x128xi32, #tpu.memory_space<vmem>> -> memref<8x128xi32, #tpu.memory_space<vmem>>
      %dma_wait3A_113 = arith.constant 0 : i32
      %dma_wait3A_114 = arith.constant 0 : i32
      %dma_wait3A_115 = tpu.memref_slice %arg3[%mul3A_33, %dma_wait3A_113, %dma_wait3A_114] : memref<1568x8x128xi32, #tpu.memory_space<hbm>> -> memref<1x8x128xi32, #tpu.memory_space<hbm>>
      %dma_wait3A_116 = tpu.memref_squeeze %dma_wait3A_115 : memref<1x8x128xi32, #tpu.memory_space<hbm>> -> memref<8x128xi32, #tpu.memory_space<hbm>>
      tpu.wait_dma2 semaphore(%run_scoped3A : memref<!tpu.dma_semaphore, #tpu.memory_space<semaphore_mem>>) src(%dma_wait3A_116 : memref<8x128xi32, #tpu.memory_space<hbm>>) dst(%dma_wait3A_112 : memref<8x128xi32, #tpu.memory_space<vmem>>)
      tpu.yield
    }) : () -> ()
    %dma_start3A = arith.constant 0 : i32
    %dma_start3A_34 = arith.constant 0 : i32
    %dma_start3A_35 = arith.constant 0 : i32
    %dma_start3A_36 = tpu.memref_slice %arg6[%dma_start3A_34, %dma_start3A_35] : memref<512x32xf32, #tpu.memory_space<vmem>> -> memref<256x32xf32, #tpu.memory_space<vmem>>
    %dma_start3A_37 = arith.constant 0 : i32
    %dma_start3A_38 = arith.constant 0 : i32
    %dma_start3A_39 = tpu.memref_slice %dma_start3A_36[%dma_start3A_37, %dma_start3A_38] : memref<256x32xf32, #tpu.memory_space<vmem>> -> memref<128x32xf32, #tpu.memory_space<vmem>>
    %dma_start3A_40 = arith.constant 0 : i32
    %dma_start3A_41 = tpu.memref_slice %arg5[%dma_start3A, %dma_start3A_40] : memref<16x128xi32, #tpu.memory_space<vmem>> -> memref<1x128xi32, #tpu.memory_space<vmem>>
    %dma_start3A_42 = tpu.memref_squeeze %dma_start3A_41 : memref<1x128xi32, #tpu.memory_space<vmem>> -> memref<128xi32, #tpu.memory_space<vmem>>
    %dma_start3A_43 = arith.constant 0 : i32
    %dma_start3A_44 = arith.constant 0 : i32
    %dma_start3A_45 = tpu.memref_slice %arg2[%arg0, %dma_start3A_43, %dma_start3A_44] : memref<2x50176x32xf32, #tpu.memory_space<hbm>> -> memref<1x50176x32xf32, #tpu.memory_space<hbm>>
    %dma_start3A_46 = tpu.memref_squeeze %dma_start3A_45 : memref<1x50176x32xf32, #tpu.memory_space<hbm>> -> memref<50176x32xf32, #tpu.memory_space<hbm>>
    %dma_start3A_47 = arith.constant 0 : i32
    %dma_start3A_48 = arith.constant 0 : i32
    %dma_start3A_49 = tpu.memref_slice %dma_start3A_46[%dma_start3A_47, %dma_start3A_48] : memref<50176x32xf32, #tpu.memory_space<hbm>> -> memref<50176x32xf32, #tpu.memory_space<hbm>>
    tpu.enqueue_indirect_dma source(%dma_start3A_49 : memref<50176x32xf32, #tpu.memory_space<hbm>>) target(%dma_start3A_39 : memref<128x32xf32, #tpu.memory_space<vmem>>) offsets(%dma_start3A_42 : memref<128xi32, #tpu.memory_space<vmem>>) semaphore(%arg8 : memref<!tpu.dma_semaphore, #tpu.memory_space<semaphore_mem>>)
    %dma_start3A_50 = arith.constant 1 : i32
    %dma_start3A_51 = arith.constant 0 : i32
    %dma_start3A_52 = arith.constant 0 : i32
    %dma_start3A_53 = tpu.memref_slice %arg6[%dma_start3A_51, %dma_start3A_52] : memref<512x32xf32, #tpu.memory_space<vmem>> -> memref<256x32xf32, #tpu.memory_space<vmem>>
    %dma_start3A_54 = arith.constant 128 : i32
    %dma_start3A_55 = arith.constant 0 : i32
    %dma_start3A_56 = tpu.memref_slice %dma_start3A_53[%dma_start3A_54, %dma_start3A_55] : memref<256x32xf32, #tpu.memory_space<vmem>> -> memref<128x32xf32, #tpu.memory_space<vmem>>
    %dma_start3A_57 = arith.constant 0 : i32
    %dma_start3A_58 = tpu.memref_slice %arg5[%dma_start3A_50, %dma_start3A_57] : memref<16x128xi32, #tpu.memory_space<vmem>> -> memref<1x128xi32, #tpu.memory_space<vmem>>
    %dma_start3A_59 = tpu.memref_squeeze %dma_start3A_58 : memref<1x128xi32, #tpu.memory_space<vmem>> -> memref<128xi32, #tpu.memory_space<vmem>>
    %dma_start3A_60 = arith.constant 0 : i32
    %dma_start3A_61 = arith.constant 0 : i32
    %dma_start3A_62 = tpu.memref_slice %arg2[%arg0, %dma_start3A_60, %dma_start3A_61] : memref<2x50176x32xf32, #tpu.memory_space<hbm>> -> memref<1x50176x32xf32, #tpu.memory_space<hbm>>
    %dma_start3A_63 = tpu.memref_squeeze %dma_start3A_62 : memref<1x50176x32xf32, #tpu.memory_space<hbm>> -> memref<50176x32xf32, #tpu.memory_space<hbm>>
    %dma_start3A_64 = arith.constant 0 : i32
    %dma_start3A_65 = arith.constant 0 : i32
    %dma_start3A_66 = tpu.memref_slice %dma_start3A_63[%dma_start3A_64, %dma_start3A_65] : memref<50176x32xf32, #tpu.memory_space<hbm>> -> memref<50176x32xf32, #tpu.memory_space<hbm>>
    tpu.enqueue_indirect_dma source(%dma_start3A_66 : memref<50176x32xf32, #tpu.memory_space<hbm>>) target(%dma_start3A_56 : memref<128x32xf32, #tpu.memory_space<vmem>>) offsets(%dma_start3A_59 : memref<128xi32, #tpu.memory_space<vmem>>) semaphore(%arg8 : memref<!tpu.dma_semaphore, #tpu.memory_space<semaphore_mem>>)
    %scan3A_67 = arith.constant 0 : i32
    %scan3A_68 = arith.constant 0 : i32
    %scan3A_69 = arith.constant 0 : i32
    %scan3A_70 = arith.constant 98 : i32
    %scan3A_71 = arith.addi %scan3A_69, %scan3A_70 : i32
    %scan3A_72 = arith.constant 1 : i32
    scf.for %scan3A_89 = %scan3A_69 to %scan3A_71 step %scan3A_72  : i32 {
      %rem3A = arith.constant 2 : i32
      %rem3A_90 = arith.remsi %scan3A_89, %rem3A : i32
      %mul3A_91 = arith.constant 8 : i32
      %mul3A_92 = arith.muli %rem3A_90, %mul3A_91 : i32
      %add3A_93 = arith.constant 1 : i32
      %add3A_94 = arith.addi %scan3A_89, %add3A_93 : i32
      %rem3A_95 = arith.constant 2 : i32
      %rem3A_96 = arith.remsi %add3A_94, %rem3A_95 : i32
      %mul3A_97 = arith.constant 8 : i32
      %mul3A_98 = arith.muli %rem3A_96, %mul3A_97 : i32
      %dma_wait3A_99 = arith.constant 0 : i32
      %dma_wait3A_100 = arith.constant 0 : i32
      %dma_wait3A_101 = tpu.memref_slice %arg6[%dma_wait3A_99, %dma_wait3A_100] : memref<512x32xf32, #tpu.memory_space<vmem>> -> memref<256x32xf32, #tpu.memory_space<vmem>>
      %dma_wait3A_102 = arith.constant 0 : i32
      %dma_wait3A_103 = arith.constant 0 : i32
      %dma_wait3A_104 = tpu.memref_slice %arg2[%scan3A_68, %dma_wait3A_102, %dma_wait3A_103] : memref<2x50176x32xf32, #tpu.memory_space<hbm>> -> memref<1x50176x32xf32, #tpu.memory_space<hbm>>
      %dma_wait3A_105 = tpu.memref_squeeze %dma_wait3A_104 : memref<1x50176x32xf32, #tpu.memory_space<hbm>> -> memref<50176x32xf32, #tpu.memory_space<hbm>>
      %dma_wait3A_106 = arith.constant 0 : i32
      %dma_wait3A_107 = arith.constant 0 : i32
      %dma_wait3A_108 = tpu.memref_slice %dma_wait3A_105[%dma_wait3A_106, %dma_wait3A_107] : memref<50176x32xf32, #tpu.memory_space<hbm>> -> memref<256x32xf32, #tpu.memory_space<hbm>>
      %dma_wait3A_109 = arith.constant 0 : i32
      %dma_wait3A_110 = arith.constant 0 : i32
      %dma_wait3A_111 = tpu.memref_slice %arg6[%dma_wait3A_109, %dma_wait3A_110] : memref<512x32xf32, #tpu.memory_space<vmem>> -> memref<256x32xf32, #tpu.memory_space<vmem>>
      %dma_wait3A_112 = arith.constant 0 : i32
      %dma_wait3A_113 = arith.constant 0 : i32
      %dma_wait3A_114 = tpu.memref_slice %arg2[%scan3A_68, %dma_wait3A_112, %dma_wait3A_113] : memref<2x50176x32xf32, #tpu.memory_space<hbm>> -> memref<1x50176x32xf32, #tpu.memory_space<hbm>>
      %dma_wait3A_115 = tpu.memref_squeeze %dma_wait3A_114 : memref<1x50176x32xf32, #tpu.memory_space<hbm>> -> memref<50176x32xf32, #tpu.memory_space<hbm>>
      %dma_wait3A_116 = arith.constant 0 : i32
      %dma_wait3A_117 = arith.constant 0 : i32
      %dma_wait3A_118 = tpu.memref_slice %dma_wait3A_115[%dma_wait3A_116, %dma_wait3A_117] : memref<50176x32xf32, #tpu.memory_space<hbm>> -> memref<256x32xf32, #tpu.memory_space<hbm>>
      tpu.wait_dma2 semaphore(%arg8 : memref<!tpu.dma_semaphore, #tpu.memory_space<semaphore_mem>>) src(%dma_wait3A_118 : memref<256x32xf32, #tpu.memory_space<hbm>>) dst(%dma_wait3A_111 : memref<256x32xf32, #tpu.memory_space<vmem>>)
      %ge3A = arith.constant 1 : i32
      %ge3A_119 = arith.cmpi sge, %scan3A_89, %ge3A : i32
      %convert_element_type3A = arith.extui %ge3A_119 : i1 to i32
      %cond3A = arith.constant 0 : i32
      %cond3A_120 = arith.cmpi ne, %convert_element_type3A, %cond3A : i32
      scf.if %cond3A_120 {
        %dma_wait3A_262 = arith.constant 0 : i32
        %dma_wait3A_263 = arith.constant 0 : i32
        %dma_wait3A_264 = tpu.memref_slice %arg7[%dma_wait3A_262, %dma_wait3A_263] : memref<50176x32xf32, #tpu.memory_space<vmem_shared>> -> memref<256x32xf32, #tpu.memory_space<vmem_shared>>
        %dma_wait3A_265 = arith.constant 0 : i32
        %dma_wait3A_266 = arith.constant 0 : i32
        %dma_wait3A_267 = tpu.memref_slice %arg2[%scan3A_68, %dma_wait3A_265, %dma_wait3A_266] : memref<2x50176x32xf32, #tpu.memory_space<hbm>> -> memref<1x50176x32xf32, #tpu.memory_space<hbm>>
        %dma_wait3A_268 = tpu.memref_squeeze %dma_wait3A_267 : memref<1x50176x32xf32, #tpu.memory_space<hbm>> -> memref<50176x32xf32, #tpu.memory_space<hbm>>
        %dma_wait3A_269 = arith.constant 0 : i32
        %dma_wait3A_270 = arith.constant 0 : i32
        %dma_wait3A_271 = tpu.memref_slice %dma_wait3A_268[%dma_wait3A_269, %dma_wait3A_270] : memref<50176x32xf32, #tpu.memory_space<hbm>> -> memref<256x32xf32, #tpu.memory_space<hbm>>
        tpu.wait_dma2 semaphore(%arg9 : memref<!tpu.dma_semaphore, #tpu.memory_space<semaphore_mem>>) src(%dma_wait3A_271 : memref<256x32xf32, #tpu.memory_space<hbm>>) dst(%dma_wait3A_264 : memref<256x32xf32, #tpu.memory_space<vmem_shared>>)
      } else {
      }
      %add3A_121 = arith.constant 1 : i32
      %add3A_122 = arith.addi %scan3A_89, %add3A_121 : i32
      %lt3A = arith.constant 98 : i32
      %lt3A_123 = arith.cmpi slt, %add3A_122, %lt3A : i32
      %convert_element_type3A_124 = arith.extui %lt3A_123 : i1 to i32
      %cond3A_125 = arith.constant 0 : i32
      %cond3A_126 = arith.cmpi ne, %convert_element_type3A_124, %cond3A_125 : i32
      scf.if %cond3A_126 {
        %mul3A_262 = arith.constant 98 : i32
        %mul3A_263 = arith.muli %arg1, %mul3A_262 : i32
        %add3A_264 = arith.addi %mul3A_263, %scan3A_89 : i32
        %add3A_265 = arith.constant 1 : i32
        %add3A_266 = arith.addi %add3A_264, %add3A_265 : i32
        %dma_start3A_267 = arith.constant 0 : i32
        %dma_start3A_268 = tpu.memref_slice %arg5[%mul3A_98, %dma_start3A_267] : memref<16x128xi32, #tpu.memory_space<vmem>> -> memref<8x128xi32, #tpu.memory_space<vmem>>
        %dma_start3A_269 = arith.constant 0 : i32
        %dma_start3A_270 = arith.constant 0 : i32
        %dma_start3A_271 = tpu.memref_slice %arg3[%add3A_266, %dma_start3A_269, %dma_start3A_270] : memref<1568x8x128xi32, #tpu.memory_space<hbm>> -> memref<1x8x128xi32, #tpu.memory_space<hbm>>
        %dma_start3A_272 = tpu.memref_squeeze %dma_start3A_271 : memref<1x8x128xi32, #tpu.memory_space<hbm>> -> memref<8x128xi32, #tpu.memory_space<hbm>>
        %dma_start3A_273 = arith.constant 0 : i32
        %dma_start3A_274 = tpu.memref_slice %arg5[%mul3A_98, %dma_start3A_273] : memref<16x128xi32, #tpu.memory_space<vmem>> -> memref<8x128xi32, #tpu.memory_space<vmem>>
        %dma_start3A_275 = arith.constant 0 : i32
        %dma_start3A_276 = arith.constant 0 : i32
        %dma_start3A_277 = tpu.memref_slice %arg3[%add3A_266, %dma_start3A_275, %dma_start3A_276] : memref<1568x8x128xi32, #tpu.memory_space<hbm>> -> memref<1x8x128xi32, #tpu.memory_space<hbm>>
        %dma_start3A_278 = tpu.memref_squeeze %dma_start3A_277 : memref<1x8x128xi32, #tpu.memory_space<hbm>> -> memref<8x128xi32, #tpu.memory_space<hbm>>
        tpu.enqueue_dma source(%dma_start3A_278 : memref<8x128xi32, #tpu.memory_space<hbm>>) target(%dma_start3A_274 : memref<8x128xi32, #tpu.memory_space<vmem>>) target_semaphore(%arg10 : memref<!tpu.dma_semaphore, #tpu.memory_space<semaphore_mem>>)
      } else {
      }
      %add3A_127 = arith.constant 4 : i32
      %add3A_128 = arith.addi %mul3A_92, %add3A_127 : i32
      %add3A_129 = arith.constant 0 : i32
      %add3A_130 = arith.addi %add3A_128, %add3A_129 : i32
      %dma_start3A_131 = arith.constant 256 : i32
      %dma_start3A_132 = arith.constant 0 : i32
      %dma_start3A_133 = tpu.memref_slice %arg6[%dma_start3A_131, %dma_start3A_132] : memref<512x32xf32, #tpu.memory_space<vmem>> -> memref<256x32xf32, #tpu.memory_space<vmem>>
      %dma_start3A_134 = arith.constant 0 : i32
      %dma_start3A_135 = arith.constant 0 : i32
      %dma_start3A_136 = tpu.memref_slice %dma_start3A_133[%dma_start3A_134, %dma_start3A_135] : memref<256x32xf32, #tpu.memory_space<vmem>> -> memref<128x32xf32, #tpu.memory_space<vmem>>
      %dma_start3A_137 = arith.constant 0 : i32
      %dma_start3A_138 = tpu.memref_slice %arg5[%add3A_130, %dma_start3A_137] : memref<16x128xi32, #tpu.memory_space<vmem>> -> memref<1x128xi32, #tpu.memory_space<vmem>>
      %dma_start3A_139 = tpu.memref_squeeze %dma_start3A_138 : memref<1x128xi32, #tpu.memory_space<vmem>> -> memref<128xi32, #tpu.memory_space<vmem>>
      %dma_start3A_140 = arith.constant 0 : i32
      %dma_start3A_141 = arith.constant 0 : i32
      %dma_start3A_142 = tpu.memref_slice %arg2[%arg0, %dma_start3A_140, %dma_start3A_141] : memref<2x50176x32xf32, #tpu.memory_space<hbm>> -> memref<1x50176x32xf32, #tpu.memory_space<hbm>>
      %dma_start3A_143 = tpu.memref_squeeze %dma_start3A_142 : memref<1x50176x32xf32, #tpu.memory_space<hbm>> -> memref<50176x32xf32, #tpu.memory_space<hbm>>
      %dma_start3A_144 = arith.constant 0 : i32
      %dma_start3A_145 = arith.constant 0 : i32
      %dma_start3A_146 = tpu.memref_slice %dma_start3A_143[%dma_start3A_144, %dma_start3A_145] : memref<50176x32xf32, #tpu.memory_space<hbm>> -> memref<50176x32xf32, #tpu.memory_space<hbm>>
      tpu.enqueue_indirect_dma source(%dma_start3A_146 : memref<50176x32xf32, #tpu.memory_space<hbm>>) target(%dma_start3A_136 : memref<128x32xf32, #tpu.memory_space<vmem>>) offsets(%dma_start3A_139 : memref<128xi32, #tpu.memory_space<vmem>>) semaphore(%arg8 : memref<!tpu.dma_semaphore, #tpu.memory_space<semaphore_mem>>)
      %add3A_147 = arith.constant 1 : i32
      %add3A_148 = arith.addi %add3A_128, %add3A_147 : i32
      %dma_start3A_149 = arith.constant 256 : i32
      %dma_start3A_150 = arith.constant 0 : i32
      %dma_start3A_151 = tpu.memref_slice %arg6[%dma_start3A_149, %dma_start3A_150] : memref<512x32xf32, #tpu.memory_space<vmem>> -> memref<256x32xf32, #tpu.memory_space<vmem>>
      %dma_start3A_152 = arith.constant 128 : i32
      %dma_start3A_153 = arith.constant 0 : i32
      %dma_start3A_154 = tpu.memref_slice %dma_start3A_151[%dma_start3A_152, %dma_start3A_153] : memref<256x32xf32, #tpu.memory_space<vmem>> -> memref<128x32xf32, #tpu.memory_space<vmem>>
      %dma_start3A_155 = arith.constant 0 : i32
      %dma_start3A_156 = tpu.memref_slice %arg5[%add3A_148, %dma_start3A_155] : memref<16x128xi32, #tpu.memory_space<vmem>> -> memref<1x128xi32, #tpu.memory_space<vmem>>
      %dma_start3A_157 = tpu.memref_squeeze %dma_start3A_156 : memref<1x128xi32, #tpu.memory_space<vmem>> -> memref<128xi32, #tpu.memory_space<vmem>>
      %dma_start3A_158 = arith.constant 0 : i32
      %dma_start3A_159 = arith.constant 0 : i32
      %dma_start3A_160 = tpu.memref_slice %arg2[%arg0, %dma_start3A_158, %dma_start3A_159] : memref<2x50176x32xf32, #tpu.memory_space<hbm>> -> memref<1x50176x32xf32, #tpu.memory_space<hbm>>
      %dma_start3A_161 = tpu.memref_squeeze %dma_start3A_160 : memref<1x50176x32xf32, #tpu.memory_space<hbm>> -> memref<50176x32xf32, #tpu.memory_space<hbm>>
      %dma_start3A_162 = arith.constant 0 : i32
      %dma_start3A_163 = arith.constant 0 : i32
      %dma_start3A_164 = tpu.memref_slice %dma_start3A_161[%dma_start3A_162, %dma_start3A_163] : memref<50176x32xf32, #tpu.memory_space<hbm>> -> memref<50176x32xf32, #tpu.memory_space<hbm>>
      tpu.enqueue_indirect_dma source(%dma_start3A_164 : memref<50176x32xf32, #tpu.memory_space<hbm>>) target(%dma_start3A_154 : memref<128x32xf32, #tpu.memory_space<vmem>>) offsets(%dma_start3A_157 : memref<128xi32, #tpu.memory_space<vmem>>) semaphore(%arg8 : memref<!tpu.dma_semaphore, #tpu.memory_space<semaphore_mem>>)
      %add3A_165 = arith.constant 2 : i32
      %add3A_166 = arith.addi %mul3A_92, %add3A_165 : i32
      %add3A_167 = arith.constant 0 : i32
      %add3A_168 = arith.addi %add3A_166, %add3A_167 : i32
      %dma_start3A_169 = arith.constant 0 : i32
      %dma_start3A_170 = arith.constant 0 : i32
      %dma_start3A_171 = tpu.memref_slice %arg6[%dma_start3A_169, %dma_start3A_170] : memref<512x32xf32, #tpu.memory_space<vmem>> -> memref<256x32xf32, #tpu.memory_space<vmem>>
      %dma_start3A_172 = arith.constant 0 : i32
      %dma_start3A_173 = arith.constant 0 : i32
      %dma_start3A_174 = tpu.memref_slice %dma_start3A_171[%dma_start3A_172, %dma_start3A_173] : memref<256x32xf32, #tpu.memory_space<vmem>> -> memref<128x32xf32, #tpu.memory_space<vmem>>
      %dma_start3A_175 = arith.constant 0 : i32
      %dma_start3A_176 = tpu.memref_slice %arg5[%add3A_168, %dma_start3A_175] : memref<16x128xi32, #tpu.memory_space<vmem>> -> memref<1x128xi32, #tpu.memory_space<vmem>>
      %dma_start3A_177 = tpu.memref_squeeze %dma_start3A_176 : memref<1x128xi32, #tpu.memory_space<vmem>> -> memref<128xi32, #tpu.memory_space<vmem>>
      %dma_start3A_178 = arith.constant 0 : i32
      %dma_start3A_179 = arith.constant 0 : i32
      %dma_start3A_180 = tpu.memref_slice %arg7[%dma_start3A_178, %dma_start3A_179] : memref<50176x32xf32, #tpu.memory_space<vmem_shared>> -> memref<50176x32xf32, #tpu.memory_space<vmem_shared>>
      tpu.enqueue_indirect_dma source(%dma_start3A_174 : memref<128x32xf32, #tpu.memory_space<vmem>>) target(%dma_start3A_180 : memref<50176x32xf32, #tpu.memory_space<vmem_shared>>) offsets(%dma_start3A_177 : memref<128xi32, #tpu.memory_space<vmem>>) semaphore(%arg9 : memref<!tpu.dma_semaphore, #tpu.memory_space<semaphore_mem>>) {add = true}
      %add3A_181 = arith.constant 1 : i32
      %add3A_182 = arith.addi %add3A_166, %add3A_181 : i32
      %dma_start3A_183 = arith.constant 0 : i32
      %dma_start3A_184 = arith.constant 0 : i32
      %dma_start3A_185 = tpu.memref_slice %arg6[%dma_start3A_183, %dma_start3A_184] : memref<512x32xf32, #tpu.memory_space<vmem>> -> memref<256x32xf32, #tpu.memory_space<vmem>>
      %dma_start3A_186 = arith.constant 128 : i32
      %dma_start3A_187 = arith.constant 0 : i32
      %dma_start3A_188 = tpu.memref_slice %dma_start3A_185[%dma_start3A_186, %dma_start3A_187] : memref<256x32xf32, #tpu.memory_space<vmem>> -> memref<128x32xf32, #tpu.memory_space<vmem>>
      %dma_start3A_189 = arith.constant 0 : i32
      %dma_start3A_190 = tpu.memref_slice %arg5[%add3A_182, %dma_start3A_189] : memref<16x128xi32, #tpu.memory_space<vmem>> -> memref<1x128xi32, #tpu.memory_space<vmem>>
      %dma_start3A_191 = tpu.memref_squeeze %dma_start3A_190 : memref<1x128xi32, #tpu.memory_space<vmem>> -> memref<128xi32, #tpu.memory_space<vmem>>
      %dma_start3A_192 = arith.constant 0 : i32
      %dma_start3A_193 = arith.constant 0 : i32
      %dma_start3A_194 = tpu.memref_slice %arg7[%dma_start3A_192, %dma_start3A_193] : memref<50176x32xf32, #tpu.memory_space<vmem_shared>> -> memref<50176x32xf32, #tpu.memory_space<vmem_shared>>
      tpu.enqueue_indirect_dma source(%dma_start3A_188 : memref<128x32xf32, #tpu.memory_space<vmem>>) target(%dma_start3A_194 : memref<50176x32xf32, #tpu.memory_space<vmem_shared>>) offsets(%dma_start3A_191 : memref<128xi32, #tpu.memory_space<vmem>>) semaphore(%arg9 : memref<!tpu.dma_semaphore, #tpu.memory_space<semaphore_mem>>) {add = true}
      %dma_wait3A_195 = arith.constant 0 : i32
      %dma_wait3A_196 = arith.constant 0 : i32
      %dma_wait3A_197 = tpu.memref_slice %arg6[%dma_wait3A_195, %dma_wait3A_196] : memref<512x32xf32, #tpu.memory_space<vmem>> -> memref<256x32xf32, #tpu.memory_space<vmem>>
      %dma_wait3A_198 = arith.constant 0 : i32
      %dma_wait3A_199 = arith.constant 0 : i32
      %dma_wait3A_200 = tpu.memref_slice %arg2[%scan3A_68, %dma_wait3A_198, %dma_wait3A_199] : memref<2x50176x32xf32, #tpu.memory_space<hbm>> -> memref<1x50176x32xf32, #tpu.memory_space<hbm>>
      %dma_wait3A_201 = tpu.memref_squeeze %dma_wait3A_200 : memref<1x50176x32xf32, #tpu.memory_space<hbm>> -> memref<50176x32xf32, #tpu.memory_space<hbm>>
      %dma_wait3A_202 = arith.constant 0 : i32
      %dma_wait3A_203 = arith.constant 0 : i32
      %dma_wait3A_204 = tpu.memref_slice %dma_wait3A_201[%dma_wait3A_202, %dma_wait3A_203] : memref<50176x32xf32, #tpu.memory_space<hbm>> -> memref<256x32xf32, #tpu.memory_space<hbm>>
      %dma_wait3A_205 = arith.constant 0 : i32
      %dma_wait3A_206 = arith.constant 0 : i32
      %dma_wait3A_207 = tpu.memref_slice %arg6[%dma_wait3A_205, %dma_wait3A_206] : memref<512x32xf32, #tpu.memory_space<vmem>> -> memref<256x32xf32, #tpu.memory_space<vmem>>
      %dma_wait3A_208 = arith.constant 0 : i32
      %dma_wait3A_209 = arith.constant 0 : i32
      %dma_wait3A_210 = tpu.memref_slice %arg2[%scan3A_68, %dma_wait3A_208, %dma_wait3A_209] : memref<2x50176x32xf32, #tpu.memory_space<hbm>> -> memref<1x50176x32xf32, #tpu.memory_space<hbm>>
      %dma_wait3A_211 = tpu.memref_squeeze %dma_wait3A_210 : memref<1x50176x32xf32, #tpu.memory_space<hbm>> -> memref<50176x32xf32, #tpu.memory_space<hbm>>
      %dma_wait3A_212 = arith.constant 0 : i32
      %dma_wait3A_213 = arith.constant 0 : i32
      %dma_wait3A_214 = tpu.memref_slice %dma_wait3A_211[%dma_wait3A_212, %dma_wait3A_213] : memref<50176x32xf32, #tpu.memory_space<hbm>> -> memref<256x32xf32, #tpu.memory_space<hbm>>
      tpu.wait_dma2 semaphore(%arg8 : memref<!tpu.dma_semaphore, #tpu.memory_space<semaphore_mem>>) src(%dma_wait3A_214 : memref<256x32xf32, #tpu.memory_space<hbm>>) dst(%dma_wait3A_207 : memref<256x32xf32, #tpu.memory_space<vmem>>)
      %dma_wait3A_215 = arith.constant 0 : i32
      %dma_wait3A_216 = arith.constant 0 : i32
      %dma_wait3A_217 = tpu.memref_slice %arg7[%dma_wait3A_215, %dma_wait3A_216] : memref<50176x32xf32, #tpu.memory_space<vmem_shared>> -> memref<256x32xf32, #tpu.memory_space<vmem_shared>>
      %dma_wait3A_218 = arith.constant 0 : i32
      %dma_wait3A_219 = arith.constant 0 : i32
      %dma_wait3A_220 = tpu.memref_slice %arg2[%scan3A_68, %dma_wait3A_218, %dma_wait3A_219] : memref<2x50176x32xf32, #tpu.memory_space<hbm>> -> memref<1x50176x32xf32, #tpu.memory_space<hbm>>
      %dma_wait3A_221 = tpu.memref_squeeze %dma_wait3A_220 : memref<1x50176x32xf32, #tpu.memory_space<hbm>> -> memref<50176x32xf32, #tpu.memory_space<hbm>>
      %dma_wait3A_222 = arith.constant 0 : i32
      %dma_wait3A_223 = arith.constant 0 : i32
      %dma_wait3A_224 = tpu.memref_slice %dma_wait3A_221[%dma_wait3A_222, %dma_wait3A_223] : memref<50176x32xf32, #tpu.memory_space<hbm>> -> memref<256x32xf32, #tpu.memory_space<hbm>>
      tpu.wait_dma2 semaphore(%arg9 : memref<!tpu.dma_semaphore, #tpu.memory_space<semaphore_mem>>) src(%dma_wait3A_224 : memref<256x32xf32, #tpu.memory_space<hbm>>) dst(%dma_wait3A_217 : memref<256x32xf32, #tpu.memory_space<vmem_shared>>)
      %add3A_225 = arith.constant 1 : i32
      %add3A_226 = arith.addi %scan3A_89, %add3A_225 : i32
      %lt3A_227 = arith.constant 98 : i32
      %lt3A_228 = arith.cmpi slt, %add3A_226, %lt3A_227 : i32
      %convert_element_type3A_229 = arith.extui %lt3A_228 : i1 to i32
      %cond3A_230 = arith.constant 0 : i32
      %cond3A_231 = arith.cmpi ne, %convert_element_type3A_229, %cond3A_230 : i32
      scf.if %cond3A_231 {
        %dma_wait3A_262 = arith.constant 0 : i32
        %dma_wait3A_263 = arith.constant 0 : i32
        %dma_wait3A_264 = tpu.memref_slice %arg5[%mul3A_98, %dma_wait3A_263] : memref<16x128xi32, #tpu.memory_space<vmem>> -> memref<8x128xi32, #tpu.memory_space<vmem>>
        %dma_wait3A_265 = arith.constant 0 : i32
        %dma_wait3A_266 = arith.constant 0 : i32
        %dma_wait3A_267 = tpu.memref_slice %arg3[%dma_wait3A_262, %dma_wait3A_265, %dma_wait3A_266] : memref<1568x8x128xi32, #tpu.memory_space<hbm>> -> memref<1x8x128xi32, #tpu.memory_space<hbm>>
        %dma_wait3A_268 = tpu.memref_squeeze %dma_wait3A_267 : memref<1x8x128xi32, #tpu.memory_space<hbm>> -> memref<8x128xi32, #tpu.memory_space<hbm>>
        %dma_wait3A_269 = arith.constant 0 : i32
        %dma_wait3A_270 = tpu.memref_slice %arg5[%mul3A_98, %dma_wait3A_269] : memref<16x128xi32, #tpu.memory_space<vmem>> -> memref<8x128xi32, #tpu.memory_space<vmem>>
        %dma_wait3A_271 = arith.constant 0 : i32
        %dma_wait3A_272 = arith.constant 0 : i32
        %dma_wait3A_273 = tpu.memref_slice %arg3[%dma_wait3A_262, %dma_wait3A_271, %dma_wait3A_272] : memref<1568x8x128xi32, #tpu.memory_space<hbm>> -> memref<1x8x128xi32, #tpu.memory_space<hbm>>
        %dma_wait3A_274 = tpu.memref_squeeze %dma_wait3A_273 : memref<1x8x128xi32, #tpu.memory_space<hbm>> -> memref<8x128xi32, #tpu.memory_space<hbm>>
        tpu.wait_dma2 semaphore(%arg10 : memref<!tpu.dma_semaphore, #tpu.memory_space<semaphore_mem>>) src(%dma_wait3A_274 : memref<8x128xi32, #tpu.memory_space<hbm>>) dst(%dma_wait3A_270 : memref<8x128xi32, #tpu.memory_space<vmem>>)
        %add3A_275 = arith.constant 0 : i32
        %add3A_276 = arith.addi %mul3A_98, %add3A_275 : i32
        %dma_start3A_277 = arith.constant 0 : i32
        %dma_start3A_278 = arith.constant 0 : i32
        %dma_start3A_279 = tpu.memref_slice %arg6[%dma_start3A_277, %dma_start3A_278] : memref<512x32xf32, #tpu.memory_space<vmem>> -> memref<256x32xf32, #tpu.memory_space<vmem>>
        %dma_start3A_280 = arith.constant 0 : i32
        %dma_start3A_281 = arith.constant 0 : i32
        %dma_start3A_282 = tpu.memref_slice %dma_start3A_279[%dma_start3A_280, %dma_start3A_281] : memref<256x32xf32, #tpu.memory_space<vmem>> -> memref<128x32xf32, #tpu.memory_space<vmem>>
        %dma_start3A_283 = arith.constant 0 : i32
        %dma_start3A_284 = tpu.memref_slice %arg5[%add3A_276, %dma_start3A_283] : memref<16x128xi32, #tpu.memory_space<vmem>> -> memref<1x128xi32, #tpu.memory_space<vmem>>
        %dma_start3A_285 = tpu.memref_squeeze %dma_start3A_284 : memref<1x128xi32, #tpu.memory_space<vmem>> -> memref<128xi32, #tpu.memory_space<vmem>>
        %dma_start3A_286 = arith.constant 0 : i32
        %dma_start3A_287 = arith.constant 0 : i32
        %dma_start3A_288 = tpu.memref_slice %arg2[%arg0, %dma_start3A_286, %dma_start3A_287] : memref<2x50176x32xf32, #tpu.memory_space<hbm>> -> memref<1x50176x32xf32, #tpu.memory_space<hbm>>
        %dma_start3A_289 = tpu.memref_squeeze %dma_start3A_288 : memref<1x50176x32xf32, #tpu.memory_space<hbm>> -> memref<50176x32xf32, #tpu.memory_space<hbm>>
        %dma_start3A_290 = arith.constant 0 : i32
        %dma_start3A_291 = arith.constant 0 : i32
        %dma_start3A_292 = tpu.memref_slice %dma_start3A_289[%dma_start3A_290, %dma_start3A_291] : memref<50176x32xf32, #tpu.memory_space<hbm>> -> memref<50176x32xf32, #tpu.memory_space<hbm>>
        tpu.enqueue_indirect_dma source(%dma_start3A_292 : memref<50176x32xf32, #tpu.memory_space<hbm>>) target(%dma_start3A_282 : memref<128x32xf32, #tpu.memory_space<vmem>>) offsets(%dma_start3A_285 : memref<128xi32, #tpu.memory_space<vmem>>) semaphore(%arg8 : memref<!tpu.dma_semaphore, #tpu.memory_space<semaphore_mem>>)
        %add3A_293 = arith.constant 1 : i32
        %add3A_294 = arith.addi %mul3A_98, %add3A_293 : i32
        %dma_start3A_295 = arith.constant 0 : i32
        %dma_start3A_296 = arith.constant 0 : i32
        %dma_start3A_297 = tpu.memref_slice %arg6[%dma_start3A_295, %dma_start3A_296] : memref<512x32xf32, #tpu.memory_space<vmem>> -> memref<256x32xf32, #tpu.memory_space<vmem>>
        %dma_start3A_298 = arith.constant 128 : i32
        %dma_start3A_299 = arith.constant 0 : i32
        %dma_start3A_300 = tpu.memref_slice %dma_start3A_297[%dma_start3A_298, %dma_start3A_299] : memref<256x32xf32, #tpu.memory_space<vmem>> -> memref<128x32xf32, #tpu.memory_space<vmem>>
        %dma_start3A_301 = arith.constant 0 : i32
        %dma_start3A_302 = tpu.memref_slice %arg5[%add3A_294, %dma_start3A_301] : memref<16x128xi32, #tpu.memory_space<vmem>> -> memref<1x128xi32, #tpu.memory_space<vmem>>
        %dma_start3A_303 = tpu.memref_squeeze %dma_start3A_302 : memref<1x128xi32, #tpu.memory_space<vmem>> -> memref<128xi32, #tpu.memory_space<vmem>>
        %dma_start3A_304 = arith.constant 0 : i32
        %dma_start3A_305 = arith.constant 0 : i32
        %dma_start3A_306 = tpu.memref_slice %arg2[%arg0, %dma_start3A_304, %dma_start3A_305] : memref<2x50176x32xf32, #tpu.memory_space<hbm>> -> memref<1x50176x32xf32, #tpu.memory_space<hbm>>
        %dma_start3A_307 = tpu.memref_squeeze %dma_start3A_306 : memref<1x50176x32xf32, #tpu.memory_space<hbm>> -> memref<50176x32xf32, #tpu.memory_space<hbm>>
        %dma_start3A_308 = arith.constant 0 : i32
        %dma_start3A_309 = arith.constant 0 : i32
        %dma_start3A_310 = tpu.memref_slice %dma_start3A_307[%dma_start3A_308, %dma_start3A_309] : memref<50176x32xf32, #tpu.memory_space<hbm>> -> memref<50176x32xf32, #tpu.memory_space<hbm>>
        tpu.enqueue_indirect_dma source(%dma_start3A_310 : memref<50176x32xf32, #tpu.memory_space<hbm>>) target(%dma_start3A_300 : memref<128x32xf32, #tpu.memory_space<vmem>>) offsets(%dma_start3A_303 : memref<128xi32, #tpu.memory_space<vmem>>) semaphore(%arg8 : memref<!tpu.dma_semaphore, #tpu.memory_space<semaphore_mem>>)
      } else {
      }
      %add3A_232 = arith.constant 6 : i32
      %add3A_233 = arith.addi %mul3A_92, %add3A_232 : i32
      %add3A_234 = arith.constant 0 : i32
      %add3A_235 = arith.addi %add3A_233, %add3A_234 : i32
      %dma_start3A_236 = arith.constant 256 : i32
      %dma_start3A_237 = arith.constant 0 : i32
      %dma_start3A_238 = tpu.memref_slice %arg6[%dma_start3A_236, %dma_start3A_237] : memref<512x32xf32, #tpu.memory_space<vmem>> -> memref<256x32xf32, #tpu.memory_space<vmem>>
      %dma_start3A_239 = arith.constant 0 : i32
      %dma_start3A_240 = arith.constant 0 : i32
      %dma_start3A_241 = tpu.memref_slice %dma_start3A_238[%dma_start3A_239, %dma_start3A_240] : memref<256x32xf32, #tpu.memory_space<vmem>> -> memref<128x32xf32, #tpu.memory_space<vmem>>
      %dma_start3A_242 = arith.constant 0 : i32
      %dma_start3A_243 = tpu.memref_slice %arg5[%add3A_235, %dma_start3A_242] : memref<16x128xi32, #tpu.memory_space<vmem>> -> memref<1x128xi32, #tpu.memory_space<vmem>>
      %dma_start3A_244 = tpu.memref_squeeze %dma_start3A_243 : memref<1x128xi32, #tpu.memory_space<vmem>> -> memref<128xi32, #tpu.memory_space<vmem>>
      %dma_start3A_245 = arith.constant 0 : i32
      %dma_start3A_246 = arith.constant 0 : i32
      %dma_start3A_247 = tpu.memref_slice %arg7[%dma_start3A_245, %dma_start3A_246] : memref<50176x32xf32, #tpu.memory_space<vmem_shared>> -> memref<50176x32xf32, #tpu.memory_space<vmem_shared>>
      tpu.enqueue_indirect_dma source(%dma_start3A_241 : memref<128x32xf32, #tpu.memory_space<vmem>>) target(%dma_start3A_247 : memref<50176x32xf32, #tpu.memory_space<vmem_shared>>) offsets(%dma_start3A_244 : memref<128xi32, #tpu.memory_space<vmem>>) semaphore(%arg9 : memref<!tpu.dma_semaphore, #tpu.memory_space<semaphore_mem>>) {add = true}
      %add3A_248 = arith.constant 1 : i32
      %add3A_249 = arith.addi %add3A_233, %add3A_248 : i32
      %dma_start3A_250 = arith.constant 256 : i32
      %dma_start3A_251 = arith.constant 0 : i32
      %dma_start3A_252 = tpu.memref_slice %arg6[%dma_start3A_250, %dma_start3A_251] : memref<512x32xf32, #tpu.memory_space<vmem>> -> memref<256x32xf32, #tpu.memory_space<vmem>>
      %dma_start3A_253 = arith.constant 128 : i32
      %dma_start3A_254 = arith.constant 0 : i32
      %dma_start3A_255 = tpu.memref_slice %dma_start3A_252[%dma_start3A_253, %dma_start3A_254] : memref<256x32xf32, #tpu.memory_space<vmem>> -> memref<128x32xf32, #tpu.memory_space<vmem>>
      %dma_start3A_256 = arith.constant 0 : i32
      %dma_start3A_257 = tpu.memref_slice %arg5[%add3A_249, %dma_start3A_256] : memref<16x128xi32, #tpu.memory_space<vmem>> -> memref<1x128xi32, #tpu.memory_space<vmem>>
      %dma_start3A_258 = tpu.memref_squeeze %dma_start3A_257 : memref<1x128xi32, #tpu.memory_space<vmem>> -> memref<128xi32, #tpu.memory_space<vmem>>
      %dma_start3A_259 = arith.constant 0 : i32
      %dma_start3A_260 = arith.constant 0 : i32
      %dma_start3A_261 = tpu.memref_slice %arg7[%dma_start3A_259, %dma_start3A_260] : memref<50176x32xf32, #tpu.memory_space<vmem_shared>> -> memref<50176x32xf32, #tpu.memory_space<vmem_shared>>
      tpu.enqueue_indirect_dma source(%dma_start3A_255 : memref<128x32xf32, #tpu.memory_space<vmem>>) target(%dma_start3A_261 : memref<50176x32xf32, #tpu.memory_space<vmem_shared>>) offsets(%dma_start3A_258 : memref<128xi32, #tpu.memory_space<vmem>>) semaphore(%arg9 : memref<!tpu.dma_semaphore, #tpu.memory_space<semaphore_mem>>) {add = true}
    }
    %scan3A_73 = arith.constant 98 : i32
    %dma_wait3A = arith.constant 0 : i32
    %dma_wait3A_74 = arith.constant 0 : i32
    %dma_wait3A_75 = arith.constant 0 : i32
    %dma_wait3A_76 = tpu.memref_slice %arg7[%dma_wait3A_74, %dma_wait3A_75] : memref<50176x32xf32, #tpu.memory_space<vmem_shared>> -> memref<256x32xf32, #tpu.memory_space<vmem_shared>>
    %dma_wait3A_77 = arith.constant 0 : i32
    %dma_wait3A_78 = arith.constant 0 : i32
    %dma_wait3A_79 = tpu.memref_slice %arg2[%dma_wait3A, %dma_wait3A_77, %dma_wait3A_78] : memref<2x50176x32xf32, #tpu.memory_space<hbm>> -> memref<1x50176x32xf32, #tpu.memory_space<hbm>>
    %dma_wait3A_80 = tpu.memref_squeeze %dma_wait3A_79 : memref<1x50176x32xf32, #tpu.memory_space<hbm>> -> memref<50176x32xf32, #tpu.memory_space<hbm>>
    %dma_wait3A_81 = arith.constant 0 : i32
    %dma_wait3A_82 = arith.constant 0 : i32
    %dma_wait3A_83 = tpu.memref_slice %dma_wait3A_80[%dma_wait3A_81, %dma_wait3A_82] : memref<50176x32xf32, #tpu.memory_space<hbm>> -> memref<256x32xf32, #tpu.memory_space<hbm>>
    tpu.wait_dma2 semaphore(%arg9 : memref<!tpu.dma_semaphore, #tpu.memory_space<semaphore_mem>>) src(%dma_wait3A_83 : memref<256x32xf32, #tpu.memory_space<hbm>>) dst(%dma_wait3A_76 : memref<256x32xf32, #tpu.memory_space<vmem_shared>>)
    %barrier3A_84 = arith.constant 0 : index
    tpu.barrier barrier_id(%barrier3A_84)
    %mul3A_85 = arith.constant 3136 : i32
    %mul3A_86 = arith.muli %arg1, %mul3A_85 : i32
    %mul3A_87 = arith.constant 3136 : i32
    %mul3A_88 = arith.muli %arg1, %mul3A_87 : i32
    "tpu.region"() ({
      %run_scoped3A = tpu.sem_alloc : memref<!tpu.dma_semaphore, #tpu.memory_space<semaphore_mem>>
      %dma_start3A_89 = arith.constant 0 : i32
      %dma_start3A_90 = arith.constant 0 : i32
      %dma_start3A_91 = tpu.memref_slice %arg4[%arg0, %dma_start3A_89, %dma_start3A_90] : memref<2x50176x32xf32, #tpu.memory_space<hbm>> -> memref<1x50176x32xf32, #tpu.memory_space<hbm>>
      %dma_start3A_92 = tpu.memref_squeeze %dma_start3A_91 : memref<1x50176x32xf32, #tpu.memory_space<hbm>> -> memref<50176x32xf32, #tpu.memory_space<hbm>>
      %dma_start3A_93 = arith.constant 0 : i32
      %dma_start3A_94 = tpu.memref_slice %dma_start3A_92[%mul3A_88, %dma_start3A_93] : memref<50176x32xf32, #tpu.memory_space<hbm>> -> memref<3136x32xf32, #tpu.memory_space<hbm>>
      %dma_start3A_95 = arith.constant 0 : i32
      %dma_start3A_96 = tpu.memref_slice %arg7[%mul3A_86, %dma_start3A_95] : memref<50176x32xf32, #tpu.memory_space<vmem_shared>> -> memref<3136x32xf32, #tpu.memory_space<vmem_shared>>
      tpu.enqueue_dma source(%dma_start3A_96 : memref<3136x32xf32, #tpu.memory_space<vmem_shared>>) target(%dma_start3A_94 : memref<3136x32xf32, #tpu.memory_space<hbm>>) target_semaphore(%run_scoped3A : memref<!tpu.dma_semaphore, #tpu.memory_space<semaphore_mem>>)
      %dma_wait3A_97 = arith.constant 0 : i32
      %dma_wait3A_98 = arith.constant 0 : i32
      %dma_wait3A_99 = tpu.memref_slice %arg4[%arg0, %dma_wait3A_97, %dma_wait3A_98] : memref<2x50176x32xf32, #tpu.memory_space<hbm>> -> memref<1x50176x32xf32, #tpu.memory_space<hbm>>
      %dma_wait3A_100 = tpu.memref_squeeze %dma_wait3A_99 : memref<1x50176x32xf32, #tpu.memory_space<hbm>> -> memref<50176x32xf32, #tpu.memory_space<hbm>>
      %dma_wait3A_101 = arith.constant 0 : i32
      %dma_wait3A_102 = tpu.memref_slice %dma_wait3A_100[%mul3A_88, %dma_wait3A_101] : memref<50176x32xf32, #tpu.memory_space<hbm>> -> memref<3136x32xf32, #tpu.memory_space<hbm>>
      %dma_wait3A_103 = arith.constant 0 : i32
      %dma_wait3A_104 = tpu.memref_slice %arg7[%mul3A_86, %dma_wait3A_103] : memref<50176x32xf32, #tpu.memory_space<vmem_shared>> -> memref<3136x32xf32, #tpu.memory_space<vmem_shared>>
      tpu.wait_dma2 semaphore(%run_scoped3A : memref<!tpu.dma_semaphore, #tpu.memory_space<semaphore_mem>>) src(%dma_wait3A_104 : memref<3136x32xf32, #tpu.memory_space<vmem_shared>>) dst(%dma_wait3A_102 : memref<3136x32xf32, #tpu.memory_space<hbm>>)
      tpu.yield
    }) : () -> ()
    return
  }
}

#map = affine_map<(d0, d1) -> (0, 0, 0)>
module attributes {stable_mosaic.version = 14 : i64} {
  func.func @_edge_segsum_body(%arg0: i32, %arg1: i32, %arg2: memref<2x50176x32xf32, #tpu.memory_space<hbm>>, %arg3: memref<1568x8x128xi32, #tpu.memory_space<hbm>>, %arg4: memref<2x50176x32xf32, #tpu.memory_space<hbm>>, %arg5: memref<16x128xi32, #tpu.memory_space<vmem>>, %arg6: memref<512x32xf32, #tpu.memory_space<vmem>>, %arg7: memref<50176x32xf32, #tpu.memory_space<vmem_shared>>, %arg8: memref<!tpu.dma_semaphore, #tpu.memory_space<semaphore_mem>>, %arg9: memref<!tpu.dma_semaphore, #tpu.memory_space<semaphore_mem>>, %arg10: memref<!tpu.dma_semaphore, #tpu.memory_space<semaphore_mem>>) attributes {dimension_semantics = [#tpu.dimension_semantics<core_parallel>, #tpu.dimension_semantics<subcore_parallel>], iteration_bounds = array<i64: 2, 16>, scalar_prefetch = 0 : i64, scratch_operands = 6 : i64, tpu.core_type = #tpu.core_type<sc_vector_subcore>, window_params = [{transform_indices = #map}, {transform_indices = #map}, {transform_indices = #map}]} {
    %broadcast_in_dim3A = arith.constant 0.000000e+00 : f32
    %broadcast_in_dim3A_0 = vector.broadcast %broadcast_in_dim3A : f32 to vector<16xf32>
    %scan3A = arith.constant 0 : i32
    %scan3A_1 = arith.constant 0 : i32
    %scan3A_2 = arith.constant 512 : i32
    %scan3A_3 = arith.addi %scan3A_1, %scan3A_2 : i32
    %scan3A_4 = arith.constant 1 : i32
    scf.for %scan3A_89 = %scan3A_1 to %scan3A_3 step %scan3A_4  : i32 {
      %swap3A = arith.index_cast %scan3A_89 : i32 to index
      %swap3A_90 = arith.constant 0 : index
      %swap3A_91 = tpu.vector_load %arg6[%swap3A, %swap3A_90] {strides = array<i32>} : memref<512x32xf32, #tpu.memory_space<vmem>>, vector<1x16xf32>,
      %swap3A_92 = vector.shape_cast %swap3A_91 : vector<1x16xf32> to vector<16xf32>
      %swap3A_93 = vector.shape_cast %broadcast_in_dim3A_0 : vector<16xf32> to vector<1x16xf32>
      tpu.vector_store %arg6[%swap3A, %swap3A_90], %swap3A_93 {strides = array<i32>} : memref<512x32xf32, #tpu.memory_space<vmem>>, vector<1x16xf32>,
      %swap3A_94 = arith.index_cast %scan3A_89 : i32 to index
      %swap3A_95 = arith.constant 16 : index
      %swap3A_96 = tpu.vector_load %arg6[%swap3A_94, %swap3A_95] {strides = array<i32>} : memref<512x32xf32, #tpu.memory_space<vmem>>, vector<1x16xf32>,
      %swap3A_97 = vector.shape_cast %swap3A_96 : vector<1x16xf32> to vector<16xf32>
      %swap3A_98 = vector.shape_cast %broadcast_in_dim3A_0 : vector<16xf32> to vector<1x16xf32>
      tpu.vector_store %arg6[%swap3A_94, %swap3A_95], %swap3A_98 {strides = array<i32>} : memref<512x32xf32, #tpu.memory_space<vmem>>, vector<1x16xf32>,
    }
    %scan3A_5 = arith.constant 512 : i32
    %mul3A = arith.constant 3136 : i32
    %mul3A_6 = arith.muli %arg1, %mul3A : i32
    %add3A = arith.constant 0 : i32
    %add3A_7 = arith.addi %mul3A_6, %add3A : i32
    "tpu.region"() ({
      %run_scoped3A = tpu.sem_alloc : memref<!tpu.dma_semaphore, #tpu.memory_space<semaphore_mem>>
      %dma_start3A_89 = arith.constant 0 : i32
      %dma_start3A_90 = arith.constant 0 : i32
      %dma_start3A_91 = tpu.memref_slice %arg6[%dma_start3A_89, %dma_start3A_90] : memref<512x32xf32, #tpu.memory_space<vmem>> -> memref<512x32xf32, #tpu.memory_space<vmem>>
      %dma_start3A_92 = arith.constant 0 : i32
      %dma_start3A_93 = tpu.memref_slice %arg7[%add3A_7, %dma_start3A_92] : memref<50176x32xf32, #tpu.memory_space<vmem_shared>> -> memref<512x32xf32, #tpu.memory_space<vmem_shared>>
      %dma_start3A_94 = arith.constant 0 : i32
      %dma_start3A_95 = tpu.memref_slice %arg7[%add3A_7, %dma_start3A_94] : memref<50176x32xf32, #tpu.memory_space<vmem_shared>> -> memref<512x32xf32, #tpu.memory_space<vmem_shared>>
      %dma_start3A_96 = arith.constant 0 : i32
      %dma_start3A_97 = arith.constant 0 : i32
      %dma_start3A_98 = tpu.memref_slice %arg6[%dma_start3A_96, %dma_start3A_97] : memref<512x32xf32, #tpu.memory_space<vmem>> -> memref<512x32xf32, #tpu.memory_space<vmem>>
      tpu.enqueue_dma source(%dma_start3A_98 : memref<512x32xf32, #tpu.memory_space<vmem>>) target(%dma_start3A_95 : memref<512x32xf32, #tpu.memory_space<vmem_shared>>) target_semaphore(%run_scoped3A : memref<!tpu.dma_semaphore, #tpu.memory_space<semaphore_mem>>)
      %dma_wait3A_99 = arith.constant 0 : i32
      %dma_wait3A_100 = arith.constant 0 : i32
      %dma_wait3A_101 = tpu.memref_slice %arg6[%dma_wait3A_99, %dma_wait3A_100] : memref<512x32xf32, #tpu.memory_space<vmem>> -> memref<512x32xf32, #tpu.memory_space<vmem>>
      %dma_wait3A_102 = arith.constant 0 : i32
      %dma_wait3A_103 = tpu.memref_slice %arg7[%add3A_7, %dma_wait3A_102] : memref<50176x32xf32, #tpu.memory_space<vmem_shared>> -> memref<512x32xf32, #tpu.memory_space<vmem_shared>>
      %dma_wait3A_104 = arith.constant 0 : i32
      %dma_wait3A_105 = tpu.memref_slice %arg7[%add3A_7, %dma_wait3A_104] : memref<50176x32xf32, #tpu.memory_space<vmem_shared>> -> memref<512x32xf32, #tpu.memory_space<vmem_shared>>
      %dma_wait3A_106 = arith.constant 0 : i32
      %dma_wait3A_107 = arith.constant 0 : i32
      %dma_wait3A_108 = tpu.memref_slice %arg6[%dma_wait3A_106, %dma_wait3A_107] : memref<512x32xf32, #tpu.memory_space<vmem>> -> memref<512x32xf32, #tpu.memory_space<vmem>>
      tpu.wait_dma2 semaphore(%run_scoped3A : memref<!tpu.dma_semaphore, #tpu.memory_space<semaphore_mem>>) src(%dma_wait3A_108 : memref<512x32xf32, #tpu.memory_space<vmem>>) dst(%dma_wait3A_105 : memref<512x32xf32, #tpu.memory_space<vmem_shared>>)
      tpu.yield
    }) : () -> ()
    %mul3A_8 = arith.constant 3136 : i32
    %mul3A_9 = arith.muli %arg1, %mul3A_8 : i32
    %add3A_10 = arith.constant 512 : i32
    %add3A_11 = arith.addi %mul3A_9, %add3A_10 : i32
    "tpu.region"() ({
      %run_scoped3A = tpu.sem_alloc : memref<!tpu.dma_semaphore, #tpu.memory_space<semaphore_mem>>
      %dma_start3A_89 = arith.constant 0 : i32
      %dma_start3A_90 = arith.constant 0 : i32
      %dma_start3A_91 = tpu.memref_slice %arg6[%dma_start3A_89, %dma_start3A_90] : memref<512x32xf32, #tpu.memory_space<vmem>> -> memref<512x32xf32, #tpu.memory_space<vmem>>
      %dma_start3A_92 = arith.constant 0 : i32
      %dma_start3A_93 = tpu.memref_slice %arg7[%add3A_11, %dma_start3A_92] : memref<50176x32xf32, #tpu.memory_space<vmem_shared>> -> memref<512x32xf32, #tpu.memory_space<vmem_shared>>
      %dma_start3A_94 = arith.constant 0 : i32
      %dma_start3A_95 = tpu.memref_slice %arg7[%add3A_11, %dma_start3A_94] : memref<50176x32xf32, #tpu.memory_space<vmem_shared>> -> memref<512x32xf32, #tpu.memory_space<vmem_shared>>
      %dma_start3A_96 = arith.constant 0 : i32
      %dma_start3A_97 = arith.constant 0 : i32
      %dma_start3A_98 = tpu.memref_slice %arg6[%dma_start3A_96, %dma_start3A_97] : memref<512x32xf32, #tpu.memory_space<vmem>> -> memref<512x32xf32, #tpu.memory_space<vmem>>
      tpu.enqueue_dma source(%dma_start3A_98 : memref<512x32xf32, #tpu.memory_space<vmem>>) target(%dma_start3A_95 : memref<512x32xf32, #tpu.memory_space<vmem_shared>>) target_semaphore(%run_scoped3A : memref<!tpu.dma_semaphore, #tpu.memory_space<semaphore_mem>>)
      %dma_wait3A_99 = arith.constant 0 : i32
      %dma_wait3A_100 = arith.constant 0 : i32
      %dma_wait3A_101 = tpu.memref_slice %arg6[%dma_wait3A_99, %dma_wait3A_100] : memref<512x32xf32, #tpu.memory_space<vmem>> -> memref<512x32xf32, #tpu.memory_space<vmem>>
      %dma_wait3A_102 = arith.constant 0 : i32
      %dma_wait3A_103 = tpu.memref_slice %arg7[%add3A_11, %dma_wait3A_102] : memref<50176x32xf32, #tpu.memory_space<vmem_shared>> -> memref<512x32xf32, #tpu.memory_space<vmem_shared>>
      %dma_wait3A_104 = arith.constant 0 : i32
      %dma_wait3A_105 = tpu.memref_slice %arg7[%add3A_11, %dma_wait3A_104] : memref<50176x32xf32, #tpu.memory_space<vmem_shared>> -> memref<512x32xf32, #tpu.memory_space<vmem_shared>>
      %dma_wait3A_106 = arith.constant 0 : i32
      %dma_wait3A_107 = arith.constant 0 : i32
      %dma_wait3A_108 = tpu.memref_slice %arg6[%dma_wait3A_106, %dma_wait3A_107] : memref<512x32xf32, #tpu.memory_space<vmem>> -> memref<512x32xf32, #tpu.memory_space<vmem>>
      tpu.wait_dma2 semaphore(%run_scoped3A : memref<!tpu.dma_semaphore, #tpu.memory_space<semaphore_mem>>) src(%dma_wait3A_108 : memref<512x32xf32, #tpu.memory_space<vmem>>) dst(%dma_wait3A_105 : memref<512x32xf32, #tpu.memory_space<vmem_shared>>)
      tpu.yield
    }) : () -> ()
    %mul3A_12 = arith.constant 3136 : i32
    %mul3A_13 = arith.muli %arg1, %mul3A_12 : i32
    %add3A_14 = arith.constant 1024 : i32
    %add3A_15 = arith.addi %mul3A_13, %add3A_14 : i32
    "tpu.region"() ({
      %run_scoped3A = tpu.sem_alloc : memref<!tpu.dma_semaphore, #tpu.memory_space<semaphore_mem>>
      %dma_start3A_89 = arith.constant 0 : i32
      %dma_start3A_90 = arith.constant 0 : i32
      %dma_start3A_91 = tpu.memref_slice %arg6[%dma_start3A_89, %dma_start3A_90] : memref<512x32xf32, #tpu.memory_space<vmem>> -> memref<512x32xf32, #tpu.memory_space<vmem>>
      %dma_start3A_92 = arith.constant 0 : i32
      %dma_start3A_93 = tpu.memref_slice %arg7[%add3A_15, %dma_start3A_92] : memref<50176x32xf32, #tpu.memory_space<vmem_shared>> -> memref<512x32xf32, #tpu.memory_space<vmem_shared>>
      %dma_start3A_94 = arith.constant 0 : i32
      %dma_start3A_95 = tpu.memref_slice %arg7[%add3A_15, %dma_start3A_94] : memref<50176x32xf32, #tpu.memory_space<vmem_shared>> -> memref<512x32xf32, #tpu.memory_space<vmem_shared>>
      %dma_start3A_96 = arith.constant 0 : i32
      %dma_start3A_97 = arith.constant 0 : i32
      %dma_start3A_98 = tpu.memref_slice %arg6[%dma_start3A_96, %dma_start3A_97] : memref<512x32xf32, #tpu.memory_space<vmem>> -> memref<512x32xf32, #tpu.memory_space<vmem>>
      tpu.enqueue_dma source(%dma_start3A_98 : memref<512x32xf32, #tpu.memory_space<vmem>>) target(%dma_start3A_95 : memref<512x32xf32, #tpu.memory_space<vmem_shared>>) target_semaphore(%run_scoped3A : memref<!tpu.dma_semaphore, #tpu.memory_space<semaphore_mem>>)
      %dma_wait3A_99 = arith.constant 0 : i32
      %dma_wait3A_100 = arith.constant 0 : i32
      %dma_wait3A_101 = tpu.memref_slice %arg6[%dma_wait3A_99, %dma_wait3A_100] : memref<512x32xf32, #tpu.memory_space<vmem>> -> memref<512x32xf32, #tpu.memory_space<vmem>>
      %dma_wait3A_102 = arith.constant 0 : i32
      %dma_wait3A_103 = tpu.memref_slice %arg7[%add3A_15, %dma_wait3A_102] : memref<50176x32xf32, #tpu.memory_space<vmem_shared>> -> memref<512x32xf32, #tpu.memory_space<vmem_shared>>
      %dma_wait3A_104 = arith.constant 0 : i32
      %dma_wait3A_105 = tpu.memref_slice %arg7[%add3A_15, %dma_wait3A_104] : memref<50176x32xf32, #tpu.memory_space<vmem_shared>> -> memref<512x32xf32, #tpu.memory_space<vmem_shared>>
      %dma_wait3A_106 = arith.constant 0 : i32
      %dma_wait3A_107 = arith.constant 0 : i32
      %dma_wait3A_108 = tpu.memref_slice %arg6[%dma_wait3A_106, %dma_wait3A_107] : memref<512x32xf32, #tpu.memory_space<vmem>> -> memref<512x32xf32, #tpu.memory_space<vmem>>
      tpu.wait_dma2 semaphore(%run_scoped3A : memref<!tpu.dma_semaphore, #tpu.memory_space<semaphore_mem>>) src(%dma_wait3A_108 : memref<512x32xf32, #tpu.memory_space<vmem>>) dst(%dma_wait3A_105 : memref<512x32xf32, #tpu.memory_space<vmem_shared>>)
      tpu.yield
    }) : () -> ()
    %mul3A_16 = arith.constant 3136 : i32
    %mul3A_17 = arith.muli %arg1, %mul3A_16 : i32
    %add3A_18 = arith.constant 1536 : i32
    %add3A_19 = arith.addi %mul3A_17, %add3A_18 : i32
    "tpu.region"() ({
      %run_scoped3A = tpu.sem_alloc : memref<!tpu.dma_semaphore, #tpu.memory_space<semaphore_mem>>
      %dma_start3A_89 = arith.constant 0 : i32
      %dma_start3A_90 = arith.constant 0 : i32
      %dma_start3A_91 = tpu.memref_slice %arg6[%dma_start3A_89, %dma_start3A_90] : memref<512x32xf32, #tpu.memory_space<vmem>> -> memref<512x32xf32, #tpu.memory_space<vmem>>
      %dma_start3A_92 = arith.constant 0 : i32
      %dma_start3A_93 = tpu.memref_slice %arg7[%add3A_19, %dma_start3A_92] : memref<50176x32xf32, #tpu.memory_space<vmem_shared>> -> memref<512x32xf32, #tpu.memory_space<vmem_shared>>
      %dma_start3A_94 = arith.constant 0 : i32
      %dma_start3A_95 = tpu.memref_slice %arg7[%add3A_19, %dma_start3A_94] : memref<50176x32xf32, #tpu.memory_space<vmem_shared>> -> memref<512x32xf32, #tpu.memory_space<vmem_shared>>
      %dma_start3A_96 = arith.constant 0 : i32
      %dma_start3A_97 = arith.constant 0 : i32
      %dma_start3A_98 = tpu.memref_slice %arg6[%dma_start3A_96, %dma_start3A_97] : memref<512x32xf32, #tpu.memory_space<vmem>> -> memref<512x32xf32, #tpu.memory_space<vmem>>
      tpu.enqueue_dma source(%dma_start3A_98 : memref<512x32xf32, #tpu.memory_space<vmem>>) target(%dma_start3A_95 : memref<512x32xf32, #tpu.memory_space<vmem_shared>>) target_semaphore(%run_scoped3A : memref<!tpu.dma_semaphore, #tpu.memory_space<semaphore_mem>>)
      %dma_wait3A_99 = arith.constant 0 : i32
      %dma_wait3A_100 = arith.constant 0 : i32
      %dma_wait3A_101 = tpu.memref_slice %arg6[%dma_wait3A_99, %dma_wait3A_100] : memref<512x32xf32, #tpu.memory_space<vmem>> -> memref<512x32xf32, #tpu.memory_space<vmem>>
      %dma_wait3A_102 = arith.constant 0 : i32
      %dma_wait3A_103 = tpu.memref_slice %arg7[%add3A_19, %dma_wait3A_102] : memref<50176x32xf32, #tpu.memory_space<vmem_shared>> -> memref<512x32xf32, #tpu.memory_space<vmem_shared>>
      %dma_wait3A_104 = arith.constant 0 : i32
      %dma_wait3A_105 = tpu.memref_slice %arg7[%add3A_19, %dma_wait3A_104] : memref<50176x32xf32, #tpu.memory_space<vmem_shared>> -> memref<512x32xf32, #tpu.memory_space<vmem_shared>>
      %dma_wait3A_106 = arith.constant 0 : i32
      %dma_wait3A_107 = arith.constant 0 : i32
      %dma_wait3A_108 = tpu.memref_slice %arg6[%dma_wait3A_106, %dma_wait3A_107] : memref<512x32xf32, #tpu.memory_space<vmem>> -> memref<512x32xf32, #tpu.memory_space<vmem>>
      tpu.wait_dma2 semaphore(%run_scoped3A : memref<!tpu.dma_semaphore, #tpu.memory_space<semaphore_mem>>) src(%dma_wait3A_108 : memref<512x32xf32, #tpu.memory_space<vmem>>) dst(%dma_wait3A_105 : memref<512x32xf32, #tpu.memory_space<vmem_shared>>)
      tpu.yield
    }) : () -> ()
    %mul3A_20 = arith.constant 3136 : i32
    %mul3A_21 = arith.muli %arg1, %mul3A_20 : i32
    %add3A_22 = arith.constant 2048 : i32
    %add3A_23 = arith.addi %mul3A_21, %add3A_22 : i32
    "tpu.region"() ({
      %run_scoped3A = tpu.sem_alloc : memref<!tpu.dma_semaphore, #tpu.memory_space<semaphore_mem>>
      %dma_start3A_89 = arith.constant 0 : i32
      %dma_start3A_90 = arith.constant 0 : i32
      %dma_start3A_91 = tpu.memref_slice %arg6[%dma_start3A_89, %dma_start3A_90] : memref<512x32xf32, #tpu.memory_space<vmem>> -> memref<512x32xf32, #tpu.memory_space<vmem>>
      %dma_start3A_92 = arith.constant 0 : i32
      %dma_start3A_93 = tpu.memref_slice %arg7[%add3A_23, %dma_start3A_92] : memref<50176x32xf32, #tpu.memory_space<vmem_shared>> -> memref<512x32xf32, #tpu.memory_space<vmem_shared>>
      %dma_start3A_94 = arith.constant 0 : i32
      %dma_start3A_95 = tpu.memref_slice %arg7[%add3A_23, %dma_start3A_94] : memref<50176x32xf32, #tpu.memory_space<vmem_shared>> -> memref<512x32xf32, #tpu.memory_space<vmem_shared>>
      %dma_start3A_96 = arith.constant 0 : i32
      %dma_start3A_97 = arith.constant 0 : i32
      %dma_start3A_98 = tpu.memref_slice %arg6[%dma_start3A_96, %dma_start3A_97] : memref<512x32xf32, #tpu.memory_space<vmem>> -> memref<512x32xf32, #tpu.memory_space<vmem>>
      tpu.enqueue_dma source(%dma_start3A_98 : memref<512x32xf32, #tpu.memory_space<vmem>>) target(%dma_start3A_95 : memref<512x32xf32, #tpu.memory_space<vmem_shared>>) target_semaphore(%run_scoped3A : memref<!tpu.dma_semaphore, #tpu.memory_space<semaphore_mem>>)
      %dma_wait3A_99 = arith.constant 0 : i32
      %dma_wait3A_100 = arith.constant 0 : i32
      %dma_wait3A_101 = tpu.memref_slice %arg6[%dma_wait3A_99, %dma_wait3A_100] : memref<512x32xf32, #tpu.memory_space<vmem>> -> memref<512x32xf32, #tpu.memory_space<vmem>>
      %dma_wait3A_102 = arith.constant 0 : i32
      %dma_wait3A_103 = tpu.memref_slice %arg7[%add3A_23, %dma_wait3A_102] : memref<50176x32xf32, #tpu.memory_space<vmem_shared>> -> memref<512x32xf32, #tpu.memory_space<vmem_shared>>
      %dma_wait3A_104 = arith.constant 0 : i32
      %dma_wait3A_105 = tpu.memref_slice %arg7[%add3A_23, %dma_wait3A_104] : memref<50176x32xf32, #tpu.memory_space<vmem_shared>> -> memref<512x32xf32, #tpu.memory_space<vmem_shared>>
      %dma_wait3A_106 = arith.constant 0 : i32
      %dma_wait3A_107 = arith.constant 0 : i32
      %dma_wait3A_108 = tpu.memref_slice %arg6[%dma_wait3A_106, %dma_wait3A_107] : memref<512x32xf32, #tpu.memory_space<vmem>> -> memref<512x32xf32, #tpu.memory_space<vmem>>
      tpu.wait_dma2 semaphore(%run_scoped3A : memref<!tpu.dma_semaphore, #tpu.memory_space<semaphore_mem>>) src(%dma_wait3A_108 : memref<512x32xf32, #tpu.memory_space<vmem>>) dst(%dma_wait3A_105 : memref<512x32xf32, #tpu.memory_space<vmem_shared>>)
      tpu.yield
    }) : () -> ()
    %mul3A_24 = arith.constant 3136 : i32
    %mul3A_25 = arith.muli %arg1, %mul3A_24 : i32
    %add3A_26 = arith.constant 2560 : i32
    %add3A_27 = arith.addi %mul3A_25, %add3A_26 : i32
    "tpu.region"() ({
      %run_scoped3A = tpu.sem_alloc : memref<!tpu.dma_semaphore, #tpu.memory_space<semaphore_mem>>
      %dma_start3A_89 = arith.constant 0 : i32
      %dma_start3A_90 = arith.constant 0 : i32
      %dma_start3A_91 = tpu.memref_slice %arg6[%dma_start3A_89, %dma_start3A_90] : memref<512x32xf32, #tpu.memory_space<vmem>> -> memref<512x32xf32, #tpu.memory_space<vmem>>
      %dma_start3A_92 = arith.constant 0 : i32
      %dma_start3A_93 = tpu.memref_slice %arg7[%add3A_27, %dma_start3A_92] : memref<50176x32xf32, #tpu.memory_space<vmem_shared>> -> memref<512x32xf32, #tpu.memory_space<vmem_shared>>
      %dma_start3A_94 = arith.constant 0 : i32
      %dma_start3A_95 = tpu.memref_slice %arg7[%add3A_27, %dma_start3A_94] : memref<50176x32xf32, #tpu.memory_space<vmem_shared>> -> memref<512x32xf32, #tpu.memory_space<vmem_shared>>
      %dma_start3A_96 = arith.constant 0 : i32
      %dma_start3A_97 = arith.constant 0 : i32
      %dma_start3A_98 = tpu.memref_slice %arg6[%dma_start3A_96, %dma_start3A_97] : memref<512x32xf32, #tpu.memory_space<vmem>> -> memref<512x32xf32, #tpu.memory_space<vmem>>
      tpu.enqueue_dma source(%dma_start3A_98 : memref<512x32xf32, #tpu.memory_space<vmem>>) target(%dma_start3A_95 : memref<512x32xf32, #tpu.memory_space<vmem_shared>>) target_semaphore(%run_scoped3A : memref<!tpu.dma_semaphore, #tpu.memory_space<semaphore_mem>>)
      %dma_wait3A_99 = arith.constant 0 : i32
      %dma_wait3A_100 = arith.constant 0 : i32
      %dma_wait3A_101 = tpu.memref_slice %arg6[%dma_wait3A_99, %dma_wait3A_100] : memref<512x32xf32, #tpu.memory_space<vmem>> -> memref<512x32xf32, #tpu.memory_space<vmem>>
      %dma_wait3A_102 = arith.constant 0 : i32
      %dma_wait3A_103 = tpu.memref_slice %arg7[%add3A_27, %dma_wait3A_102] : memref<50176x32xf32, #tpu.memory_space<vmem_shared>> -> memref<512x32xf32, #tpu.memory_space<vmem_shared>>
      %dma_wait3A_104 = arith.constant 0 : i32
      %dma_wait3A_105 = tpu.memref_slice %arg7[%add3A_27, %dma_wait3A_104] : memref<50176x32xf32, #tpu.memory_space<vmem_shared>> -> memref<512x32xf32, #tpu.memory_space<vmem_shared>>
      %dma_wait3A_106 = arith.constant 0 : i32
      %dma_wait3A_107 = arith.constant 0 : i32
      %dma_wait3A_108 = tpu.memref_slice %arg6[%dma_wait3A_106, %dma_wait3A_107] : memref<512x32xf32, #tpu.memory_space<vmem>> -> memref<512x32xf32, #tpu.memory_space<vmem>>
      tpu.wait_dma2 semaphore(%run_scoped3A : memref<!tpu.dma_semaphore, #tpu.memory_space<semaphore_mem>>) src(%dma_wait3A_108 : memref<512x32xf32, #tpu.memory_space<vmem>>) dst(%dma_wait3A_105 : memref<512x32xf32, #tpu.memory_space<vmem_shared>>)
      tpu.yield
    }) : () -> ()
    %mul3A_28 = arith.constant 3136 : i32
    %mul3A_29 = arith.muli %arg1, %mul3A_28 : i32
    %add3A_30 = arith.constant 3072 : i32
    %add3A_31 = arith.addi %mul3A_29, %add3A_30 : i32
    "tpu.region"() ({
      %run_scoped3A = tpu.sem_alloc : memref<!tpu.dma_semaphore, #tpu.memory_space<semaphore_mem>>
      %dma_start3A_89 = arith.constant 0 : i32
      %dma_start3A_90 = arith.constant 0 : i32
      %dma_start3A_91 = tpu.memref_slice %arg6[%dma_start3A_89, %dma_start3A_90] : memref<512x32xf32, #tpu.memory_space<vmem>> -> memref<64x32xf32, #tpu.memory_space<vmem>>
      %dma_start3A_92 = arith.constant 0 : i32
      %dma_start3A_93 = tpu.memref_slice %arg7[%add3A_31, %dma_start3A_92] : memref<50176x32xf32, #tpu.memory_space<vmem_shared>> -> memref<64x32xf32, #tpu.memory_space<vmem_shared>>
      %dma_start3A_94 = arith.constant 0 : i32
      %dma_start3A_95 = tpu.memref_slice %arg7[%add3A_31, %dma_start3A_94] : memref<50176x32xf32, #tpu.memory_space<vmem_shared>> -> memref<64x32xf32, #tpu.memory_space<vmem_shared>>
      %dma_start3A_96 = arith.constant 0 : i32
      %dma_start3A_97 = arith.constant 0 : i32
      %dma_start3A_98 = tpu.memref_slice %arg6[%dma_start3A_96, %dma_start3A_97] : memref<512x32xf32, #tpu.memory_space<vmem>> -> memref<64x32xf32, #tpu.memory_space<vmem>>
      tpu.enqueue_dma source(%dma_start3A_98 : memref<64x32xf32, #tpu.memory_space<vmem>>) target(%dma_start3A_95 : memref<64x32xf32, #tpu.memory_space<vmem_shared>>) target_semaphore(%run_scoped3A : memref<!tpu.dma_semaphore, #tpu.memory_space<semaphore_mem>>)
      %dma_wait3A_99 = arith.constant 0 : i32
      %dma_wait3A_100 = arith.constant 0 : i32
      %dma_wait3A_101 = tpu.memref_slice %arg6[%dma_wait3A_99, %dma_wait3A_100] : memref<512x32xf32, #tpu.memory_space<vmem>> -> memref<64x32xf32, #tpu.memory_space<vmem>>
      %dma_wait3A_102 = arith.constant 0 : i32
      %dma_wait3A_103 = tpu.memref_slice %arg7[%add3A_31, %dma_wait3A_102] : memref<50176x32xf32, #tpu.memory_space<vmem_shared>> -> memref<64x32xf32, #tpu.memory_space<vmem_shared>>
      %dma_wait3A_104 = arith.constant 0 : i32
      %dma_wait3A_105 = tpu.memref_slice %arg7[%add3A_31, %dma_wait3A_104] : memref<50176x32xf32, #tpu.memory_space<vmem_shared>> -> memref<64x32xf32, #tpu.memory_space<vmem_shared>>
      %dma_wait3A_106 = arith.constant 0 : i32
      %dma_wait3A_107 = arith.constant 0 : i32
      %dma_wait3A_108 = tpu.memref_slice %arg6[%dma_wait3A_106, %dma_wait3A_107] : memref<512x32xf32, #tpu.memory_space<vmem>> -> memref<64x32xf32, #tpu.memory_space<vmem>>
      tpu.wait_dma2 semaphore(%run_scoped3A : memref<!tpu.dma_semaphore, #tpu.memory_space<semaphore_mem>>) src(%dma_wait3A_108 : memref<64x32xf32, #tpu.memory_space<vmem>>) dst(%dma_wait3A_105 : memref<64x32xf32, #tpu.memory_space<vmem_shared>>)
      tpu.yield
    }) : () -> ()
    %barrier3A = arith.constant 0 : index
    tpu.barrier barrier_id(%barrier3A)
    %mul3A_32 = arith.constant 98 : i32
    %mul3A_33 = arith.muli %arg1, %mul3A_32 : i32
    "tpu.region"() ({
      %run_scoped3A = tpu.sem_alloc : memref<!tpu.dma_semaphore, #tpu.memory_space<semaphore_mem>>
      %dma_start3A_89 = arith.constant 0 : i32
      %dma_start3A_90 = arith.constant 0 : i32
      %dma_start3A_91 = tpu.memref_slice %arg5[%dma_start3A_89, %dma_start3A_90] : memref<16x128xi32, #tpu.memory_space<vmem>> -> memref<8x128xi32, #tpu.memory_space<vmem>>
      %dma_start3A_92 = arith.constant 0 : i32
      %dma_start3A_93 = arith.constant 0 : i32
      %dma_start3A_94 = tpu.memref_slice %arg3[%mul3A_33, %dma_start3A_92, %dma_start3A_93] : memref<1568x8x128xi32, #tpu.memory_space<hbm>> -> memref<1x8x128xi32, #tpu.memory_space<hbm>>
      %dma_start3A_95 = tpu.memref_squeeze %dma_start3A_94 : memref<1x8x128xi32, #tpu.memory_space<hbm>> -> memref<8x128xi32, #tpu.memory_space<hbm>>
      %dma_start3A_96 = arith.constant 0 : i32
      %dma_start3A_97 = arith.constant 0 : i32
      %dma_start3A_98 = tpu.memref_slice %arg5[%dma_start3A_96, %dma_start3A_97] : memref<16x128xi32, #tpu.memory_space<vmem>> -> memref<8x128xi32, #tpu.memory_space<vmem>>
      %dma_start3A_99 = arith.constant 0 : i32
      %dma_start3A_100 = arith.constant 0 : i32
      %dma_start3A_101 = tpu.memref_slice %arg3[%mul3A_33, %dma_start3A_99, %dma_start3A_100] : memref<1568x8x128xi32, #tpu.memory_space<hbm>> -> memref<1x8x128xi32, #tpu.memory_space<hbm>>
      %dma_start3A_102 = tpu.memref_squeeze %dma_start3A_101 : memref<1x8x128xi32, #tpu.memory_space<hbm>> -> memref<8x128xi32, #tpu.memory_space<hbm>>
      tpu.enqueue_dma source(%dma_start3A_102 : memref<8x128xi32, #tpu.memory_space<hbm>>) target(%dma_start3A_98 : memref<8x128xi32, #tpu.memory_space<vmem>>) target_semaphore(%run_scoped3A : memref<!tpu.dma_semaphore, #tpu.memory_space<semaphore_mem>>)
      %dma_wait3A_103 = arith.constant 0 : i32
      %dma_wait3A_104 = arith.constant 0 : i32
      %dma_wait3A_105 = tpu.memref_slice %arg5[%dma_wait3A_103, %dma_wait3A_104] : memref<16x128xi32, #tpu.memory_space<vmem>> -> memref<8x128xi32, #tpu.memory_space<vmem>>
      %dma_wait3A_106 = arith.constant 0 : i32
      %dma_wait3A_107 = arith.constant 0 : i32
      %dma_wait3A_108 = tpu.memref_slice %arg3[%mul3A_33, %dma_wait3A_106, %dma_wait3A_107] : memref<1568x8x128xi32, #tpu.memory_space<hbm>> -> memref<1x8x128xi32, #tpu.memory_space<hbm>>
      %dma_wait3A_109 = tpu.memref_squeeze %dma_wait3A_108 : memref<1x8x128xi32, #tpu.memory_space<hbm>> -> memref<8x128xi32, #tpu.memory_space<hbm>>
      %dma_wait3A_110 = arith.constant 0 : i32
      %dma_wait3A_111 = arith.constant 0 : i32
      %dma_wait3A_112 = tpu.memref_slice %arg5[%dma_wait3A_110, %dma_wait3A_111] : memref<16x128xi32, #tpu.memory_space<vmem>> -> memref<8x128xi32, #tpu.memory_space<vmem>>
      %dma_wait3A_113 = arith.constant 0 : i32
      %dma_wait3A_114 = arith.constant 0 : i32
      %dma_wait3A_115 = tpu.memref_slice %arg3[%mul3A_33, %dma_wait3A_113, %dma_wait3A_114] : memref<1568x8x128xi32, #tpu.memory_space<hbm>> -> memref<1x8x128xi32, #tpu.memory_space<hbm>>
      %dma_wait3A_116 = tpu.memref_squeeze %dma_wait3A_115 : memref<1x8x128xi32, #tpu.memory_space<hbm>> -> memref<8x128xi32, #tpu.memory_space<hbm>>
      tpu.wait_dma2 semaphore(%run_scoped3A : memref<!tpu.dma_semaphore, #tpu.memory_space<semaphore_mem>>) src(%dma_wait3A_116 : memref<8x128xi32, #tpu.memory_space<hbm>>) dst(%dma_wait3A_112 : memref<8x128xi32, #tpu.memory_space<vmem>>)
      tpu.yield
    }) : () -> ()
    %dma_start3A = arith.constant 0 : i32
    %dma_start3A_34 = arith.constant 0 : i32
    %dma_start3A_35 = arith.constant 0 : i32
    %dma_start3A_36 = tpu.memref_slice %arg6[%dma_start3A_34, %dma_start3A_35] : memref<512x32xf32, #tpu.memory_space<vmem>> -> memref<256x32xf32, #tpu.memory_space<vmem>>
    %dma_start3A_37 = arith.constant 0 : i32
    %dma_start3A_38 = arith.constant 0 : i32
    %dma_start3A_39 = tpu.memref_slice %dma_start3A_36[%dma_start3A_37, %dma_start3A_38] : memref<256x32xf32, #tpu.memory_space<vmem>> -> memref<128x32xf32, #tpu.memory_space<vmem>>
    %dma_start3A_40 = arith.constant 0 : i32
    %dma_start3A_41 = tpu.memref_slice %arg5[%dma_start3A, %dma_start3A_40] : memref<16x128xi32, #tpu.memory_space<vmem>> -> memref<1x128xi32, #tpu.memory_space<vmem>>
    %dma_start3A_42 = tpu.memref_squeeze %dma_start3A_41 : memref<1x128xi32, #tpu.memory_space<vmem>> -> memref<128xi32, #tpu.memory_space<vmem>>
    %dma_start3A_43 = arith.constant 0 : i32
    %dma_start3A_44 = arith.constant 0 : i32
    %dma_start3A_45 = tpu.memref_slice %arg2[%arg0, %dma_start3A_43, %dma_start3A_44] : memref<2x50176x32xf32, #tpu.memory_space<hbm>> -> memref<1x50176x32xf32, #tpu.memory_space<hbm>>
    %dma_start3A_46 = tpu.memref_squeeze %dma_start3A_45 : memref<1x50176x32xf32, #tpu.memory_space<hbm>> -> memref<50176x32xf32, #tpu.memory_space<hbm>>
    %dma_start3A_47 = arith.constant 0 : i32
    %dma_start3A_48 = arith.constant 0 : i32
    %dma_start3A_49 = tpu.memref_slice %dma_start3A_46[%dma_start3A_47, %dma_start3A_48] : memref<50176x32xf32, #tpu.memory_space<hbm>> -> memref<50176x32xf32, #tpu.memory_space<hbm>>
    tpu.enqueue_indirect_dma source(%dma_start3A_49 : memref<50176x32xf32, #tpu.memory_space<hbm>>) target(%dma_start3A_39 : memref<128x32xf32, #tpu.memory_space<vmem>>) offsets(%dma_start3A_42 : memref<128xi32, #tpu.memory_space<vmem>>) semaphore(%arg8 : memref<!tpu.dma_semaphore, #tpu.memory_space<semaphore_mem>>)
    %dma_start3A_50 = arith.constant 1 : i32
    %dma_start3A_51 = arith.constant 0 : i32
    %dma_start3A_52 = arith.constant 0 : i32
    %dma_start3A_53 = tpu.memref_slice %arg6[%dma_start3A_51, %dma_start3A_52] : memref<512x32xf32, #tpu.memory_space<vmem>> -> memref<256x32xf32, #tpu.memory_space<vmem>>
    %dma_start3A_54 = arith.constant 128 : i32
    %dma_start3A_55 = arith.constant 0 : i32
    %dma_start3A_56 = tpu.memref_slice %dma_start3A_53[%dma_start3A_54, %dma_start3A_55] : memref<256x32xf32, #tpu.memory_space<vmem>> -> memref<128x32xf32, #tpu.memory_space<vmem>>
    %dma_start3A_57 = arith.constant 0 : i32
    %dma_start3A_58 = tpu.memref_slice %arg5[%dma_start3A_50, %dma_start3A_57] : memref<16x128xi32, #tpu.memory_space<vmem>> -> memref<1x128xi32, #tpu.memory_space<vmem>>
    %dma_start3A_59 = tpu.memref_squeeze %dma_start3A_58 : memref<1x128xi32, #tpu.memory_space<vmem>> -> memref<128xi32, #tpu.memory_space<vmem>>
    %dma_start3A_60 = arith.constant 0 : i32
    %dma_start3A_61 = arith.constant 0 : i32
    %dma_start3A_62 = tpu.memref_slice %arg2[%arg0, %dma_start3A_60, %dma_start3A_61] : memref<2x50176x32xf32, #tpu.memory_space<hbm>> -> memref<1x50176x32xf32, #tpu.memory_space<hbm>>
    %dma_start3A_63 = tpu.memref_squeeze %dma_start3A_62 : memref<1x50176x32xf32, #tpu.memory_space<hbm>> -> memref<50176x32xf32, #tpu.memory_space<hbm>>
    %dma_start3A_64 = arith.constant 0 : i32
    %dma_start3A_65 = arith.constant 0 : i32
    %dma_start3A_66 = tpu.memref_slice %dma_start3A_63[%dma_start3A_64, %dma_start3A_65] : memref<50176x32xf32, #tpu.memory_space<hbm>> -> memref<50176x32xf32, #tpu.memory_space<hbm>>
    tpu.enqueue_indirect_dma source(%dma_start3A_66 : memref<50176x32xf32, #tpu.memory_space<hbm>>) target(%dma_start3A_56 : memref<128x32xf32, #tpu.memory_space<vmem>>) offsets(%dma_start3A_59 : memref<128xi32, #tpu.memory_space<vmem>>) semaphore(%arg8 : memref<!tpu.dma_semaphore, #tpu.memory_space<semaphore_mem>>)
    %scan3A_67 = arith.constant 0 : i32
    %scan3A_68 = arith.constant 0 : i32
    %scan3A_69 = arith.constant 0 : i32
    %scan3A_70 = arith.constant 98 : i32
    %scan3A_71 = arith.addi %scan3A_69, %scan3A_70 : i32
    %scan3A_72 = arith.constant 1 : i32
    scf.for %scan3A_89 = %scan3A_69 to %scan3A_71 step %scan3A_72  : i32 {
      %rem3A = arith.constant 2 : i32
      %rem3A_90 = arith.remsi %scan3A_89, %rem3A : i32
      %mul3A_91 = arith.constant 8 : i32
      %mul3A_92 = arith.muli %rem3A_90, %mul3A_91 : i32
      %add3A_93 = arith.constant 1 : i32
      %add3A_94 = arith.addi %scan3A_89, %add3A_93 : i32
      %rem3A_95 = arith.constant 2 : i32
      %rem3A_96 = arith.remsi %add3A_94, %rem3A_95 : i32
      %mul3A_97 = arith.constant 8 : i32
      %mul3A_98 = arith.muli %rem3A_96, %mul3A_97 : i32
      %dma_wait3A_99 = arith.constant 0 : i32
      %dma_wait3A_100 = arith.constant 0 : i32
      %dma_wait3A_101 = tpu.memref_slice %arg6[%dma_wait3A_99, %dma_wait3A_100] : memref<512x32xf32, #tpu.memory_space<vmem>> -> memref<256x32xf32, #tpu.memory_space<vmem>>
      %dma_wait3A_102 = arith.constant 0 : i32
      %dma_wait3A_103 = arith.constant 0 : i32
      %dma_wait3A_104 = tpu.memref_slice %arg2[%scan3A_68, %dma_wait3A_102, %dma_wait3A_103] : memref<2x50176x32xf32, #tpu.memory_space<hbm>> -> memref<1x50176x32xf32, #tpu.memory_space<hbm>>
      %dma_wait3A_105 = tpu.memref_squeeze %dma_wait3A_104 : memref<1x50176x32xf32, #tpu.memory_space<hbm>> -> memref<50176x32xf32, #tpu.memory_space<hbm>>
      %dma_wait3A_106 = arith.constant 0 : i32
      %dma_wait3A_107 = arith.constant 0 : i32
      %dma_wait3A_108 = tpu.memref_slice %dma_wait3A_105[%dma_wait3A_106, %dma_wait3A_107] : memref<50176x32xf32, #tpu.memory_space<hbm>> -> memref<256x32xf32, #tpu.memory_space<hbm>>
      %dma_wait3A_109 = arith.constant 0 : i32
      %dma_wait3A_110 = arith.constant 0 : i32
      %dma_wait3A_111 = tpu.memref_slice %arg6[%dma_wait3A_109, %dma_wait3A_110] : memref<512x32xf32, #tpu.memory_space<vmem>> -> memref<256x32xf32, #tpu.memory_space<vmem>>
      %dma_wait3A_112 = arith.constant 0 : i32
      %dma_wait3A_113 = arith.constant 0 : i32
      %dma_wait3A_114 = tpu.memref_slice %arg2[%scan3A_68, %dma_wait3A_112, %dma_wait3A_113] : memref<2x50176x32xf32, #tpu.memory_space<hbm>> -> memref<1x50176x32xf32, #tpu.memory_space<hbm>>
      %dma_wait3A_115 = tpu.memref_squeeze %dma_wait3A_114 : memref<1x50176x32xf32, #tpu.memory_space<hbm>> -> memref<50176x32xf32, #tpu.memory_space<hbm>>
      %dma_wait3A_116 = arith.constant 0 : i32
      %dma_wait3A_117 = arith.constant 0 : i32
      %dma_wait3A_118 = tpu.memref_slice %dma_wait3A_115[%dma_wait3A_116, %dma_wait3A_117] : memref<50176x32xf32, #tpu.memory_space<hbm>> -> memref<256x32xf32, #tpu.memory_space<hbm>>
      tpu.wait_dma2 semaphore(%arg8 : memref<!tpu.dma_semaphore, #tpu.memory_space<semaphore_mem>>) src(%dma_wait3A_118 : memref<256x32xf32, #tpu.memory_space<hbm>>) dst(%dma_wait3A_111 : memref<256x32xf32, #tpu.memory_space<vmem>>)
      %ge3A = arith.constant 1 : i32
      %ge3A_119 = arith.cmpi sge, %scan3A_89, %ge3A : i32
      %convert_element_type3A = arith.extui %ge3A_119 : i1 to i32
      %cond3A = arith.constant 0 : i32
      %cond3A_120 = arith.cmpi ne, %convert_element_type3A, %cond3A : i32
      scf.if %cond3A_120 {
        %dma_wait3A_262 = arith.constant 0 : i32
        %dma_wait3A_263 = arith.constant 0 : i32
        %dma_wait3A_264 = tpu.memref_slice %arg7[%dma_wait3A_262, %dma_wait3A_263] : memref<50176x32xf32, #tpu.memory_space<vmem_shared>> -> memref<256x32xf32, #tpu.memory_space<vmem_shared>>
        %dma_wait3A_265 = arith.constant 0 : i32
        %dma_wait3A_266 = arith.constant 0 : i32
        %dma_wait3A_267 = tpu.memref_slice %arg2[%scan3A_68, %dma_wait3A_265, %dma_wait3A_266] : memref<2x50176x32xf32, #tpu.memory_space<hbm>> -> memref<1x50176x32xf32, #tpu.memory_space<hbm>>
        %dma_wait3A_268 = tpu.memref_squeeze %dma_wait3A_267 : memref<1x50176x32xf32, #tpu.memory_space<hbm>> -> memref<50176x32xf32, #tpu.memory_space<hbm>>
        %dma_wait3A_269 = arith.constant 0 : i32
        %dma_wait3A_270 = arith.constant 0 : i32
        %dma_wait3A_271 = tpu.memref_slice %dma_wait3A_268[%dma_wait3A_269, %dma_wait3A_270] : memref<50176x32xf32, #tpu.memory_space<hbm>> -> memref<256x32xf32, #tpu.memory_space<hbm>>
        tpu.wait_dma2 semaphore(%arg9 : memref<!tpu.dma_semaphore, #tpu.memory_space<semaphore_mem>>) src(%dma_wait3A_271 : memref<256x32xf32, #tpu.memory_space<hbm>>) dst(%dma_wait3A_264 : memref<256x32xf32, #tpu.memory_space<vmem_shared>>)
      } else {
      }
      %add3A_121 = arith.constant 1 : i32
      %add3A_122 = arith.addi %scan3A_89, %add3A_121 : i32
      %lt3A = arith.constant 98 : i32
      %lt3A_123 = arith.cmpi slt, %add3A_122, %lt3A : i32
      %convert_element_type3A_124 = arith.extui %lt3A_123 : i1 to i32
      %cond3A_125 = arith.constant 0 : i32
      %cond3A_126 = arith.cmpi ne, %convert_element_type3A_124, %cond3A_125 : i32
      scf.if %cond3A_126 {
        %mul3A_262 = arith.constant 98 : i32
        %mul3A_263 = arith.muli %arg1, %mul3A_262 : i32
        %add3A_264 = arith.addi %mul3A_263, %scan3A_89 : i32
        %add3A_265 = arith.constant 1 : i32
        %add3A_266 = arith.addi %add3A_264, %add3A_265 : i32
        %dma_start3A_267 = arith.constant 0 : i32
        %dma_start3A_268 = tpu.memref_slice %arg5[%mul3A_98, %dma_start3A_267] : memref<16x128xi32, #tpu.memory_space<vmem>> -> memref<8x128xi32, #tpu.memory_space<vmem>>
        %dma_start3A_269 = arith.constant 0 : i32
        %dma_start3A_270 = arith.constant 0 : i32
        %dma_start3A_271 = tpu.memref_slice %arg3[%add3A_266, %dma_start3A_269, %dma_start3A_270] : memref<1568x8x128xi32, #tpu.memory_space<hbm>> -> memref<1x8x128xi32, #tpu.memory_space<hbm>>
        %dma_start3A_272 = tpu.memref_squeeze %dma_start3A_271 : memref<1x8x128xi32, #tpu.memory_space<hbm>> -> memref<8x128xi32, #tpu.memory_space<hbm>>
        %dma_start3A_273 = arith.constant 0 : i32
        %dma_start3A_274 = tpu.memref_slice %arg5[%mul3A_98, %dma_start3A_273] : memref<16x128xi32, #tpu.memory_space<vmem>> -> memref<8x128xi32, #tpu.memory_space<vmem>>
        %dma_start3A_275 = arith.constant 0 : i32
        %dma_start3A_276 = arith.constant 0 : i32
        %dma_start3A_277 = tpu.memref_slice %arg3[%add3A_266, %dma_start3A_275, %dma_start3A_276] : memref<1568x8x128xi32, #tpu.memory_space<hbm>> -> memref<1x8x128xi32, #tpu.memory_space<hbm>>
        %dma_start3A_278 = tpu.memref_squeeze %dma_start3A_277 : memref<1x8x128xi32, #tpu.memory_space<hbm>> -> memref<8x128xi32, #tpu.memory_space<hbm>>
        tpu.enqueue_dma source(%dma_start3A_278 : memref<8x128xi32, #tpu.memory_space<hbm>>) target(%dma_start3A_274 : memref<8x128xi32, #tpu.memory_space<vmem>>) target_semaphore(%arg10 : memref<!tpu.dma_semaphore, #tpu.memory_space<semaphore_mem>>)
      } else {
      }
      %add3A_127 = arith.constant 4 : i32
      %add3A_128 = arith.addi %mul3A_92, %add3A_127 : i32
      %add3A_129 = arith.constant 0 : i32
      %add3A_130 = arith.addi %add3A_128, %add3A_129 : i32
      %dma_start3A_131 = arith.constant 256 : i32
      %dma_start3A_132 = arith.constant 0 : i32
      %dma_start3A_133 = tpu.memref_slice %arg6[%dma_start3A_131, %dma_start3A_132] : memref<512x32xf32, #tpu.memory_space<vmem>> -> memref<256x32xf32, #tpu.memory_space<vmem>>
      %dma_start3A_134 = arith.constant 0 : i32
      %dma_start3A_135 = arith.constant 0 : i32
      %dma_start3A_136 = tpu.memref_slice %dma_start3A_133[%dma_start3A_134, %dma_start3A_135] : memref<256x32xf32, #tpu.memory_space<vmem>> -> memref<128x32xf32, #tpu.memory_space<vmem>>
      %dma_start3A_137 = arith.constant 0 : i32
      %dma_start3A_138 = tpu.memref_slice %arg5[%add3A_130, %dma_start3A_137] : memref<16x128xi32, #tpu.memory_space<vmem>> -> memref<1x128xi32, #tpu.memory_space<vmem>>
      %dma_start3A_139 = tpu.memref_squeeze %dma_start3A_138 : memref<1x128xi32, #tpu.memory_space<vmem>> -> memref<128xi32, #tpu.memory_space<vmem>>
      %dma_start3A_140 = arith.constant 0 : i32
      %dma_start3A_141 = arith.constant 0 : i32
      %dma_start3A_142 = tpu.memref_slice %arg2[%arg0, %dma_start3A_140, %dma_start3A_141] : memref<2x50176x32xf32, #tpu.memory_space<hbm>> -> memref<1x50176x32xf32, #tpu.memory_space<hbm>>
      %dma_start3A_143 = tpu.memref_squeeze %dma_start3A_142 : memref<1x50176x32xf32, #tpu.memory_space<hbm>> -> memref<50176x32xf32, #tpu.memory_space<hbm>>
      %dma_start3A_144 = arith.constant 0 : i32
      %dma_start3A_145 = arith.constant 0 : i32
      %dma_start3A_146 = tpu.memref_slice %dma_start3A_143[%dma_start3A_144, %dma_start3A_145] : memref<50176x32xf32, #tpu.memory_space<hbm>> -> memref<50176x32xf32, #tpu.memory_space<hbm>>
      tpu.enqueue_indirect_dma source(%dma_start3A_146 : memref<50176x32xf32, #tpu.memory_space<hbm>>) target(%dma_start3A_136 : memref<128x32xf32, #tpu.memory_space<vmem>>) offsets(%dma_start3A_139 : memref<128xi32, #tpu.memory_space<vmem>>) semaphore(%arg8 : memref<!tpu.dma_semaphore, #tpu.memory_space<semaphore_mem>>)
      %add3A_147 = arith.constant 1 : i32
      %add3A_148 = arith.addi %add3A_128, %add3A_147 : i32
      %dma_start3A_149 = arith.constant 256 : i32
      %dma_start3A_150 = arith.constant 0 : i32
      %dma_start3A_151 = tpu.memref_slice %arg6[%dma_start3A_149, %dma_start3A_150] : memref<512x32xf32, #tpu.memory_space<vmem>> -> memref<256x32xf32, #tpu.memory_space<vmem>>
      %dma_start3A_152 = arith.constant 128 : i32
      %dma_start3A_153 = arith.constant 0 : i32
      %dma_start3A_154 = tpu.memref_slice %dma_start3A_151[%dma_start3A_152, %dma_start3A_153] : memref<256x32xf32, #tpu.memory_space<vmem>> -> memref<128x32xf32, #tpu.memory_space<vmem>>
      %dma_start3A_155 = arith.constant 0 : i32
      %dma_start3A_156 = tpu.memref_slice %arg5[%add3A_148, %dma_start3A_155] : memref<16x128xi32, #tpu.memory_space<vmem>> -> memref<1x128xi32, #tpu.memory_space<vmem>>
      %dma_start3A_157 = tpu.memref_squeeze %dma_start3A_156 : memref<1x128xi32, #tpu.memory_space<vmem>> -> memref<128xi32, #tpu.memory_space<vmem>>
      %dma_start3A_158 = arith.constant 0 : i32
      %dma_start3A_159 = arith.constant 0 : i32
      %dma_start3A_160 = tpu.memref_slice %arg2[%arg0, %dma_start3A_158, %dma_start3A_159] : memref<2x50176x32xf32, #tpu.memory_space<hbm>> -> memref<1x50176x32xf32, #tpu.memory_space<hbm>>
      %dma_start3A_161 = tpu.memref_squeeze %dma_start3A_160 : memref<1x50176x32xf32, #tpu.memory_space<hbm>> -> memref<50176x32xf32, #tpu.memory_space<hbm>>
      %dma_start3A_162 = arith.constant 0 : i32
      %dma_start3A_163 = arith.constant 0 : i32
      %dma_start3A_164 = tpu.memref_slice %dma_start3A_161[%dma_start3A_162, %dma_start3A_163] : memref<50176x32xf32, #tpu.memory_space<hbm>> -> memref<50176x32xf32, #tpu.memory_space<hbm>>
      tpu.enqueue_indirect_dma source(%dma_start3A_164 : memref<50176x32xf32, #tpu.memory_space<hbm>>) target(%dma_start3A_154 : memref<128x32xf32, #tpu.memory_space<vmem>>) offsets(%dma_start3A_157 : memref<128xi32, #tpu.memory_space<vmem>>) semaphore(%arg8 : memref<!tpu.dma_semaphore, #tpu.memory_space<semaphore_mem>>)
      %add3A_165 = arith.constant 2 : i32
      %add3A_166 = arith.addi %mul3A_92, %add3A_165 : i32
      %add3A_167 = arith.constant 0 : i32
      %add3A_168 = arith.addi %add3A_166, %add3A_167 : i32
      %dma_start3A_169 = arith.constant 0 : i32
      %dma_start3A_170 = arith.constant 0 : i32
      %dma_start3A_171 = tpu.memref_slice %arg6[%dma_start3A_169, %dma_start3A_170] : memref<512x32xf32, #tpu.memory_space<vmem>> -> memref<256x32xf32, #tpu.memory_space<vmem>>
      %dma_start3A_172 = arith.constant 0 : i32
      %dma_start3A_173 = arith.constant 0 : i32
      %dma_start3A_174 = tpu.memref_slice %dma_start3A_171[%dma_start3A_172, %dma_start3A_173] : memref<256x32xf32, #tpu.memory_space<vmem>> -> memref<128x32xf32, #tpu.memory_space<vmem>>
      %dma_start3A_175 = arith.constant 0 : i32
      %dma_start3A_176 = tpu.memref_slice %arg5[%add3A_168, %dma_start3A_175] : memref<16x128xi32, #tpu.memory_space<vmem>> -> memref<1x128xi32, #tpu.memory_space<vmem>>
      %dma_start3A_177 = tpu.memref_squeeze %dma_start3A_176 : memref<1x128xi32, #tpu.memory_space<vmem>> -> memref<128xi32, #tpu.memory_space<vmem>>
      %dma_start3A_178 = arith.constant 0 : i32
      %dma_start3A_179 = arith.constant 0 : i32
      %dma_start3A_180 = tpu.memref_slice %arg7[%dma_start3A_178, %dma_start3A_179] : memref<50176x32xf32, #tpu.memory_space<vmem_shared>> -> memref<50176x32xf32, #tpu.memory_space<vmem_shared>>
      tpu.enqueue_indirect_dma source(%dma_start3A_174 : memref<128x32xf32, #tpu.memory_space<vmem>>) target(%dma_start3A_180 : memref<50176x32xf32, #tpu.memory_space<vmem_shared>>) offsets(%dma_start3A_177 : memref<128xi32, #tpu.memory_space<vmem>>) semaphore(%arg9 : memref<!tpu.dma_semaphore, #tpu.memory_space<semaphore_mem>>) {add = true}
      %add3A_181 = arith.constant 1 : i32
      %add3A_182 = arith.addi %add3A_166, %add3A_181 : i32
      %dma_start3A_183 = arith.constant 0 : i32
      %dma_start3A_184 = arith.constant 0 : i32
      %dma_start3A_185 = tpu.memref_slice %arg6[%dma_start3A_183, %dma_start3A_184] : memref<512x32xf32, #tpu.memory_space<vmem>> -> memref<256x32xf32, #tpu.memory_space<vmem>>
      %dma_start3A_186 = arith.constant 128 : i32
      %dma_start3A_187 = arith.constant 0 : i32
      %dma_start3A_188 = tpu.memref_slice %dma_start3A_185[%dma_start3A_186, %dma_start3A_187] : memref<256x32xf32, #tpu.memory_space<vmem>> -> memref<128x32xf32, #tpu.memory_space<vmem>>
      %dma_start3A_189 = arith.constant 0 : i32
      %dma_start3A_190 = tpu.memref_slice %arg5[%add3A_182, %dma_start3A_189] : memref<16x128xi32, #tpu.memory_space<vmem>> -> memref<1x128xi32, #tpu.memory_space<vmem>>
      %dma_start3A_191 = tpu.memref_squeeze %dma_start3A_190 : memref<1x128xi32, #tpu.memory_space<vmem>> -> memref<128xi32, #tpu.memory_space<vmem>>
      %dma_start3A_192 = arith.constant 0 : i32
      %dma_start3A_193 = arith.constant 0 : i32
      %dma_start3A_194 = tpu.memref_slice %arg7[%dma_start3A_192, %dma_start3A_193] : memref<50176x32xf32, #tpu.memory_space<vmem_shared>> -> memref<50176x32xf32, #tpu.memory_space<vmem_shared>>
      tpu.enqueue_indirect_dma source(%dma_start3A_188 : memref<128x32xf32, #tpu.memory_space<vmem>>) target(%dma_start3A_194 : memref<50176x32xf32, #tpu.memory_space<vmem_shared>>) offsets(%dma_start3A_191 : memref<128xi32, #tpu.memory_space<vmem>>) semaphore(%arg9 : memref<!tpu.dma_semaphore, #tpu.memory_space<semaphore_mem>>) {add = true}
      %dma_wait3A_195 = arith.constant 0 : i32
      %dma_wait3A_196 = arith.constant 0 : i32
      %dma_wait3A_197 = tpu.memref_slice %arg6[%dma_wait3A_195, %dma_wait3A_196] : memref<512x32xf32, #tpu.memory_space<vmem>> -> memref<256x32xf32, #tpu.memory_space<vmem>>
      %dma_wait3A_198 = arith.constant 0 : i32
      %dma_wait3A_199 = arith.constant 0 : i32
      %dma_wait3A_200 = tpu.memref_slice %arg2[%scan3A_68, %dma_wait3A_198, %dma_wait3A_199] : memref<2x50176x32xf32, #tpu.memory_space<hbm>> -> memref<1x50176x32xf32, #tpu.memory_space<hbm>>
      %dma_wait3A_201 = tpu.memref_squeeze %dma_wait3A_200 : memref<1x50176x32xf32, #tpu.memory_space<hbm>> -> memref<50176x32xf32, #tpu.memory_space<hbm>>
      %dma_wait3A_202 = arith.constant 0 : i32
      %dma_wait3A_203 = arith.constant 0 : i32
      %dma_wait3A_204 = tpu.memref_slice %dma_wait3A_201[%dma_wait3A_202, %dma_wait3A_203] : memref<50176x32xf32, #tpu.memory_space<hbm>> -> memref<256x32xf32, #tpu.memory_space<hbm>>
      %dma_wait3A_205 = arith.constant 0 : i32
      %dma_wait3A_206 = arith.constant 0 : i32
      %dma_wait3A_207 = tpu.memref_slice %arg6[%dma_wait3A_205, %dma_wait3A_206] : memref<512x32xf32, #tpu.memory_space<vmem>> -> memref<256x32xf32, #tpu.memory_space<vmem>>
      %dma_wait3A_208 = arith.constant 0 : i32
      %dma_wait3A_209 = arith.constant 0 : i32
      %dma_wait3A_210 = tpu.memref_slice %arg2[%scan3A_68, %dma_wait3A_208, %dma_wait3A_209] : memref<2x50176x32xf32, #tpu.memory_space<hbm>> -> memref<1x50176x32xf32, #tpu.memory_space<hbm>>
      %dma_wait3A_211 = tpu.memref_squeeze %dma_wait3A_210 : memref<1x50176x32xf32, #tpu.memory_space<hbm>> -> memref<50176x32xf32, #tpu.memory_space<hbm>>
      %dma_wait3A_212 = arith.constant 0 : i32
      %dma_wait3A_213 = arith.constant 0 : i32
      %dma_wait3A_214 = tpu.memref_slice %dma_wait3A_211[%dma_wait3A_212, %dma_wait3A_213] : memref<50176x32xf32, #tpu.memory_space<hbm>> -> memref<256x32xf32, #tpu.memory_space<hbm>>
      tpu.wait_dma2 semaphore(%arg8 : memref<!tpu.dma_semaphore, #tpu.memory_space<semaphore_mem>>) src(%dma_wait3A_214 : memref<256x32xf32, #tpu.memory_space<hbm>>) dst(%dma_wait3A_207 : memref<256x32xf32, #tpu.memory_space<vmem>>)
      %dma_wait3A_215 = arith.constant 0 : i32
      %dma_wait3A_216 = arith.constant 0 : i32
      %dma_wait3A_217 = tpu.memref_slice %arg7[%dma_wait3A_215, %dma_wait3A_216] : memref<50176x32xf32, #tpu.memory_space<vmem_shared>> -> memref<256x32xf32, #tpu.memory_space<vmem_shared>>
      %dma_wait3A_218 = arith.constant 0 : i32
      %dma_wait3A_219 = arith.constant 0 : i32
      %dma_wait3A_220 = tpu.memref_slice %arg2[%scan3A_68, %dma_wait3A_218, %dma_wait3A_219] : memref<2x50176x32xf32, #tpu.memory_space<hbm>> -> memref<1x50176x32xf32, #tpu.memory_space<hbm>>
      %dma_wait3A_221 = tpu.memref_squeeze %dma_wait3A_220 : memref<1x50176x32xf32, #tpu.memory_space<hbm>> -> memref<50176x32xf32, #tpu.memory_space<hbm>>
      %dma_wait3A_222 = arith.constant 0 : i32
      %dma_wait3A_223 = arith.constant 0 : i32
      %dma_wait3A_224 = tpu.memref_slice %dma_wait3A_221[%dma_wait3A_222, %dma_wait3A_223] : memref<50176x32xf32, #tpu.memory_space<hbm>> -> memref<256x32xf32, #tpu.memory_space<hbm>>
      tpu.wait_dma2 semaphore(%arg9 : memref<!tpu.dma_semaphore, #tpu.memory_space<semaphore_mem>>) src(%dma_wait3A_224 : memref<256x32xf32, #tpu.memory_space<hbm>>) dst(%dma_wait3A_217 : memref<256x32xf32, #tpu.memory_space<vmem_shared>>)
      %add3A_225 = arith.constant 1 : i32
      %add3A_226 = arith.addi %scan3A_89, %add3A_225 : i32
      %lt3A_227 = arith.constant 98 : i32
      %lt3A_228 = arith.cmpi slt, %add3A_226, %lt3A_227 : i32
      %convert_element_type3A_229 = arith.extui %lt3A_228 : i1 to i32
      %cond3A_230 = arith.constant 0 : i32
      %cond3A_231 = arith.cmpi ne, %convert_element_type3A_229, %cond3A_230 : i32
      scf.if %cond3A_231 {
        %dma_wait3A_262 = arith.constant 0 : i32
        %dma_wait3A_263 = arith.constant 0 : i32
        %dma_wait3A_264 = tpu.memref_slice %arg5[%mul3A_98, %dma_wait3A_263] : memref<16x128xi32, #tpu.memory_space<vmem>> -> memref<8x128xi32, #tpu.memory_space<vmem>>
        %dma_wait3A_265 = arith.constant 0 : i32
        %dma_wait3A_266 = arith.constant 0 : i32
        %dma_wait3A_267 = tpu.memref_slice %arg3[%dma_wait3A_262, %dma_wait3A_265, %dma_wait3A_266] : memref<1568x8x128xi32, #tpu.memory_space<hbm>> -> memref<1x8x128xi32, #tpu.memory_space<hbm>>
        %dma_wait3A_268 = tpu.memref_squeeze %dma_wait3A_267 : memref<1x8x128xi32, #tpu.memory_space<hbm>> -> memref<8x128xi32, #tpu.memory_space<hbm>>
        %dma_wait3A_269 = arith.constant 0 : i32
        %dma_wait3A_270 = tpu.memref_slice %arg5[%mul3A_98, %dma_wait3A_269] : memref<16x128xi32, #tpu.memory_space<vmem>> -> memref<8x128xi32, #tpu.memory_space<vmem>>
        %dma_wait3A_271 = arith.constant 0 : i32
        %dma_wait3A_272 = arith.constant 0 : i32
        %dma_wait3A_273 = tpu.memref_slice %arg3[%dma_wait3A_262, %dma_wait3A_271, %dma_wait3A_272] : memref<1568x8x128xi32, #tpu.memory_space<hbm>> -> memref<1x8x128xi32, #tpu.memory_space<hbm>>
        %dma_wait3A_274 = tpu.memref_squeeze %dma_wait3A_273 : memref<1x8x128xi32, #tpu.memory_space<hbm>> -> memref<8x128xi32, #tpu.memory_space<hbm>>
        tpu.wait_dma2 semaphore(%arg10 : memref<!tpu.dma_semaphore, #tpu.memory_space<semaphore_mem>>) src(%dma_wait3A_274 : memref<8x128xi32, #tpu.memory_space<hbm>>) dst(%dma_wait3A_270 : memref<8x128xi32, #tpu.memory_space<vmem>>)
        %add3A_275 = arith.constant 0 : i32
        %add3A_276 = arith.addi %mul3A_98, %add3A_275 : i32
        %dma_start3A_277 = arith.constant 0 : i32
        %dma_start3A_278 = arith.constant 0 : i32
        %dma_start3A_279 = tpu.memref_slice %arg6[%dma_start3A_277, %dma_start3A_278] : memref<512x32xf32, #tpu.memory_space<vmem>> -> memref<256x32xf32, #tpu.memory_space<vmem>>
        %dma_start3A_280 = arith.constant 0 : i32
        %dma_start3A_281 = arith.constant 0 : i32
        %dma_start3A_282 = tpu.memref_slice %dma_start3A_279[%dma_start3A_280, %dma_start3A_281] : memref<256x32xf32, #tpu.memory_space<vmem>> -> memref<128x32xf32, #tpu.memory_space<vmem>>
        %dma_start3A_283 = arith.constant 0 : i32
        %dma_start3A_284 = tpu.memref_slice %arg5[%add3A_276, %dma_start3A_283] : memref<16x128xi32, #tpu.memory_space<vmem>> -> memref<1x128xi32, #tpu.memory_space<vmem>>
        %dma_start3A_285 = tpu.memref_squeeze %dma_start3A_284 : memref<1x128xi32, #tpu.memory_space<vmem>> -> memref<128xi32, #tpu.memory_space<vmem>>
        %dma_start3A_286 = arith.constant 0 : i32
        %dma_start3A_287 = arith.constant 0 : i32
        %dma_start3A_288 = tpu.memref_slice %arg2[%arg0, %dma_start3A_286, %dma_start3A_287] : memref<2x50176x32xf32, #tpu.memory_space<hbm>> -> memref<1x50176x32xf32, #tpu.memory_space<hbm>>
        %dma_start3A_289 = tpu.memref_squeeze %dma_start3A_288 : memref<1x50176x32xf32, #tpu.memory_space<hbm>> -> memref<50176x32xf32, #tpu.memory_space<hbm>>
        %dma_start3A_290 = arith.constant 0 : i32
        %dma_start3A_291 = arith.constant 0 : i32
        %dma_start3A_292 = tpu.memref_slice %dma_start3A_289[%dma_start3A_290, %dma_start3A_291] : memref<50176x32xf32, #tpu.memory_space<hbm>> -> memref<50176x32xf32, #tpu.memory_space<hbm>>
        tpu.enqueue_indirect_dma source(%dma_start3A_292 : memref<50176x32xf32, #tpu.memory_space<hbm>>) target(%dma_start3A_282 : memref<128x32xf32, #tpu.memory_space<vmem>>) offsets(%dma_start3A_285 : memref<128xi32, #tpu.memory_space<vmem>>) semaphore(%arg8 : memref<!tpu.dma_semaphore, #tpu.memory_space<semaphore_mem>>)
        %add3A_293 = arith.constant 1 : i32
        %add3A_294 = arith.addi %mul3A_98, %add3A_293 : i32
        %dma_start3A_295 = arith.constant 0 : i32
        %dma_start3A_296 = arith.constant 0 : i32
        %dma_start3A_297 = tpu.memref_slice %arg6[%dma_start3A_295, %dma_start3A_296] : memref<512x32xf32, #tpu.memory_space<vmem>> -> memref<256x32xf32, #tpu.memory_space<vmem>>
        %dma_start3A_298 = arith.constant 128 : i32
        %dma_start3A_299 = arith.constant 0 : i32
        %dma_start3A_300 = tpu.memref_slice %dma_start3A_297[%dma_start3A_298, %dma_start3A_299] : memref<256x32xf32, #tpu.memory_space<vmem>> -> memref<128x32xf32, #tpu.memory_space<vmem>>
        %dma_start3A_301 = arith.constant 0 : i32
        %dma_start3A_302 = tpu.memref_slice %arg5[%add3A_294, %dma_start3A_301] : memref<16x128xi32, #tpu.memory_space<vmem>> -> memref<1x128xi32, #tpu.memory_space<vmem>>
        %dma_start3A_303 = tpu.memref_squeeze %dma_start3A_302 : memref<1x128xi32, #tpu.memory_space<vmem>> -> memref<128xi32, #tpu.memory_space<vmem>>
        %dma_start3A_304 = arith.constant 0 : i32
        %dma_start3A_305 = arith.constant 0 : i32
        %dma_start3A_306 = tpu.memref_slice %arg2[%arg0, %dma_start3A_304, %dma_start3A_305] : memref<2x50176x32xf32, #tpu.memory_space<hbm>> -> memref<1x50176x32xf32, #tpu.memory_space<hbm>>
        %dma_start3A_307 = tpu.memref_squeeze %dma_start3A_306 : memref<1x50176x32xf32, #tpu.memory_space<hbm>> -> memref<50176x32xf32, #tpu.memory_space<hbm>>
        %dma_start3A_308 = arith.constant 0 : i32
        %dma_start3A_309 = arith.constant 0 : i32
        %dma_start3A_310 = tpu.memref_slice %dma_start3A_307[%dma_start3A_308, %dma_start3A_309] : memref<50176x32xf32, #tpu.memory_space<hbm>> -> memref<50176x32xf32, #tpu.memory_space<hbm>>
        tpu.enqueue_indirect_dma source(%dma_start3A_310 : memref<50176x32xf32, #tpu.memory_space<hbm>>) target(%dma_start3A_300 : memref<128x32xf32, #tpu.memory_space<vmem>>) offsets(%dma_start3A_303 : memref<128xi32, #tpu.memory_space<vmem>>) semaphore(%arg8 : memref<!tpu.dma_semaphore, #tpu.memory_space<semaphore_mem>>)
      } else {
      }
      %add3A_232 = arith.constant 6 : i32
      %add3A_233 = arith.addi %mul3A_92, %add3A_232 : i32
      %add3A_234 = arith.constant 0 : i32
      %add3A_235 = arith.addi %add3A_233, %add3A_234 : i32
      %dma_start3A_236 = arith.constant 256 : i32
      %dma_start3A_237 = arith.constant 0 : i32
      %dma_start3A_238 = tpu.memref_slice %arg6[%dma_start3A_236, %dma_start3A_237] : memref<512x32xf32, #tpu.memory_space<vmem>> -> memref<256x32xf32, #tpu.memory_space<vmem>>
      %dma_start3A_239 = arith.constant 0 : i32
      %dma_start3A_240 = arith.constant 0 : i32
      %dma_start3A_241 = tpu.memref_slice %dma_start3A_238[%dma_start3A_239, %dma_start3A_240] : memref<256x32xf32, #tpu.memory_space<vmem>> -> memref<128x32xf32, #tpu.memory_space<vmem>>
      %dma_start3A_242 = arith.constant 0 : i32
      %dma_start3A_243 = tpu.memref_slice %arg5[%add3A_235, %dma_start3A_242] : memref<16x128xi32, #tpu.memory_space<vmem>> -> memref<1x128xi32, #tpu.memory_space<vmem>>
      %dma_start3A_244 = tpu.memref_squeeze %dma_start3A_243 : memref<1x128xi32, #tpu.memory_space<vmem>> -> memref<128xi32, #tpu.memory_space<vmem>>
      %dma_start3A_245 = arith.constant 0 : i32
      %dma_start3A_246 = arith.constant 0 : i32
      %dma_start3A_247 = tpu.memref_slice %arg7[%dma_start3A_245, %dma_start3A_246] : memref<50176x32xf32, #tpu.memory_space<vmem_shared>> -> memref<50176x32xf32, #tpu.memory_space<vmem_shared>>
      tpu.enqueue_indirect_dma source(%dma_start3A_241 : memref<128x32xf32, #tpu.memory_space<vmem>>) target(%dma_start3A_247 : memref<50176x32xf32, #tpu.memory_space<vmem_shared>>) offsets(%dma_start3A_244 : memref<128xi32, #tpu.memory_space<vmem>>) semaphore(%arg9 : memref<!tpu.dma_semaphore, #tpu.memory_space<semaphore_mem>>) {add = true}
      %add3A_248 = arith.constant 1 : i32
      %add3A_249 = arith.addi %add3A_233, %add3A_248 : i32
      %dma_start3A_250 = arith.constant 256 : i32
      %dma_start3A_251 = arith.constant 0 : i32
      %dma_start3A_252 = tpu.memref_slice %arg6[%dma_start3A_250, %dma_start3A_251] : memref<512x32xf32, #tpu.memory_space<vmem>> -> memref<256x32xf32, #tpu.memory_space<vmem>>
      %dma_start3A_253 = arith.constant 128 : i32
      %dma_start3A_254 = arith.constant 0 : i32
      %dma_start3A_255 = tpu.memref_slice %dma_start3A_252[%dma_start3A_253, %dma_start3A_254] : memref<256x32xf32, #tpu.memory_space<vmem>> -> memref<128x32xf32, #tpu.memory_space<vmem>>
      %dma_start3A_256 = arith.constant 0 : i32
      %dma_start3A_257 = tpu.memref_slice %arg5[%add3A_249, %dma_start3A_256] : memref<16x128xi32, #tpu.memory_space<vmem>> -> memref<1x128xi32, #tpu.memory_space<vmem>>
      %dma_start3A_258 = tpu.memref_squeeze %dma_start3A_257 : memref<1x128xi32, #tpu.memory_space<vmem>> -> memref<128xi32, #tpu.memory_space<vmem>>
      %dma_start3A_259 = arith.constant 0 : i32
      %dma_start3A_260 = arith.constant 0 : i32
      %dma_start3A_261 = tpu.memref_slice %arg7[%dma_start3A_259, %dma_start3A_260] : memref<50176x32xf32, #tpu.memory_space<vmem_shared>> -> memref<50176x32xf32, #tpu.memory_space<vmem_shared>>
      tpu.enqueue_indirect_dma source(%dma_start3A_255 : memref<128x32xf32, #tpu.memory_space<vmem>>) target(%dma_start3A_261 : memref<50176x32xf32, #tpu.memory_space<vmem_shared>>) offsets(%dma_start3A_258 : memref<128xi32, #tpu.memory_space<vmem>>) semaphore(%arg9 : memref<!tpu.dma_semaphore, #tpu.memory_space<semaphore_mem>>) {add = true}
    }
    %scan3A_73 = arith.constant 98 : i32
    %dma_wait3A = arith.constant 0 : i32
    %dma_wait3A_74 = arith.constant 0 : i32
    %dma_wait3A_75 = arith.constant 0 : i32
    %dma_wait3A_76 = tpu.memref_slice %arg7[%dma_wait3A_74, %dma_wait3A_75] : memref<50176x32xf32, #tpu.memory_space<vmem_shared>> -> memref<256x32xf32, #tpu.memory_space<vmem_shared>>
    %dma_wait3A_77 = arith.constant 0 : i32
    %dma_wait3A_78 = arith.constant 0 : i32
    %dma_wait3A_79 = tpu.memref_slice %arg2[%dma_wait3A, %dma_wait3A_77, %dma_wait3A_78] : memref<2x50176x32xf32, #tpu.memory_space<hbm>> -> memref<1x50176x32xf32, #tpu.memory_space<hbm>>
    %dma_wait3A_80 = tpu.memref_squeeze %dma_wait3A_79 : memref<1x50176x32xf32, #tpu.memory_space<hbm>> -> memref<50176x32xf32, #tpu.memory_space<hbm>>
    %dma_wait3A_81 = arith.constant 0 : i32
    %dma_wait3A_82 = arith.constant 0 : i32
    %dma_wait3A_83 = tpu.memref_slice %dma_wait3A_80[%dma_wait3A_81, %dma_wait3A_82] : memref<50176x32xf32, #tpu.memory_space<hbm>> -> memref<256x32xf32, #tpu.memory_space<hbm>>
    tpu.wait_dma2 semaphore(%arg9 : memref<!tpu.dma_semaphore, #tpu.memory_space<semaphore_mem>>) src(%dma_wait3A_83 : memref<256x32xf32, #tpu.memory_space<hbm>>) dst(%dma_wait3A_76 : memref<256x32xf32, #tpu.memory_space<vmem_shared>>)
    %barrier3A_84 = arith.constant 0 : index
    tpu.barrier barrier_id(%barrier3A_84)
    %mul3A_85 = arith.constant 3136 : i32
    %mul3A_86 = arith.muli %arg1, %mul3A_85 : i32
    %mul3A_87 = arith.constant 3136 : i32
    %mul3A_88 = arith.muli %arg1, %mul3A_87 : i32
    "tpu.region"() ({
      %run_scoped3A = tpu.sem_alloc : memref<!tpu.dma_semaphore, #tpu.memory_space<semaphore_mem>>
      %dma_start3A_89 = arith.constant 0 : i32
      %dma_start3A_90 = arith.constant 0 : i32
      %dma_start3A_91 = tpu.memref_slice %arg4[%arg0, %dma_start3A_89, %dma_start3A_90] : memref<2x50176x32xf32, #tpu.memory_space<hbm>> -> memref<1x50176x32xf32, #tpu.memory_space<hbm>>
      %dma_start3A_92 = tpu.memref_squeeze %dma_start3A_91 : memref<1x50176x32xf32, #tpu.memory_space<hbm>> -> memref<50176x32xf32, #tpu.memory_space<hbm>>
      %dma_start3A_93 = arith.constant 0 : i32
      %dma_start3A_94 = tpu.memref_slice %dma_start3A_92[%mul3A_88, %dma_start3A_93] : memref<50176x32xf32, #tpu.memory_space<hbm>> -> memref<3136x32xf32, #tpu.memory_space<hbm>>
      %dma_start3A_95 = arith.constant 0 : i32
      %dma_start3A_96 = tpu.memref_slice %arg7[%mul3A_86, %dma_start3A_95] : memref<50176x32xf32, #tpu.memory_space<vmem_shared>> -> memref<3136x32xf32, #tpu.memory_space<vmem_shared>>
      tpu.enqueue_dma source(%dma_start3A_96 : memref<3136x32xf32, #tpu.memory_space<vmem_shared>>) target(%dma_start3A_94 : memref<3136x32xf32, #tpu.memory_space<hbm>>) target_semaphore(%run_scoped3A : memref<!tpu.dma_semaphore, #tpu.memory_space<semaphore_mem>>)
      %dma_wait3A_97 = arith.constant 0 : i32
      %dma_wait3A_98 = arith.constant 0 : i32
      %dma_wait3A_99 = tpu.memref_slice %arg4[%arg0, %dma_wait3A_97, %dma_wait3A_98] : memref<2x50176x32xf32, #tpu.memory_space<hbm>> -> memref<1x50176x32xf32, #tpu.memory_space<hbm>>
      %dma_wait3A_100 = tpu.memref_squeeze %dma_wait3A_99 : memref<1x50176x32xf32, #tpu.memory_space<hbm>> -> memref<50176x32xf32, #tpu.memory_space<hbm>>
      %dma_wait3A_101 = arith.constant 0 : i32
      %dma_wait3A_102 = tpu.memref_slice %dma_wait3A_100[%mul3A_88, %dma_wait3A_101] : memref<50176x32xf32, #tpu.memory_space<hbm>> -> memref<3136x32xf32, #tpu.memory_space<hbm>>
      %dma_wait3A_103 = arith.constant 0 : i32
      %dma_wait3A_104 = tpu.memref_slice %arg7[%mul3A_86, %dma_wait3A_103] : memref<50176x32xf32, #tpu.memory_space<vmem_shared>> -> memref<3136x32xf32, #tpu.memory_space<vmem_shared>>
      tpu.wait_dma2 semaphore(%run_scoped3A : memref<!tpu.dma_semaphore, #tpu.memory_space<semaphore_mem>>) src(%dma_wait3A_104 : memref<3136x32xf32, #tpu.memory_space<vmem_shared>>) dst(%dma_wait3A_102 : memref<3136x32xf32, #tpu.memory_space<hbm>>)
      tpu.yield
    }) : () -> ()
    return
  }
}

module attributes {stable_mosaic.version = 14 : i64} {
  func.func @_pre_body(%arg0: i32, %arg1: memref<512x64xf32, #tpu.memory_space<vmem>>, %arg2: memref<1x1x512xi32, #tpu.memory_space<vmem>>, %arg3: memref<512x64xf32, #tpu.memory_space<vmem>>, %arg4: memref<512x64xf32, #tpu.memory_space<vmem>>, %arg5: memref<2x512x32xf32, #tpu.memory_space<vmem>>) attributes {dimension_semantics = [#tpu.dimension_semantics<arbitrary>], iteration_bounds = array<i64: 98>, scalar_prefetch = 0 : i64, scratch_operands = 0 : i64, tpu.core_type = #tpu.core_type<tc>, window_params = [{transform_indices = @transform_0, window_bounds = array<i64: 512, 64>}, {transform_indices = @transform_1, window_bounds = array<i64: 1, 1, 512>}, {pipeline_mode = #tpu.pipeline_mode<synchronous>, transform_indices = @transform_2, window_bounds = array<i64: 512, 64>}, {transform_indices = @transform_3, window_bounds = array<i64: 512, 64>}, {transform_indices = @transform_4, window_bounds = array<i64: 2, 512, 32>}]} {
    %get3A = arith.constant 0 : index
    %get3A_0 = arith.constant 0 : index
    %get3A_1 = arith.constant 0 : index
    %get3A_2 = vector.load %arg2[%get3A, %get3A_0, %get3A_1] : memref<1x1x512xi32, #tpu.memory_space<vmem>>, vector<1x1x512xi32>
    %get3A_3 = vector.shape_cast %get3A_2 : vector<1x1x512xi32> to vector<512xi32>
    %reshape3A = vector.shape_cast %get3A_3 : vector<512xi32> to vector<1x512xi32>
    %iota3A = tpu.iota {dimensions = array<i32: 0>} : vector<512x512xi32>
    %eq3A = vector.broadcast %reshape3A : vector<1x512xi32> to vector<512x512xi32>
    %eq3A_4 = arith.cmpi eq, %iota3A, %eq3A : vector<512x512xi32>
    %convert_element_type3A = arith.extui %eq3A_4 : vector<512x512xi1> to vector<512x512xi32>
    %convert_element_type3A_5 = arith.sitofp %convert_element_type3A : vector<512x512xi32> to vector<512x512xf32>
    %get3A_6 = arith.constant 0 : index
    %get3A_7 = arith.constant 0 : index
    %get3A_8 = vector.load %arg3[%get3A_6, %get3A_7] : memref<512x64xf32, #tpu.memory_space<vmem>>, vector<512x64xf32>
    %dot_general3A = arith.constant dense<0.000000e+00> : vector<512x64xf32>
    %dot_general3A_9 = tpu.matmul %convert_element_type3A_5, %get3A_8, %dot_general3A {dimension_numbers = #tpu.dot_dimension_numbers<[0], [0], [1], [1], [0, 1, 1, 1], [], []>, transpose_lhs_hint = false} : vector<512x512xf32>, vector<512x64xf32>, vector<512x64xf32> -> vector<512x64xf32>
    %get3A_10 = arith.constant 0 : index
    %get3A_11 = arith.constant 0 : index
    %get3A_12 = vector.load %arg1[%get3A_10, %get3A_11] : memref<512x64xf32, #tpu.memory_space<vmem>>, vector<512x64xf32>
    %add3A = arith.addf %get3A_12, %dot_general3A_9 : vector<512x64xf32>
    %swap3A = arith.constant 0 : index
    %swap3A_13 = arith.constant 0 : index
    %swap3A_14 = vector.load %arg4[%swap3A, %swap3A_13] : memref<512x64xf32, #tpu.memory_space<vmem>>, vector<512x64xf32>
    tpu.vector_store %arg4[%swap3A, %swap3A_13], %add3A {strides = array<i32>} : memref<512x64xf32, #tpu.memory_space<vmem>>, vector<512x64xf32>,
    %mul3A = arith.constant 512 : i32
    %mul3A_15 = arith.muli %arg0, %mul3A : i32
    %iota3A_16 = tpu.iota {dimensions = array<i32: 0>} : vector<512x1xi32>
    %add3A_17 = vector.broadcast %mul3A_15 : i32 to vector<512x1xi32>
    %add3A_18 = arith.addi %add3A_17, %iota3A_16 : vector<512x1xi32>
    %lt3A = arith.constant 50000 : i32
    %lt3A_19 = vector.broadcast %lt3A : i32 to vector<512x1xi32>
    %lt3A_20 = arith.cmpi slt, %add3A_18, %lt3A_19 : vector<512x1xi32>
    %convert_element_type3A_21 = arith.extui %lt3A_20 : vector<512x1xi1> to vector<512x1xi32>
    %convert_element_type3A_22 = arith.sitofp %convert_element_type3A_21 : vector<512x1xi32> to vector<512x1xf32>
    %max3A = arith.constant 0.000000e+00 : f32
    %max3A_23 = vector.broadcast %max3A : f32 to vector<512x64xf32>
    %max3A_24 = arith.maximumf %add3A, %max3A_23 : vector<512x64xf32>
    %mul3A_25 = vector.broadcast %convert_element_type3A_22 : vector<512x1xf32> to vector<512x64xf32>
    %mul3A_26 = arith.mulf %max3A_24, %mul3A_25 : vector<512x64xf32>
    %slice3A = vector.extract_strided_slice %mul3A_26 {offsets = [0, 0], sizes = [512, 32], strides = [1, 1]} : vector<512x64xf32> to vector<512x32xf32>
    %swap3A_27 = arith.constant 0 : index
    %swap3A_28 = arith.constant 0 : index
    %swap3A_29 = arith.constant 0 : index
    %swap3A_30 = vector.load %arg5[%swap3A_27, %swap3A_28, %swap3A_29] : memref<2x512x32xf32, #tpu.memory_space<vmem>>, vector<1x512x32xf32>
    %swap3A_31 = vector.shape_cast %swap3A_30 : vector<1x512x32xf32> to vector<512x32xf32>
    %swap3A_32 = vector.shape_cast %slice3A : vector<512x32xf32> to vector<1x512x32xf32>
    tpu.vector_store %arg5[%swap3A_27, %swap3A_28, %swap3A_29], %swap3A_32 {strides = array<i32>} : memref<2x512x32xf32, #tpu.memory_space<vmem>>, vector<1x512x32xf32>,
    %slice3A_33 = vector.extract_strided_slice %mul3A_26 {offsets = [0, 32], sizes = [512, 32], strides = [1, 1]} : vector<512x64xf32> to vector<512x32xf32>
    %swap3A_34 = arith.constant 1 : index
    %swap3A_35 = arith.constant 0 : index
    %swap3A_36 = arith.constant 0 : index
    %swap3A_37 = vector.load %arg5[%swap3A_34, %swap3A_35, %swap3A_36] : memref<2x512x32xf32, #tpu.memory_space<vmem>>, vector<1x512x32xf32>
    %swap3A_38 = vector.shape_cast %swap3A_37 : vector<1x512x32xf32> to vector<512x32xf32>
    %swap3A_39 = vector.shape_cast %slice3A_33 : vector<512x32xf32> to vector<1x512x32xf32>
    tpu.vector_store %arg5[%swap3A_34, %swap3A_35, %swap3A_36], %swap3A_39 {strides = array<i32>} : memref<2x512x32xf32, #tpu.memory_space<vmem>>, vector<1x512x32xf32>,
    return
  }
  func.func @transform_0(%arg0: i32) -> (i32, i32) {
    %c0_i32 = arith.constant 0 : i32
    %c0_i32_0 = arith.constant 0 : i32
    return %arg0, %c0_i32 : i32, i32
  }
  func.func @transform_1(%arg0: i32) -> (i32, i32, i32) {
    %c0_i32 = arith.constant 0 : i32
    %c0_i32_0 = arith.constant 0 : i32
    %c0_i32_1 = arith.constant 0 : i32
    return %arg0, %c0_i32, %c0_i32_0 : i32, i32, i32
  }
  func.func @transform_2(%arg0: i32) -> (i32, i32) {
    %c0_i32 = arith.constant 0 : i32
    %c0_i32_0 = arith.constant 0 : i32
    %c0_i32_1 = arith.constant 0 : i32
    return %c0_i32, %c0_i32_0 : i32, i32
  }
  func.func @transform_3(%arg0: i32) -> (i32, i32) {
    %c0_i32 = arith.constant 0 : i32
    %c0_i32_0 = arith.constant 0 : i32
    return %arg0, %c0_i32 : i32, i32
  }
  func.func @transform_4(%arg0: i32) -> (i32, i32, i32) {
    %c0_i32 = arith.constant 0 : i32
    %c0_i32_0 = arith.constant 0 : i32
    %c0_i32_1 = arith.constant 0 : i32
    return %c0_i32, %arg0, %c0_i32_0 : i32, i32, i32
  }
}

module attributes {stable_mosaic.version = 14 : i64} {
  func.func @_post_body(%arg0: i32, %arg1: memref<512x64xf32, #tpu.memory_space<vmem>>, %arg2: memref<2x512x32xf32, #tpu.memory_space<vmem>>, %arg3: memref<512x64xf32, #tpu.memory_space<vmem>>, %arg4: memref<1x1x512xi32, #tpu.memory_space<vmem>>, %arg5: memref<64x128xf32, #tpu.memory_space<vmem>>, %arg6: memref<1x128xf32, #tpu.memory_space<vmem>>, %arg7: memref<128x64xf32, #tpu.memory_space<vmem>>, %arg8: memref<1x64xf32, #tpu.memory_space<vmem>>, %arg9: memref<1x64xf32, #tpu.memory_space<vmem>>, %arg10: memref<1x64xf32, #tpu.memory_space<vmem>>, %arg11: memref<1x1xf32, #tpu.memory_space<vmem>>, %arg12: memref<512x64xf32, #tpu.memory_space<vmem>>, %arg13: memref<512x64xf32, #tpu.memory_space<vmem>>, %arg14: memref<512x64xf32, #tpu.memory_space<vmem>>) attributes {dimension_semantics = [#tpu.dimension_semantics<arbitrary>], iteration_bounds = array<i64: 98>, scalar_prefetch = 0 : i64, scratch_operands = 0 : i64, tpu.core_type = #tpu.core_type<tc>, window_params = [{transform_indices = @transform_0, window_bounds = array<i64: 512, 64>}, {transform_indices = @transform_1, window_bounds = array<i64: 2, 512, 32>}, {transform_indices = @transform_2, window_bounds = array<i64: 512, 64>}, {transform_indices = @transform_3, window_bounds = array<i64: 1, 1, 512>}, {pipeline_mode = #tpu.pipeline_mode<synchronous>, transform_indices = @transform_4, window_bounds = array<i64: 64, 128>}, {pipeline_mode = #tpu.pipeline_mode<synchronous>, transform_indices = @transform_5, window_bounds = array<i64: 1, 128>}, {pipeline_mode = #tpu.pipeline_mode<synchronous>, transform_indices = @transform_6, window_bounds = array<i64: 128, 64>}, {pipeline_mode = #tpu.pipeline_mode<synchronous>, transform_indices = @transform_7, window_bounds = array<i64: 1, 64>}, {pipeline_mode = #tpu.pipeline_mode<synchronous>, transform_indices = @transform_8, window_bounds = array<i64: 1, 64>}, {pipeline_mode = #tpu.pipeline_mode<synchronous>, transform_indices = @transform_9, window_bounds = array<i64: 1, 64>}, {pipeline_mode = #tpu.pipeline_mode<synchronous>, transform_indices = @transform_10, window_bounds = array<i64: 1, 1>}, {transform_indices = @transform_11, window_bounds = array<i64: 512, 64>}, {pipeline_mode = #tpu.pipeline_mode<synchronous>, transform_indices = @transform_12, window_bounds = array<i64: 512, 64>}, {pipeline_mode = #tpu.pipeline_mode<synchronous>, transform_indices = @transform_13, window_bounds = array<i64: 512, 64>}]} {
    %get3A = arith.constant 0 : index
    %get3A_0 = arith.constant 0 : index
    %get3A_1 = arith.constant 0 : index
    %get3A_2 = vector.load %arg2[%get3A, %get3A_0, %get3A_1] : memref<2x512x32xf32, #tpu.memory_space<vmem>>, vector<1x512x32xf32>
    %get3A_3 = vector.shape_cast %get3A_2 : vector<1x512x32xf32> to vector<512x32xf32>
    %get3A_4 = arith.constant 1 : index
    %get3A_5 = arith.constant 0 : index
    %get3A_6 = arith.constant 0 : index
    %get3A_7 = vector.load %arg2[%get3A_4, %get3A_5, %get3A_6] : memref<2x512x32xf32, #tpu.memory_space<vmem>>, vector<1x512x32xf32>
    %get3A_8 = vector.shape_cast %get3A_7 : vector<1x512x32xf32> to vector<512x32xf32>
    %concatenate3A = tpu.concatenate %get3A_3, %get3A_8 in 1 : vector<512x32xf32>, vector<512x32xf32> -> vector<512x64xf32>
    %get3A_9 = arith.constant 0 : index
    %get3A_10 = arith.constant 0 : index
    %get3A_11 = vector.load %arg11[%get3A_9, %get3A_10] : memref<1x1xf32, #tpu.memory_space<vmem>>, vector<1x1xf32>
    %get3A_12 = vector.extract %get3A_11[0, 0] : f32 from vector<1x1xf32>
    %add3A = arith.constant 1.000000e+00 : f32
    %add3A_13 = arith.addf %add3A, %get3A_12 : f32
    %get3A_14 = arith.constant 0 : index
    %get3A_15 = arith.constant 0 : index
    %get3A_16 = vector.load %arg1[%get3A_14, %get3A_15] : memref<512x64xf32, #tpu.memory_space<vmem>>, vector<512x64xf32>
    %mul3A = vector.broadcast %add3A_13 : f32 to vector<512x64xf32>
    %mul3A_17 = arith.mulf %mul3A, %get3A_16 : vector<512x64xf32>
    %add3A_18 = arith.addf %mul3A_17, %concatenate3A : vector<512x64xf32>
    %get3A_19 = arith.constant 0 : index
    %get3A_20 = arith.constant 0 : index
    %get3A_21 = vector.load %arg5[%get3A_19, %get3A_20] : memref<64x128xf32, #tpu.memory_space<vmem>>, vector<64x128xf32>
    %dot_general3A = arith.constant dense<0.000000e+00> : vector<512x128xf32>
    %dot_general3A_22 = tpu.matmul %add3A_18, %get3A_21, %dot_general3A {dimension_numbers = #tpu.dot_dimension_numbers<[1], [0], [0], [1], [0, 0, 1, 1], [], []>, transpose_lhs_hint = false} : vector<512x64xf32>, vector<64x128xf32>, vector<512x128xf32> -> vector<512x128xf32>
    %get3A_23 = arith.constant 0 : index
    %get3A_24 = arith.constant 0 : index
    %get3A_25 = vector.load %arg6[%get3A_23, %get3A_24] : memref<1x128xf32, #tpu.memory_space<vmem>>, vector<1x128xf32>
    %add3A_26 = vector.broadcast %get3A_25 : vector<1x128xf32> to vector<512x128xf32>
    %add3A_27 = arith.addf %dot_general3A_22, %add3A_26 : vector<512x128xf32>
    %max3A = arith.constant 0.000000e+00 : f32
    %max3A_28 = vector.broadcast %max3A : f32 to vector<512x128xf32>
    %max3A_29 = arith.maximumf %add3A_27, %max3A_28 : vector<512x128xf32>
    %get3A_30 = arith.constant 0 : index
    %get3A_31 = arith.constant 0 : index
    %get3A_32 = vector.load %arg7[%get3A_30, %get3A_31] : memref<128x64xf32, #tpu.memory_space<vmem>>, vector<128x64xf32>
    %dot_general3A_33 = arith.constant dense<0.000000e+00> : vector<512x64xf32>
    %dot_general3A_34 = tpu.matmul %max3A_29, %get3A_32, %dot_general3A_33 {dimension_numbers = #tpu.dot_dimension_numbers<[1], [0], [0], [1], [0, 0, 1, 1], [], []>, transpose_lhs_hint = false} : vector<512x128xf32>, vector<128x64xf32>, vector<512x64xf32> -> vector<512x64xf32>
    %get3A_35 = arith.constant 0 : index
    %get3A_36 = arith.constant 0 : index
    %get3A_37 = vector.load %arg8[%get3A_35, %get3A_36] : memref<1x64xf32, #tpu.memory_space<vmem>>, vector<1x64xf32>
    %add3A_38 = vector.broadcast %get3A_37 : vector<1x64xf32> to vector<512x64xf32>
    %add3A_39 = arith.addf %dot_general3A_34, %add3A_38 : vector<512x64xf32>
    %get3A_40 = arith.constant 0 : index
    %get3A_41 = arith.constant 0 : index
    %get3A_42 = vector.load %arg9[%get3A_40, %get3A_41] : memref<1x64xf32, #tpu.memory_space<vmem>>, vector<1x64xf32>
    %mul3A_43 = vector.broadcast %get3A_42 : vector<1x64xf32> to vector<512x64xf32>
    %mul3A_44 = arith.mulf %add3A_39, %mul3A_43 : vector<512x64xf32>
    %get3A_45 = arith.constant 0 : index
    %get3A_46 = arith.constant 0 : index
    %get3A_47 = vector.load %arg10[%get3A_45, %get3A_46] : memref<1x64xf32, #tpu.memory_space<vmem>>, vector<1x64xf32>
    %add3A_48 = vector.broadcast %get3A_47 : vector<1x64xf32> to vector<512x64xf32>
    %add3A_49 = arith.addf %mul3A_44, %add3A_48 : vector<512x64xf32>
    %max3A_50 = arith.constant 0.000000e+00 : f32
    %max3A_51 = vector.broadcast %max3A_50 : f32 to vector<512x64xf32>
    %max3A_52 = arith.maximumf %add3A_49, %max3A_51 : vector<512x64xf32>
    %swap3A = arith.constant 0 : index
    %swap3A_53 = arith.constant 0 : index
    %swap3A_54 = vector.load %arg12[%swap3A, %swap3A_53] : memref<512x64xf32, #tpu.memory_space<vmem>>, vector<512x64xf32>
    tpu.vector_store %arg12[%swap3A, %swap3A_53], %max3A_52 {strides = array<i32>} : memref<512x64xf32, #tpu.memory_space<vmem>>, vector<512x64xf32>,
    %get3A_55 = arith.constant 0 : index
    %get3A_56 = arith.constant 0 : index
    %get3A_57 = arith.constant 0 : index
    %get3A_58 = vector.load %arg4[%get3A_55, %get3A_56, %get3A_57] : memref<1x1x512xi32, #tpu.memory_space<vmem>>, vector<1x1x512xi32>
    %get3A_59 = vector.shape_cast %get3A_58 : vector<1x1x512xi32> to vector<512xi32>
    %reshape3A = vector.shape_cast %get3A_59 : vector<512xi32> to vector<1x512xi32>
    %iota3A = tpu.iota {dimensions = array<i32: 0>} : vector<512x512xi32>
    %eq3A = vector.broadcast %reshape3A : vector<1x512xi32> to vector<512x512xi32>
    %eq3A_60 = arith.cmpi eq, %iota3A, %eq3A : vector<512x512xi32>
    %convert_element_type3A = arith.extui %eq3A_60 : vector<512x512xi1> to vector<512x512xi32>
    %convert_element_type3A_61 = arith.sitofp %convert_element_type3A : vector<512x512xi32> to vector<512x512xf32>
    %dot_general3A_62 = arith.constant dense<0.000000e+00> : vector<512x64xf32>
    %dot_general3A_63 = tpu.matmul %convert_element_type3A_61, %max3A_52, %dot_general3A_62 {dimension_numbers = #tpu.dot_dimension_numbers<[1], [0], [0], [1], [0, 0, 1, 1], [], []>, transpose_lhs_hint = false} : vector<512x512xf32>, vector<512x64xf32>, vector<512x64xf32> -> vector<512x64xf32>
    %get3A_64 = arith.constant 0 : index
    %get3A_65 = arith.constant 0 : index
    %get3A_66 = vector.load %arg3[%get3A_64, %get3A_65] : memref<512x64xf32, #tpu.memory_space<vmem>>, vector<512x64xf32>
    %dot_general3A_67 = arith.constant dense<0.000000e+00> : vector<512x64xf32>
    %dot_general3A_68 = tpu.matmul %convert_element_type3A_61, %get3A_66, %dot_general3A_67 {dimension_numbers = #tpu.dot_dimension_numbers<[1], [0], [0], [1], [0, 0, 1, 1], [], []>, transpose_lhs_hint = false} : vector<512x512xf32>, vector<512x64xf32>, vector<512x64xf32> -> vector<512x64xf32>
    %eq3A_69 = arith.constant 0 : i32
    %eq3A_70 = arith.cmpi eq, %arg0, %eq3A_69 : i32
    %convert_element_type3A_71 = arith.extui %eq3A_70 : i1 to i32
    %cond3A = arith.constant 0 : i32
    %cond3A_72 = arith.cmpi ne, %convert_element_type3A_71, %cond3A : i32
    scf.if %cond3A_72 {
      %broadcast_in_dim3A = arith.constant 0.000000e+00 : f32
      %broadcast_in_dim3A_87 = vector.broadcast %broadcast_in_dim3A : f32 to vector<512x64xf32>
      %swap3A_88 = arith.constant 0 : index
      %swap3A_89 = arith.constant 0 : index
      %swap3A_90 = vector.load %arg13[%swap3A_88, %swap3A_89] : memref<512x64xf32, #tpu.memory_space<vmem>>, vector<512x64xf32>
      tpu.vector_store %arg13[%swap3A_88, %swap3A_89], %broadcast_in_dim3A_87 {strides = array<i32>} : memref<512x64xf32, #tpu.memory_space<vmem>>, vector<512x64xf32>,
      %broadcast_in_dim3A_91 = arith.constant 0.000000e+00 : f32
      %broadcast_in_dim3A_92 = vector.broadcast %broadcast_in_dim3A_91 : f32 to vector<512x64xf32>
      %swap3A_93 = arith.constant 0 : index
      %swap3A_94 = arith.constant 0 : index
      %swap3A_95 = vector.load %arg14[%swap3A_93, %swap3A_94] : memref<512x64xf32, #tpu.memory_space<vmem>>, vector<512x64xf32>
      tpu.vector_store %arg14[%swap3A_93, %swap3A_94], %broadcast_in_dim3A_92 {strides = array<i32>} : memref<512x64xf32, #tpu.memory_space<vmem>>, vector<512x64xf32>,
    } else {
    }
    %get3A_73 = arith.constant 0 : index
    %get3A_74 = arith.constant 0 : index
    %get3A_75 = vector.load %arg13[%get3A_73, %get3A_74] : memref<512x64xf32, #tpu.memory_space<vmem>>, vector<512x64xf32>
    %add3A_76 = arith.addf %get3A_75, %dot_general3A_63 : vector<512x64xf32>
    %swap3A_77 = arith.constant 0 : index
    %swap3A_78 = arith.constant 0 : index
    %swap3A_79 = vector.load %arg13[%swap3A_77, %swap3A_78] : memref<512x64xf32, #tpu.memory_space<vmem>>, vector<512x64xf32>
    tpu.vector_store %arg13[%swap3A_77, %swap3A_78], %add3A_76 {strides = array<i32>} : memref<512x64xf32, #tpu.memory_space<vmem>>, vector<512x64xf32>,
    %get3A_80 = arith.constant 0 : index
    %get3A_81 = arith.constant 0 : index
    %get3A_82 = vector.load %arg14[%get3A_80, %get3A_81] : memref<512x64xf32, #tpu.memory_space<vmem>>, vector<512x64xf32>
    %add3A_83 = arith.addf %get3A_82, %dot_general3A_68 : vector<512x64xf32>
    %swap3A_84 = arith.constant 0 : index
    %swap3A_85 = arith.constant 0 : index
    %swap3A_86 = vector.load %arg14[%swap3A_84, %swap3A_85] : memref<512x64xf32, #tpu.memory_space<vmem>>, vector<512x64xf32>
    tpu.vector_store %arg14[%swap3A_84, %swap3A_85], %add3A_83 {strides = array<i32>} : memref<512x64xf32, #tpu.memory_space<vmem>>, vector<512x64xf32>,
    return
  }
  func.func @transform_0(%arg0: i32) -> (i32, i32) {
    %c0_i32 = arith.constant 0 : i32
    %c0_i32_0 = arith.constant 0 : i32
    return %arg0, %c0_i32 : i32, i32
  }
  func.func @transform_1(%arg0: i32) -> (i32, i32, i32) {
    %c0_i32 = arith.constant 0 : i32
    %c0_i32_0 = arith.constant 0 : i32
    %c0_i32_1 = arith.constant 0 : i32
    return %c0_i32, %arg0, %c0_i32_0 : i32, i32, i32
  }
  func.func @transform_2(%arg0: i32) -> (i32, i32) {
    %c0_i32 = arith.constant 0 : i32
    %c0_i32_0 = arith.constant 0 : i32
    return %arg0, %c0_i32 : i32, i32
  }
  func.func @transform_3(%arg0: i32) -> (i32, i32, i32) {
    %c0_i32 = arith.constant 0 : i32
    %c0_i32_0 = arith.constant 0 : i32
    %c0_i32_1 = arith.constant 0 : i32
    return %arg0, %c0_i32, %c0_i32_0 : i32, i32, i32
  }
  func.func @transform_4(%arg0: i32) -> (i32, i32) {
    %c0_i32 = arith.constant 0 : i32
    %c0_i32_0 = arith.constant 0 : i32
    %c0_i32_1 = arith.constant 0 : i32
    return %c0_i32, %c0_i32_0 : i32, i32
  }
  func.func @transform_5(%arg0: i32) -> (i32, i32) {
    %c0_i32 = arith.constant 0 : i32
    %c0_i32_0 = arith.constant 0 : i32
    %c0_i32_1 = arith.constant 0 : i32
    return %c0_i32, %c0_i32_0 : i32, i32
  }
  func.func @transform_6(%arg0: i32) -> (i32, i32) {
    %c0_i32 = arith.constant 0 : i32
    %c0_i32_0 = arith.constant 0 : i32
    %c0_i32_1 = arith.constant 0 : i32
    return %c0_i32, %c0_i32_0 : i32, i32
  }
  func.func @transform_7(%arg0: i32) -> (i32, i32) {
    %c0_i32 = arith.constant 0 : i32
    %c0_i32_0 = arith.constant 0 : i32
    %c0_i32_1 = arith.constant 0 : i32
    return %c0_i32, %c0_i32_0 : i32, i32
  }
  func.func @transform_8(%arg0: i32) -> (i32, i32) {
    %c0_i32 = arith.constant 0 : i32
    %c0_i32_0 = arith.constant 0 : i32
    %c0_i32_1 = arith.constant 0 : i32
    return %c0_i32, %c0_i32_0 : i32, i32
  }
  func.func @transform_9(%arg0: i32) -> (i32, i32) {
    %c0_i32 = arith.constant 0 : i32
    %c0_i32_0 = arith.constant 0 : i32
    %c0_i32_1 = arith.constant 0 : i32
    return %c0_i32, %c0_i32_0 : i32, i32
  }
  func.func @transform_10(%arg0: i32) -> (i32, i32) {
    %c0_i32 = arith.constant 0 : i32
    %c0_i32_0 = arith.constant 0 : i32
    %c0_i32_1 = arith.constant 0 : i32
    return %c0_i32, %c0_i32_0 : i32, i32
  }
  func.func @transform_11(%arg0: i32) -> (i32, i32) {
    %c0_i32 = arith.constant 0 : i32
    %c0_i32_0 = arith.constant 0 : i32
    return %arg0, %c0_i32 : i32, i32
  }
  func.func @transform_12(%arg0: i32) -> (i32, i32) {
    %c0_i32 = arith.constant 0 : i32
    %c0_i32_0 = arith.constant 0 : i32
    %c0_i32_1 = arith.constant 0 : i32
    return %c0_i32, %c0_i32_0 : i32, i32
  }
  func.func @transform_13(%arg0: i32) -> (i32, i32) {
    %c0_i32 = arith.constant 0 : i32
    %c0_i32_0 = arith.constant 0 : i32
    %c0_i32_1 = arith.constant 0 : i32
    return %c0_i32, %c0_i32_0 : i32, i32
  }
}

module attributes {stable_mosaic.version = 14 : i64} {
  func.func @_vn_body(%arg0: memref<512x64xf32, #tpu.memory_space<vmem>>, %arg1: memref<512x64xf32, #tpu.memory_space<vmem>>, %arg2: memref<64x128xf32, #tpu.memory_space<vmem>>, %arg3: memref<1x128xf32, #tpu.memory_space<vmem>>, %arg4: memref<128x64xf32, #tpu.memory_space<vmem>>, %arg5: memref<1x64xf32, #tpu.memory_space<vmem>>, %arg6: memref<512x64xf32, #tpu.memory_space<vmem>>) attributes {dimension_semantics = [], scalar_prefetch = 0 : i64, scratch_operands = 0 : i64, tpu.core_type = #tpu.core_type<tc>} {
    %get3A = arith.constant 0 : index
    %get3A_0 = arith.constant 0 : index
    %get3A_1 = vector.load %arg0[%get3A, %get3A_0] : memref<512x64xf32, #tpu.memory_space<vmem>>, vector<512x64xf32>
    %get3A_2 = arith.constant 0 : index
    %get3A_3 = arith.constant 0 : index
    %get3A_4 = vector.load %arg1[%get3A_2, %get3A_3] : memref<512x64xf32, #tpu.memory_space<vmem>>, vector<512x64xf32>
    %add3A = arith.addf %get3A_1, %get3A_4 : vector<512x64xf32>
    %get3A_5 = arith.constant 0 : index
    %get3A_6 = arith.constant 0 : index
    %get3A_7 = vector.load %arg2[%get3A_5, %get3A_6] : memref<64x128xf32, #tpu.memory_space<vmem>>, vector<64x128xf32>
    %dot_general3A = arith.constant dense<0.000000e+00> : vector<512x128xf32>
    %dot_general3A_8 = tpu.matmul %add3A, %get3A_7, %dot_general3A {dimension_numbers = #tpu.dot_dimension_numbers<[1], [0], [0], [1], [0, 0, 1, 1], [], []>, transpose_lhs_hint = false} : vector<512x64xf32>, vector<64x128xf32>, vector<512x128xf32> -> vector<512x128xf32>
    %get3A_9 = arith.constant 0 : index
    %get3A_10 = arith.constant 0 : index
    %get3A_11 = vector.load %arg3[%get3A_9, %get3A_10] : memref<1x128xf32, #tpu.memory_space<vmem>>, vector<1x128xf32>
    %add3A_12 = vector.broadcast %get3A_11 : vector<1x128xf32> to vector<512x128xf32>
    %add3A_13 = arith.addf %dot_general3A_8, %add3A_12 : vector<512x128xf32>
    %max3A = arith.constant 0.000000e+00 : f32
    %max3A_14 = vector.broadcast %max3A : f32 to vector<512x128xf32>
    %max3A_15 = arith.maximumf %add3A_13, %max3A_14 : vector<512x128xf32>
    %get3A_16 = arith.constant 0 : index
    %get3A_17 = arith.constant 0 : index
    %get3A_18 = vector.load %arg4[%get3A_16, %get3A_17] : memref<128x64xf32, #tpu.memory_space<vmem>>, vector<128x64xf32>
    %dot_general3A_19 = arith.constant dense<0.000000e+00> : vector<512x64xf32>
    %dot_general3A_20 = tpu.matmul %max3A_15, %get3A_18, %dot_general3A_19 {dimension_numbers = #tpu.dot_dimension_numbers<[1], [0], [0], [1], [0, 0, 1, 1], [], []>, transpose_lhs_hint = false} : vector<512x128xf32>, vector<128x64xf32>, vector<512x64xf32> -> vector<512x64xf32>
    %get3A_21 = arith.constant 0 : index
    %get3A_22 = arith.constant 0 : index
    %get3A_23 = vector.load %arg5[%get3A_21, %get3A_22] : memref<1x64xf32, #tpu.memory_space<vmem>>, vector<1x64xf32>
    %add3A_24 = vector.broadcast %get3A_23 : vector<1x64xf32> to vector<512x64xf32>
    %add3A_25 = arith.addf %dot_general3A_20, %add3A_24 : vector<512x64xf32>
    %max3A_26 = arith.constant 0.000000e+00 : f32
    %max3A_27 = vector.broadcast %max3A_26 : f32 to vector<512x64xf32>
    %max3A_28 = arith.maximumf %add3A_25, %max3A_27 : vector<512x64xf32>
    %swap3A = arith.constant 0 : index
    %swap3A_29 = arith.constant 0 : index
    %swap3A_30 = vector.load %arg6[%swap3A, %swap3A_29] : memref<512x64xf32, #tpu.memory_space<vmem>>, vector<512x64xf32>
    tpu.vector_store %arg6[%swap3A, %swap3A_29], %max3A_28 {strides = array<i32>} : memref<512x64xf32, #tpu.memory_space<vmem>>, vector<512x64xf32>,
    return
  }
}

module attributes {stable_mosaic.version = 14 : i64} {
  func.func @_post_body(%arg0: i32, %arg1: memref<512x64xf32, #tpu.memory_space<vmem>>, %arg2: memref<2x512x32xf32, #tpu.memory_space<vmem>>, %arg3: memref<512x64xf32, #tpu.memory_space<vmem>>, %arg4: memref<1x1x512xi32, #tpu.memory_space<vmem>>, %arg5: memref<64x128xf32, #tpu.memory_space<vmem>>, %arg6: memref<1x128xf32, #tpu.memory_space<vmem>>, %arg7: memref<128x64xf32, #tpu.memory_space<vmem>>, %arg8: memref<1x64xf32, #tpu.memory_space<vmem>>, %arg9: memref<1x64xf32, #tpu.memory_space<vmem>>, %arg10: memref<1x64xf32, #tpu.memory_space<vmem>>, %arg11: memref<1x1xf32, #tpu.memory_space<vmem>>, %arg12: memref<512x64xf32, #tpu.memory_space<vmem>>, %arg13: memref<512x64xf32, #tpu.memory_space<vmem>>, %arg14: memref<512x64xf32, #tpu.memory_space<vmem>>) attributes {dimension_semantics = [#tpu.dimension_semantics<arbitrary>], iteration_bounds = array<i64: 98>, scalar_prefetch = 0 : i64, scratch_operands = 0 : i64, tpu.core_type = #tpu.core_type<tc>, window_params = [{transform_indices = @transform_0, window_bounds = array<i64: 512, 64>}, {transform_indices = @transform_1, window_bounds = array<i64: 2, 512, 32>}, {transform_indices = @transform_2, window_bounds = array<i64: 512, 64>}, {transform_indices = @transform_3, window_bounds = array<i64: 1, 1, 512>}, {pipeline_mode = #tpu.pipeline_mode<synchronous>, transform_indices = @transform_4, window_bounds = array<i64: 64, 128>}, {pipeline_mode = #tpu.pipeline_mode<synchronous>, transform_indices = @transform_5, window_bounds = array<i64: 1, 128>}, {pipeline_mode = #tpu.pipeline_mode<synchronous>, transform_indices = @transform_6, window_bounds = array<i64: 128, 64>}, {pipeline_mode = #tpu.pipeline_mode<synchronous>, transform_indices = @transform_7, window_bounds = array<i64: 1, 64>}, {pipeline_mode = #tpu.pipeline_mode<synchronous>, transform_indices = @transform_8, window_bounds = array<i64: 1, 64>}, {pipeline_mode = #tpu.pipeline_mode<synchronous>, transform_indices = @transform_9, window_bounds = array<i64: 1, 64>}, {pipeline_mode = #tpu.pipeline_mode<synchronous>, transform_indices = @transform_10, window_bounds = array<i64: 1, 1>}, {transform_indices = @transform_11, window_bounds = array<i64: 512, 64>}, {pipeline_mode = #tpu.pipeline_mode<synchronous>, transform_indices = @transform_12, window_bounds = array<i64: 512, 64>}, {pipeline_mode = #tpu.pipeline_mode<synchronous>, transform_indices = @transform_13, window_bounds = array<i64: 512, 64>}]} {
    %get3A = arith.constant 0 : index
    %get3A_0 = arith.constant 0 : index
    %get3A_1 = arith.constant 0 : index
    %get3A_2 = vector.load %arg2[%get3A, %get3A_0, %get3A_1] : memref<2x512x32xf32, #tpu.memory_space<vmem>>, vector<1x512x32xf32>
    %get3A_3 = vector.shape_cast %get3A_2 : vector<1x512x32xf32> to vector<512x32xf32>
    %get3A_4 = arith.constant 1 : index
    %get3A_5 = arith.constant 0 : index
    %get3A_6 = arith.constant 0 : index
    %get3A_7 = vector.load %arg2[%get3A_4, %get3A_5, %get3A_6] : memref<2x512x32xf32, #tpu.memory_space<vmem>>, vector<1x512x32xf32>
    %get3A_8 = vector.shape_cast %get3A_7 : vector<1x512x32xf32> to vector<512x32xf32>
    %concatenate3A = tpu.concatenate %get3A_3, %get3A_8 in 1 : vector<512x32xf32>, vector<512x32xf32> -> vector<512x64xf32>
    %get3A_9 = arith.constant 0 : index
    %get3A_10 = arith.constant 0 : index
    %get3A_11 = vector.load %arg11[%get3A_9, %get3A_10] : memref<1x1xf32, #tpu.memory_space<vmem>>, vector<1x1xf32>
    %get3A_12 = vector.extract %get3A_11[0, 0] : f32 from vector<1x1xf32>
    %add3A = arith.constant 1.000000e+00 : f32
    %add3A_13 = arith.addf %add3A, %get3A_12 : f32
    %get3A_14 = arith.constant 0 : index
    %get3A_15 = arith.constant 0 : index
    %get3A_16 = vector.load %arg1[%get3A_14, %get3A_15] : memref<512x64xf32, #tpu.memory_space<vmem>>, vector<512x64xf32>
    %mul3A = vector.broadcast %add3A_13 : f32 to vector<512x64xf32>
    %mul3A_17 = arith.mulf %mul3A, %get3A_16 : vector<512x64xf32>
    %add3A_18 = arith.addf %mul3A_17, %concatenate3A : vector<512x64xf32>
    %get3A_19 = arith.constant 0 : index
    %get3A_20 = arith.constant 0 : index
    %get3A_21 = vector.load %arg5[%get3A_19, %get3A_20] : memref<64x128xf32, #tpu.memory_space<vmem>>, vector<64x128xf32>
    %dot_general3A = arith.constant dense<0.000000e+00> : vector<512x128xf32>
    %dot_general3A_22 = tpu.matmul %add3A_18, %get3A_21, %dot_general3A {dimension_numbers = #tpu.dot_dimension_numbers<[1], [0], [0], [1], [0, 0, 1, 1], [], []>, transpose_lhs_hint = false} : vector<512x64xf32>, vector<64x128xf32>, vector<512x128xf32> -> vector<512x128xf32>
    %get3A_23 = arith.constant 0 : index
    %get3A_24 = arith.constant 0 : index
    %get3A_25 = vector.load %arg6[%get3A_23, %get3A_24] : memref<1x128xf32, #tpu.memory_space<vmem>>, vector<1x128xf32>
    %add3A_26 = vector.broadcast %get3A_25 : vector<1x128xf32> to vector<512x128xf32>
    %add3A_27 = arith.addf %dot_general3A_22, %add3A_26 : vector<512x128xf32>
    %max3A = arith.constant 0.000000e+00 : f32
    %max3A_28 = vector.broadcast %max3A : f32 to vector<512x128xf32>
    %max3A_29 = arith.maximumf %add3A_27, %max3A_28 : vector<512x128xf32>
    %get3A_30 = arith.constant 0 : index
    %get3A_31 = arith.constant 0 : index
    %get3A_32 = vector.load %arg7[%get3A_30, %get3A_31] : memref<128x64xf32, #tpu.memory_space<vmem>>, vector<128x64xf32>
    %dot_general3A_33 = arith.constant dense<0.000000e+00> : vector<512x64xf32>
    %dot_general3A_34 = tpu.matmul %max3A_29, %get3A_32, %dot_general3A_33 {dimension_numbers = #tpu.dot_dimension_numbers<[1], [0], [0], [1], [0, 0, 1, 1], [], []>, transpose_lhs_hint = false} : vector<512x128xf32>, vector<128x64xf32>, vector<512x64xf32> -> vector<512x64xf32>
    %get3A_35 = arith.constant 0 : index
    %get3A_36 = arith.constant 0 : index
    %get3A_37 = vector.load %arg8[%get3A_35, %get3A_36] : memref<1x64xf32, #tpu.memory_space<vmem>>, vector<1x64xf32>
    %add3A_38 = vector.broadcast %get3A_37 : vector<1x64xf32> to vector<512x64xf32>
    %add3A_39 = arith.addf %dot_general3A_34, %add3A_38 : vector<512x64xf32>
    %get3A_40 = arith.constant 0 : index
    %get3A_41 = arith.constant 0 : index
    %get3A_42 = vector.load %arg9[%get3A_40, %get3A_41] : memref<1x64xf32, #tpu.memory_space<vmem>>, vector<1x64xf32>
    %mul3A_43 = vector.broadcast %get3A_42 : vector<1x64xf32> to vector<512x64xf32>
    %mul3A_44 = arith.mulf %add3A_39, %mul3A_43 : vector<512x64xf32>
    %get3A_45 = arith.constant 0 : index
    %get3A_46 = arith.constant 0 : index
    %get3A_47 = vector.load %arg10[%get3A_45, %get3A_46] : memref<1x64xf32, #tpu.memory_space<vmem>>, vector<1x64xf32>
    %add3A_48 = vector.broadcast %get3A_47 : vector<1x64xf32> to vector<512x64xf32>
    %add3A_49 = arith.addf %mul3A_44, %add3A_48 : vector<512x64xf32>
    %swap3A = arith.constant 0 : index
    %swap3A_50 = arith.constant 0 : index
    %swap3A_51 = vector.load %arg12[%swap3A, %swap3A_50] : memref<512x64xf32, #tpu.memory_space<vmem>>, vector<512x64xf32>
    tpu.vector_store %arg12[%swap3A, %swap3A_50], %add3A_49 {strides = array<i32>} : memref<512x64xf32, #tpu.memory_space<vmem>>, vector<512x64xf32>,
    %get3A_52 = arith.constant 0 : index
    %get3A_53 = arith.constant 0 : index
    %get3A_54 = arith.constant 0 : index
    %get3A_55 = vector.load %arg4[%get3A_52, %get3A_53, %get3A_54] : memref<1x1x512xi32, #tpu.memory_space<vmem>>, vector<1x1x512xi32>
    %get3A_56 = vector.shape_cast %get3A_55 : vector<1x1x512xi32> to vector<512xi32>
    %reshape3A = vector.shape_cast %get3A_56 : vector<512xi32> to vector<1x512xi32>
    %iota3A = tpu.iota {dimensions = array<i32: 0>} : vector<512x512xi32>
    %eq3A = vector.broadcast %reshape3A : vector<1x512xi32> to vector<512x512xi32>
    %eq3A_57 = arith.cmpi eq, %iota3A, %eq3A : vector<512x512xi32>
    %convert_element_type3A = arith.extui %eq3A_57 : vector<512x512xi1> to vector<512x512xi32>
    %convert_element_type3A_58 = arith.sitofp %convert_element_type3A : vector<512x512xi32> to vector<512x512xf32>
    %dot_general3A_59 = arith.constant dense<0.000000e+00> : vector<512x64xf32>
    %dot_general3A_60 = tpu.matmul %convert_element_type3A_58, %add3A_49, %dot_general3A_59 {dimension_numbers = #tpu.dot_dimension_numbers<[1], [0], [0], [1], [0, 0, 1, 1], [], []>, transpose_lhs_hint = false} : vector<512x512xf32>, vector<512x64xf32>, vector<512x64xf32> -> vector<512x64xf32>
    %get3A_61 = arith.constant 0 : index
    %get3A_62 = arith.constant 0 : index
    %get3A_63 = vector.load %arg3[%get3A_61, %get3A_62] : memref<512x64xf32, #tpu.memory_space<vmem>>, vector<512x64xf32>
    %dot_general3A_64 = arith.constant dense<0.000000e+00> : vector<512x64xf32>
    %dot_general3A_65 = tpu.matmul %convert_element_type3A_58, %get3A_63, %dot_general3A_64 {dimension_numbers = #tpu.dot_dimension_numbers<[1], [0], [0], [1], [0, 0, 1, 1], [], []>, transpose_lhs_hint = false} : vector<512x512xf32>, vector<512x64xf32>, vector<512x64xf32> -> vector<512x64xf32>
    %eq3A_66 = arith.constant 0 : i32
    %eq3A_67 = arith.cmpi eq, %arg0, %eq3A_66 : i32
    %convert_element_type3A_68 = arith.extui %eq3A_67 : i1 to i32
    %cond3A = arith.constant 0 : i32
    %cond3A_69 = arith.cmpi ne, %convert_element_type3A_68, %cond3A : i32
    scf.if %cond3A_69 {
      %broadcast_in_dim3A = arith.constant 0.000000e+00 : f32
      %broadcast_in_dim3A_84 = vector.broadcast %broadcast_in_dim3A : f32 to vector<512x64xf32>
      %swap3A_85 = arith.constant 0 : index
      %swap3A_86 = arith.constant 0 : index
      %swap3A_87 = vector.load %arg13[%swap3A_85, %swap3A_86] : memref<512x64xf32, #tpu.memory_space<vmem>>, vector<512x64xf32>
      tpu.vector_store %arg13[%swap3A_85, %swap3A_86], %broadcast_in_dim3A_84 {strides = array<i32>} : memref<512x64xf32, #tpu.memory_space<vmem>>, vector<512x64xf32>,
      %broadcast_in_dim3A_88 = arith.constant 0.000000e+00 : f32
      %broadcast_in_dim3A_89 = vector.broadcast %broadcast_in_dim3A_88 : f32 to vector<512x64xf32>
      %swap3A_90 = arith.constant 0 : index
      %swap3A_91 = arith.constant 0 : index
      %swap3A_92 = vector.load %arg14[%swap3A_90, %swap3A_91] : memref<512x64xf32, #tpu.memory_space<vmem>>, vector<512x64xf32>
      tpu.vector_store %arg14[%swap3A_90, %swap3A_91], %broadcast_in_dim3A_89 {strides = array<i32>} : memref<512x64xf32, #tpu.memory_space<vmem>>, vector<512x64xf32>,
    } else {
    }
    %get3A_70 = arith.constant 0 : index
    %get3A_71 = arith.constant 0 : index
    %get3A_72 = vector.load %arg13[%get3A_70, %get3A_71] : memref<512x64xf32, #tpu.memory_space<vmem>>, vector<512x64xf32>
    %add3A_73 = arith.addf %get3A_72, %dot_general3A_60 : vector<512x64xf32>
    %swap3A_74 = arith.constant 0 : index
    %swap3A_75 = arith.constant 0 : index
    %swap3A_76 = vector.load %arg13[%swap3A_74, %swap3A_75] : memref<512x64xf32, #tpu.memory_space<vmem>>, vector<512x64xf32>
    tpu.vector_store %arg13[%swap3A_74, %swap3A_75], %add3A_73 {strides = array<i32>} : memref<512x64xf32, #tpu.memory_space<vmem>>, vector<512x64xf32>,
    %get3A_77 = arith.constant 0 : index
    %get3A_78 = arith.constant 0 : index
    %get3A_79 = vector.load %arg14[%get3A_77, %get3A_78] : memref<512x64xf32, #tpu.memory_space<vmem>>, vector<512x64xf32>
    %add3A_80 = arith.addf %get3A_79, %dot_general3A_65 : vector<512x64xf32>
    %swap3A_81 = arith.constant 0 : index
    %swap3A_82 = arith.constant 0 : index
    %swap3A_83 = vector.load %arg14[%swap3A_81, %swap3A_82] : memref<512x64xf32, #tpu.memory_space<vmem>>, vector<512x64xf32>
    tpu.vector_store %arg14[%swap3A_81, %swap3A_82], %add3A_80 {strides = array<i32>} : memref<512x64xf32, #tpu.memory_space<vmem>>, vector<512x64xf32>,
    return
  }
  func.func @transform_0(%arg0: i32) -> (i32, i32) {
    %c0_i32 = arith.constant 0 : i32
    %c0_i32_0 = arith.constant 0 : i32
    return %arg0, %c0_i32 : i32, i32
  }
  func.func @transform_1(%arg0: i32) -> (i32, i32, i32) {
    %c0_i32 = arith.constant 0 : i32
    %c0_i32_0 = arith.constant 0 : i32
    %c0_i32_1 = arith.constant 0 : i32
    return %c0_i32, %arg0, %c0_i32_0 : i32, i32, i32
  }
  func.func @transform_2(%arg0: i32) -> (i32, i32) {
    %c0_i32 = arith.constant 0 : i32
    %c0_i32_0 = arith.constant 0 : i32
    return %arg0, %c0_i32 : i32, i32
  }
  func.func @transform_3(%arg0: i32) -> (i32, i32, i32) {
    %c0_i32 = arith.constant 0 : i32
    %c0_i32_0 = arith.constant 0 : i32
    %c0_i32_1 = arith.constant 0 : i32
    return %arg0, %c0_i32, %c0_i32_0 : i32, i32, i32
  }
  func.func @transform_4(%arg0: i32) -> (i32, i32) {
    %c0_i32 = arith.constant 0 : i32
    %c0_i32_0 = arith.constant 0 : i32
    %c0_i32_1 = arith.constant 0 : i32
    return %c0_i32, %c0_i32_0 : i32, i32
  }
  func.func @transform_5(%arg0: i32) -> (i32, i32) {
    %c0_i32 = arith.constant 0 : i32
    %c0_i32_0 = arith.constant 0 : i32
    %c0_i32_1 = arith.constant 0 : i32
    return %c0_i32, %c0_i32_0 : i32, i32
  }
  func.func @transform_6(%arg0: i32) -> (i32, i32) {
    %c0_i32 = arith.constant 0 : i32
    %c0_i32_0 = arith.constant 0 : i32
    %c0_i32_1 = arith.constant 0 : i32
    return %c0_i32, %c0_i32_0 : i32, i32
  }
  func.func @transform_7(%arg0: i32) -> (i32, i32) {
    %c0_i32 = arith.constant 0 : i32
    %c0_i32_0 = arith.constant 0 : i32
    %c0_i32_1 = arith.constant 0 : i32
    return %c0_i32, %c0_i32_0 : i32, i32
  }
  func.func @transform_8(%arg0: i32) -> (i32, i32) {
    %c0_i32 = arith.constant 0 : i32
    %c0_i32_0 = arith.constant 0 : i32
    %c0_i32_1 = arith.constant 0 : i32
    return %c0_i32, %c0_i32_0 : i32, i32
  }
  func.func @transform_9(%arg0: i32) -> (i32, i32) {
    %c0_i32 = arith.constant 0 : i32
    %c0_i32_0 = arith.constant 0 : i32
    %c0_i32_1 = arith.constant 0 : i32
    return %c0_i32, %c0_i32_0 : i32, i32
  }
  func.func @transform_10(%arg0: i32) -> (i32, i32) {
    %c0_i32 = arith.constant 0 : i32
    %c0_i32_0 = arith.constant 0 : i32
    %c0_i32_1 = arith.constant 0 : i32
    return %c0_i32, %c0_i32_0 : i32, i32
  }
  func.func @transform_11(%arg0: i32) -> (i32, i32) {
    %c0_i32 = arith.constant 0 : i32
    %c0_i32_0 = arith.constant 0 : i32
    return %arg0, %c0_i32 : i32, i32
  }
  func.func @transform_12(%arg0: i32) -> (i32, i32) {
    %c0_i32 = arith.constant 0 : i32
    %c0_i32_0 = arith.constant 0 : i32
    %c0_i32_1 = arith.constant 0 : i32
    return %c0_i32, %c0_i32_0 : i32, i32
  }
  func.func @transform_13(%arg0: i32) -> (i32, i32) {
    %c0_i32 = arith.constant 0 : i32
    %c0_i32_0 = arith.constant 0 : i32
    %c0_i32_1 = arith.constant 0 : i32
    return %c0_i32, %c0_i32_0 : i32, i32
  }
}

</mosaic_0001>

<sc_bundles>
// kernel: kernel.17.cloned.1.call-start
scs
__scs_entry_jumppad:
0x0: {  	(pc) =	sbr.rel $0x88, $3  }
0x1: {  	(tag) =	ssettag $0x0;
	lr =	simm.s32 $0x1  }
0x2: {  	[smem:$0x3F92] =	sst lr;
	_ =	strace $0xD0000000  }
0x3: {  	_ = 	snop  }
0x4: {  	_ = 	snop  }
0x5: {  	_ = 	snop  }
0x6: {  	_ = 	snop  }
0x7: {  	_ = 	snop  }
__scs_overlays_trampoline_lowered:
0x8: {  	[smem:$0x3FA1] =	sst s0  }
0x9: {  	[smem:$0x3FA2] =	sst s1  }
0xa: {  	[smem:$0x3FA3] =	sst s2  }
0xb: {  	[smem:$0x3FA4] =	sst s3  }
0xc: {  	[smem:$0x3FA5] =	sst s4  }
0xd: {  	[smem:$0x3FA6] =	sst s5  }
0xe: {  	[smem:$0x3FA7] =	sst s6  }
0xf: {  	[smem:$0x3FA8] =	sst s7  }
0x10: {  	[smem:$0x3FA9] =	sst s8  }
0x11: {  	[smem:$0x3FAA] =	sst s9;
	s0 =	simm.s32 @!p0 $0x0  }
0x12: {  	s1 =	sld [smem:$0x3F90];
	s0 =	simm.s32 @p0 $0x1  }
0x13: {  	[smem:$0x3FAB] =	sst s0;
	s0 =	simm.s32 @!p1 $0x0  }
0x14: {  	s2 =	sld [smem:$0x3F8F];
	s0 =	simm.s32 @p1 $0x1  }
0x15: {  	[smem:$0x3FAC] =	sst s0;
	s0 =	simm.s32 @!p2 $0x0  }
0x16: {  	s3 =	sld [smem:$0x3FDB];
	s0 =	simm.s32 @p2 $0x1  }
0x17: {  	s4 =	simm.s32 $0x1BF5;
	[smem:$0x3FAE] =	sst s0  }
0x18: {  	s0 =	sld [smem:$0x3F91];
	_ =	swait.ge [sflag:s4], $0x0  }
0x19: {  	s7 =	sld [smem:$0x3F92]  }
0x1a: {  	s8 =	sadd.s32 $0xFFFFE003, lr  }
0x1b: {  	s9 =	sadd.s32 $0xFFFFFEF7, lr;
	s5 =	simm.s32 $0xFFFFFFFF;
	p2 =	slt.u32 s8, $0xFFFFF086  }
0x1c: {  	p1 =	slt.u32 s9, $0xF7A;
	s5 =	simm.s32 @!p2 $0x0  }
0x1d: {  	s5 =	simm.s32 @p1 $0x1;
	p0 =	seq.s32 s7, s2  }
0x1e: {  	s7 =	smul.u32 @!p0 $0xF7A, s2;
	p2 =	seq.s32 @!p0 s5, $0x0  }
0x1f: {  	s9 =	smul.u32 $0xF7A, s1;
	s8 =	simm.s32 @!p0 $0x1BF5;
	p2 =	por !p2, p0  }
0x20: {  	[sflag:s8] =	ssyncset.s32 @!p0 $0xFFFFF086;
	s6 =	sadd.s32 @!p0 s3, s7;
	s7 =	simm.s32 @!p0 $0x108  }
0x21: {  	s3 =	sadd.s32 s3, s9;
	s6 =	sadd.s32 @!p0 $0x88, s6;
	s7 =	simm.s32 @p2 $0x1082  }
0x22: {  	[simem:s7], [sflag:s8] =	dma.local @!p0 [hbm:s6], $0xF7A  }
0x23: {  	s9 =	sor.u32 $0xD0000000, s2;
	s6 =	simm.s32 $0x108;
	_ =	swait.ge @!p0 [sflag:s8], $0x0  }
0x24: {  	s3 =	sadd.s32 $0x88, s3;
	s6 =	simm.s32 @!p1 $0x1082;
	[sflag:s4] =	ssyncset.s32 $0xFFFFF086  }
0x25: {  	[simem:s6], [sflag:s4] =	dma.local [hbm:s3], $0xF7A  }
0x26: {  	[smem:$0x3F92] =	sst s1;
	(tag) =	ssettag s2;
	_ =	strace s9  }
0x27: {  	s1 =	sld [smem:$0x3FA2]  }
0x28: {  	s2 =	sld [smem:$0x3FA3]  }
0x29: {  	s4 =	sld [smem:$0x3FA5]  }
0x2a: {  	p0 =	seq.s32 s5, $0x0;
	s5 =	sld [smem:$0x3FA6]  }
0x2b: {  	s6 =	sld [smem:$0x3FA7]  }
0x2c: {  	s7 =	sld [smem:$0x3FA8]  }
0x2d: {  	s3 =	simm.s32 $0x108;
	s8 =	sld [smem:$0x3FA9]  }
0x2e: {  	s3 =	simm.s32 @!p0 $0x1082;
	s9 =	sld [smem:$0x3FAA]  }
0x2f: {  	lr =	sadd.s32 s0, s3;
	s0 =	sld [smem:$0x3FA1]  }
0x30: {  	s3 =	sld [smem:$0x3FA4]  }
0x31: {  	[smem:$0x3FAD] =	sst s10  }
0x32: {  	s10 =	sld [smem:$0x3FAB];
	_ =	sdelay $0x3  }
0x33: {  	p0 =	seq.s32 s10, $0x1;
	s10 =	sld [smem:$0x3FAD];
	_ =	sdelay $0x3  }
0x34: {  	[smem:$0x3FAD] =	sst s10  }
0x35: {  	s10 =	sld [smem:$0x3FAC];
	_ =	sdelay $0x3  }
0x36: {  	p1 =	seq.s32 s10, $0x1;
	s10 =	sld [smem:$0x3FAD];
	_ =	sdelay $0x3  }
0x37: {  	[smem:$0x3FAD] =	sst s10  }
0x38: {  	s10 =	sld [smem:$0x3FAE]  }
0x39: {  	_ = 	snop;
	(pc) =	sbr.ind lr, $3  }
0x3a: {  	_ = 	snop  }
0x3b: {  	_ = 	snop  }
0x3c: {  	p2 =	seq.s32 s10, $0x1;
	s10 =	sld [smem:$0x3FAD]  }
0x3d: {  	_ =	shalt  }
0x3e: {  	_ =	shalt  }
0x3f: {  	_ =	shalt  }
0x40: {  	_ =	shalt  }
0x41: {  	_ =	shalt  }
0x42: {  	_ =	shalt  }
0x43: {  	_ =	shalt  }
0x44: {  	_ =	shalt  }
0x45: {  	_ =	shalt  }
0x46: {  	_ =	shalt  }
0x47: {  	_ =	shalt  }
0x48: {  	_ =	shalt  }
0x49: {  	_ =	shalt  }
0x4a: {  	_ =	shalt  }
0x4b: {  	_ =	shalt  }
0x4c: {  	_ =	shalt  }
0x4d: {  	_ =	shalt  }
0x4e: {  	_ =	shalt  }
0x4f: {  	_ =	shalt  }
0x50: {  	_ =	shalt  }
0x51: {  	_ =	shalt  }
0x52: {  	_ =	shalt  }
0x53: {  	_ =	shalt  }
0x54: {  	_ =	shalt  }
0x55: {  	_ =	shalt  }
0x56: {  	_ =	shalt  }
0x57: {  	_ =	shalt  }
0x58: {  	_ =	shalt  }
0x59: {  	_ =	shalt  }
0x5a: {  	_ =	shalt  }
0x5b: {  	_ =	shalt  }
0x5c: {  	_ =	shalt  }
0x5d: {  	_ =	shalt  }
0x5e: {  	_ =	shalt  }
0x5f: {  	_ =	shalt  }
0x60: {  	_ =	shalt  }
0x61: {  	_ =	shalt  }
0x62: {  	_ =	shalt  }
0x63: {  	_ =	shalt  }
0x64: {  	_ =	shalt  }
0x65: {  	_ =	shalt  }
0x66: {  	_ =	shalt  }
0x67: {  	_ =	shalt  }
0x68: {  	_ =	shalt  }
0x69: {  	_ =	shalt  }
0x6a: {  	_ =	shalt  }
0x6b: {  	_ =	shalt  }
0x6c: {  	_ =	shalt  }
0x6d: {  	_ =	shalt  }
0x6e: {  	_ =	shalt  }
0x6f: {  	_ =	shalt  }
0x70: {  	_ =	shalt  }
0x71: {  	_ =	shalt  }
0x72: {  	_ =	shalt  }
0x73: {  	_ =	shalt  }
0x74: {  	_ =	shalt  }
0x75: {  	_ =	shalt  }
0x76: {  	_ =	shalt  }
0x77: {  	_ =	shalt  }
0x78: {  	_ =	shalt  }
0x79: {  	_ =	shalt  }
0x7a: {  	_ =	shalt  }
0x7b: {  	_ =	shalt  }
0x7c: {  	_ =	shalt  }
0x7d: {  	_ =	shalt  }
0x7e: {  	_ =	shalt  }
0x7f: {  	_ =	shalt  }
0x80: {  	_ =	shalt  }
0x81: {  	_ =	shalt  }
0x82: {  	_ =	shalt  }
0x83: {  	_ =	shalt  }
0x84: {  	_ =	shalt  }
0x85: {  	_ =	shalt  }
0x86: {  	_ =	shalt  }
0x87: {  	_ =	shalt  }
.Lfunc_end0:
.L_simem_size_0:
called_computation_lowered:
.L_overlay_start_0:
0x88: {  	s2 =	sld [smem:$0x3FD9]  }
0x89: {  	s3 =	sld [smem:$0x3FFE];
	_ =	sdelay $0x1  }
0x8a: {  	s1 =	srdreg.scid  }
0x8b: {  	s0 =	sand.u32 $0x1, s1  }
0x8c: {  	s16 =	sshll.u32 s0, $0xA;
	s2 =	sadd.s32 s3, s2  }
0x8d: {  	s2 =	sadd.s32 s2, s16  }
0x8e: {  	[smem:$0x3FB9] =	sst s2  }
0x8f: {  	_ = 	snop  }
0x90: {  	(tm) =	ssettm $0x1  }
0x91: {  	s17 =	sld [smem:$0x3FFB];
	_ =	sdelay $0x3  }
0x92: {  	_ =	strace s17  }
0x93: {  	s2 =	sld [smem:$0x3FFC];
	_ =	sdelay $0x3  }
0x94: {  	_ =	strace s2  }
0x95: {  	s2 =	sld [smem:$0x3FFD];
	_ =	sdelay $0x3  }
0x96: {  	_ =	strace s2  }
0x97: {  	_ =	strace $0x8FFFFFFF  }
0x98: {  	s18 =	sld [smem:$0x3FDB];
	_ =	sdelay $0x1  }
0x99: {  	s19 =	simm.s32 $_scs_section_size  }
0x9a: {  	s4 =	simm.s32 $_size__tile_overlayer_lowered;
	s5 =	simm.s32 $_tile_overlayer_lowered  }
0x9b: {  	s22 =	simm.s32 $0x1BFF;
	s21 =	sshll.u32 s5, $0x1;
	s2 =	sadd.s32 s19, s18  }
0x9c: {  	s6 =	simm.s32 $0x0;
	s20 =	sshll.u32 s4, $0x1;
	s4 =	sadd.s32 s21, s2  }
0x9d: {  	[timem:s6], [sflag:s22] =	dma.local [hbm:s4], s20  }
0x9e: {  	_ =	swait.ge [sflag:s22], s20  }
0x9f: {  	s3 =	ssub.s32 $0x0, s20;
	[sflag:s22] =	ssyncset.done $0x0  }
0xa0: {  	[sflag:s22] =	ssyncadd.s32 s3;
	_ =	sdelay $0x1  }
0xa1: {  	s23 =	simm.s32 $0x1B8B  }
0xa2: {  	_ =	swait.ge [sflag:s23], $0x1  }
0xa3: {  	[sflag:s23] =	ssyncset.done $0x0  }
0xa4: {  	s25 =	simm.s32 $0x1B8E;
	s24 =	sld [smem:$0x3FFE];
	[sflag:s23] =	ssyncadd.s32 $0xFFFFFFFF  }
0xa5: {  	s26 =	simm.s32 $execute0_lowered;
	[smem:$0x3FD2] =	sst s25  }
0xa6: {  	s4 =	sshll.u32 s26, $0x1;
	_ =	strace $0x80000046;
	[dreg:$0x1] =	wrdreg $0xFFFFFFFF  }
0xa7: {  	s28 =	simm.s32 $_size_execute0_lowered;
	s2 =	sadd.s32 s2, s4;
	[dreg:$0x0] =	wrdreg $0x0  }
0xa8: {  	s4 =	sshll.u32 s28, $0x1;
	[dreg:$0x2] =	wrdreg s2  }
0xa9: {  	[dreg:$0x3] =	wrdreg s4  }
0xaa: {  	[dreg:$0x4] =	wrdreg $0xC0  }
0xab: {  	_ =	task [dreg:s6], $0x5FFFF  }
0xac: {  	[dreg:$0x1] =	wrdreg $0xFFFFFFFF  }
0xad: {  	[dreg:$0x0] =	wrdreg $0x60  }
0xae: {  	[dreg:$0x2] =	wrdreg s24  }
0xaf: {  	[dreg:$0x3] =	wrdreg $0x48000  }
0xb0: {  	[dreg:$0x4] =	wrdreg $0x9  }
0xb1: {  	_ =	task.clear_ibuf [dreg:s6], $0x5FFFF;
	_ =	strace $0x90000046  }
0xb2: {  	s29 =	simm.s32 $0x9;
	_ =	strace $0x80000048  }
0xb3: {  	_ =	swait.ge [sflag:s29], $0x1  }
0xb4: {  	[sflag:s29] =	ssyncadd.s32 $0xFFFFFFFF  }
0xb5: {  	_ =	strace $0x90000048  }
0xb6: {  	_ =	sfence  }
0xb7: {  	s30 =	sld [smem:$0x0];
	_ =	sdelay $0x2  }
0xb8: {  	s31 =	sshll.u32 s1, $0xD;
	s1 =	sshrl.u32 s1, $0x2  }
0xb9: {  	s3 =	sand.u32 $0x4000, s31;
	s1 =	sadd.s32 s1, s30  }
0xba: {  	s0 =	sor.u32 s3, s0;
	s1 =	sshll.u32 s1, $0x11  }
0xbb: {  	s0 =	sor.u32 s1, s0  }
0xbc: {  	s0 =	sadd.s32 $0x8F2B, s0  }
0xbd: {  	[sflag:s0] =	ssyncadd.remote.s32 $0x1  }
0xbe: {  	_ =	sfence.sel $0xFFFF  }
0xbf: {  	[dreg:$0x0] =	wrdreg $0xFFFFFFFF;
	(pc) =	sbr.abs _section_cstart, $3  }
0xc0: {  	[dreg:$0x1] =	wrdreg $0xFFFFFFFF  }
0xc1: {  	_ =	task.clear_ibuf [dreg:s6], $0x2FFFF;
	_ =	strace $0x9FFFFFFF  }
0xc2: {  	(tm) =	ssettm $0x7FFFFFFF  }
0xc3: {  	_ =	shalt  }
tec
execute0_lowered:
.L_overlay_start_1:
0x0: {  	(tag) =	ssettag $0x1  }
0x1: {  	s0 =	rddreg [dreg:$0x0]  }
0x2: {  	s2 =	rddreg [dreg:$0x1]  }
0x3: {  	s3 =	simm.s32 $0x0;
	s8 =	stileid.u32;
	s4 =	srdreg.scid  }
0x4: {  	s16 =	simm.s32 $0x800;
	s17 =	simm.s32 $0x4;
	s18 =	simm.s32 $0x80  }
0x5: {  	s19 =	simm.s32 $0x1800;
	s20 =	simm.s32 $0x1;
	s21 =	simm.s32 $0x400  }
0x6: {  	s23 =	simm.s32 $0x2800;
	s26 =	simm.s32 $0x3800;
	s1 =	smul.u32 $0x3100, s8  }
0x7: {  	s30 =	simm.s32 $0x3;
	s22 =	simm.s32 $0x2;
	s5 =	smul.u32 $0x62000, s8  }
0x8: {  	s25 =	simm.s32 $0x0;
	s4 =	sand.u32 $0x1, s4;
	s13 =	smul.u32 $0x18800, s8  }
0x9: {  	[smem:$0x7FF] =	sst s3;
	s6 =	smul.u32 $0x31000, s4;
	s4 =	ssub.s32 $0x2, s4  }
0xa: {  	_ =	strace $0x80000047;
	s1 =	sadd.s32 s1, s0;
	s7 =	sshrl.u32 s4, $0x1  }
0xb: {  	s5 =	sshrl.u32 s5, $0x2;
	s15 =	sshrl.u32 s13, $0x3;
	s0 =	sadd.s32 s6, s0  }
0xc: {  	s14 =	ssub.s32 s4, s7;
	s10 =	sadd.s32 s5, s2;
	s4 =	sadd.s32 s13, s2  }
.Ltmp0:
0xd: {  	s11 =	sadd.s32 $0xCB200, s1;
	s31 =	sadd.s32 $0xCB300, s1;
	(pc) =	sbr.rel .LBB2_1-.Ltmp0, $4  }
0xe: {  	s5 =	sadd.s32 $0x4000, s10;
	s6 =	sadd.s32 $0x8000, s10;
	s7 =	sadd.s32 $0xC000, s10  }
0xf: {  	s8 =	sadd.s32 $0x10000, s10;
	s9 =	sadd.s32 $0x14000, s10;
	s10 =	sadd.s32 $0x18000, s10  }
0x10: {  	s12 =	sadd.s32 $0x317200, s0;
	s0 =	sadd.s32 $0xFC200, s0;
	s13 =	smax.u32 s14, $0x1  }
0x11: {  	v0 =	vimm.f32 $0.0e+00;
	s14 =	sadd.s32 $0xCB280, s1;
	[dreg:$0x3] =	wrdreg s5;
	s24 =	sadd.s32 s15, s0  }
.LBB2_5:
0x12: {  	s1 =	sadd.s32 $0x300, s0  }
0x13: {  	[spmem:s2] =	stream.indirect.scatter.add.f32 [tilespmem:s23], [sflag:$0x2], $0x20, s1, s18, $0xb8;
	[tilespmem:$0x1D000] =	vst v63  }
0x14: {  	s29 =	sadd.s32 $0x380, s0  }
0x15: {  	[spmem:s2] =	stream.indirect.scatter.add.f32 [tilespmem:s26], [sflag:$0x2], $0x20, s29, s18, $0xb8;
	[tilespmem:$0x1D000] =	vst v63  }
.LBB2_7:
0x16: {  	_ =	swait.ge [sflag:s22], $0x400;
	s0 =	stileid.u32  }
0x17: {  	s1 =	sshrl.u32 s4, $0x3;
	s25 =	sadd.s32 $0x1, s25;
	[sflag:s22] =	ssyncset.done $0x0  }
0x18: {  	s0 =	sshll.u32 s0, $0x6;
	p0 =	sne.s32 s25, s13;
	[sflag:s22] =	ssyncadd.s32 $0xFFFFFC00  }
.Ltmp1:
0x19: {  	s0 =	sor.u32 $0x1C04, s0;
	[bflag:$0x0] =	sbarrier.arrive $0xFFFF;
	(pc) =	sbr.rel @!p0 .LBB2_8-.Ltmp1, $4  }
0x1a: {  	[hbm:s24], [sflag:s0] =	dma.local [spmem:s1], $0x3100  }
0x1b: {  	_ =	swait.ge [sflag:s17], $0x3100  }
0x1c: {  	[sflag:s17] =	ssyncset.done $0x0  }
0x1d: {  	[sflag:s17] =	ssyncadd.s32 $0xFFFFCF00  }
.LBB2_1:
0x1e: {  	s0 =	simm.s32 $0x80;
	s1 =	simm.s32 $0x0  }
.LBB2_2:
0x1f: {  	p0 =	sne.s32 s0, $0xFF80;
	[tilespmem:s1+$0x800] =	vst v0;
	s15 =	smov.u32 s0;
	s0 =	sadd.s32 $0x80, s0  }
.Ltmp2:
0x20: {  	[tilespmem:s1+$0x810] =	vst v0;
	(pc) =	sbr.rel @p0 .LBB2_2-.Ltmp2, $2  }
0x21: {  	_ =	sdelay $0x2  }
0x22: {  	s1 =	sshra.s32 s15, $0x2  }
0x23: {  	[tilespmem:s1+$0x800] =	vst v0  }
0x24: {  	[tilespmem:s1+$0x810] =	vst v0  }
0x25: {  	[spmem:s4] =	stream.linear.scatter [tilespmem:s16], [sflag:$0x4], $0x4000, $0x38;
	[tilespmem:$0x1D000] =	vst v63  }
0x26: {  	_ =	swait.ge [sflag:s17], $0x4000  }
0x27: {  	[sflag:s17] =	ssyncset.done $0x0  }
0x28: {  	s0 =	rddreg [dreg:$0x3];
	[sflag:s17] =	ssyncadd.s32 $0xFFFFC000  }
0x29: {  	[spmem:s0] =	stream.linear.scatter [tilespmem:s16], [sflag:$0x4], $0x4000, $0x38;
	[tilespmem:$0x1D000] =	vst v63  }
0x2a: {  	_ =	swait.ge [sflag:s17], $0x4000  }
0x2b: {  	[sflag:s17] =	ssyncset.done $0x0  }
0x2c: {  	[sflag:s17] =	ssyncadd.s32 $0xFFFFC000  }
0x2d: {  	[spmem:s6] =	stream.linear.scatter [tilespmem:s16], [sflag:$0x4], $0x4000, $0x38;
	[tilespmem:$0x1D000] =	vst v63  }
0x2e: {  	_ =	swait.ge [sflag:s17], $0x4000  }
0x2f: {  	[sflag:s17] =	ssyncset.done $0x0  }
0x30: {  	[sflag:s17] =	ssyncadd.s32 $0xFFFFC000  }
0x31: {  	[spmem:s7] =	stream.linear.scatter [tilespmem:s16], [sflag:$0x4], $0x4000, $0x38;
	[tilespmem:$0x1D000] =	vst v63  }
0x32: {  	_ =	swait.ge [sflag:s17], $0x4000  }
0x33: {  	[sflag:s17] =	ssyncset.done $0x0  }
0x34: {  	[sflag:s17] =	ssyncadd.s32 $0xFFFFC000  }
0x35: {  	[spmem:s8] =	stream.linear.scatter [tilespmem:s16], [sflag:$0x4], $0x4000, $0x38;
	[tilespmem:$0x1D000] =	vst v63  }
0x36: {  	_ =	swait.ge [sflag:s17], $0x4000  }
0x37: {  	[sflag:s17] =	ssyncset.done $0x0  }
0x38: {  	[sflag:s17] =	ssyncadd.s32 $0xFFFFC000  }
0x39: {  	[spmem:s9] =	stream.linear.scatter [tilespmem:s16], [sflag:$0x4], $0x4000, $0x38;
	[tilespmem:$0x1D000] =	vst v63  }
0x3a: {  	_ =	swait.ge [sflag:s17], $0x4000  }
0x3b: {  	[sflag:s17] =	ssyncset.done $0x0  }
0x3c: {  	[sflag:s17] =	ssyncadd.s32 $0xFFFFC000  }
0x3d: {  	[spmem:s10] =	stream.linear.scatter [tilespmem:s16], [sflag:$0x4], $0x800, $0x38;
	[tilespmem:$0x1D000] =	vst v63  }
0x3e: {  	_ =	swait.ge [sflag:s17], $0x800  }
0x3f: {  	[sflag:s17] =	ssyncset.done $0x0  }
0x40: {  	[sflag:s17] =	ssyncadd.s32 $0xFFFFF800  }
0x41: {  	[bflag:$0x0] =	sbarrier.arrive $0xFFFF  }
0x42: {  	[tilespmem:s3], [sflag:$0x4] =	stream.linear.gather [hbm4b:s11+s3], $0x400, $0x38;
	[tilespmem:$0x1D000] =	vst v63  }
0x43: {  	_ =	swait.ge [sflag:s17], $0x400  }
0x44: {  	[sflag:s17] =	ssyncset.done $0x0  }
0x45: {  	[sflag:s17] =	ssyncadd.s32 $0xFFFFFC00  }
0x46: {  	[tilespmem:s16], [sflag:$0x1] =	stream.indirect.gather [hbm4b:s12+s18], $0x20, s3, s18, $0xb8;
	[tilespmem:$0x1D000] =	vst v63  }
0x47: {  	_ = 	snop  }
0x48: {  	[tilespmem:s19], [sflag:$0x1] =	stream.indirect.gather [hbm4b:s12+s18], $0x20, s18, s18, $0xb8;
	[tilespmem:$0x1D000] =	vst v63  }
0x49: {  	_ =	swait.ge [sflag:s20], $0x2000  }
0x4a: {  	[sflag:s20] =	ssyncset.done $0x0  }
0x4b: {  	[sflag:s20] =	ssyncadd.s32 $0xFFFFE000  }
0x4c: {  	[tilespmem:s21], [sflag:$0x3] =	stream.linear.gather [hbm4b:s14+s3], $0x400, $0x38;
	[tilespmem:$0x1D000] =	vst v63  }
0x4d: {  	s15 =	simm.s32 $0x200  }
0x4e: {  	[tilespmem:s23], [sflag:$0x1] =	stream.indirect.gather [hbm4b:s12+s18], $0x20, s15, s18, $0xb8;
	[tilespmem:$0x1D000] =	vst v63  }
0x4f: {  	s1 =	simm.s32 $0x280  }
0x50: {  	[tilespmem:s26], [sflag:$0x1] =	stream.indirect.gather [hbm4b:s12+s18], $0x20, s1, s18, $0xb8;
	[tilespmem:$0x1D000] =	vst v63  }
0x51: {  	s5 =	simm.s32 $0x100  }
0x52: {  	[spmem:s2] =	stream.indirect.scatter.add.f32 [tilespmem:s16], [sflag:$0x2], $0x20, s5, s18, $0xb8;
	[tilespmem:$0x1D000] =	vst v63  }
0x53: {  	s15 =	simm.s32 $0x180  }
0x54: {  	[spmem:s2] =	stream.indirect.scatter.add.f32 [tilespmem:s19], [sflag:$0x2], $0x20, s15, s18, $0xb8;
	[tilespmem:$0x1D000] =	vst v63  }
0x55: {  	_ =	swait.ge [sflag:s20], $0x2000  }
0x56: {  	[sflag:s20] =	ssyncset.done $0x0  }
0x57: {  	s28 =	simm.s32 $0x2;
	[sflag:s20] =	ssyncadd.s32 $0xFFFFE000  }
0x58: {  	_ =	swait.ge [sflag:s28], $0x400  }
0x59: {  	[sflag:s28] =	ssyncset.done $0x0  }
0x5a: {  	[sflag:s28] =	ssyncadd.s32 $0xFFFFFC00  }
0x5b: {  	_ =	swait.ge [sflag:s30], $0x400  }
0x5c: {  	[sflag:s30] =	ssyncset.done $0x0  }
0x5d: {  	[sflag:s30] =	ssyncadd.s32 $0xFFFFFC00  }
0x5e: {  	[tilespmem:s16], [sflag:$0x1] =	stream.indirect.gather [hbm4b:s12+s18], $0x20, s21, s18, $0xb8;
	[tilespmem:$0x1D000] =	vst v63  }
0x5f: {  	s1 =	simm.s32 $0x480  }
0x60: {  	[tilespmem:s19], [sflag:$0x1] =	stream.indirect.gather [hbm4b:s12+s18], $0x20, s1, s18, $0xb8;
	[tilespmem:$0x1D000] =	vst v63  }
0x61: {  	s5 =	simm.s32 $0x300  }
0x62: {  	[spmem:s2] =	stream.indirect.scatter.add.f32 [tilespmem:s23], [sflag:$0x2], $0x20, s5, s18, $0xb8;
	[tilespmem:$0x1D000] =	vst v63  }
0x63: {  	s15 =	simm.s32 $0x380  }
0x64: {  	[spmem:s2] =	stream.indirect.scatter.add.f32 [tilespmem:s26], [sflag:$0x2], $0x20, s15, s18, $0xb8;
	[tilespmem:$0x1D000] =	vst v63  }
0x65: {  	s29 =	simm.s32 $0x1000;
	s15 =	smov.u32 s31  }
.LBB2_4:
0x66: {  	_ =	swait.ge [sflag:s20], $0x2000  }
0x67: {  	[sflag:s20] =	ssyncset.done $0x0  }
0x68: {  	[sflag:s20] =	ssyncadd.s32 $0xFFFFE000  }
0x69: {  	_ =	swait.ge [sflag:s22], $0x400  }
0x6a: {  	s1 =	sand.u32 $0x1, s28;
	p0 =	seq.s32 s28, $0x62;
	[sflag:s22] =	ssyncset.done $0x0  }
0x6b: {  	s0 =	sshll.u32 @!p0 s1, $0xA;
	s5 =	simm.s32 @!p0 $0x0;
	[sflag:s22] =	ssyncadd.s32 $0xFFFFFC00  }
0x6c: {  	[tilespmem:s0], [sflag:$0x3] =	stream.linear.gather @!p0 [hbm4b:s15+s5], $0x400, $0x38;
	[tilespmem:$0x1D000] =	vst v63  }
0x6d: {  	s5 =	sshrl.u32 s29, $0x2  }
0x6e: {  	s0 =	sand.u32 $0x400, s5  }
0x6f: {  	s5 =	sor.u32 $0x200, s0  }
0x70: {  	[tilespmem:s23], [sflag:$0x1] =	stream.indirect.gather [hbm4b:s12+s18], $0x20, s5, s18, $0xb8;
	[tilespmem:$0x1D000] =	vst v63  }
0x71: {  	s5 =	sor.u32 $0x280, s0  }
0x72: {  	[tilespmem:s26], [sflag:$0x1] =	stream.indirect.gather [hbm4b:s12+s18], $0x20, s5, s18, $0xb8;
	[tilespmem:$0x1D000] =	vst v63  }
0x73: {  	s5 =	sor.u32 $0x100, s0  }
0x74: {  	[spmem:s2] =	stream.indirect.scatter.add.f32 [tilespmem:s16], [sflag:$0x2], $0x20, s5, s18, $0xb8;
	[tilespmem:$0x1D000] =	vst v63  }
0x75: {  	s5 =	sor.u32 $0x180, s0  }
0x76: {  	[spmem:s2] =	stream.indirect.scatter.add.f32 [tilespmem:s19], [sflag:$0x2], $0x20, s5, s18, $0xb8;
	[tilespmem:$0x1D000] =	vst v63  }
0x77: {  	p0 =	sne.s32 s28, $0x62;
	_ =	swait.ge [sflag:s20], $0x2000  }
.Ltmp3:
0x78: {  	[sflag:s20] =	ssyncset.done $0x0;
	(pc) =	sbr.rel @!p0 .LBB2_5-.Ltmp3, $4  }
0x79: {  	[sflag:s20] =	ssyncadd.s32 $0xFFFFE000  }
0x7a: {  	_ =	swait.ge [sflag:s22], $0x400  }
0x7b: {  	[sflag:s22] =	ssyncset.done $0x0  }
0x7c: {  	[sflag:s22] =	ssyncadd.s32 $0xFFFFFC00  }
0x7d: {  	_ =	swait.ge [sflag:s30], $0x400  }
0x7e: {  	[sflag:s30] =	ssyncset.done $0x0  }
0x7f: {  	s1 =	sshll.u32 s1, $0xA;
	s28 =	sadd.s32 $0x1, s28;
	[sflag:s30] =	ssyncadd.s32 $0xFFFFFC00  }
0x80: {  	[tilespmem:s16], [sflag:$0x1] =	stream.indirect.gather [hbm4b:s12+s18], $0x20, s1, s18, $0xb8;
	[tilespmem:$0x1D000] =	vst v63  }
0x81: {  	p0 =	sne.s32 s28, $0x63;
	s1 =	sor.u32 $0x80, s1  }
0x82: {  	[tilespmem:s19], [sflag:$0x1] =	stream.indirect.gather [hbm4b:s12+s18], $0x20, s1, s18, $0xb8;
	[tilespmem:$0x1D000] =	vst v63  }
.Ltmp4:
0x83: {  	_ = 	snop;
	(pc) =	sbr.rel @p0 .LBB2_4-.Ltmp4, $4  }
.Ltmp5:
0x84: {  	s5 =	sadd.s32 $0x300, s0;
	(pc) =	sbr.rel @!p0 .LBB2_7-.Ltmp5, $4  }
0x85: {  	[spmem:s2] =	stream.indirect.scatter.add.f32 [tilespmem:s23], [sflag:$0x2], $0x20, s5, s18, $0xb8;
	[tilespmem:$0x1D000] =	vst v63  }
0x86: {  	s15 =	sadd.s32 $0x80, s15;
	s29 =	sadd.s32 $0x1000, s29;
	s5 =	sadd.s32 $0x380, s0  }
0x87: {  	[spmem:s2] =	stream.indirect.scatter.add.f32 [tilespmem:s26], [sflag:$0x2], $0x20, s5, s18, $0xb8;
	[tilespmem:$0x1D000] =	vst v63  }
0x88: {  	_ = 	snop  }
.LBB2_8:
0x89: {  	_ =	sfence.sel $0x180000  }
0x8a: {  	[bflag:$0x0] =	sbarrier.arrive $0xFFFF  }
0x8b: {  	_ =	strace $0x90000047  }
0x8c: {  	s0 =	stileid.u32;
	[bflag:$0x2] =	sbarrier.arrive $0xFFFF  }
0x8d: {  	p0 =	sne.s32 s0, $0x0;
	s0 =	rddreg [dreg:$0x2]  }
0x8e: {  	s0 =	sadd.s32 @!p0 $0x100000, s0  }
0x8f: {  	[sflag:s0] =	ssyncadd.tile.s32 @!p0 $0x1;
	_ =	shalt  }
.Lfunc_end2:
_tile_overlayer_lowered:
.L_overlay_start_2:
0x90: {  	(tag) =	ssettag $0x2  }
0x91: {  	s0 =	rddreg [dreg:$0x0];
	s2 =	stileid.u32  }
0x92: {  	s1 =	rddreg [dreg:$0x1];
	p0 =	sne.s32 s2, $0x0  }
0x93: {  	s3 =	rddreg [dreg:$0x2];
	[bflag:$0x3] =	sbarrier.arrive $0xFFFF;
	s2 =	simm.s32 @!p0 $0x1C04  }
0x94: {  	[timem:s3], [sflag:s2] =	dma.local @!p0 [hbm:s0], s1  }
0x95: {  	s0 =	simm.s32 @!p0 $0x4  }
0x96: {  	_ =	swait.ge @!p0 [sflag:s0], s1  }
0x97: {  	s1 =	ssub.s32 @!p0 $0x0, s1;
	[sflag:s0] =	ssyncset.done @!p0 $0x0  }
0x98: {  	[sflag:s0] =	ssyncadd.s32 @!p0 s1  }
0x99: {  	[bflag:$0x3] =	sbarrier.arrive $0xFFFF  }
0x9a: {  	_ =	shalt  }

// kernel: kernel.20.cloned.1.call-start
scs
__scs_entry_jumppad:
0x0: {  	(pc) =	sbr.rel $0x88, $3  }
0x1: {  	(tag) =	ssettag $0x0;
	lr =	simm.s32 $0x1  }
0x2: {  	[smem:$0x3F92] =	sst lr;
	_ =	strace $0xD0000000  }
0x3: {  	_ = 	snop  }
0x4: {  	_ = 	snop  }
0x5: {  	_ = 	snop  }
0x6: {  	_ = 	snop  }
0x7: {  	_ = 	snop  }
__scs_overlays_trampoline_lowered:
0x8: {  	[smem:$0x3FA1] =	sst s0  }
0x9: {  	[smem:$0x3FA2] =	sst s1  }
0xa: {  	[smem:$0x3FA3] =	sst s2  }
0xb: {  	[smem:$0x3FA4] =	sst s3  }
0xc: {  	[smem:$0x3FA5] =	sst s4  }
0xd: {  	[smem:$0x3FA6] =	sst s5  }
0xe: {  	[smem:$0x3FA7] =	sst s6  }
0xf: {  	[smem:$0x3FA8] =	sst s7  }
0x10: {  	[smem:$0x3FA9] =	sst s8  }
0x11: {  	[smem:$0x3FAA] =	sst s9;
	s0 =	simm.s32 @!p0 $0x0  }
0x12: {  	s1 =	sld [smem:$0x3F90];
	s0 =	simm.s32 @p0 $0x1  }
0x13: {  	[smem:$0x3FAB] =	sst s0;
	s0 =	simm.s32 @!p1 $0x0  }
0x14: {  	s2 =	sld [smem:$0x3F8F];
	s0 =	simm.s32 @p1 $0x1  }
0x15: {  	[smem:$0x3FAC] =	sst s0;
	s0 =	simm.s32 @!p2 $0x0  }
0x16: {  	s3 =	sld [smem:$0x3FDB];
	s0 =	simm.s32 @p2 $0x1  }
0x17: {  	s4 =	simm.s32 $0x1BF5;
	[smem:$0x3FAE] =	sst s0  }
0x18: {  	s0 =	sld [smem:$0x3F91];
	_ =	swait.ge [sflag:s4], $0x0  }
0x19: {  	s7 =	sld [smem:$0x3F92]  }
0x1a: {  	s8 =	sadd.s32 $0xFFFFE003, lr  }
0x1b: {  	s9 =	sadd.s32 $0xFFFFFEF7, lr;
	s5 =	simm.s32 $0xFFFFFFFF;
	p2 =	slt.u32 s8, $0xFFFFF086  }
0x1c: {  	p1 =	slt.u32 s9, $0xF7A;
	s5 =	simm.s32 @!p2 $0x0  }
0x1d: {  	s5 =	simm.s32 @p1 $0x1;
	p0 =	seq.s32 s7, s2  }
0x1e: {  	s7 =	smul.u32 @!p0 $0xF7A, s2;
	p2 =	seq.s32 @!p0 s5, $0x0  }
0x1f: {  	s9 =	smul.u32 $0xF7A, s1;
	s8 =	simm.s32 @!p0 $0x1BF5;
	p2 =	por !p2, p0  }
0x20: {  	[sflag:s8] =	ssyncset.s32 @!p0 $0xFFFFF086;
	s6 =	sadd.s32 @!p0 s3, s7;
	s7 =	simm.s32 @!p0 $0x108  }
0x21: {  	s3 =	sadd.s32 s3, s9;
	s6 =	sadd.s32 @!p0 $0x88, s6;
	s7 =	simm.s32 @p2 $0x1082  }
0x22: {  	[simem:s7], [sflag:s8] =	dma.local @!p0 [hbm:s6], $0xF7A  }
0x23: {  	s9 =	sor.u32 $0xD0000000, s2;
	s6 =	simm.s32 $0x108;
	_ =	swait.ge @!p0 [sflag:s8], $0x0  }
0x24: {  	s3 =	sadd.s32 $0x88, s3;
	s6 =	simm.s32 @!p1 $0x1082;
	[sflag:s4] =	ssyncset.s32 $0xFFFFF086  }
0x25: {  	[simem:s6], [sflag:s4] =	dma.local [hbm:s3], $0xF7A  }
0x26: {  	[smem:$0x3F92] =	sst s1;
	(tag) =	ssettag s2;
	_ =	strace s9  }
0x27: {  	s1 =	sld [smem:$0x3FA2]  }
0x28: {  	s2 =	sld [smem:$0x3FA3]  }
0x29: {  	s4 =	sld [smem:$0x3FA5]  }
0x2a: {  	p0 =	seq.s32 s5, $0x0;
	s5 =	sld [smem:$0x3FA6]  }
0x2b: {  	s6 =	sld [smem:$0x3FA7]  }
0x2c: {  	s7 =	sld [smem:$0x3FA8]  }
0x2d: {  	s3 =	simm.s32 $0x108;
	s8 =	sld [smem:$0x3FA9]  }
0x2e: {  	s3 =	simm.s32 @!p0 $0x1082;
	s9 =	sld [smem:$0x3FAA]  }
0x2f: {  	lr =	sadd.s32 s0, s3;
	s0 =	sld [smem:$0x3FA1]  }
0x30: {  	s3 =	sld [smem:$0x3FA4]  }
0x31: {  	[smem:$0x3FAD] =	sst s10  }
0x32: {  	s10 =	sld [smem:$0x3FAB];
	_ =	sdelay $0x3  }
0x33: {  	p0 =	seq.s32 s10, $0x1;
	s10 =	sld [smem:$0x3FAD];
	_ =	sdelay $0x3  }
0x34: {  	[smem:$0x3FAD] =	sst s10  }
0x35: {  	s10 =	sld [smem:$0x3FAC];
	_ =	sdelay $0x3  }
0x36: {  	p1 =	seq.s32 s10, $0x1;
	s10 =	sld [smem:$0x3FAD];
	_ =	sdelay $0x3  }
0x37: {  	[smem:$0x3FAD] =	sst s10  }
0x38: {  	s10 =	sld [smem:$0x3FAE]  }
0x39: {  	_ = 	snop;
	(pc) =	sbr.ind lr, $3  }
0x3a: {  	_ = 	snop  }
0x3b: {  	_ = 	snop  }
0x3c: {  	p2 =	seq.s32 s10, $0x1;
	s10 =	sld [smem:$0x3FAD]  }
0x3d: {  	_ =	shalt  }
0x3e: {  	_ =	shalt  }
0x3f: {  	_ =	shalt  }
0x40: {  	_ =	shalt  }
0x41: {  	_ =	shalt  }
0x42: {  	_ =	shalt  }
0x43: {  	_ =	shalt  }
0x44: {  	_ =	shalt  }
0x45: {  	_ =	shalt  }
0x46: {  	_ =	shalt  }
0x47: {  	_ =	shalt  }
0x48: {  	_ =	shalt  }
0x49: {  	_ =	shalt  }
0x4a: {  	_ =	shalt  }
0x4b: {  	_ =	shalt  }
0x4c: {  	_ =	shalt  }
0x4d: {  	_ =	shalt  }
0x4e: {  	_ =	shalt  }
0x4f: {  	_ =	shalt  }
0x50: {  	_ =	shalt  }
0x51: {  	_ =	shalt  }
0x52: {  	_ =	shalt  }
0x53: {  	_ =	shalt  }
0x54: {  	_ =	shalt  }
0x55: {  	_ =	shalt  }
0x56: {  	_ =	shalt  }
0x57: {  	_ =	shalt  }
0x58: {  	_ =	shalt  }
0x59: {  	_ =	shalt  }
0x5a: {  	_ =	shalt  }
0x5b: {  	_ =	shalt  }
0x5c: {  	_ =	shalt  }
0x5d: {  	_ =	shalt  }
0x5e: {  	_ =	shalt  }
0x5f: {  	_ =	shalt  }
0x60: {  	_ =	shalt  }
0x61: {  	_ =	shalt  }
0x62: {  	_ =	shalt  }
0x63: {  	_ =	shalt  }
0x64: {  	_ =	shalt  }
0x65: {  	_ =	shalt  }
0x66: {  	_ =	shalt  }
0x67: {  	_ =	shalt  }
0x68: {  	_ =	shalt  }
0x69: {  	_ =	shalt  }
0x6a: {  	_ =	shalt  }
0x6b: {  	_ =	shalt  }
0x6c: {  	_ =	shalt  }
0x6d: {  	_ =	shalt  }
0x6e: {  	_ =	shalt  }
0x6f: {  	_ =	shalt  }
0x70: {  	_ =	shalt  }
0x71: {  	_ =	shalt  }
0x72: {  	_ =	shalt  }
0x73: {  	_ =	shalt  }
0x74: {  	_ =	shalt  }
0x75: {  	_ =	shalt  }
0x76: {  	_ =	shalt  }
0x77: {  	_ =	shalt  }
0x78: {  	_ =	shalt  }
0x79: {  	_ =	shalt  }
0x7a: {  	_ =	shalt  }
0x7b: {  	_ =	shalt  }
0x7c: {  	_ =	shalt  }
0x7d: {  	_ =	shalt  }
0x7e: {  	_ =	shalt  }
0x7f: {  	_ =	shalt  }
0x80: {  	_ =	shalt  }
0x81: {  	_ =	shalt  }
0x82: {  	_ =	shalt  }
0x83: {  	_ =	shalt  }
0x84: {  	_ =	shalt  }
0x85: {  	_ =	shalt  }
0x86: {  	_ =	shalt  }
0x87: {  	_ =	shalt  }
.Lfunc_end0:
.L_simem_size_0:
called_computation.1_lowered:
.L_overlay_start_0:
0x88: {  	s2 =	sld [smem:$0x3FD9]  }
0x89: {  	s3 =	sld [smem:$0x3FFE];
	_ =	sdelay $0x1  }
0x8a: {  	s1 =	srdreg.scid  }
0x8b: {  	s0 =	sand.u32 $0x1, s1  }
0x8c: {  	s16 =	sshll.u32 s0, $0xA;
	s2 =	sadd.s32 s3, s2  }
0x8d: {  	s2 =	sadd.s32 s2, s16  }
0x8e: {  	[smem:$0x3FB9] =	sst s2  }
0x8f: {  	_ = 	snop  }
0x90: {  	(tm) =	ssettm $0x1  }
0x91: {  	s17 =	sld [smem:$0x3FFB];
	_ =	sdelay $0x3  }
0x92: {  	_ =	strace s17  }
0x93: {  	s2 =	sld [smem:$0x3FFC];
	_ =	sdelay $0x3  }
0x94: {  	_ =	strace s2  }
0x95: {  	s2 =	sld [smem:$0x3FFD];
	_ =	sdelay $0x3  }
0x96: {  	_ =	strace s2  }
0x97: {  	_ =	strace $0x8FFFFFFF  }
0x98: {  	s18 =	sld [smem:$0x3FDB];
	_ =	sdelay $0x1  }
0x99: {  	s19 =	simm.s32 $_scs_section_size  }
0x9a: {  	s4 =	simm.s32 $_size__tile_overlayer_lowered;
	s5 =	simm.s32 $_tile_overlayer_lowered  }
0x9b: {  	s22 =	simm.s32 $0x1BFF;
	s21 =	sshll.u32 s5, $0x1;
	s2 =	sadd.s32 s19, s18  }
0x9c: {  	s6 =	simm.s32 $0x0;
	s20 =	sshll.u32 s4, $0x1;
	s4 =	sadd.s32 s21, s2  }
0x9d: {  	[timem:s6], [sflag:s22] =	dma.local [hbm:s4], s20  }
0x9e: {  	_ =	swait.ge [sflag:s22], s20  }
0x9f: {  	s3 =	ssub.s32 $0x0, s20;
	[sflag:s22] =	ssyncset.done $0x0  }
0xa0: {  	[sflag:s22] =	ssyncadd.s32 s3;
	_ =	sdelay $0x1  }
0xa1: {  	s23 =	simm.s32 $0x1B8B  }
0xa2: {  	_ =	swait.ge [sflag:s23], $0x1  }
0xa3: {  	[sflag:s23] =	ssyncset.done $0x0  }
0xa4: {  	s25 =	simm.s32 $0x1B8E;
	s24 =	sld [smem:$0x3FFE];
	[sflag:s23] =	ssyncadd.s32 $0xFFFFFFFF  }
0xa5: {  	s26 =	simm.s32 $execute0_lowered;
	[smem:$0x3FD2] =	sst s25  }
0xa6: {  	s4 =	sshll.u32 s26, $0x1;
	_ =	strace $0x80000049;
	[dreg:$0x1] =	wrdreg $0xFFFFFFFF  }
0xa7: {  	s28 =	simm.s32 $_size_execute0_lowered;
	s2 =	sadd.s32 s2, s4;
	[dreg:$0x0] =	wrdreg $0x0  }
0xa8: {  	s4 =	sshll.u32 s28, $0x1;
	[dreg:$0x2] =	wrdreg s2  }
0xa9: {  	[dreg:$0x3] =	wrdreg s4  }
0xaa: {  	[dreg:$0x4] =	wrdreg $0xC0  }
0xab: {  	_ =	task [dreg:s6], $0x5FFFF  }
0xac: {  	[dreg:$0x1] =	wrdreg $0xFFFFFFFF  }
0xad: {  	[dreg:$0x0] =	wrdreg $0x60  }
0xae: {  	[dreg:$0x2] =	wrdreg s24  }
0xaf: {  	[dreg:$0x3] =	wrdreg $0x48000  }
0xb0: {  	[dreg:$0x4] =	wrdreg $0x9  }
0xb1: {  	_ =	task.clear_ibuf [dreg:s6], $0x5FFFF;
	_ =	strace $0x90000049  }
0xb2: {  	s29 =	simm.s32 $0x9;
	_ =	strace $0x8000004B  }
0xb3: {  	_ =	swait.ge [sflag:s29], $0x1  }
0xb4: {  	[sflag:s29] =	ssyncadd.s32 $0xFFFFFFFF  }
0xb5: {  	_ =	strace $0x9000004B  }
0xb6: {  	_ =	sfence  }
0xb7: {  	s30 =	sld [smem:$0x0];
	_ =	sdelay $0x2  }
0xb8: {  	s31 =	sshll.u32 s1, $0xD;
	s1 =	sshrl.u32 s1, $0x2  }
0xb9: {  	s3 =	sand.u32 $0x4000, s31;
	s1 =	sadd.s32 s1, s30  }
0xba: {  	s0 =	sor.u32 s3, s0;
	s1 =	sshll.u32 s1, $0x11  }
0xbb: {  	s0 =	sor.u32 s1, s0  }
0xbc: {  	s0 =	sadd.s32 $0x8F2B, s0  }
0xbd: {  	[sflag:s0] =	ssyncadd.remote.s32 $0x1  }
0xbe: {  	_ =	sfence.sel $0xFFFF  }
0xbf: {  	[dreg:$0x0] =	wrdreg $0xFFFFFFFF;
	(pc) =	sbr.abs _section_cstart, $3  }
0xc0: {  	[dreg:$0x1] =	wrdreg $0xFFFFFFFF  }
0xc1: {  	_ =	task.clear_ibuf [dreg:s6], $0x2FFFF;
	_ =	strace $0x9FFFFFFF  }
0xc2: {  	(tm) =	ssettm $0x7FFFFFFF  }
0xc3: {  	_ =	shalt  }
tec
execute0_lowered:
.L_overlay_start_1:
0x0: {  	(tag) =	ssettag $0x1  }
0x1: {  	s0 =	rddreg [dreg:$0x0]  }
0x2: {  	s2 =	rddreg [dreg:$0x1]  }
0x3: {  	s3 =	simm.s32 $0x0;
	s8 =	stileid.u32;
	s4 =	srdreg.scid  }
0x4: {  	s16 =	simm.s32 $0x800;
	s17 =	simm.s32 $0x4;
	s18 =	simm.s32 $0x80  }
0x5: {  	s19 =	simm.s32 $0x1800;
	s20 =	simm.s32 $0x1;
	s21 =	simm.s32 $0x400  }
0x6: {  	s23 =	simm.s32 $0x2800;
	s26 =	simm.s32 $0x3800;
	s1 =	smul.u32 $0x3100, s8  }
0x7: {  	s30 =	simm.s32 $0x3;
	s22 =	simm.s32 $0x2;
	s5 =	smul.u32 $0x62000, s8  }
0x8: {  	s25 =	simm.s32 $0x0;
	s4 =	sand.u32 $0x1, s4;
	s13 =	smul.u32 $0x18800, s8  }
0x9: {  	[smem:$0x7FF] =	sst s3;
	s6 =	smul.u32 $0x31000, s4;
	s4 =	ssub.s32 $0x2, s4  }
0xa: {  	_ =	strace $0x8000004A;
	s1 =	sadd.s32 s1, s0;
	s7 =	sshrl.u32 s4, $0x1  }
0xb: {  	s5 =	sshrl.u32 s5, $0x2;
	s15 =	sshrl.u32 s13, $0x3;
	s0 =	sadd.s32 s6, s0  }
0xc: {  	s14 =	ssub.s32 s4, s7;
	s10 =	sadd.s32 s5, s2;
	s4 =	sadd.s32 s13, s2  }
.Ltmp0:
0xd: {  	s11 =	sadd.s32 $0xCB200, s1;
	s31 =	sadd.s32 $0xCB300, s1;
	(pc) =	sbr.rel .LBB2_1-.Ltmp0, $4  }
0xe: {  	s5 =	sadd.s32 $0x4000, s10;
	s6 =	sadd.s32 $0x8000, s10;
	s7 =	sadd.s32 $0xC000, s10  }
0xf: {  	s8 =	sadd.s32 $0x10000, s10;
	s9 =	sadd.s32 $0x14000, s10;
	s10 =	sadd.s32 $0x18000, s10  }
0x10: {  	s12 =	sadd.s32 $0x3AD200, s0;
	s0 =	sadd.s32 $0x225200, s0;
	s13 =	smax.u32 s14, $0x1  }
0x11: {  	v0 =	vimm.f32 $0.0e+00;
	s14 =	sadd.s32 $0xCB280, s1;
	[dreg:$0x3] =	wrdreg s5;
	s24 =	sadd.s32 s15, s0  }
.LBB2_5:
0x12: {  	s1 =	sadd.s32 $0x300, s0  }
0x13: {  	[spmem:s2] =	stream.indirect.scatter.add.f32 [tilespmem:s23], [sflag:$0x2], $0x20, s1, s18, $0xb8;
	[tilespmem:$0x1D000] =	vst v63  }
0x14: {  	s29 =	sadd.s32 $0x380, s0  }
0x15: {  	[spmem:s2] =	stream.indirect.scatter.add.f32 [tilespmem:s26], [sflag:$0x2], $0x20, s29, s18, $0xb8;
	[tilespmem:$0x1D000] =	vst v63  }
.LBB2_7:
0x16: {  	_ =	swait.ge [sflag:s22], $0x400;
	s0 =	stileid.u32  }
0x17: {  	s1 =	sshrl.u32 s4, $0x3;
	s25 =	sadd.s32 $0x1, s25;
	[sflag:s22] =	ssyncset.done $0x0  }
0x18: {  	s0 =	sshll.u32 s0, $0x6;
	p0 =	sne.s32 s25, s13;
	[sflag:s22] =	ssyncadd.s32 $0xFFFFFC00  }
.Ltmp1:
0x19: {  	s0 =	sor.u32 $0x1C04, s0;
	[bflag:$0x0] =	sbarrier.arrive $0xFFFF;
	(pc) =	sbr.rel @!p0 .LBB2_8-.Ltmp1, $4  }
0x1a: {  	[hbm:s24], [sflag:s0] =	dma.local [spmem:s1], $0x3100  }
0x1b: {  	_ =	swait.ge [sflag:s17], $0x3100  }
0x1c: {  	[sflag:s17] =	ssyncset.done $0x0  }
0x1d: {  	[sflag:s17] =	ssyncadd.s32 $0xFFFFCF00  }
.LBB2_1:
0x1e: {  	s0 =	simm.s32 $0x80;
	s1 =	simm.s32 $0x0  }
.LBB2_2:
0x1f: {  	p0 =	sne.s32 s0, $0xFF80;
	[tilespmem:s1+$0x800] =	vst v0;
	s15 =	smov.u32 s0;
	s0 =	sadd.s32 $0x80, s0  }
.Ltmp2:
0x20: {  	[tilespmem:s1+$0x810] =	vst v0;
	(pc) =	sbr.rel @p0 .LBB2_2-.Ltmp2, $2  }
0x21: {  	_ =	sdelay $0x2  }
0x22: {  	s1 =	sshra.s32 s15, $0x2  }
0x23: {  	[tilespmem:s1+$0x800] =	vst v0  }
0x24: {  	[tilespmem:s1+$0x810] =	vst v0  }
0x25: {  	[spmem:s4] =	stream.linear.scatter [tilespmem:s16], [sflag:$0x4], $0x4000, $0x38;
	[tilespmem:$0x1D000] =	vst v63  }
0x26: {  	_ =	swait.ge [sflag:s17], $0x4000  }
0x27: {  	[sflag:s17] =	ssyncset.done $0x0  }
0x28: {  	s0 =	rddreg [dreg:$0x3];
	[sflag:s17] =	ssyncadd.s32 $0xFFFFC000  }
0x29: {  	[spmem:s0] =	stream.linear.scatter [tilespmem:s16], [sflag:$0x4], $0x4000, $0x38;
	[tilespmem:$0x1D000] =	vst v63  }
0x2a: {  	_ =	swait.ge [sflag:s17], $0x4000  }
0x2b: {  	[sflag:s17] =	ssyncset.done $0x0  }
0x2c: {  	[sflag:s17] =	ssyncadd.s32 $0xFFFFC000  }
0x2d: {  	[spmem:s6] =	stream.linear.scatter [tilespmem:s16], [sflag:$0x4], $0x4000, $0x38;
	[tilespmem:$0x1D000] =	vst v63  }
0x2e: {  	_ =	swait.ge [sflag:s17], $0x4000  }
0x2f: {  	[sflag:s17] =	ssyncset.done $0x0  }
0x30: {  	[sflag:s17] =	ssyncadd.s32 $0xFFFFC000  }
0x31: {  	[spmem:s7] =	stream.linear.scatter [tilespmem:s16], [sflag:$0x4], $0x4000, $0x38;
	[tilespmem:$0x1D000] =	vst v63  }
0x32: {  	_ =	swait.ge [sflag:s17], $0x4000  }
0x33: {  	[sflag:s17] =	ssyncset.done $0x0  }
0x34: {  	[sflag:s17] =	ssyncadd.s32 $0xFFFFC000  }
0x35: {  	[spmem:s8] =	stream.linear.scatter [tilespmem:s16], [sflag:$0x4], $0x4000, $0x38;
	[tilespmem:$0x1D000] =	vst v63  }
0x36: {  	_ =	swait.ge [sflag:s17], $0x4000  }
0x37: {  	[sflag:s17] =	ssyncset.done $0x0  }
0x38: {  	[sflag:s17] =	ssyncadd.s32 $0xFFFFC000  }
0x39: {  	[spmem:s9] =	stream.linear.scatter [tilespmem:s16], [sflag:$0x4], $0x4000, $0x38;
	[tilespmem:$0x1D000] =	vst v63  }
0x3a: {  	_ =	swait.ge [sflag:s17], $0x4000  }
0x3b: {  	[sflag:s17] =	ssyncset.done $0x0  }
0x3c: {  	[sflag:s17] =	ssyncadd.s32 $0xFFFFC000  }
0x3d: {  	[spmem:s10] =	stream.linear.scatter [tilespmem:s16], [sflag:$0x4], $0x800, $0x38;
	[tilespmem:$0x1D000] =	vst v63  }
0x3e: {  	_ =	swait.ge [sflag:s17], $0x800  }
0x3f: {  	[sflag:s17] =	ssyncset.done $0x0  }
0x40: {  	[sflag:s17] =	ssyncadd.s32 $0xFFFFF800  }
0x41: {  	[bflag:$0x0] =	sbarrier.arrive $0xFFFF  }
0x42: {  	[tilespmem:s3], [sflag:$0x4] =	stream.linear.gather [hbm4b:s11+s3], $0x400, $0x38;
	[tilespmem:$0x1D000] =	vst v63  }
0x43: {  	_ =	swait.ge [sflag:s17], $0x400  }
0x44: {  	[sflag:s17] =	ssyncset.done $0x0  }
0x45: {  	[sflag:s17] =	ssyncadd.s32 $0xFFFFFC00  }
0x46: {  	[tilespmem:s16], [sflag:$0x1] =	stream.indirect.gather [hbm4b:s12+s18], $0x20, s3, s18, $0xb8;
	[tilespmem:$0x1D000] =	vst v63  }
0x47: {  	_ = 	snop  }
0x48: {  	[tilespmem:s19], [sflag:$0x1] =	stream.indirect.gather [hbm4b:s12+s18], $0x20, s18, s18, $0xb8;
	[tilespmem:$0x1D000] =	vst v63  }
0x49: {  	_ =	swait.ge [sflag:s20], $0x2000  }
0x4a: {  	[sflag:s20] =	ssyncset.done $0x0  }
0x4b: {  	[sflag:s20] =	ssyncadd.s32 $0xFFFFE000  }
0x4c: {  	[tilespmem:s21], [sflag:$0x3] =	stream.linear.gather [hbm4b:s14+s3], $0x400, $0x38;
	[tilespmem:$0x1D000] =	vst v63  }
0x4d: {  	s15 =	simm.s32 $0x200  }
0x4e: {  	[tilespmem:s23], [sflag:$0x1] =	stream.indirect.gather [hbm4b:s12+s18], $0x20, s15, s18, $0xb8;
	[tilespmem:$0x1D000] =	vst v63  }
0x4f: {  	s1 =	simm.s32 $0x280  }
0x50: {  	[tilespmem:s26], [sflag:$0x1] =	stream.indirect.gather [hbm4b:s12+s18], $0x20, s1, s18, $0xb8;
	[tilespmem:$0x1D000] =	vst v63  }
0x51: {  	s5 =	simm.s32 $0x100  }
0x52: {  	[spmem:s2] =	stream.indirect.scatter.add.f32 [tilespmem:s16], [sflag:$0x2], $0x20, s5, s18, $0xb8;
	[tilespmem:$0x1D000] =	vst v63  }
0x53: {  	s15 =	simm.s32 $0x180  }
0x54: {  	[spmem:s2] =	stream.indirect.scatter.add.f32 [tilespmem:s19], [sflag:$0x2], $0x20, s15, s18, $0xb8;
	[tilespmem:$0x1D000] =	vst v63  }
0x55: {  	_ =	swait.ge [sflag:s20], $0x2000  }
0x56: {  	[sflag:s20] =	ssyncset.done $0x0  }
0x57: {  	s28 =	simm.s32 $0x2;
	[sflag:s20] =	ssyncadd.s32 $0xFFFFE000  }
0x58: {  	_ =	swait.ge [sflag:s28], $0x400  }
0x59: {  	[sflag:s28] =	ssyncset.done $0x0  }
0x5a: {  	[sflag:s28] =	ssyncadd.s32 $0xFFFFFC00  }
0x5b: {  	_ =	swait.ge [sflag:s30], $0x400  }
0x5c: {  	[sflag:s30] =	ssyncset.done $0x0  }
0x5d: {  	[sflag:s30] =	ssyncadd.s32 $0xFFFFFC00  }
0x5e: {  	[tilespmem:s16], [sflag:$0x1] =	stream.indirect.gather [hbm4b:s12+s18], $0x20, s21, s18, $0xb8;
	[tilespmem:$0x1D000] =	vst v63  }
0x5f: {  	s1 =	simm.s32 $0x480  }
0x60: {  	[tilespmem:s19], [sflag:$0x1] =	stream.indirect.gather [hbm4b:s12+s18], $0x20, s1, s18, $0xb8;
	[tilespmem:$0x1D000] =	vst v63  }
0x61: {  	s5 =	simm.s32 $0x300  }
0x62: {  	[spmem:s2] =	stream.indirect.scatter.add.f32 [tilespmem:s23], [sflag:$0x2], $0x20, s5, s18, $0xb8;
	[tilespmem:$0x1D000] =	vst v63  }
0x63: {  	s15 =	simm.s32 $0x380  }
0x64: {  	[spmem:s2] =	stream.indirect.scatter.add.f32 [tilespmem:s26], [sflag:$0x2], $0x20, s15, s18, $0xb8;
	[tilespmem:$0x1D000] =	vst v63  }
0x65: {  	s29 =	simm.s32 $0x1000;
	s15 =	smov.u32 s31  }
.LBB2_4:
0x66: {  	_ =	swait.ge [sflag:s20], $0x2000  }
0x67: {  	[sflag:s20] =	ssyncset.done $0x0  }
0x68: {  	[sflag:s20] =	ssyncadd.s32 $0xFFFFE000  }
0x69: {  	_ =	swait.ge [sflag:s22], $0x400  }
0x6a: {  	s1 =	sand.u32 $0x1, s28;
	p0 =	seq.s32 s28, $0x62;
	[sflag:s22] =	ssyncset.done $0x0  }
0x6b: {  	s0 =	sshll.u32 @!p0 s1, $0xA;
	s5 =	simm.s32 @!p0 $0x0;
	[sflag:s22] =	ssyncadd.s32 $0xFFFFFC00  }
0x6c: {  	[tilespmem:s0], [sflag:$0x3] =	stream.linear.gather @!p0 [hbm4b:s15+s5], $0x400, $0x38;
	[tilespmem:$0x1D000] =	vst v63  }
0x6d: {  	s5 =	sshrl.u32 s29, $0x2  }
0x6e: {  	s0 =	sand.u32 $0x400, s5  }
0x6f: {  	s5 =	sor.u32 $0x200, s0  }
0x70: {  	[tilespmem:s23], [sflag:$0x1] =	stream.indirect.gather [hbm4b:s12+s18], $0x20, s5, s18, $0xb8;
	[tilespmem:$0x1D000] =	vst v63  }
0x71: {  	s5 =	sor.u32 $0x280, s0  }
0x72: {  	[tilespmem:s26], [sflag:$0x1] =	stream.indirect.gather [hbm4b:s12+s18], $0x20, s5, s18, $0xb8;
	[tilespmem:$0x1D000] =	vst v63  }
0x73: {  	s5 =	sor.u32 $0x100, s0  }
0x74: {  	[spmem:s2] =	stream.indirect.scatter.add.f32 [tilespmem:s16], [sflag:$0x2], $0x20, s5, s18, $0xb8;
	[tilespmem:$0x1D000] =	vst v63  }
0x75: {  	s5 =	sor.u32 $0x180, s0  }
0x76: {  	[spmem:s2] =	stream.indirect.scatter.add.f32 [tilespmem:s19], [sflag:$0x2], $0x20, s5, s18, $0xb8;
	[tilespmem:$0x1D000] =	vst v63  }
0x77: {  	p0 =	sne.s32 s28, $0x62;
	_ =	swait.ge [sflag:s20], $0x2000  }
.Ltmp3:
0x78: {  	[sflag:s20] =	ssyncset.done $0x0;
	(pc) =	sbr.rel @!p0 .LBB2_5-.Ltmp3, $4  }
0x79: {  	[sflag:s20] =	ssyncadd.s32 $0xFFFFE000  }
0x7a: {  	_ =	swait.ge [sflag:s22], $0x400  }
0x7b: {  	[sflag:s22] =	ssyncset.done $0x0  }
0x7c: {  	[sflag:s22] =	ssyncadd.s32 $0xFFFFFC00  }
0x7d: {  	_ =	swait.ge [sflag:s30], $0x400  }
0x7e: {  	[sflag:s30] =	ssyncset.done $0x0  }
0x7f: {  	s1 =	sshll.u32 s1, $0xA;
	s28 =	sadd.s32 $0x1, s28;
	[sflag:s30] =	ssyncadd.s32 $0xFFFFFC00  }
0x80: {  	[tilespmem:s16], [sflag:$0x1] =	stream.indirect.gather [hbm4b:s12+s18], $0x20, s1, s18, $0xb8;
	[tilespmem:$0x1D000] =	vst v63  }
0x81: {  	p0 =	sne.s32 s28, $0x63;
	s1 =	sor.u32 $0x80, s1  }
0x82: {  	[tilespmem:s19], [sflag:$0x1] =	stream.indirect.gather [hbm4b:s12+s18], $0x20, s1, s18, $0xb8;
	[tilespmem:$0x1D000] =	vst v63  }
.Ltmp4:
0x83: {  	_ = 	snop;
	(pc) =	sbr.rel @p0 .LBB2_4-.Ltmp4, $4  }
.Ltmp5:
0x84: {  	s5 =	sadd.s32 $0x300, s0;
	(pc) =	sbr.rel @!p0 .LBB2_7-.Ltmp5, $4  }
0x85: {  	[spmem:s2] =	stream.indirect.scatter.add.f32 [tilespmem:s23], [sflag:$0x2], $0x20, s5, s18, $0xb8;
	[tilespmem:$0x1D000] =	vst v63  }
0x86: {  	s15 =	sadd.s32 $0x80, s15;
	s29 =	sadd.s32 $0x1000, s29;
	s5 =	sadd.s32 $0x380, s0  }
0x87: {  	[spmem:s2] =	stream.indirect.scatter.add.f32 [tilespmem:s26], [sflag:$0x2], $0x20, s5, s18, $0xb8;
	[tilespmem:$0x1D000] =	vst v63  }
0x88: {  	_ = 	snop  }
.LBB2_8:
0x89: {  	_ =	sfence.sel $0x180000  }
0x8a: {  	[bflag:$0x0] =	sbarrier.arrive $0xFFFF  }
0x8b: {  	_ =	strace $0x9000004A  }
0x8c: {  	s0 =	stileid.u32;
	[bflag:$0x2] =	sbarrier.arrive $0xFFFF  }
0x8d: {  	p0 =	sne.s32 s0, $0x0;
	s0 =	rddreg [dreg:$0x2]  }
0x8e: {  	s0 =	sadd.s32 @!p0 $0x100000, s0  }
0x8f: {  	[sflag:s0] =	ssyncadd.tile.s32 @!p0 $0x1;
	_ =	shalt  }
.Lfunc_end2:
_tile_overlayer_lowered:
.L_overlay_start_2:
0x90: {  	(tag) =	ssettag $0x2  }
0x91: {  	s0 =	rddreg [dreg:$0x0];
	s2 =	stileid.u32  }
0x92: {  	s1 =	rddreg [dreg:$0x1];
	p0 =	sne.s32 s2, $0x0  }
0x93: {  	s3 =	rddreg [dreg:$0x2];
	[bflag:$0x3] =	sbarrier.arrive $0xFFFF;
	s2 =	simm.s32 @!p0 $0x1C04  }
0x94: {  	[timem:s3], [sflag:s2] =	dma.local @!p0 [hbm:s0], s1  }
0x95: {  	s0 =	simm.s32 @!p0 $0x4  }
0x96: {  	_ =	swait.ge @!p0 [sflag:s0], s1  }
0x97: {  	s1 =	ssub.s32 @!p0 $0x0, s1;
	[sflag:s0] =	ssyncset.done @!p0 $0x0  }
0x98: {  	[sflag:s0] =	ssyncadd.s32 @!p0 s1  }
0x99: {  	[bflag:$0x3] =	sbarrier.arrive $0xFFFF  }
0x9a: {  	_ =	shalt  }

// kernel: kernel.23.cloned.1.call-start
scs
__scs_entry_jumppad:
0x0: {  	(pc) =	sbr.rel $0x88, $3  }
0x1: {  	(tag) =	ssettag $0x0;
	lr =	simm.s32 $0x1  }
0x2: {  	[smem:$0x3F92] =	sst lr;
	_ =	strace $0xD0000000  }
0x3: {  	_ = 	snop  }
0x4: {  	_ = 	snop  }
0x5: {  	_ = 	snop  }
0x6: {  	_ = 	snop  }
0x7: {  	_ = 	snop  }
__scs_overlays_trampoline_lowered:
0x8: {  	[smem:$0x3FA1] =	sst s0  }
0x9: {  	[smem:$0x3FA2] =	sst s1  }
0xa: {  	[smem:$0x3FA3] =	sst s2  }
0xb: {  	[smem:$0x3FA4] =	sst s3  }
0xc: {  	[smem:$0x3FA5] =	sst s4  }
0xd: {  	[smem:$0x3FA6] =	sst s5  }
0xe: {  	[smem:$0x3FA7] =	sst s6  }
0xf: {  	[smem:$0x3FA8] =	sst s7  }
0x10: {  	[smem:$0x3FA9] =	sst s8  }
0x11: {  	[smem:$0x3FAA] =	sst s9;
	s0 =	simm.s32 @!p0 $0x0  }
0x12: {  	s1 =	sld [smem:$0x3F90];
	s0 =	simm.s32 @p0 $0x1  }
0x13: {  	[smem:$0x3FAB] =	sst s0;
	s0 =	simm.s32 @!p1 $0x0  }
0x14: {  	s2 =	sld [smem:$0x3F8F];
	s0 =	simm.s32 @p1 $0x1  }
0x15: {  	[smem:$0x3FAC] =	sst s0;
	s0 =	simm.s32 @!p2 $0x0  }
0x16: {  	s3 =	sld [smem:$0x3FDB];
	s0 =	simm.s32 @p2 $0x1  }
0x17: {  	s4 =	simm.s32 $0x1BF5;
	[smem:$0x3FAE] =	sst s0  }
0x18: {  	s0 =	sld [smem:$0x3F91];
	_ =	swait.ge [sflag:s4], $0x0  }
0x19: {  	s7 =	sld [smem:$0x3F92]  }
0x1a: {  	s8 =	sadd.s32 $0xFFFFE003, lr  }
0x1b: {  	s9 =	sadd.s32 $0xFFFFFEF7, lr;
	s5 =	simm.s32 $0xFFFFFFFF;
	p2 =	slt.u32 s8, $0xFFFFF086  }
0x1c: {  	p1 =	slt.u32 s9, $0xF7A;
	s5 =	simm.s32 @!p2 $0x0  }
0x1d: {  	s5 =	simm.s32 @p1 $0x1;
	p0 =	seq.s32 s7, s2  }
0x1e: {  	s7 =	smul.u32 @!p0 $0xF7A, s2;
	p2 =	seq.s32 @!p0 s5, $0x0  }
0x1f: {  	s9 =	smul.u32 $0xF7A, s1;
	s8 =	simm.s32 @!p0 $0x1BF5;
	p2 =	por !p2, p0  }
0x20: {  	[sflag:s8] =	ssyncset.s32 @!p0 $0xFFFFF086;
	s6 =	sadd.s32 @!p0 s3, s7;
	s7 =	simm.s32 @!p0 $0x108  }
0x21: {  	s3 =	sadd.s32 s3, s9;
	s6 =	sadd.s32 @!p0 $0x88, s6;
	s7 =	simm.s32 @p2 $0x1082  }
0x22: {  	[simem:s7], [sflag:s8] =	dma.local @!p0 [hbm:s6], $0xF7A  }
0x23: {  	s9 =	sor.u32 $0xD0000000, s2;
	s6 =	simm.s32 $0x108;
	_ =	swait.ge @!p0 [sflag:s8], $0x0  }
0x24: {  	s3 =	sadd.s32 $0x88, s3;
	s6 =	simm.s32 @!p1 $0x1082;
	[sflag:s4] =	ssyncset.s32 $0xFFFFF086  }
0x25: {  	[simem:s6], [sflag:s4] =	dma.local [hbm:s3], $0xF7A  }
0x26: {  	[smem:$0x3F92] =	sst s1;
	(tag) =	ssettag s2;
	_ =	strace s9  }
0x27: {  	s1 =	sld [smem:$0x3FA2]  }
0x28: {  	s2 =	sld [smem:$0x3FA3]  }
0x29: {  	s4 =	sld [smem:$0x3FA5]  }
0x2a: {  	p0 =	seq.s32 s5, $0x0;
	s5 =	sld [smem:$0x3FA6]  }
0x2b: {  	s6 =	sld [smem:$0x3FA7]  }
0x2c: {  	s7 =	sld [smem:$0x3FA8]  }
0x2d: {  	s3 =	simm.s32 $0x108;
	s8 =	sld [smem:$0x3FA9]  }
0x2e: {  	s3 =	simm.s32 @!p0 $0x1082;
	s9 =	sld [smem:$0x3FAA]  }
0x2f: {  	lr =	sadd.s32 s0, s3;
	s0 =	sld [smem:$0x3FA1]  }
0x30: {  	s3 =	sld [smem:$0x3FA4]  }
0x31: {  	[smem:$0x3FAD] =	sst s10  }
0x32: {  	s10 =	sld [smem:$0x3FAB];
	_ =	sdelay $0x3  }
0x33: {  	p0 =	seq.s32 s10, $0x1;
	s10 =	sld [smem:$0x3FAD];
	_ =	sdelay $0x3  }
0x34: {  	[smem:$0x3FAD] =	sst s10  }
0x35: {  	s10 =	sld [smem:$0x3FAC];
	_ =	sdelay $0x3  }
0x36: {  	p1 =	seq.s32 s10, $0x1;
	s10 =	sld [smem:$0x3FAD];
	_ =	sdelay $0x3  }
0x37: {  	[smem:$0x3FAD] =	sst s10  }
0x38: {  	s10 =	sld [smem:$0x3FAE]  }
0x39: {  	_ = 	snop;
	(pc) =	sbr.ind lr, $3  }
0x3a: {  	_ = 	snop  }
0x3b: {  	_ = 	snop  }
0x3c: {  	p2 =	seq.s32 s10, $0x1;
	s10 =	sld [smem:$0x3FAD]  }
0x3d: {  	_ =	shalt  }
0x3e: {  	_ =	shalt  }
0x3f: {  	_ =	shalt  }
0x40: {  	_ =	shalt  }
0x41: {  	_ =	shalt  }
0x42: {  	_ =	shalt  }
0x43: {  	_ =	shalt  }
0x44: {  	_ =	shalt  }
0x45: {  	_ =	shalt  }
0x46: {  	_ =	shalt  }
0x47: {  	_ =	shalt  }
0x48: {  	_ =	shalt  }
0x49: {  	_ =	shalt  }
0x4a: {  	_ =	shalt  }
0x4b: {  	_ =	shalt  }
0x4c: {  	_ =	shalt  }
0x4d: {  	_ =	shalt  }
0x4e: {  	_ =	shalt  }
0x4f: {  	_ =	shalt  }
0x50: {  	_ =	shalt  }
0x51: {  	_ =	shalt  }
0x52: {  	_ =	shalt  }
0x53: {  	_ =	shalt  }
0x54: {  	_ =	shalt  }
0x55: {  	_ =	shalt  }
0x56: {  	_ =	shalt  }
0x57: {  	_ =	shalt  }
0x58: {  	_ =	shalt  }
0x59: {  	_ =	shalt  }
0x5a: {  	_ =	shalt  }
0x5b: {  	_ =	shalt  }
0x5c: {  	_ =	shalt  }
0x5d: {  	_ =	shalt  }
0x5e: {  	_ =	shalt  }
0x5f: {  	_ =	shalt  }
0x60: {  	_ =	shalt  }
0x61: {  	_ =	shalt  }
0x62: {  	_ =	shalt  }
0x63: {  	_ =	shalt  }
0x64: {  	_ =	shalt  }
0x65: {  	_ =	shalt  }
0x66: {  	_ =	shalt  }
0x67: {  	_ =	shalt  }
0x68: {  	_ =	shalt  }
0x69: {  	_ =	shalt  }
0x6a: {  	_ =	shalt  }
0x6b: {  	_ =	shalt  }
0x6c: {  	_ =	shalt  }
0x6d: {  	_ =	shalt  }
0x6e: {  	_ =	shalt  }
0x6f: {  	_ =	shalt  }
0x70: {  	_ =	shalt  }
0x71: {  	_ =	shalt  }
0x72: {  	_ =	shalt  }
0x73: {  	_ =	shalt  }
0x74: {  	_ =	shalt  }
0x75: {  	_ =	shalt  }
0x76: {  	_ =	shalt  }
0x77: {  	_ =	shalt  }
0x78: {  	_ =	shalt  }
0x79: {  	_ =	shalt  }
0x7a: {  	_ =	shalt  }
0x7b: {  	_ =	shalt  }
0x7c: {  	_ =	shalt  }
0x7d: {  	_ =	shalt  }
0x7e: {  	_ =	shalt  }
0x7f: {  	_ =	shalt  }
0x80: {  	_ =	shalt  }
0x81: {  	_ =	shalt  }
0x82: {  	_ =	shalt  }
0x83: {  	_ =	shalt  }
0x84: {  	_ =	shalt  }
0x85: {  	_ =	shalt  }
0x86: {  	_ =	shalt  }
0x87: {  	_ =	shalt  }
.Lfunc_end0:
.L_simem_size_0:
called_computation.2_lowered:
.L_overlay_start_0:
0x88: {  	s2 =	sld [smem:$0x3FD9]  }
0x89: {  	s3 =	sld [smem:$0x3FFE];
	_ =	sdelay $0x1  }
0x8a: {  	s1 =	srdreg.scid  }
0x8b: {  	s0 =	sand.u32 $0x1, s1  }
0x8c: {  	s16 =	sshll.u32 s0, $0xA;
	s2 =	sadd.s32 s3, s2  }
0x8d: {  	s2 =	sadd.s32 s2, s16  }
0x8e: {  	[smem:$0x3FB9] =	sst s2  }
0x8f: {  	_ = 	snop  }
0x90: {  	(tm) =	ssettm $0x1  }
0x91: {  	s17 =	sld [smem:$0x3FFB];
	_ =	sdelay $0x3  }
0x92: {  	_ =	strace s17  }
0x93: {  	s2 =	sld [smem:$0x3FFC];
	_ =	sdelay $0x3  }
0x94: {  	_ =	strace s2  }
0x95: {  	s2 =	sld [smem:$0x3FFD];
	_ =	sdelay $0x3  }
0x96: {  	_ =	strace s2  }
0x97: {  	_ =	strace $0x8FFFFFFF  }
0x98: {  	s18 =	sld [smem:$0x3FDB];
	_ =	sdelay $0x1  }
0x99: {  	s19 =	simm.s32 $_scs_section_size  }
0x9a: {  	s4 =	simm.s32 $_size__tile_overlayer_lowered;
	s5 =	simm.s32 $_tile_overlayer_lowered  }
0x9b: {  	s22 =	simm.s32 $0x1BFF;
	s21 =	sshll.u32 s5, $0x1;
	s2 =	sadd.s32 s19, s18  }
0x9c: {  	s6 =	simm.s32 $0x0;
	s20 =	sshll.u32 s4, $0x1;
	s4 =	sadd.s32 s21, s2  }
0x9d: {  	[timem:s6], [sflag:s22] =	dma.local [hbm:s4], s20  }
0x9e: {  	_ =	swait.ge [sflag:s22], s20  }
0x9f: {  	s3 =	ssub.s32 $0x0, s20;
	[sflag:s22] =	ssyncset.done $0x0  }
0xa0: {  	[sflag:s22] =	ssyncadd.s32 s3;
	_ =	sdelay $0x1  }
0xa1: {  	s23 =	simm.s32 $0x1B8B  }
0xa2: {  	_ =	swait.ge [sflag:s23], $0x1  }
0xa3: {  	[sflag:s23] =	ssyncset.done $0x0  }
0xa4: {  	s25 =	simm.s32 $0x1B8E;
	s24 =	sld [smem:$0x3FFE];
	[sflag:s23] =	ssyncadd.s32 $0xFFFFFFFF  }
0xa5: {  	s26 =	simm.s32 $execute0_lowered;
	[smem:$0x3FD2] =	sst s25  }
0xa6: {  	s4 =	sshll.u32 s26, $0x1;
	_ =	strace $0x8000004C;
	[dreg:$0x1] =	wrdreg $0xFFFFFFFF  }
0xa7: {  	s28 =	simm.s32 $_size_execute0_lowered;
	s2 =	sadd.s32 s2, s4;
	[dreg:$0x0] =	wrdreg $0x0  }
0xa8: {  	s4 =	sshll.u32 s28, $0x1;
	[dreg:$0x2] =	wrdreg s2  }
0xa9: {  	[dreg:$0x3] =	wrdreg s4  }
0xaa: {  	[dreg:$0x4] =	wrdreg $0xC0  }
0xab: {  	_ =	task [dreg:s6], $0x5FFFF  }
0xac: {  	[dreg:$0x1] =	wrdreg $0xFFFFFFFF  }
0xad: {  	[dreg:$0x0] =	wrdreg $0x60  }
0xae: {  	[dreg:$0x2] =	wrdreg s24  }
0xaf: {  	[dreg:$0x3] =	wrdreg $0x48000  }
0xb0: {  	[dreg:$0x4] =	wrdreg $0x9  }
0xb1: {  	_ =	task.clear_ibuf [dreg:s6], $0x5FFFF;
	_ =	strace $0x9000004C  }
0xb2: {  	s29 =	simm.s32 $0x9;
	_ =	strace $0x8000004E  }
0xb3: {  	_ =	swait.ge [sflag:s29], $0x1  }
0xb4: {  	[sflag:s29] =	ssyncadd.s32 $0xFFFFFFFF  }
0xb5: {  	_ =	strace $0x9000004E  }
0xb6: {  	_ =	sfence  }
0xb7: {  	s30 =	sld [smem:$0x0];
	_ =	sdelay $0x2  }
0xb8: {  	s31 =	sshll.u32 s1, $0xD;
	s1 =	sshrl.u32 s1, $0x2  }
0xb9: {  	s3 =	sand.u32 $0x4000, s31;
	s1 =	sadd.s32 s1, s30  }
0xba: {  	s0 =	sor.u32 s3, s0;
	s1 =	sshll.u32 s1, $0x11  }
0xbb: {  	s0 =	sor.u32 s1, s0  }
0xbc: {  	s0 =	sadd.s32 $0x8F2B, s0  }
0xbd: {  	[sflag:s0] =	ssyncadd.remote.s32 $0x1  }
0xbe: {  	_ =	sfence.sel $0xFFFF  }
0xbf: {  	[dreg:$0x0] =	wrdreg $0xFFFFFFFF;
	(pc) =	sbr.abs _section_cstart, $3  }
0xc0: {  	[dreg:$0x1] =	wrdreg $0xFFFFFFFF  }
0xc1: {  	_ =	task.clear_ibuf [dreg:s6], $0x2FFFF;
	_ =	strace $0x9FFFFFFF  }
0xc2: {  	(tm) =	ssettm $0x7FFFFFFF  }
0xc3: {  	_ =	shalt  }
tec
execute0_lowered:
.L_overlay_start_1:
0x0: {  	(tag) =	ssettag $0x1  }
0x1: {  	s0 =	rddreg [dreg:$0x0]  }
0x2: {  	s2 =	rddreg [dreg:$0x1]  }
0x3: {  	s3 =	simm.s32 $0x0;
	s8 =	stileid.u32;
	s4 =	srdreg.scid  }
0x4: {  	s16 =	simm.s32 $0x800;
	s17 =	simm.s32 $0x4;
	s18 =	simm.s32 $0x80  }
0x5: {  	s19 =	simm.s32 $0x1800;
	s20 =	simm.s32 $0x1;
	s21 =	simm.s32 $0x400  }
0x6: {  	s23 =	simm.s32 $0x2800;
	s26 =	simm.s32 $0x3800;
	s1 =	smul.u32 $0x3100, s8  }
0x7: {  	s30 =	simm.s32 $0x3;
	s22 =	simm.s32 $0x2;
	s5 =	smul.u32 $0x62000, s8  }
0x8: {  	s25 =	simm.s32 $0x0;
	s4 =	sand.u32 $0x1, s4;
	s13 =	smul.u32 $0x18800, s8  }
0x9: {  	[smem:$0x7FF] =	sst s3;
	s6 =	smul.u32 $0x31000, s4;
	s4 =	ssub.s32 $0x2, s4  }
0xa: {  	_ =	strace $0x8000004D;
	s1 =	sadd.s32 s1, s0;
	s7 =	sshrl.u32 s4, $0x1  }
0xb: {  	s5 =	sshrl.u32 s5, $0x2;
	s15 =	sshrl.u32 s13, $0x3;
	s0 =	sadd.s32 s6, s0  }
0xc: {  	s14 =	ssub.s32 s4, s7;
	s10 =	sadd.s32 s5, s2;
	s4 =	sadd.s32 s13, s2  }
.Ltmp0:
0xd: {  	s11 =	sadd.s32 $0xCB200, s1;
	s31 =	sadd.s32 $0xCB300, s1;
	(pc) =	sbr.rel .LBB2_1-.Ltmp0, $4  }
0xe: {  	s5 =	sadd.s32 $0x4000, s10;
	s6 =	sadd.s32 $0x8000, s10;
	s7 =	sadd.s32 $0xC000, s10  }
0xf: {  	s8 =	sadd.s32 $0x10000, s10;
	s9 =	sadd.s32 $0x14000, s10;
	s10 =	sadd.s32 $0x18000, s10  }
0x10: {  	s12 =	sadd.s32 $0x2E9200, s0;
	s0 =	sadd.s32 $0x34B200, s0;
	s13 =	smax.u32 s14, $0x1  }
0x11: {  	v0 =	vimm.f32 $0.0e+00;
	s14 =	sadd.s32 $0xCB280, s1;
	[dreg:$0x3] =	wrdreg s5;
	s24 =	sadd.s32 s15, s0  }
.LBB2_5:
0x12: {  	s1 =	sadd.s32 $0x300, s0  }
0x13: {  	[spmem:s2] =	stream.indirect.scatter.add.f32 [tilespmem:s23], [sflag:$0x2], $0x20, s1, s18, $0xb8;
	[tilespmem:$0x1D000] =	vst v63  }
0x14: {  	s29 =	sadd.s32 $0x380, s0  }
0x15: {  	[spmem:s2] =	stream.indirect.scatter.add.f32 [tilespmem:s26], [sflag:$0x2], $0x20, s29, s18, $0xb8;
	[tilespmem:$0x1D000] =	vst v63  }
.LBB2_7:
0x16: {  	_ =	swait.ge [sflag:s22], $0x400;
	s0 =	stileid.u32  }
0x17: {  	s1 =	sshrl.u32 s4, $0x3;
	s25 =	sadd.s32 $0x1, s25;
	[sflag:s22] =	ssyncset.done $0x0  }
0x18: {  	s0 =	sshll.u32 s0, $0x6;
	p0 =	sne.s32 s25, s13;
	[sflag:s22] =	ssyncadd.s32 $0xFFFFFC00  }
.Ltmp1:
0x19: {  	s0 =	sor.u32 $0x1C04, s0;
	[bflag:$0x0] =	sbarrier.arrive $0xFFFF;
	(pc) =	sbr.rel @!p0 .LBB2_8-.Ltmp1, $4  }
0x1a: {  	[hbm:s24], [sflag:s0] =	dma.local [spmem:s1], $0x3100  }
0x1b: {  	_ =	swait.ge [sflag:s17], $0x3100  }
0x1c: {  	[sflag:s17] =	ssyncset.done $0x0  }
0x1d: {  	[sflag:s17] =	ssyncadd.s32 $0xFFFFCF00  }
.LBB2_1:
0x1e: {  	s0 =	simm.s32 $0x80;
	s1 =	simm.s32 $0x0  }
.LBB2_2:
0x1f: {  	p0 =	sne.s32 s0, $0xFF80;
	[tilespmem:s1+$0x800] =	vst v0;
	s15 =	smov.u32 s0;
	s0 =	sadd.s32 $0x80, s0  }
.Ltmp2:
0x20: {  	[tilespmem:s1+$0x810] =	vst v0;
	(pc) =	sbr.rel @p0 .LBB2_2-.Ltmp2, $2  }
0x21: {  	_ =	sdelay $0x2  }
0x22: {  	s1 =	sshra.s32 s15, $0x2  }
0x23: {  	[tilespmem:s1+$0x800] =	vst v0  }
0x24: {  	[tilespmem:s1+$0x810] =	vst v0  }
0x25: {  	[spmem:s4] =	stream.linear.scatter [tilespmem:s16], [sflag:$0x4], $0x4000, $0x38;
	[tilespmem:$0x1D000] =	vst v63  }
0x26: {  	_ =	swait.ge [sflag:s17], $0x4000  }
0x27: {  	[sflag:s17] =	ssyncset.done $0x0  }
0x28: {  	s0 =	rddreg [dreg:$0x3];
	[sflag:s17] =	ssyncadd.s32 $0xFFFFC000  }
0x29: {  	[spmem:s0] =	stream.linear.scatter [tilespmem:s16], [sflag:$0x4], $0x4000, $0x38;
	[tilespmem:$0x1D000] =	vst v63  }
0x2a: {  	_ =	swait.ge [sflag:s17], $0x4000  }
0x2b: {  	[sflag:s17] =	ssyncset.done $0x0  }
0x2c: {  	[sflag:s17] =	ssyncadd.s32 $0xFFFFC000  }
0x2d: {  	[spmem:s6] =	stream.linear.scatter [tilespmem:s16], [sflag:$0x4], $0x4000, $0x38;
	[tilespmem:$0x1D000] =	vst v63  }
0x2e: {  	_ =	swait.ge [sflag:s17], $0x4000  }
0x2f: {  	[sflag:s17] =	ssyncset.done $0x0  }
0x30: {  	[sflag:s17] =	ssyncadd.s32 $0xFFFFC000  }
0x31: {  	[spmem:s7] =	stream.linear.scatter [tilespmem:s16], [sflag:$0x4], $0x4000, $0x38;
	[tilespmem:$0x1D000] =	vst v63  }
0x32: {  	_ =	swait.ge [sflag:s17], $0x4000  }
0x33: {  	[sflag:s17] =	ssyncset.done $0x0  }
0x34: {  	[sflag:s17] =	ssyncadd.s32 $0xFFFFC000  }
0x35: {  	[spmem:s8] =	stream.linear.scatter [tilespmem:s16], [sflag:$0x4], $0x4000, $0x38;
	[tilespmem:$0x1D000] =	vst v63  }
0x36: {  	_ =	swait.ge [sflag:s17], $0x4000  }
0x37: {  	[sflag:s17] =	ssyncset.done $0x0  }
0x38: {  	[sflag:s17] =	ssyncadd.s32 $0xFFFFC000  }
0x39: {  	[spmem:s9] =	stream.linear.scatter [tilespmem:s16], [sflag:$0x4], $0x4000, $0x38;
	[tilespmem:$0x1D000] =	vst v63  }
0x3a: {  	_ =	swait.ge [sflag:s17], $0x4000  }
0x3b: {  	[sflag:s17] =	ssyncset.done $0x0  }
0x3c: {  	[sflag:s17] =	ssyncadd.s32 $0xFFFFC000  }
0x3d: {  	[spmem:s10] =	stream.linear.scatter [tilespmem:s16], [sflag:$0x4], $0x800, $0x38;
	[tilespmem:$0x1D000] =	vst v63  }
0x3e: {  	_ =	swait.ge [sflag:s17], $0x800  }
0x3f: {  	[sflag:s17] =	ssyncset.done $0x0  }
0x40: {  	[sflag:s17] =	ssyncadd.s32 $0xFFFFF800  }
0x41: {  	[bflag:$0x0] =	sbarrier.arrive $0xFFFF  }
0x42: {  	[tilespmem:s3], [sflag:$0x4] =	stream.linear.gather [hbm4b:s11+s3], $0x400, $0x38;
	[tilespmem:$0x1D000] =	vst v63  }
0x43: {  	_ =	swait.ge [sflag:s17], $0x400  }
0x44: {  	[sflag:s17] =	ssyncset.done $0x0  }
0x45: {  	[sflag:s17] =	ssyncadd.s32 $0xFFFFFC00  }
0x46: {  	[tilespmem:s16], [sflag:$0x1] =	stream.indirect.gather [hbm4b:s12+s18], $0x20, s3, s18, $0xb8;
	[tilespmem:$0x1D000] =	vst v63  }
0x47: {  	_ = 	snop  }
0x48: {  	[tilespmem:s19], [sflag:$0x1] =	stream.indirect.gather [hbm4b:s12+s18], $0x20, s18, s18, $0xb8;
	[tilespmem:$0x1D000] =	vst v63  }
0x49: {  	_ =	swait.ge [sflag:s20], $0x2000  }
0x4a: {  	[sflag:s20] =	ssyncset.done $0x0  }
0x4b: {  	[sflag:s20] =	ssyncadd.s32 $0xFFFFE000  }
0x4c: {  	[tilespmem:s21], [sflag:$0x3] =	stream.linear.gather [hbm4b:s14+s3], $0x400, $0x38;
	[tilespmem:$0x1D000] =	vst v63  }
0x4d: {  	s15 =	simm.s32 $0x200  }
0x4e: {  	[tilespmem:s23], [sflag:$0x1] =	stream.indirect.gather [hbm4b:s12+s18], $0x20, s15, s18, $0xb8;
	[tilespmem:$0x1D000] =	vst v63  }
0x4f: {  	s1 =	simm.s32 $0x280  }
0x50: {  	[tilespmem:s26], [sflag:$0x1] =	stream.indirect.gather [hbm4b:s12+s18], $0x20, s1, s18, $0xb8;
	[tilespmem:$0x1D000] =	vst v63  }
0x51: {  	s5 =	simm.s32 $0x100  }
0x52: {  	[spmem:s2] =	stream.indirect.scatter.add.f32 [tilespmem:s16], [sflag:$0x2], $0x20, s5, s18, $0xb8;
	[tilespmem:$0x1D000] =	vst v63  }
0x53: {  	s15 =	simm.s32 $0x180  }
0x54: {  	[spmem:s2] =	stream.indirect.scatter.add.f32 [tilespmem:s19], [sflag:$0x2], $0x20, s15, s18, $0xb8;
	[tilespmem:$0x1D000] =	vst v63  }
0x55: {  	_ =	swait.ge [sflag:s20], $0x2000  }
0x56: {  	[sflag:s20] =	ssyncset.done $0x0  }
0x57: {  	s28 =	simm.s32 $0x2;
	[sflag:s20] =	ssyncadd.s32 $0xFFFFE000  }
0x58: {  	_ =	swait.ge [sflag:s28], $0x400  }
0x59: {  	[sflag:s28] =	ssyncset.done $0x0  }
0x5a: {  	[sflag:s28] =	ssyncadd.s32 $0xFFFFFC00  }
0x5b: {  	_ =	swait.ge [sflag:s30], $0x400  }
0x5c: {  	[sflag:s30] =	ssyncset.done $0x0  }
0x5d: {  	[sflag:s30] =	ssyncadd.s32 $0xFFFFFC00  }
0x5e: {  	[tilespmem:s16], [sflag:$0x1] =	stream.indirect.gather [hbm4b:s12+s18], $0x20, s21, s18, $0xb8;
	[tilespmem:$0x1D000] =	vst v63  }
0x5f: {  	s1 =	simm.s32 $0x480  }
0x60: {  	[tilespmem:s19], [sflag:$0x1] =	stream.indirect.gather [hbm4b:s12+s18], $0x20, s1, s18, $0xb8;
	[tilespmem:$0x1D000] =	vst v63  }
0x61: {  	s5 =	simm.s32 $0x300  }
0x62: {  	[spmem:s2] =	stream.indirect.scatter.add.f32 [tilespmem:s23], [sflag:$0x2], $0x20, s5, s18, $0xb8;
	[tilespmem:$0x1D000] =	vst v63  }
0x63: {  	s15 =	simm.s32 $0x380  }
0x64: {  	[spmem:s2] =	stream.indirect.scatter.add.f32 [tilespmem:s26], [sflag:$0x2], $0x20, s15, s18, $0xb8;
	[tilespmem:$0x1D000] =	vst v63  }
0x65: {  	s29 =	simm.s32 $0x1000;
	s15 =	smov.u32 s31  }
.LBB2_4:
0x66: {  	_ =	swait.ge [sflag:s20], $0x2000  }
0x67: {  	[sflag:s20] =	ssyncset.done $0x0  }
0x68: {  	[sflag:s20] =	ssyncadd.s32 $0xFFFFE000  }
0x69: {  	_ =	swait.ge [sflag:s22], $0x400  }
0x6a: {  	s1 =	sand.u32 $0x1, s28;
	p0 =	seq.s32 s28, $0x62;
	[sflag:s22] =	ssyncset.done $0x0  }
0x6b: {  	s0 =	sshll.u32 @!p0 s1, $0xA;
	s5 =	simm.s32 @!p0 $0x0;
	[sflag:s22] =	ssyncadd.s32 $0xFFFFFC00  }
0x6c: {  	[tilespmem:s0], [sflag:$0x3] =	stream.linear.gather @!p0 [hbm4b:s15+s5], $0x400, $0x38;
	[tilespmem:$0x1D000] =	vst v63  }
0x6d: {  	s5 =	sshrl.u32 s29, $0x2  }
0x6e: {  	s0 =	sand.u32 $0x400, s5  }
0x6f: {  	s5 =	sor.u32 $0x200, s0  }
0x70: {  	[tilespmem:s23], [sflag:$0x1] =	stream.indirect.gather [hbm4b:s12+s18], $0x20, s5, s18, $0xb8;
	[tilespmem:$0x1D000] =	vst v63  }
0x71: {  	s5 =	sor.u32 $0x280, s0  }
0x72: {  	[tilespmem:s26], [sflag:$0x1] =	stream.indirect.gather [hbm4b:s12+s18], $0x20, s5, s18, $0xb8;
	[tilespmem:$0x1D000] =	vst v63  }
0x73: {  	s5 =	sor.u32 $0x100, s0  }
0x74: {  	[spmem:s2] =	stream.indirect.scatter.add.f32 [tilespmem:s16], [sflag:$0x2], $0x20, s5, s18, $0xb8;
	[tilespmem:$0x1D000] =	vst v63  }
0x75: {  	s5 =	sor.u32 $0x180, s0  }
0x76: {  	[spmem:s2] =	stream.indirect.scatter.add.f32 [tilespmem:s19], [sflag:$0x2], $0x20, s5, s18, $0xb8;
	[tilespmem:$0x1D000] =	vst v63  }
0x77: {  	p0 =	sne.s32 s28, $0x62;
	_ =	swait.ge [sflag:s20], $0x2000  }
.Ltmp3:
0x78: {  	[sflag:s20] =	ssyncset.done $0x0;
	(pc) =	sbr.rel @!p0 .LBB2_5-.Ltmp3, $4  }
0x79: {  	[sflag:s20] =	ssyncadd.s32 $0xFFFFE000  }
0x7a: {  	_ =	swait.ge [sflag:s22], $0x400  }
0x7b: {  	[sflag:s22] =	ssyncset.done $0x0  }
0x7c: {  	[sflag:s22] =	ssyncadd.s32 $0xFFFFFC00  }
0x7d: {  	_ =	swait.ge [sflag:s30], $0x400  }
0x7e: {  	[sflag:s30] =	ssyncset.done $0x0  }
0x7f: {  	s1 =	sshll.u32 s1, $0xA;
	s28 =	sadd.s32 $0x1, s28;
	[sflag:s30] =	ssyncadd.s32 $0xFFFFFC00  }
0x80: {  	[tilespmem:s16], [sflag:$0x1] =	stream.indirect.gather [hbm4b:s12+s18], $0x20, s1, s18, $0xb8;
	[tilespmem:$0x1D000] =	vst v63  }
0x81: {  	p0 =	sne.s32 s28, $0x63;
	s1 =	sor.u32 $0x80, s1  }
0x82: {  	[tilespmem:s19], [sflag:$0x1] =	stream.indirect.gather [hbm4b:s12+s18], $0x20, s1, s18, $0xb8;
	[tilespmem:$0x1D000] =	vst v63  }
.Ltmp4:
0x83: {  	_ = 	snop;
	(pc) =	sbr.rel @p0 .LBB2_4-.Ltmp4, $4  }
.Ltmp5:
0x84: {  	s5 =	sadd.s32 $0x300, s0;
	(pc) =	sbr.rel @!p0 .LBB2_7-.Ltmp5, $4  }
0x85: {  	[spmem:s2] =	stream.indirect.scatter.add.f32 [tilespmem:s23], [sflag:$0x2], $0x20, s5, s18, $0xb8;
	[tilespmem:$0x1D000] =	vst v63  }
0x86: {  	s15 =	sadd.s32 $0x80, s15;
	s29 =	sadd.s32 $0x1000, s29;
	s5 =	sadd.s32 $0x380, s0  }
0x87: {  	[spmem:s2] =	stream.indirect.scatter.add.f32 [tilespmem:s26], [sflag:$0x2], $0x20, s5, s18, $0xb8;
	[tilespmem:$0x1D000] =	vst v63  }
0x88: {  	_ = 	snop  }
.LBB2_8:
0x89: {  	_ =	sfence.sel $0x180000  }
0x8a: {  	[bflag:$0x0] =	sbarrier.arrive $0xFFFF  }
0x8b: {  	_ =	strace $0x9000004D  }
0x8c: {  	s0 =	stileid.u32;
	[bflag:$0x2] =	sbarrier.arrive $0xFFFF  }
0x8d: {  	p0 =	sne.s32 s0, $0x0;
	s0 =	rddreg [dreg:$0x2]  }
0x8e: {  	s0 =	sadd.s32 @!p0 $0x100000, s0  }
0x8f: {  	[sflag:s0] =	ssyncadd.tile.s32 @!p0 $0x1;
	_ =	shalt  }
.Lfunc_end2:
_tile_overlayer_lowered:
.L_overlay_start_2:
0x90: {  	(tag) =	ssettag $0x2  }
0x91: {  	s0 =	rddreg [dreg:$0x0];
	s2 =	stileid.u32  }
0x92: {  	s1 =	rddreg [dreg:$0x1];
	p0 =	sne.s32 s2, $0x0  }
0x93: {  	s3 =	rddreg [dreg:$0x2];
	[bflag:$0x3] =	sbarrier.arrive $0xFFFF;
	s2 =	simm.s32 @!p0 $0x1C04  }
0x94: {  	[timem:s3], [sflag:s2] =	dma.local @!p0 [hbm:s0], s1  }
0x95: {  	s0 =	simm.s32 @!p0 $0x4  }
0x96: {  	_ =	swait.ge @!p0 [sflag:s0], s1  }
0x97: {  	s1 =	ssub.s32 @!p0 $0x0, s1;
	[sflag:s0] =	ssyncset.done @!p0 $0x0  }
0x98: {  	[sflag:s0] =	ssyncadd.s32 @!p0 s1  }
0x99: {  	[bflag:$0x3] =	sbarrier.arrive $0xFFFF  }
0x9a: {  	_ =	shalt  }

// kernel: kernel.26.cloned.1.call-start
scs
__scs_entry_jumppad:
0x0: {  	(pc) =	sbr.rel $0x88, $3  }
0x1: {  	(tag) =	ssettag $0x0;
	lr =	simm.s32 $0x1  }
0x2: {  	[smem:$0x3F92] =	sst lr;
	_ =	strace $0xD0000000  }
0x3: {  	_ = 	snop  }
0x4: {  	_ = 	snop  }
0x5: {  	_ = 	snop  }
0x6: {  	_ = 	snop  }
0x7: {  	_ = 	snop  }
__scs_overlays_trampoline_lowered:
0x8: {  	[smem:$0x3FA1] =	sst s0  }
0x9: {  	[smem:$0x3FA2] =	sst s1  }
0xa: {  	[smem:$0x3FA3] =	sst s2  }
0xb: {  	[smem:$0x3FA4] =	sst s3  }
0xc: {  	[smem:$0x3FA5] =	sst s4  }
0xd: {  	[smem:$0x3FA6] =	sst s5  }
0xe: {  	[smem:$0x3FA7] =	sst s6  }
0xf: {  	[smem:$0x3FA8] =	sst s7  }
0x10: {  	[smem:$0x3FA9] =	sst s8  }
0x11: {  	[smem:$0x3FAA] =	sst s9;
	s0 =	simm.s32 @!p0 $0x0  }
0x12: {  	s1 =	sld [smem:$0x3F90];
	s0 =	simm.s32 @p0 $0x1  }
0x13: {  	[smem:$0x3FAB] =	sst s0;
	s0 =	simm.s32 @!p1 $0x0  }
0x14: {  	s2 =	sld [smem:$0x3F8F];
	s0 =	simm.s32 @p1 $0x1  }
0x15: {  	[smem:$0x3FAC] =	sst s0;
	s0 =	simm.s32 @!p2 $0x0  }
0x16: {  	s3 =	sld [smem:$0x3FDB];
	s0 =	simm.s32 @p2 $0x1  }
0x17: {  	s4 =	simm.s32 $0x1BF5;
	[smem:$0x3FAE] =	sst s0  }
0x18: {  	s0 =	sld [smem:$0x3F91];
	_ =	swait.ge [sflag:s4], $0x0  }
0x19: {  	s7 =	sld [smem:$0x3F92]  }
0x1a: {  	s8 =	sadd.s32 $0xFFFFE003, lr  }
0x1b: {  	s9 =	sadd.s32 $0xFFFFFEF7, lr;
	s5 =	simm.s32 $0xFFFFFFFF;
	p2 =	slt.u32 s8, $0xFFFFF086  }
0x1c: {  	p1 =	slt.u32 s9, $0xF7A;
	s5 =	simm.s32 @!p2 $0x0  }
0x1d: {  	s5 =	simm.s32 @p1 $0x1;
	p0 =	seq.s32 s7, s2  }
0x1e: {  	s7 =	smul.u32 @!p0 $0xF7A, s2;
	p2 =	seq.s32 @!p0 s5, $0x0  }
0x1f: {  	s9 =	smul.u32 $0xF7A, s1;
	s8 =	simm.s32 @!p0 $0x1BF5;
	p2 =	por !p2, p0  }
0x20: {  	[sflag:s8] =	ssyncset.s32 @!p0 $0xFFFFF086;
	s6 =	sadd.s32 @!p0 s3, s7;
	s7 =	simm.s32 @!p0 $0x108  }
0x21: {  	s3 =	sadd.s32 s3, s9;
	s6 =	sadd.s32 @!p0 $0x88, s6;
	s7 =	simm.s32 @p2 $0x1082  }
0x22: {  	[simem:s7], [sflag:s8] =	dma.local @!p0 [hbm:s6], $0xF7A  }
0x23: {  	s9 =	sor.u32 $0xD0000000, s2;
	s6 =	simm.s32 $0x108;
	_ =	swait.ge @!p0 [sflag:s8], $0x0  }
0x24: {  	s3 =	sadd.s32 $0x88, s3;
	s6 =	simm.s32 @!p1 $0x1082;
	[sflag:s4] =	ssyncset.s32 $0xFFFFF086  }
0x25: {  	[simem:s6], [sflag:s4] =	dma.local [hbm:s3], $0xF7A  }
0x26: {  	[smem:$0x3F92] =	sst s1;
	(tag) =	ssettag s2;
	_ =	strace s9  }
0x27: {  	s1 =	sld [smem:$0x3FA2]  }
0x28: {  	s2 =	sld [smem:$0x3FA3]  }
0x29: {  	s4 =	sld [smem:$0x3FA5]  }
0x2a: {  	p0 =	seq.s32 s5, $0x0;
	s5 =	sld [smem:$0x3FA6]  }
0x2b: {  	s6 =	sld [smem:$0x3FA7]  }
0x2c: {  	s7 =	sld [smem:$0x3FA8]  }
0x2d: {  	s3 =	simm.s32 $0x108;
	s8 =	sld [smem:$0x3FA9]  }
0x2e: {  	s3 =	simm.s32 @!p0 $0x1082;
	s9 =	sld [smem:$0x3FAA]  }
0x2f: {  	lr =	sadd.s32 s0, s3;
	s0 =	sld [smem:$0x3FA1]  }
0x30: {  	s3 =	sld [smem:$0x3FA4]  }
0x31: {  	[smem:$0x3FAD] =	sst s10  }
0x32: {  	s10 =	sld [smem:$0x3FAB];
	_ =	sdelay $0x3  }
0x33: {  	p0 =	seq.s32 s10, $0x1;
	s10 =	sld [smem:$0x3FAD];
	_ =	sdelay $0x3  }
0x34: {  	[smem:$0x3FAD] =	sst s10  }
0x35: {  	s10 =	sld [smem:$0x3FAC];
	_ =	sdelay $0x3  }
0x36: {  	p1 =	seq.s32 s10, $0x1;
	s10 =	sld [smem:$0x3FAD];
	_ =	sdelay $0x3  }
0x37: {  	[smem:$0x3FAD] =	sst s10  }
0x38: {  	s10 =	sld [smem:$0x3FAE]  }
0x39: {  	_ = 	snop;
	(pc) =	sbr.ind lr, $3  }
0x3a: {  	_ = 	snop  }
0x3b: {  	_ = 	snop  }
0x3c: {  	p2 =	seq.s32 s10, $0x1;
	s10 =	sld [smem:$0x3FAD]  }
0x3d: {  	_ =	shalt  }
0x3e: {  	_ =	shalt  }
0x3f: {  	_ =	shalt  }
0x40: {  	_ =	shalt  }
0x41: {  	_ =	shalt  }
0x42: {  	_ =	shalt  }
0x43: {  	_ =	shalt  }
0x44: {  	_ =	shalt  }
0x45: {  	_ =	shalt  }
0x46: {  	_ =	shalt  }
0x47: {  	_ =	shalt  }
0x48: {  	_ =	shalt  }
0x49: {  	_ =	shalt  }
0x4a: {  	_ =	shalt  }
0x4b: {  	_ =	shalt  }
0x4c: {  	_ =	shalt  }
0x4d: {  	_ =	shalt  }
0x4e: {  	_ =	shalt  }
0x4f: {  	_ =	shalt  }
0x50: {  	_ =	shalt  }
0x51: {  	_ =	shalt  }
0x52: {  	_ =	shalt  }
0x53: {  	_ =	shalt  }
0x54: {  	_ =	shalt  }
0x55: {  	_ =	shalt  }
0x56: {  	_ =	shalt  }
0x57: {  	_ =	shalt  }
0x58: {  	_ =	shalt  }
0x59: {  	_ =	shalt  }
0x5a: {  	_ =	shalt  }
0x5b: {  	_ =	shalt  }
0x5c: {  	_ =	shalt  }
0x5d: {  	_ =	shalt  }
0x5e: {  	_ =	shalt  }
0x5f: {  	_ =	shalt  }
0x60: {  	_ =	shalt  }
0x61: {  	_ =	shalt  }
0x62: {  	_ =	shalt  }
0x63: {  	_ =	shalt  }
0x64: {  	_ =	shalt  }
0x65: {  	_ =	shalt  }
0x66: {  	_ =	shalt  }
0x67: {  	_ =	shalt  }
0x68: {  	_ =	shalt  }
0x69: {  	_ =	shalt  }
0x6a: {  	_ =	shalt  }
0x6b: {  	_ =	shalt  }
0x6c: {  	_ =	shalt  }
0x6d: {  	_ =	shalt  }
0x6e: {  	_ =	shalt  }
0x6f: {  	_ =	shalt  }
0x70: {  	_ =	shalt  }
0x71: {  	_ =	shalt  }
0x72: {  	_ =	shalt  }
0x73: {  	_ =	shalt  }
0x74: {  	_ =	shalt  }
0x75: {  	_ =	shalt  }
0x76: {  	_ =	shalt  }
0x77: {  	_ =	shalt  }
0x78: {  	_ =	shalt  }
0x79: {  	_ =	shalt  }
0x7a: {  	_ =	shalt  }
0x7b: {  	_ =	shalt  }
0x7c: {  	_ =	shalt  }
0x7d: {  	_ =	shalt  }
0x7e: {  	_ =	shalt  }
0x7f: {  	_ =	shalt  }
0x80: {  	_ =	shalt  }
0x81: {  	_ =	shalt  }
0x82: {  	_ =	shalt  }
0x83: {  	_ =	shalt  }
0x84: {  	_ =	shalt  }
0x85: {  	_ =	shalt  }
0x86: {  	_ =	shalt  }
0x87: {  	_ =	shalt  }
.Lfunc_end0:
.L_simem_size_0:
called_computation.3_lowered:
.L_overlay_start_0:
0x88: {  	s2 =	sld [smem:$0x3FD9]  }
0x89: {  	s3 =	sld [smem:$0x3FFE];
	_ =	sdelay $0x1  }
0x8a: {  	s1 =	srdreg.scid  }
0x8b: {  	s0 =	sand.u32 $0x1, s1  }
0x8c: {  	s16 =	sshll.u32 s0, $0xA;
	s2 =	sadd.s32 s3, s2  }
0x8d: {  	s2 =	sadd.s32 s2, s16  }
0x8e: {  	[smem:$0x3FB9] =	sst s2  }
0x8f: {  	_ = 	snop  }
0x90: {  	(tm) =	ssettm $0x1  }
0x91: {  	s17 =	sld [smem:$0x3FFB];
	_ =	sdelay $0x3  }
0x92: {  	_ =	strace s17  }
0x93: {  	s2 =	sld [smem:$0x3FFC];
	_ =	sdelay $0x3  }
0x94: {  	_ =	strace s2  }
0x95: {  	s2 =	sld [smem:$0x3FFD];
	_ =	sdelay $0x3  }
0x96: {  	_ =	strace s2  }
0x97: {  	_ =	strace $0x8FFFFFFF  }
0x98: {  	s18 =	sld [smem:$0x3FDB];
	_ =	sdelay $0x1  }
0x99: {  	s19 =	simm.s32 $_scs_section_size  }
0x9a: {  	s4 =	simm.s32 $_size__tile_overlayer_lowered;
	s5 =	simm.s32 $_tile_overlayer_lowered  }
0x9b: {  	s22 =	simm.s32 $0x1BFF;
	s21 =	sshll.u32 s5, $0x1;
	s2 =	sadd.s32 s19, s18  }
0x9c: {  	s6 =	simm.s32 $0x0;
	s20 =	sshll.u32 s4, $0x1;
	s4 =	sadd.s32 s21, s2  }
0x9d: {  	[timem:s6], [sflag:s22] =	dma.local [hbm:s4], s20  }
0x9e: {  	_ =	swait.ge [sflag:s22], s20  }
0x9f: {  	s3 =	ssub.s32 $0x0, s20;
	[sflag:s22] =	ssyncset.done $0x0  }
0xa0: {  	[sflag:s22] =	ssyncadd.s32 s3;
	_ =	sdelay $0x1  }
0xa1: {  	s23 =	simm.s32 $0x1B8B  }
0xa2: {  	_ =	swait.ge [sflag:s23], $0x1  }
0xa3: {  	[sflag:s23] =	ssyncset.done $0x0  }
0xa4: {  	s25 =	simm.s32 $0x1B8E;
	s24 =	sld [smem:$0x3FFE];
	[sflag:s23] =	ssyncadd.s32 $0xFFFFFFFF  }
0xa5: {  	s26 =	simm.s32 $execute0_lowered;
	[smem:$0x3FD2] =	sst s25  }
0xa6: {  	s4 =	sshll.u32 s26, $0x1;
	_ =	strace $0x8000004F;
	[dreg:$0x1] =	wrdreg $0xFFFFFFFF  }
0xa7: {  	s28 =	simm.s32 $_size_execute0_lowered;
	s2 =	sadd.s32 s2, s4;
	[dreg:$0x0] =	wrdreg $0x0  }
0xa8: {  	s4 =	sshll.u32 s28, $0x1;
	[dreg:$0x2] =	wrdreg s2  }
0xa9: {  	[dreg:$0x3] =	wrdreg s4  }
0xaa: {  	[dreg:$0x4] =	wrdreg $0xC0  }
0xab: {  	_ =	task [dreg:s6], $0x5FFFF  }
0xac: {  	[dreg:$0x1] =	wrdreg $0xFFFFFFFF  }
0xad: {  	[dreg:$0x0] =	wrdreg $0x60  }
0xae: {  	[dreg:$0x2] =	wrdreg s24  }
0xaf: {  	[dreg:$0x3] =	wrdreg $0x48000  }
0xb0: {  	[dreg:$0x4] =	wrdreg $0x9  }
0xb1: {  	_ =	task.clear_ibuf [dreg:s6], $0x5FFFF;
	_ =	strace $0x9000004F  }
0xb2: {  	s29 =	simm.s32 $0x9;
	_ =	strace $0x80000051  }
0xb3: {  	_ =	swait.ge [sflag:s29], $0x1  }
0xb4: {  	[sflag:s29] =	ssyncadd.s32 $0xFFFFFFFF  }
0xb5: {  	_ =	strace $0x90000051  }
0xb6: {  	_ =	sfence  }
0xb7: {  	s30 =	sld [smem:$0x0];
	_ =	sdelay $0x2  }
0xb8: {  	s31 =	sshll.u32 s1, $0xD;
	s1 =	sshrl.u32 s1, $0x2  }
0xb9: {  	s3 =	sand.u32 $0x4000, s31;
	s1 =	sadd.s32 s1, s30  }
0xba: {  	s0 =	sor.u32 s3, s0;
	s1 =	sshll.u32 s1, $0x11  }
0xbb: {  	s0 =	sor.u32 s1, s0  }
0xbc: {  	s0 =	sadd.s32 $0x8F2B, s0  }
0xbd: {  	[sflag:s0] =	ssyncadd.remote.s32 $0x1  }
0xbe: {  	_ =	sfence.sel $0xFFFF  }
0xbf: {  	[dreg:$0x0] =	wrdreg $0xFFFFFFFF;
	(pc) =	sbr.abs _section_cstart, $3  }
0xc0: {  	[dreg:$0x1] =	wrdreg $0xFFFFFFFF  }
0xc1: {  	_ =	task.clear_ibuf [dreg:s6], $0x2FFFF;
	_ =	strace $0x9FFFFFFF  }
0xc2: {  	(tm) =	ssettm $0x7FFFFFFF  }
0xc3: {  	_ =	shalt  }
tec
execute0_lowered:
.L_overlay_start_1:
0x0: {  	(tag) =	ssettag $0x1  }
0x1: {  	s0 =	rddreg [dreg:$0x0]  }
0x2: {  	s2 =	rddreg [dreg:$0x1]  }
0x3: {  	s3 =	simm.s32 $0x0;
	s8 =	stileid.u32;
	s4 =	srdreg.scid  }
0x4: {  	s16 =	simm.s32 $0x800;
	s17 =	simm.s32 $0x4;
	s18 =	simm.s32 $0x80  }
0x5: {  	s19 =	simm.s32 $0x1800;
	s20 =	simm.s32 $0x1;
	s21 =	simm.s32 $0x400  }
0x6: {  	s23 =	simm.s32 $0x2800;
	s26 =	simm.s32 $0x3800;
	s1 =	smul.u32 $0x3100, s8  }
0x7: {  	s30 =	simm.s32 $0x3;
	s22 =	simm.s32 $0x2;
	s5 =	smul.u32 $0x62000, s8  }
0x8: {  	s25 =	simm.s32 $0x0;
	s4 =	sand.u32 $0x1, s4;
	s13 =	smul.u32 $0x18800, s8  }
0x9: {  	[smem:$0x7FF] =	sst s3;
	s6 =	smul.u32 $0x31000, s4;
	s4 =	ssub.s32 $0x2, s4  }
0xa: {  	_ =	strace $0x80000050;
	s1 =	sadd.s32 s1, s0;
	s7 =	sshrl.u32 s4, $0x1  }
0xb: {  	s5 =	sshrl.u32 s5, $0x2;
	s15 =	sshrl.u32 s13, $0x3;
	s0 =	sadd.s32 s6, s0  }
0xc: {  	s14 =	ssub.s32 s4, s7;
	s10 =	sadd.s32 s5, s2;
	s4 =	sadd.s32 s13, s2  }
.Ltmp0:
0xd: {  	s11 =	sadd.s32 $0xCB200, s1;
	s31 =	sadd.s32 $0xCB300, s1;
	(pc) =	sbr.rel .LBB2_1-.Ltmp0, $4  }
0xe: {  	s5 =	sadd.s32 $0x4000, s10;
	s6 =	sadd.s32 $0x8000, s10;
	s7 =	sadd.s32 $0xC000, s10  }
0xf: {  	s8 =	sadd.s32 $0x10000, s10;
	s9 =	sadd.s32 $0x14000, s10;
	s10 =	sadd.s32 $0x18000, s10  }
0x10: {  	s12 =	sadd.s32 $0x3AD200, s0;
	s0 =	sadd.s32 $0x160A00, s0;
	s13 =	smax.u32 s14, $0x1  }
0x11: {  	v0 =	vimm.f32 $0.0e+00;
	s14 =	sadd.s32 $0xCB280, s1;
	[dreg:$0x3] =	wrdreg s5;
	s24 =	sadd.s32 s15, s0  }
.LBB2_5:
0x12: {  	s1 =	sadd.s32 $0x300, s0  }
0x13: {  	[spmem:s2] =	stream.indirect.scatter.add.f32 [tilespmem:s23], [sflag:$0x2], $0x20, s1, s18, $0xb8;
	[tilespmem:$0x1D000] =	vst v63  }
0x14: {  	s29 =	sadd.s32 $0x380, s0  }
0x15: {  	[spmem:s2] =	stream.indirect.scatter.add.f32 [tilespmem:s26], [sflag:$0x2], $0x20, s29, s18, $0xb8;
	[tilespmem:$0x1D000] =	vst v63  }
.LBB2_7:
0x16: {  	_ =	swait.ge [sflag:s22], $0x400;
	s0 =	stileid.u32  }
0x17: {  	s1 =	sshrl.u32 s4, $0x3;
	s25 =	sadd.s32 $0x1, s25;
	[sflag:s22] =	ssyncset.done $0x0  }
0x18: {  	s0 =	sshll.u32 s0, $0x6;
	p0 =	sne.s32 s25, s13;
	[sflag:s22] =	ssyncadd.s32 $0xFFFFFC00  }
.Ltmp1:
0x19: {  	s0 =	sor.u32 $0x1C04, s0;
	[bflag:$0x0] =	sbarrier.arrive $0xFFFF;
	(pc) =	sbr.rel @!p0 .LBB2_8-.Ltmp1, $4  }
0x1a: {  	[hbm:s24], [sflag:s0] =	dma.local [spmem:s1], $0x3100  }
0x1b: {  	_ =	swait.ge [sflag:s17], $0x3100  }
0x1c: {  	[sflag:s17] =	ssyncset.done $0x0  }
0x1d: {  	[sflag:s17] =	ssyncadd.s32 $0xFFFFCF00  }
.LBB2_1:
0x1e: {  	s0 =	simm.s32 $0x80;
	s1 =	simm.s32 $0x0  }
.LBB2_2:
0x1f: {  	p0 =	sne.s32 s0, $0xFF80;
	[tilespmem:s1+$0x800] =	vst v0;
	s15 =	smov.u32 s0;
	s0 =	sadd.s32 $0x80, s0  }
.Ltmp2:
0x20: {  	[tilespmem:s1+$0x810] =	vst v0;
	(pc) =	sbr.rel @p0 .LBB2_2-.Ltmp2, $2  }
0x21: {  	_ =	sdelay $0x2  }
0x22: {  	s1 =	sshra.s32 s15, $0x2  }
0x23: {  	[tilespmem:s1+$0x800] =	vst v0  }
0x24: {  	[tilespmem:s1+$0x810] =	vst v0  }
0x25: {  	[spmem:s4] =	stream.linear.scatter [tilespmem:s16], [sflag:$0x4], $0x4000, $0x38;
	[tilespmem:$0x1D000] =	vst v63  }
0x26: {  	_ =	swait.ge [sflag:s17], $0x4000  }
0x27: {  	[sflag:s17] =	ssyncset.done $0x0  }
0x28: {  	s0 =	rddreg [dreg:$0x3];
	[sflag:s17] =	ssyncadd.s32 $0xFFFFC000  }
0x29: {  	[spmem:s0] =	stream.linear.scatter [tilespmem:s16], [sflag:$0x4], $0x4000, $0x38;
	[tilespmem:$0x1D000] =	vst v63  }
0x2a: {  	_ =	swait.ge [sflag:s17], $0x4000  }
0x2b: {  	[sflag:s17] =	ssyncset.done $0x0  }
0x2c: {  	[sflag:s17] =	ssyncadd.s32 $0xFFFFC000  }
0x2d: {  	[spmem:s6] =	stream.linear.scatter [tilespmem:s16], [sflag:$0x4], $0x4000, $0x38;
	[tilespmem:$0x1D000] =	vst v63  }
0x2e: {  	_ =	swait.ge [sflag:s17], $0x4000  }
0x2f: {  	[sflag:s17] =	ssyncset.done $0x0  }
0x30: {  	[sflag:s17] =	ssyncadd.s32 $0xFFFFC000  }
0x31: {  	[spmem:s7] =	stream.linear.scatter [tilespmem:s16], [sflag:$0x4], $0x4000, $0x38;
	[tilespmem:$0x1D000] =	vst v63  }
0x32: {  	_ =	swait.ge [sflag:s17], $0x4000  }
0x33: {  	[sflag:s17] =	ssyncset.done $0x0  }
0x34: {  	[sflag:s17] =	ssyncadd.s32 $0xFFFFC000  }
0x35: {  	[spmem:s8] =	stream.linear.scatter [tilespmem:s16], [sflag:$0x4], $0x4000, $0x38;
	[tilespmem:$0x1D000] =	vst v63  }
0x36: {  	_ =	swait.ge [sflag:s17], $0x4000  }
0x37: {  	[sflag:s17] =	ssyncset.done $0x0  }
0x38: {  	[sflag:s17] =	ssyncadd.s32 $0xFFFFC000  }
0x39: {  	[spmem:s9] =	stream.linear.scatter [tilespmem:s16], [sflag:$0x4], $0x4000, $0x38;
	[tilespmem:$0x1D000] =	vst v63  }
0x3a: {  	_ =	swait.ge [sflag:s17], $0x4000  }
0x3b: {  	[sflag:s17] =	ssyncset.done $0x0  }
0x3c: {  	[sflag:s17] =	ssyncadd.s32 $0xFFFFC000  }
0x3d: {  	[spmem:s10] =	stream.linear.scatter [tilespmem:s16], [sflag:$0x4], $0x800, $0x38;
	[tilespmem:$0x1D000] =	vst v63  }
0x3e: {  	_ =	swait.ge [sflag:s17], $0x800  }
0x3f: {  	[sflag:s17] =	ssyncset.done $0x0  }
0x40: {  	[sflag:s17] =	ssyncadd.s32 $0xFFFFF800  }
0x41: {  	[bflag:$0x0] =	sbarrier.arrive $0xFFFF  }
0x42: {  	[tilespmem:s3], [sflag:$0x4] =	stream.linear.gather [hbm4b:s11+s3], $0x400, $0x38;
	[tilespmem:$0x1D000] =	vst v63  }
0x43: {  	_ =	swait.ge [sflag:s17], $0x400  }
0x44: {  	[sflag:s17] =	ssyncset.done $0x0  }
0x45: {  	[sflag:s17] =	ssyncadd.s32 $0xFFFFFC00  }
0x46: {  	[tilespmem:s16], [sflag:$0x1] =	stream.indirect.gather [hbm4b:s12+s18], $0x20, s3, s18, $0xb8;
	[tilespmem:$0x1D000] =	vst v63  }
0x47: {  	_ = 	snop  }
0x48: {  	[tilespmem:s19], [sflag:$0x1] =	stream.indirect.gather [hbm4b:s12+s18], $0x20, s18, s18, $0xb8;
	[tilespmem:$0x1D000] =	vst v63  }
0x49: {  	_ =	swait.ge [sflag:s20], $0x2000  }
0x4a: {  	[sflag:s20] =	ssyncset.done $0x0  }
0x4b: {  	[sflag:s20] =	ssyncadd.s32 $0xFFFFE000  }
0x4c: {  	[tilespmem:s21], [sflag:$0x3] =	stream.linear.gather [hbm4b:s14+s3], $0x400, $0x38;
	[tilespmem:$0x1D000] =	vst v63  }
0x4d: {  	s15 =	simm.s32 $0x200  }
0x4e: {  	[tilespmem:s23], [sflag:$0x1] =	stream.indirect.gather [hbm4b:s12+s18], $0x20, s15, s18, $0xb8;
	[tilespmem:$0x1D000] =	vst v63  }
0x4f: {  	s1 =	simm.s32 $0x280  }
0x50: {  	[tilespmem:s26], [sflag:$0x1] =	stream.indirect.gather [hbm4b:s12+s18], $0x20, s1, s18, $0xb8;
	[tilespmem:$0x1D000] =	vst v63  }
0x51: {  	s5 =	simm.s32 $0x100  }
0x52: {  	[spmem:s2] =	stream.indirect.scatter.add.f32 [tilespmem:s16], [sflag:$0x2], $0x20, s5, s18, $0xb8;
	[tilespmem:$0x1D000] =	vst v63  }
0x53: {  	s15 =	simm.s32 $0x180  }
0x54: {  	[spmem:s2] =	stream.indirect.scatter.add.f32 [tilespmem:s19], [sflag:$0x2], $0x20, s15, s18, $0xb8;
	[tilespmem:$0x1D000] =	vst v63  }
0x55: {  	_ =	swait.ge [sflag:s20], $0x2000  }
0x56: {  	[sflag:s20] =	ssyncset.done $0x0  }
0x57: {  	s28 =	simm.s32 $0x2;
	[sflag:s20] =	ssyncadd.s32 $0xFFFFE000  }
0x58: {  	_ =	swait.ge [sflag:s28], $0x400  }
0x59: {  	[sflag:s28] =	ssyncset.done $0x0  }
0x5a: {  	[sflag:s28] =	ssyncadd.s32 $0xFFFFFC00  }
0x5b: {  	_ =	swait.ge [sflag:s30], $0x400  }
0x5c: {  	[sflag:s30] =	ssyncset.done $0x0  }
0x5d: {  	[sflag:s30] =	ssyncadd.s32 $0xFFFFFC00  }
0x5e: {  	[tilespmem:s16], [sflag:$0x1] =	stream.indirect.gather [hbm4b:s12+s18], $0x20, s21, s18, $0xb8;
	[tilespmem:$0x1D000] =	vst v63  }
0x5f: {  	s1 =	simm.s32 $0x480  }
0x60: {  	[tilespmem:s19], [sflag:$0x1] =	stream.indirect.gather [hbm4b:s12+s18], $0x20, s1, s18, $0xb8;
	[tilespmem:$0x1D000] =	vst v63  }
0x61: {  	s5 =	simm.s32 $0x300  }
0x62: {  	[spmem:s2] =	stream.indirect.scatter.add.f32 [tilespmem:s23], [sflag:$0x2], $0x20, s5, s18, $0xb8;
	[tilespmem:$0x1D000] =	vst v63  }
0x63: {  	s15 =	simm.s32 $0x380  }
0x64: {  	[spmem:s2] =	stream.indirect.scatter.add.f32 [tilespmem:s26], [sflag:$0x2], $0x20, s15, s18, $0xb8;
	[tilespmem:$0x1D000] =	vst v63  }
0x65: {  	s29 =	simm.s32 $0x1000;
	s15 =	smov.u32 s31  }
.LBB2_4:
0x66: {  	_ =	swait.ge [sflag:s20], $0x2000  }
0x67: {  	[sflag:s20] =	ssyncset.done $0x0  }
0x68: {  	[sflag:s20] =	ssyncadd.s32 $0xFFFFE000  }
0x69: {  	_ =	swait.ge [sflag:s22], $0x400  }
0x6a: {  	s1 =	sand.u32 $0x1, s28;
	p0 =	seq.s32 s28, $0x62;
	[sflag:s22] =	ssyncset.done $0x0  }
0x6b: {  	s0 =	sshll.u32 @!p0 s1, $0xA;
	s5 =	simm.s32 @!p0 $0x0;
	[sflag:s22] =	ssyncadd.s32 $0xFFFFFC00  }
0x6c: {  	[tilespmem:s0], [sflag:$0x3] =	stream.linear.gather @!p0 [hbm4b:s15+s5], $0x400, $0x38;
	[tilespmem:$0x1D000] =	vst v63  }
0x6d: {  	s5 =	sshrl.u32 s29, $0x2  }
0x6e: {  	s0 =	sand.u32 $0x400, s5  }
0x6f: {  	s5 =	sor.u32 $0x200, s0  }
0x70: {  	[tilespmem:s23], [sflag:$0x1] =	stream.indirect.gather [hbm4b:s12+s18], $0x20, s5, s18, $0xb8;
	[tilespmem:$0x1D000] =	vst v63  }
0x71: {  	s5 =	sor.u32 $0x280, s0  }
0x72: {  	[tilespmem:s26], [sflag:$0x1] =	stream.indirect.gather [hbm4b:s12+s18], $0x20, s5, s18, $0xb8;
	[tilespmem:$0x1D000] =	vst v63  }
0x73: {  	s5 =	sor.u32 $0x100, s0  }
0x74: {  	[spmem:s2] =	stream.indirect.scatter.add.f32 [tilespmem:s16], [sflag:$0x2], $0x20, s5, s18, $0xb8;
	[tilespmem:$0x1D000] =	vst v63  }
0x75: {  	s5 =	sor.u32 $0x180, s0  }
0x76: {  	[spmem:s2] =	stream.indirect.scatter.add.f32 [tilespmem:s19], [sflag:$0x2], $0x20, s5, s18, $0xb8;
	[tilespmem:$0x1D000] =	vst v63  }
0x77: {  	p0 =	sne.s32 s28, $0x62;
	_ =	swait.ge [sflag:s20], $0x2000  }
.Ltmp3:
0x78: {  	[sflag:s20] =	ssyncset.done $0x0;
	(pc) =	sbr.rel @!p0 .LBB2_5-.Ltmp3, $4  }
0x79: {  	[sflag:s20] =	ssyncadd.s32 $0xFFFFE000  }
0x7a: {  	_ =	swait.ge [sflag:s22], $0x400  }
0x7b: {  	[sflag:s22] =	ssyncset.done $0x0  }
0x7c: {  	[sflag:s22] =	ssyncadd.s32 $0xFFFFFC00  }
0x7d: {  	_ =	swait.ge [sflag:s30], $0x400  }
0x7e: {  	[sflag:s30] =	ssyncset.done $0x0  }
0x7f: {  	s1 =	sshll.u32 s1, $0xA;
	s28 =	sadd.s32 $0x1, s28;
	[sflag:s30] =	ssyncadd.s32 $0xFFFFFC00  }
0x80: {  	[tilespmem:s16], [sflag:$0x1] =	stream.indirect.gather [hbm4b:s12+s18], $0x20, s1, s18, $0xb8;
	[tilespmem:$0x1D000] =	vst v63  }
0x81: {  	p0 =	sne.s32 s28, $0x63;
	s1 =	sor.u32 $0x80, s1  }
0x82: {  	[tilespmem:s19], [sflag:$0x1] =	stream.indirect.gather [hbm4b:s12+s18], $0x20, s1, s18, $0xb8;
	[tilespmem:$0x1D000] =	vst v63  }
.Ltmp4:
0x83: {  	_ = 	snop;
	(pc) =	sbr.rel @p0 .LBB2_4-.Ltmp4, $4  }
.Ltmp5:
0x84: {  	s5 =	sadd.s32 $0x300, s0;
	(pc) =	sbr.rel @!p0 .LBB2_7-.Ltmp5, $4  }
0x85: {  	[spmem:s2] =	stream.indirect.scatter.add.f32 [tilespmem:s23], [sflag:$0x2], $0x20, s5, s18, $0xb8;
	[tilespmem:$0x1D000] =	vst v63  }
0x86: {  	s15 =	sadd.s32 $0x80, s15;
	s29 =	sadd.s32 $0x1000, s29;
	s5 =	sadd.s32 $0x380, s0  }
0x87: {  	[spmem:s2] =	stream.indirect.scatter.add.f32 [tilespmem:s26], [sflag:$0x2], $0x20, s5, s18, $0xb8;
	[tilespmem:$0x1D000] =	vst v63  }
0x88: {  	_ = 	snop  }
.LBB2_8:
0x89: {  	_ =	sfence.sel $0x180000  }
0x8a: {  	[bflag:$0x0] =	sbarrier.arrive $0xFFFF  }
0x8b: {  	_ =	strace $0x90000050  }
0x8c: {  	s0 =	stileid.u32;
	[bflag:$0x2] =	sbarrier.arrive $0xFFFF  }
0x8d: {  	p0 =	sne.s32 s0, $0x0;
	s0 =	rddreg [dreg:$0x2]  }
0x8e: {  	s0 =	sadd.s32 @!p0 $0x100000, s0  }
0x8f: {  	[sflag:s0] =	ssyncadd.tile.s32 @!p0 $0x1;
	_ =	shalt  }
.Lfunc_end2:
_tile_overlayer_lowered:
.L_overlay_start_2:
0x90: {  	(tag) =	ssettag $0x2  }
0x91: {  	s0 =	rddreg [dreg:$0x0];
	s2 =	stileid.u32  }
0x92: {  	s1 =	rddreg [dreg:$0x1];
	p0 =	sne.s32 s2, $0x0  }
0x93: {  	s3 =	rddreg [dreg:$0x2];
	[bflag:$0x3] =	sbarrier.arrive $0xFFFF;
	s2 =	simm.s32 @!p0 $0x1C04  }
0x94: {  	[timem:s3], [sflag:s2] =	dma.local @!p0 [hbm:s0], s1  }
0x95: {  	s0 =	simm.s32 @!p0 $0x4  }
0x96: {  	_ =	swait.ge @!p0 [sflag:s0], s1  }
0x97: {  	s1 =	ssub.s32 @!p0 $0x0, s1;
	[sflag:s0] =	ssyncset.done @!p0 $0x0  }
0x98: {  	[sflag:s0] =	ssyncadd.s32 @!p0 s1  }
0x99: {  	[bflag:$0x3] =	sbarrier.arrive $0xFFFF  }
0x9a: {  	_ =	shalt  }

</sc_bundles>
